<compile_context>
chip_gen: v7x
topology: tpu7x:2x2x1
jax: 0.10.2.dev20260603
libtpu: 0.0.44.dev20260713+nightly
codegen_flags: <defaults>
</compile_context>

<pallas_src>
import functools

import jax
import jax.numpy as jnp
from jax import lax
from jax.experimental import pallas as pl
from jax.experimental.pallas import tpu as pltpu
from jax.experimental.pallas import tpu_sc as plsc

B = 4
L = 2048
D = 2048
OD = 64
NPAR = OD * (OD - 1) // 2
K = 1024
VD = 64

TLR = 256
TL2 = 512
CH = 8

F32 = jnp.float32
BF16 = jnp.bfloat16


def _reduce_mid_body(wvin_ref, bvin_ref, cb_ref, wop_ref, bop_ref, wout_ref,
                     om_ref, x_ref, d2_ref, M_ref, hs_ref):
    i = pl.program_id(0)
    part = jnp.sum(x_ref[...], axis=1)

    @pl.when(i == 0)
    def _():
        hs_ref[...] = part

    @pl.when(i != 0)
    def _():
        hs_ref[...] = hs_ref[...] + part

    @pl.when(i == L // TLR - 1)
    def _():
        hm = hs_ref[...] * (1.0 / L)

        vin = lax.dot_general(hm, wvin_ref[...], (((1,), (1,)), ((), ())),
                              preferred_element_type=F32) + bvin_ref[...]
        diff = vin[:, None, :] - cb_ref[...][None, :, :]
        d2_ref[...] = jnp.sum(diff * diff, axis=2)

        params = lax.dot_general(hm, wop_ref[...], (((1,), (1,)), ((), ())),
                                 preferred_element_type=F32) + bop_ref[...]

        rows = []
        for r in range(OD):
            n = OD - 1 - r
            if n > 0:
                off = 63 * r - r * (r - 1) // 2
                seg = params[:, off:off + n]
                row = jnp.concatenate(
                    [jnp.zeros((B, OD - n), F32), seg], axis=1)
            else:
                row = jnp.zeros((B, OD), F32)
            rows.append(row[:, None, :])
        U = jnp.concatenate(rows, axis=1)

        eye = (lax.broadcasted_iota(jnp.int32, (OD, OD), 0) ==
               lax.broadcasted_iota(jnp.int32, (OD, OD), 1)).astype(F32)
        eye_b = jnp.broadcast_to(eye[None], (B, OD, OD))
        Ut = lax.dot_general(U, eye_b, (((1,), (1,)), ((0,), (0,))),
                             preferred_element_type=F32)
        om_mat = U - Ut

        aug = jnp.concatenate([eye[None] - 0.5 * om_mat,
                               eye[None] + 0.5 * om_mat], axis=2)

        iota_l = lax.broadcasted_iota(jnp.int32, (1, 1, 2 * OD), 2)
        iota_s = lax.broadcasted_iota(jnp.int32, (1, OD, 1), 1)

        def gj_step(k, aug):
            mask_l = (iota_l == k).astype(F32)
            prow = (iota_s == k).astype(F32)
            col = jnp.sum(aug * mask_l, axis=2, keepdims=True)
            pivrow = jnp.sum(aug * prow, axis=1, keepdims=True)
            pv = jnp.sum(pivrow * mask_l, axis=2, keepdims=True)
            rown = pivrow / pv
            return aug - (col - prow) * rown

        aug = lax.fori_loop(0, OD, gj_step, aug)
        G = aug[:, :, OD:]

        M = lax.dot_general(G, wout_ref[...], (((2,), (1,)), ((), ())),
                            preferred_element_type=F32)
        M_ref[...] = M * om_ref[0, 0]


def _reduce_mid(x, W_vq_in, b_vq_in, codebook, W_omega_proj, b_omega_proj,
                W_omega_out, om):
    return pl.pallas_call(
        _reduce_mid_body,
        grid=(L // TLR,),
        in_specs=[
            pl.BlockSpec((VD, D), lambda i: (0, 0)),
            pl.BlockSpec((1, VD), lambda i: (0, 0)),
            pl.BlockSpec((K, VD), lambda i: (0, 0)),
            pl.BlockSpec((NPAR, D), lambda i: (0, 0)),
            pl.BlockSpec((1, NPAR), lambda i: (0, 0)),
            pl.BlockSpec((D, OD), lambda i: (0, 0)),
            pl.BlockSpec(memory_space=pltpu.SMEM),
            pl.BlockSpec((B, TLR, D), lambda i: (0, i, 0)),
        ],
        out_specs=[
            pl.BlockSpec((B, K), lambda i: (0, 0)),
            pl.BlockSpec((B, OD, D), lambda i: (0, 0, 0)),
        ],
        out_shape=[
            jax.ShapeDtypeStruct((B, K), F32),
            jax.ShapeDtypeStruct((B, OD, D), F32),
        ],
        scratch_shapes=[pltpu.VMEM((B, D), F32)],
    )(W_vq_in, b_vq_in, codebook, W_omega_proj, b_omega_proj, W_omega_out,
      om, x)


def _vq_select(d2, codebook):
    mesh = plsc.VectorSubcoreMesh(core_axis_name="c", subcore_axis_name="s")

    @functools.partial(
        pl.kernel,
        out_type=jax.ShapeDtypeStruct((B, VD), F32),
        mesh=mesh,
        compiler_params=pltpu.CompilerParams(needs_layout_passes=False),
        scratch_types=[
            pltpu.VMEM((K,), F32),
            pltpu.VMEM((VD,), F32),
        ],
    )
    def run(d2_hbm, cb_hbm, out_hbm, dv, rowv):
        c = lax.axis_index("c")
        s = lax.axis_index("s")
        wid = s * 2 + c

        @pl.when(wid < B)
        def _():
            pltpu.sync_copy(d2_hbm.at[wid], dv)
            iota = lax.iota(jnp.int32, 16)
            minval0 = jnp.full((16,), 3.0e38, F32)
            minidx0 = jnp.zeros((16,), jnp.int32)

            def step(j, carry):
                mv, mi = carry
                v = dv[pl.ds(j * 16, 16)]
                idx = iota + j * 16
                better = v < mv
                return (jnp.where(better, v, mv),
                        jnp.where(better, idx, mi))

            minval, minidx = lax.fori_loop(0, K // 16, step,
                                           (minval0, minidx0))
            gmin = jnp.min(minval)
            cand = jnp.where(minval == gmin, minidx, jnp.int32(2 ** 30))
            bidx = jnp.min(cand)
            pltpu.sync_copy(cb_hbm.at[bidx], rowv)
            pltpu.sync_copy(rowv, out_hbm.at[wid])

    return run(d2, codebook)


def _main_body(x_ref, M_ref, code_ref, wvo_ref, bvo_ref, bom_ref, g_ref,
               bt_ref, om_ref, vm_ref, o_ref, lie_ref, s1_ref, s2_ref):
    xh16 = x_ref[0, :, :OD].astype(BF16)
    lie_ref[...] = jnp.dot(xh16, M_ref[0].astype(BF16),
                           preferred_element_type=F32)

    vqc = lax.dot_general(code_ref[0], wvo_ref[...], (((1,), (1,)), ((), ())),
                          preferred_element_type=F32)
    c = om_ref[0, 0] * bom_ref[...] + vm_ref[0, 0] * (vqc + bvo_ref[...])

    for r in range(0, TL2, CH):
        yc = x_ref[0, r:r + CH, :] + lie_ref[r:r + CH, :] + c
        s1_ref[r:r + CH, :] = jnp.sum(yc, axis=1, keepdims=True)
        s2_ref[r:r + CH, :] = jnp.sum(yc * yc, axis=1, keepdims=True)

    mu = s1_ref[...] * (1.0 / D)
    var = s2_ref[...] * (1.0 / D) - mu * mu
    s1_ref[...] = lax.rsqrt(var + 1e-5)
    s2_ref[...] = mu

    for r in range(0, TL2, CH):
        yc = x_ref[0, r:r + CH, :] + lie_ref[r:r + CH, :] + c
        rg_c = s1_ref[r:r + CH, :]
        mu_c = s2_ref[r:r + CH, :]
        o_ref[0, r:r + CH, :] = ((yc - mu_c) * rg_c) * g_ref[...] + bt_ref[...]


def _main(x, M, code3, W_vq_out, b_vq_out, b_omega_out, ln_gamma, ln_beta,
          om, vm):
    return pl.pallas_call(
        _main_body,
        grid=(B, L // TL2),
        in_specs=[
            pl.BlockSpec((1, TL2, D), lambda b, l: (b, l, 0)),
            pl.BlockSpec((1, OD, D), lambda b, l: (b, 0, 0)),
            pl.BlockSpec((1, 1, VD), lambda b, l: (b, 0, 0)),
            pl.BlockSpec((D, VD), lambda b, l: (0, 0)),
            pl.BlockSpec((1, D), lambda b, l: (0, 0)),
            pl.BlockSpec((1, D), lambda b, l: (0, 0)),
            pl.BlockSpec((1, D), lambda b, l: (0, 0)),
            pl.BlockSpec((1, D), lambda b, l: (0, 0)),
            pl.BlockSpec(memory_space=pltpu.SMEM),
            pl.BlockSpec(memory_space=pltpu.SMEM),
        ],
        out_specs=pl.BlockSpec((1, TL2, D), lambda b, l: (b, l, 0)),
        out_shape=jax.ShapeDtypeStruct((B, L, D), F32),
        scratch_shapes=[
            pltpu.VMEM((TL2, D), F32),
            pltpu.VMEM((TL2, 1), F32),
            pltpu.VMEM((TL2, 1), F32),
        ],
    )(x, M, code3, W_vq_out, b_vq_out, b_omega_out, ln_gamma, ln_beta, om, vm)


def kernel(x, W_omega_proj, b_omega_proj, W_omega_out, b_omega_out, omega_mix,
           codebook, W_vq_in, b_vq_in, W_vq_out, b_vq_out, vq_mix,
           ln_gamma, ln_beta):
    om = omega_mix.reshape(1, 1).astype(F32)
    vm = vq_mix.reshape(1, 1).astype(F32)
    d2, M = _reduce_mid(x, W_vq_in, b_vq_in.reshape(1, VD), codebook,
                        W_omega_proj, b_omega_proj.reshape(1, NPAR),
                        W_omega_out, om)
    code = _vq_select(d2, codebook)
    out = _main(x, M, code.reshape(B, 1, VD), W_vq_out,
                b_vq_out.reshape(1, D), b_omega_out.reshape(1, D),
                ln_gamma.reshape(1, D), ln_beta.reshape(1, D), om, vm)
    return out

# --- scband reference (transcript-rebuilt; emitter-appended) ---
"""Pipeline reference for scband-omega-ssmlayer-8607114461513 (READ-ONLY COPY).

The authoritative reference and input builder live on the scoring server;
editing this copy changes nothing except your own understanding.
"""

import jax, jax.numpy as jnp
import numpy as np

B = 4
L = 2048
D_MODEL = 2048
OMEGA_DIM = 64
N_PARAMS = OMEGA_DIM * (OMEGA_DIM - 1) // 2
VQ_CODES = 1024
VQ_DIM = 64
TRIU_I, TRIU_J = np.triu_indices(OMEGA_DIM, k=1)


def setup_inputs(seed: int = 0):
    key = jax.random.key(seed)
    ks = jax.random.split(key, 8)
    s = 0.02
    x = jax.random.normal(ks[0], (B, L, D_MODEL), dtype=jnp.float32)
    W_omega_proj = jax.random.normal(ks[1], (N_PARAMS, D_MODEL), dtype=jnp.float32) * s
    b_omega_proj = jnp.zeros((N_PARAMS,), dtype=jnp.float32)
    W_omega_out = jax.random.normal(ks[2], (D_MODEL, OMEGA_DIM), dtype=jnp.float32) * s
    b_omega_out = jnp.zeros((D_MODEL,), dtype=jnp.float32)
    omega_mix = jnp.asarray(0.1, dtype=jnp.float32)
    codebook = jax.random.normal(ks[3], (VQ_CODES, VQ_DIM), dtype=jnp.float32)
    W_vq_in = jax.random.normal(ks[4], (VQ_DIM, D_MODEL), dtype=jnp.float32) * s
    b_vq_in = jnp.zeros((VQ_DIM,), dtype=jnp.float32)
    W_vq_out = jax.random.normal(ks[5], (D_MODEL, VQ_DIM), dtype=jnp.float32) * s
    b_vq_out = jnp.zeros((D_MODEL,), dtype=jnp.float32)
    vq_mix = jnp.asarray(0.05, dtype=jnp.float32)
    ln_gamma = jnp.ones((D_MODEL,), dtype=jnp.float32)
    ln_beta = jnp.zeros((D_MODEL,), dtype=jnp.float32)
    return {
        'x': x,
        'W_omega_proj': W_omega_proj, 'b_omega_proj': b_omega_proj,
        'W_omega_out': W_omega_out, 'b_omega_out': b_omega_out,
        'omega_mix': omega_mix,
        'codebook': codebook,
        'W_vq_in': W_vq_in, 'b_vq_in': b_vq_in,
        'W_vq_out': W_vq_out, 'b_vq_out': b_vq_out,
        'vq_mix': vq_mix,
        'ln_gamma': ln_gamma, 'ln_beta': ln_beta,
    }


def reference(x, W_omega_proj, b_omega_proj, W_omega_out, b_omega_out, omega_mix,
              codebook, W_vq_in, b_vq_in, W_vq_out, b_vq_out, vq_mix,
              ln_gamma, ln_beta):
    residual = x
    h_mean = x.mean(axis=1)  # [B, d_model]

    # Lie / omega branch
    params = h_mean @ W_omega_proj.T + b_omega_proj  # [B, n_params]
    bsz = x.shape[0]
    omega = jnp.zeros((bsz, OMEGA_DIM, OMEGA_DIM), dtype=x.dtype)
    omega = omega.at[:, TRIU_I, TRIU_J].set(params)
    omega = omega - jnp.swapaxes(omega, -1, -2)
    I = jnp.eye(OMEGA_DIM, dtype=omega.dtype)
    half_omega = omega * 0.5
    # Cayley transform: G = (I - Omega/2)^-1 (I + Omega/2)
    G = jnp.linalg.solve(I[None, :, :] - half_omega, I[None, :, :] + half_omega)
    x_head = x[:, :, :OMEGA_DIM]  # [B, L, omega_dim]
    x_rotated = jnp.einsum('bln,bnm->blm', x_head, G)  # row-vector times G, same as bmm
    lie_out = x_rotated @ W_omega_out.T + b_omega_out  # [B, L, d_model]

    # VQ branch
    vq_input = h_mean @ W_vq_in.T + b_vq_in  # [B, vq_dim]
    diff = vq_input[:, None, :] - codebook[None, :, :]
    dists = jnp.sqrt(jnp.sum(diff * diff, axis=-1))  # [B, K]
    vq_idx = jnp.argmin(dists, axis=-1)  # [B]
    vq_code = codebook[vq_idx]  # [B, vq_dim]
    vq_out = vq_input + jax.lax.stop_gradient(vq_code - vq_input)
    vq_contribution = (vq_out @ W_vq_out.T + b_vq_out)[:, None, :]  # [B, 1, d_model]

    out = residual + omega_mix * lie_out + vq_mix * vq_contribution

    # LayerNorm
    mu = out.mean(axis=-1, keepdims=True)
    var = jnp.mean((out - mu) ** 2, axis=-1, keepdims=True)
    out = (out - mu) / jnp.sqrt(var + 1e-5) * ln_gamma + ln_beta
    return out

if __name__ == "__main__":
    import jax
    _d = setup_inputs()
    print(jax.jit(kernel)(*tuple(_d.values())))

</pallas_src>

<mosaic_0001>
#map = affine_map<(d0, d1) -> (0, 0)>
module attributes {stable_mosaic.version = 14 : i64} {
  func.func @run(%arg0: i32, %arg1: i32, %arg2: memref<4x1024xf32, #tpu.memory_space<hbm>>, %arg3: memref<1024x64xf32, #tpu.memory_space<hbm>>, %arg4: memref<4x64xf32, #tpu.memory_space<hbm>>, %arg5: memref<1024xf32, #tpu.memory_space<vmem>>, %arg6: memref<64xf32, #tpu.memory_space<vmem>>) attributes {dimension_semantics = [#tpu.dimension_semantics<core_parallel>, #tpu.dimension_semantics<subcore_parallel>], iteration_bounds = array<i64: 2, 16>, scalar_prefetch = 0 : i64, scratch_operands = 2 : i64, tpu.core_type = #tpu.core_type<sc_vector_subcore>, window_params = [{transform_indices = #map}, {transform_indices = #map}, {transform_indices = #map}]} {
    %mul3A = arith.constant 2 : i32
    %mul3A_0 = arith.muli %arg1, %mul3A : i32
    %add3A = arith.addi %mul3A_0, %arg0 : i32
    %lt3A = arith.constant 4 : i32
    %lt3A_1 = arith.cmpi slt, %add3A, %lt3A : i32
    %convert_element_type3A = arith.extui %lt3A_1 : i1 to i32
    %cond3A = arith.constant 0 : i32
    %cond3A_2 = arith.cmpi ne, %convert_element_type3A, %cond3A : i32
    scf.if %cond3A_2 {
      "tpu.region"() ({
        %run_scoped3A = tpu.sem_alloc : memref<!tpu.dma_semaphore, #tpu.memory_space<semaphore_mem>>
        %dma_start3A = arith.constant 0 : i32
        %dma_start3A_24 = tpu.memref_slice %arg2[%add3A, %dma_start3A] : memref<4x1024xf32, #tpu.memory_space<hbm>> -> memref<1x1024xf32, #tpu.memory_space<hbm>>
        %dma_start3A_25 = tpu.memref_squeeze %dma_start3A_24 : memref<1x1024xf32, #tpu.memory_space<hbm>> -> memref<1024xf32, #tpu.memory_space<hbm>>
        %dma_start3A_26 = arith.constant 0 : i32
        %dma_start3A_27 = tpu.memref_slice %arg2[%add3A, %dma_start3A_26] : memref<4x1024xf32, #tpu.memory_space<hbm>> -> memref<1x1024xf32, #tpu.memory_space<hbm>>
        %dma_start3A_28 = tpu.memref_squeeze %dma_start3A_27 : memref<1x1024xf32, #tpu.memory_space<hbm>> -> memref<1024xf32, #tpu.memory_space<hbm>>
        tpu.enqueue_dma source(%dma_start3A_28 : memref<1024xf32, #tpu.memory_space<hbm>>) target(%arg5 : memref<1024xf32, #tpu.memory_space<vmem>>) target_semaphore(%run_scoped3A : memref<!tpu.dma_semaphore, #tpu.memory_space<semaphore_mem>>)
        %dma_wait3A = arith.constant 0 : i32
        %dma_wait3A_29 = tpu.memref_slice %arg2[%add3A, %dma_wait3A] : memref<4x1024xf32, #tpu.memory_space<hbm>> -> memref<1x1024xf32, #tpu.memory_space<hbm>>
        %dma_wait3A_30 = tpu.memref_squeeze %dma_wait3A_29 : memref<1x1024xf32, #tpu.memory_space<hbm>> -> memref<1024xf32, #tpu.memory_space<hbm>>
        %dma_wait3A_31 = arith.constant 0 : i32
        %dma_wait3A_32 = tpu.memref_slice %arg2[%add3A, %dma_wait3A_31] : memref<4x1024xf32, #tpu.memory_space<hbm>> -> memref<1x1024xf32, #tpu.memory_space<hbm>>
        %dma_wait3A_33 = tpu.memref_squeeze %dma_wait3A_32 : memref<1x1024xf32, #tpu.memory_space<hbm>> -> memref<1024xf32, #tpu.memory_space<hbm>>
        tpu.wait_dma2 semaphore(%run_scoped3A : memref<!tpu.dma_semaphore, #tpu.memory_space<semaphore_mem>>) src(%dma_wait3A_33 : memref<1024xf32, #tpu.memory_space<hbm>>) dst(%arg5 : memref<1024xf32, #tpu.memory_space<vmem>>)
        tpu.yield
      }) : () -> ()
      %iota3A = tpu.iota {dimensions = array<i32: 0>} : vector<16xi32>
      %broadcast_in_dim3A = arith.constant 3.000000e+38 : f32
      %broadcast_in_dim3A_3 = vector.broadcast %broadcast_in_dim3A : f32 to vector<16xf32>
      %broadcast_in_dim3A_4 = arith.constant 0 : i32
      %broadcast_in_dim3A_5 = vector.broadcast %broadcast_in_dim3A_4 : i32 to vector<16xi32>
      %scan3A = arith.constant 0 : i32
      %scan3A_6 = arith.constant 64 : i32
      %scan3A_7 = arith.addi %scan3A, %scan3A_6 : i32
      %scan3A_8 = arith.constant 1 : i32
      %scan3A_9:2 = scf.for %scan3A_24 = %scan3A to %scan3A_7 step %scan3A_8 iter_args(%scan3A_25 = %broadcast_in_dim3A_3, %scan3A_26 = %broadcast_in_dim3A_5) -> (vector<16xf32>, vector<16xi32>)  : i32 {
        %mul3A_27 = arith.constant 16 : i32
        %mul3A_28 = arith.muli %scan3A_24, %mul3A_27 : i32
        %get3A = arith.index_cast %mul3A_28 : i32 to index
        %get3A_29 = tpu.vector_load %arg5[%get3A] {strides = array<i32>} : memref<1024xf32, #tpu.memory_space<vmem>>, vector<16xf32>,
        %mul3A_30 = arith.constant 16 : i32
        %mul3A_31 = arith.muli %scan3A_24, %mul3A_30 : i32
        %add3A_32 = vector.broadcast %mul3A_31 : i32 to vector<16xi32>
        %add3A_33 = arith.addi %iota3A, %add3A_32 : vector<16xi32>
        %lt3A_34 = arith.cmpf olt, %get3A_29, %scan3A_25 : vector<16xf32>
        %select_n3A_35 = arith.select %lt3A_34, %get3A_29, %scan3A_25 : vector<16xi1>, vector<16xf32>
        %select_n3A_36 = arith.select %lt3A_34, %add3A_33, %scan3A_26 : vector<16xi1>, vector<16xi32>
        scf.yield %select_n3A_35, %select_n3A_36 : vector<16xf32>, vector<16xi32>
      }
      %scan3A_10 = arith.constant 64 : i32
      %reduce_min3A = arith.constant true
      %reduce_min3A_11 = vector.broadcast %reduce_min3A : i1 to vector<16xi1>
      %reduce_min3A_12 = tpu.scan <min>, %scan3A_9#0 masked %reduce_min3A_11 : vector<16xf32>, vector<16xi1> -> vector<16xf32>
      %reduce_min3A_13 = vector.extract %reduce_min3A_12[15] : f32 from vector<16xf32>
      %eq3A = vector.broadcast %reduce_min3A_13 : f32 to vector<16xf32>
      %eq3A_14 = arith.cmpf oeq, %scan3A_9#0, %eq3A : vector<16xf32>
      %jit3A = arith.constant 1073741824 : i32
      %broadcast_in_dim3A_15 = vector.broadcast %jit3A : i32 to vector<16xi32>
      %select_n3A = arith.select %eq3A_14, %scan3A_9#1, %broadcast_in_dim3A_15 : vector<16xi1>, vector<16xi32>
      %reduce_min3A_16 = arith.constant true
      %reduce_min3A_17 = vector.broadcast %reduce_min3A_16 : i1 to vector<16xi1>
      %reduce_min3A_18 = arith.constant -2147483648 : i32
      %reduce_min3A_19 = vector.broadcast %reduce_min3A_18 : i32 to vector<16xi32>
      %reduce_min3A_20 = arith.xori %select_n3A, %reduce_min3A_19 : vector<16xi32>
      %reduce_min3A_21 = tpu.scan <min>, %reduce_min3A_20 masked %reduce_min3A_17 : vector<16xi32>, vector<16xi1> -> vector<16xi32>
      %reduce_min3A_22 = arith.xori %reduce_min3A_21, %reduce_min3A_19 : vector<16xi32>
      %reduce_min3A_23 = vector.extract %reduce_min3A_22[15] : i32 from vector<16xi32>
      "tpu.region"() ({
        %run_scoped3A = tpu.sem_alloc : memref<!tpu.dma_semaphore, #tpu.memory_space<semaphore_mem>>
        %dma_start3A = arith.constant 0 : i32
        %dma_start3A_24 = tpu.memref_slice %arg3[%reduce_min3A_23, %dma_start3A] : memref<1024x64xf32, #tpu.memory_space<hbm>> -> memref<1x64xf32, #tpu.memory_space<hbm>>
        %dma_start3A_25 = tpu.memref_squeeze %dma_start3A_24 : memref<1x64xf32, #tpu.memory_space<hbm>> -> memref<64xf32, #tpu.memory_space<hbm>>
        %dma_start3A_26 = arith.constant 0 : i32
        %dma_start3A_27 = tpu.memref_slice %arg3[%reduce_min3A_23, %dma_start3A_26] : memref<1024x64xf32, #tpu.memory_space<hbm>> -> memref<1x64xf32, #tpu.memory_space<hbm>>
        %dma_start3A_28 = tpu.memref_squeeze %dma_start3A_27 : memref<1x64xf32, #tpu.memory_space<hbm>> -> memref<64xf32, #tpu.memory_space<hbm>>
        tpu.enqueue_dma source(%dma_start3A_28 : memref<64xf32, #tpu.memory_space<hbm>>) target(%arg6 : memref<64xf32, #tpu.memory_space<vmem>>) target_semaphore(%run_scoped3A : memref<!tpu.dma_semaphore, #tpu.memory_space<semaphore_mem>>)
        %dma_wait3A = arith.constant 0 : i32
        %dma_wait3A_29 = tpu.memref_slice %arg3[%reduce_min3A_23, %dma_wait3A] : memref<1024x64xf32, #tpu.memory_space<hbm>> -> memref<1x64xf32, #tpu.memory_space<hbm>>
        %dma_wait3A_30 = tpu.memref_squeeze %dma_wait3A_29 : memref<1x64xf32, #tpu.memory_space<hbm>> -> memref<64xf32, #tpu.memory_space<hbm>>
        %dma_wait3A_31 = arith.constant 0 : i32
        %dma_wait3A_32 = tpu.memref_slice %arg3[%reduce_min3A_23, %dma_wait3A_31] : memref<1024x64xf32, #tpu.memory_space<hbm>> -> memref<1x64xf32, #tpu.memory_space<hbm>>
        %dma_wait3A_33 = tpu.memref_squeeze %dma_wait3A_32 : memref<1x64xf32, #tpu.memory_space<hbm>> -> memref<64xf32, #tpu.memory_space<hbm>>
        tpu.wait_dma2 semaphore(%run_scoped3A : memref<!tpu.dma_semaphore, #tpu.memory_space<semaphore_mem>>) src(%dma_wait3A_33 : memref<64xf32, #tpu.memory_space<hbm>>) dst(%arg6 : memref<64xf32, #tpu.memory_space<vmem>>)
        tpu.yield
      }) : () -> ()
      "tpu.region"() ({
        %run_scoped3A = tpu.sem_alloc : memref<!tpu.dma_semaphore, #tpu.memory_space<semaphore_mem>>
        %dma_start3A = arith.constant 0 : i32
        %dma_start3A_24 = tpu.memref_slice %arg4[%add3A, %dma_start3A] : memref<4x64xf32, #tpu.memory_space<hbm>> -> memref<1x64xf32, #tpu.memory_space<hbm>>
        %dma_start3A_25 = tpu.memref_squeeze %dma_start3A_24 : memref<1x64xf32, #tpu.memory_space<hbm>> -> memref<64xf32, #tpu.memory_space<hbm>>
        %dma_start3A_26 = arith.constant 0 : i32
        %dma_start3A_27 = tpu.memref_slice %arg4[%add3A, %dma_start3A_26] : memref<4x64xf32, #tpu.memory_space<hbm>> -> memref<1x64xf32, #tpu.memory_space<hbm>>
        %dma_start3A_28 = tpu.memref_squeeze %dma_start3A_27 : memref<1x64xf32, #tpu.memory_space<hbm>> -> memref<64xf32, #tpu.memory_space<hbm>>
        tpu.enqueue_dma source(%arg6 : memref<64xf32, #tpu.memory_space<vmem>>) target(%dma_start3A_28 : memref<64xf32, #tpu.memory_space<hbm>>) target_semaphore(%run_scoped3A : memref<!tpu.dma_semaphore, #tpu.memory_space<semaphore_mem>>)
        %dma_wait3A = arith.constant 0 : i32
        %dma_wait3A_29 = tpu.memref_slice %arg4[%add3A, %dma_wait3A] : memref<4x64xf32, #tpu.memory_space<hbm>> -> memref<1x64xf32, #tpu.memory_space<hbm>>
        %dma_wait3A_30 = tpu.memref_squeeze %dma_wait3A_29 : memref<1x64xf32, #tpu.memory_space<hbm>> -> memref<64xf32, #tpu.memory_space<hbm>>
        %dma_wait3A_31 = arith.constant 0 : i32
        %dma_wait3A_32 = tpu.memref_slice %arg4[%add3A, %dma_wait3A_31] : memref<4x64xf32, #tpu.memory_space<hbm>> -> memref<1x64xf32, #tpu.memory_space<hbm>>
        %dma_wait3A_33 = tpu.memref_squeeze %dma_wait3A_32 : memref<1x64xf32, #tpu.memory_space<hbm>> -> memref<64xf32, #tpu.memory_space<hbm>>
        tpu.wait_dma2 semaphore(%run_scoped3A : memref<!tpu.dma_semaphore, #tpu.memory_space<semaphore_mem>>) src(%arg6 : memref<64xf32, #tpu.memory_space<vmem>>) dst(%dma_wait3A_33 : memref<64xf32, #tpu.memory_space<hbm>>)
        tpu.yield
      }) : () -> ()
    } else {
    }
    return
  }
}

module attributes {stable_mosaic.version = 14 : i64} {
  func.func @_reduce_mid_body(%arg0: i32, %arg1: memref<64x2048xf32, #tpu.memory_space<vmem>>, %arg2: memref<1x64xf32, #tpu.memory_space<vmem>>, %arg3: memref<1024x64xf32, #tpu.memory_space<vmem>>, %arg4: memref<2016x2048xf32, #tpu.memory_space<vmem>>, %arg5: memref<1x2016xf32, #tpu.memory_space<vmem>>, %arg6: memref<2048x64xf32, #tpu.memory_space<vmem>>, %arg7: memref<1x1xf32, #tpu.memory_space<smem>>, %arg8: memref<4x256x2048xf32, #tpu.memory_space<vmem>>, %arg9: memref<4x1024xf32, #tpu.memory_space<vmem>>, %arg10: memref<4x64x2048xf32, #tpu.memory_space<vmem>>, %arg11: memref<4x2048xf32, #tpu.memory_space<vmem>>) attributes {dimension_semantics = [#tpu.dimension_semantics<arbitrary>], iteration_bounds = array<i64: 8>, scalar_prefetch = 0 : i64, scratch_operands = 1 : i64, tpu.core_type = #tpu.core_type<tc>, window_params = [{pipeline_mode = #tpu.pipeline_mode<synchronous>, transform_indices = @transform_0, window_bounds = array<i64: 64, 2048>}, {pipeline_mode = #tpu.pipeline_mode<synchronous>, transform_indices = @transform_1, window_bounds = array<i64: 1, 64>}, {pipeline_mode = #tpu.pipeline_mode<synchronous>, transform_indices = @transform_2, window_bounds = array<i64: 1024, 64>}, {pipeline_mode = #tpu.pipeline_mode<synchronous>, transform_indices = @transform_3, window_bounds = array<i64: 2016, 2048>}, {pipeline_mode = #tpu.pipeline_mode<synchronous>, transform_indices = @transform_4, window_bounds = array<i64: 1, 2016>}, {pipeline_mode = #tpu.pipeline_mode<synchronous>, transform_indices = @transform_5, window_bounds = array<i64: 2048, 64>}, {transform_indices = @transform_6, window_bounds = array<i64: 1, 1>}, {transform_indices = @transform_7, window_bounds = array<i64: 4, 256, 2048>}, {pipeline_mode = #tpu.pipeline_mode<synchronous>, transform_indices = @transform_8, window_bounds = array<i64: 4, 1024>}, {pipeline_mode = #tpu.pipeline_mode<synchronous>, transform_indices = @transform_9, window_bounds = array<i64: 4, 64, 2048>}]} {
    %get3A = arith.constant 0 : index
    %get3A_0 = arith.constant 0 : index
    %get3A_1 = arith.constant 0 : index
    %get3A_2 = vector.load %arg8[%get3A, %get3A_0, %get3A_1] : memref<4x256x2048xf32, #tpu.memory_space<vmem>>, vector<4x256x2048xf32>
    %reduce_sum3A = arith.constant dense<0.000000e+00> : vector<4x2048xf32>
    %reduce_sum3A_3 = vector.multi_reduction <add>, %get3A_2, %reduce_sum3A [1] : vector<4x256x2048xf32> to vector<4x2048xf32>
    %eq3A = arith.constant 0 : i32
    %eq3A_4 = arith.cmpi eq, %arg0, %eq3A : i32
    %convert_element_type3A = arith.extui %eq3A_4 : i1 to i32
    %cond3A = arith.constant 0 : i32
    %cond3A_5 = arith.cmpi ne, %convert_element_type3A, %cond3A : i32
    scf.if %cond3A_5 {
      %swap3A = arith.constant 0 : index
      %swap3A_15 = arith.constant 0 : index
      %swap3A_16 = vector.load %arg11[%swap3A, %swap3A_15] : memref<4x2048xf32, #tpu.memory_space<vmem>>, vector<4x2048xf32>
      tpu.vector_store %arg11[%swap3A, %swap3A_15], %reduce_sum3A_3 {strides = array<i32>} : memref<4x2048xf32, #tpu.memory_space<vmem>>, vector<4x2048xf32>,
    } else {
    }
    %ne3A = arith.constant 0 : i32
    %ne3A_6 = arith.cmpi ne, %arg0, %ne3A : i32
    %convert_element_type3A_7 = arith.extui %ne3A_6 : i1 to i32
    %cond3A_8 = arith.constant 0 : i32
    %cond3A_9 = arith.cmpi ne, %convert_element_type3A_7, %cond3A_8 : i32
    scf.if %cond3A_9 {
      %get3A_15 = arith.constant 0 : index
      %get3A_16 = arith.constant 0 : index
      %get3A_17 = vector.load %arg11[%get3A_15, %get3A_16] : memref<4x2048xf32, #tpu.memory_space<vmem>>, vector<4x2048xf32>
      %add3A = arith.addf %get3A_17, %reduce_sum3A_3 : vector<4x2048xf32>
      %swap3A = arith.constant 0 : index
      %swap3A_18 = arith.constant 0 : index
      %swap3A_19 = vector.load %arg11[%swap3A, %swap3A_18] : memref<4x2048xf32, #tpu.memory_space<vmem>>, vector<4x2048xf32>
      tpu.vector_store %arg11[%swap3A, %swap3A_18], %add3A {strides = array<i32>} : memref<4x2048xf32, #tpu.memory_space<vmem>>, vector<4x2048xf32>,
    } else {
    }
    %eq3A_10 = arith.constant 7 : i32
    %eq3A_11 = arith.cmpi eq, %arg0, %eq3A_10 : i32
    %convert_element_type3A_12 = arith.extui %eq3A_11 : i1 to i32
    %cond3A_13 = arith.constant 0 : i32
    %cond3A_14 = arith.cmpi ne, %convert_element_type3A_12, %cond3A_13 : i32
    scf.if %cond3A_14 {
      %get3A_15 = arith.constant 0 : index
      %get3A_16 = arith.constant 0 : index
      %get3A_17 = vector.load %arg11[%get3A_15, %get3A_16] : memref<4x2048xf32, #tpu.memory_space<vmem>>, vector<4x2048xf32>
      %mul3A = arith.constant 4.8828125E-4 : f32
      %mul3A_18 = vector.broadcast %mul3A : f32 to vector<4x2048xf32>
      %mul3A_19 = arith.mulf %get3A_17, %mul3A_18 : vector<4x2048xf32>
      %get3A_20 = arith.constant 0 : index
      %get3A_21 = arith.constant 0 : index
      %get3A_22 = vector.load %arg1[%get3A_20, %get3A_21] : memref<64x2048xf32, #tpu.memory_space<vmem>>, vector<64x2048xf32>
      %dot_general3A = arith.constant dense<0.000000e+00> : vector<4x64xf32>
      %dot_general3A_23 = tpu.matmul %mul3A_19, %get3A_22, %dot_general3A {dimension_numbers = #tpu.dot_dimension_numbers<[1], [1], [0], [0], [0, 0, 1, 0], [], []>, transpose_lhs_hint = false} : vector<4x2048xf32>, vector<64x2048xf32>, vector<4x64xf32> -> vector<4x64xf32>
      %get3A_24 = arith.constant 0 : index
      %get3A_25 = arith.constant 0 : index
      %get3A_26 = vector.load %arg2[%get3A_24, %get3A_25] : memref<1x64xf32, #tpu.memory_space<vmem>>, vector<1x64xf32>
      %add3A = vector.broadcast %get3A_26 : vector<1x64xf32> to vector<4x64xf32>
      %add3A_27 = arith.addf %dot_general3A_23, %add3A : vector<4x64xf32>
      %broadcast_in_dim3A = vector.shape_cast %add3A_27 : vector<4x64xf32> to vector<4x1x64xf32>
      %get3A_28 = arith.constant 0 : index
      %get3A_29 = arith.constant 0 : index
      %get3A_30 = vector.load %arg3[%get3A_28, %get3A_29] : memref<1024x64xf32, #tpu.memory_space<vmem>>, vector<1024x64xf32>
      %broadcast_in_dim3A_31 = vector.shape_cast %get3A_30 : vector<1024x64xf32> to vector<1x1024x64xf32>
      %sub3A = vector.broadcast %broadcast_in_dim3A : vector<4x1x64xf32> to vector<4x1024x64xf32>
      %sub3A_32 = vector.broadcast %broadcast_in_dim3A_31 : vector<1x1024x64xf32> to vector<4x1024x64xf32>
      %sub3A_33 = arith.subf %sub3A, %sub3A_32 : vector<4x1024x64xf32>
      %mul3A_34 = arith.mulf %sub3A_33, %sub3A_33 : vector<4x1024x64xf32>
      %reduce_sum3A_35 = arith.constant dense<0.000000e+00> : vector<4x1024xf32>
      %reduce_sum3A_36 = vector.multi_reduction <add>, %mul3A_34, %reduce_sum3A_35 [2] : vector<4x1024x64xf32> to vector<4x1024xf32>
      %swap3A = arith.constant 0 : index
      %swap3A_37 = arith.constant 0 : index
      %swap3A_38 = vector.load %arg9[%swap3A, %swap3A_37] : memref<4x1024xf32, #tpu.memory_space<vmem>>, vector<4x1024xf32>
      tpu.vector_store %arg9[%swap3A, %swap3A_37], %reduce_sum3A_36 {strides = array<i32>} : memref<4x1024xf32, #tpu.memory_space<vmem>>, vector<4x1024xf32>,
      %get3A_39 = arith.constant 0 : index
      %get3A_40 = arith.constant 0 : index
      %get3A_41 = vector.load %arg4[%get3A_39, %get3A_40] : memref<2016x2048xf32, #tpu.memory_space<vmem>>, vector<2016x2048xf32>
      %dot_general3A_42 = arith.constant dense<0.000000e+00> : vector<4x2016xf32>
      %dot_general3A_43 = tpu.matmul %mul3A_19, %get3A_41, %dot_general3A_42 {dimension_numbers = #tpu.dot_dimension_numbers<[1], [1], [0], [0], [0, 0, 1, 0], [], []>, transpose_lhs_hint = false} : vector<4x2048xf32>, vector<2016x2048xf32>, vector<4x2016xf32> -> vector<4x2016xf32>
      %get3A_44 = arith.constant 0 : index
      %get3A_45 = arith.constant 0 : index
      %get3A_46 = vector.load %arg5[%get3A_44, %get3A_45] : memref<1x2016xf32, #tpu.memory_space<vmem>>, vector<1x2016xf32>
      %add3A_47 = vector.broadcast %get3A_46 : vector<1x2016xf32> to vector<4x2016xf32>
      %add3A_48 = arith.addf %dot_general3A_43, %add3A_47 : vector<4x2016xf32>
      %slice3A = vector.extract_strided_slice %add3A_48 {offsets = [0, 0], sizes = [4, 63], strides = [1, 1]} : vector<4x2016xf32> to vector<4x63xf32>
      %broadcast_in_dim3A_49 = arith.constant 0.000000e+00 : f32
      %broadcast_in_dim3A_50 = vector.broadcast %broadcast_in_dim3A_49 : f32 to vector<4x1xf32>
      %concatenate3A = tpu.concatenate %broadcast_in_dim3A_50, %slice3A in 1 : vector<4x1xf32>, vector<4x63xf32> -> vector<4x64xf32>
      %broadcast_in_dim3A_51 = vector.shape_cast %concatenate3A : vector<4x64xf32> to vector<4x1x64xf32>
      %slice3A_52 = vector.extract_strided_slice %add3A_48 {offsets = [0, 63], sizes = [4, 62], strides = [1, 1]} : vector<4x2016xf32> to vector<4x62xf32>
      %broadcast_in_dim3A_53 = arith.constant 0.000000e+00 : f32
      %broadcast_in_dim3A_54 = vector.broadcast %broadcast_in_dim3A_53 : f32 to vector<4x2xf32>
      %concatenate3A_55 = tpu.concatenate %broadcast_in_dim3A_54, %slice3A_52 in 1 : vector<4x2xf32>, vector<4x62xf32> -> vector<4x64xf32>
      %broadcast_in_dim3A_56 = vector.shape_cast %concatenate3A_55 : vector<4x64xf32> to vector<4x1x64xf32>
      %slice3A_57 = vector.extract_strided_slice %add3A_48 {offsets = [0, 125], sizes = [4, 61], strides = [1, 1]} : vector<4x2016xf32> to vector<4x61xf32>
      %broadcast_in_dim3A_58 = arith.constant 0.000000e+00 : f32
      %broadcast_in_dim3A_59 = vector.broadcast %broadcast_in_dim3A_58 : f32 to vector<4x3xf32>
      %concatenate3A_60 = tpu.concatenate %broadcast_in_dim3A_59, %slice3A_57 in 1 : vector<4x3xf32>, vector<4x61xf32> -> vector<4x64xf32>
      %broadcast_in_dim3A_61 = vector.shape_cast %concatenate3A_60 : vector<4x64xf32> to vector<4x1x64xf32>
      %slice3A_62 = vector.extract_strided_slice %add3A_48 {offsets = [0, 186], sizes = [4, 60], strides = [1, 1]} : vector<4x2016xf32> to vector<4x60xf32>
      %broadcast_in_dim3A_63 = arith.constant 0.000000e+00 : f32
      %broadcast_in_dim3A_64 = vector.broadcast %broadcast_in_dim3A_63 : f32 to vector<4x4xf32>
      %concatenate3A_65 = tpu.concatenate %broadcast_in_dim3A_64, %slice3A_62 in 1 : vector<4x4xf32>, vector<4x60xf32> -> vector<4x64xf32>
      %broadcast_in_dim3A_66 = vector.shape_cast %concatenate3A_65 : vector<4x64xf32> to vector<4x1x64xf32>
      %slice3A_67 = vector.extract_strided_slice %add3A_48 {offsets = [0, 246], sizes = [4, 59], strides = [1, 1]} : vector<4x2016xf32> to vector<4x59xf32>
      %broadcast_in_dim3A_68 = arith.constant 0.000000e+00 : f32
      %broadcast_in_dim3A_69 = vector.broadcast %broadcast_in_dim3A_68 : f32 to vector<4x5xf32>
      %concatenate3A_70 = tpu.concatenate %broadcast_in_dim3A_69, %slice3A_67 in 1 : vector<4x5xf32>, vector<4x59xf32> -> vector<4x64xf32>
      %broadcast_in_dim3A_71 = vector.shape_cast %concatenate3A_70 : vector<4x64xf32> to vector<4x1x64xf32>
      %slice3A_72 = vector.extract_strided_slice %add3A_48 {offsets = [0, 305], sizes = [4, 58], strides = [1, 1]} : vector<4x2016xf32> to vector<4x58xf32>
      %broadcast_in_dim3A_73 = arith.constant 0.000000e+00 : f32
      %broadcast_in_dim3A_74 = vector.broadcast %broadcast_in_dim3A_73 : f32 to vector<4x6xf32>
      %concatenate3A_75 = tpu.concatenate %broadcast_in_dim3A_74, %slice3A_72 in 1 : vector<4x6xf32>, vector<4x58xf32> -> vector<4x64xf32>
      %broadcast_in_dim3A_76 = vector.shape_cast %concatenate3A_75 : vector<4x64xf32> to vector<4x1x64xf32>
      %slice3A_77 = vector.extract_strided_slice %add3A_48 {offsets = [0, 363], sizes = [4, 57], strides = [1, 1]} : vector<4x2016xf32> to vector<4x57xf32>
      %broadcast_in_dim3A_78 = arith.constant 0.000000e+00 : f32
      %broadcast_in_dim3A_79 = vector.broadcast %broadcast_in_dim3A_78 : f32 to vector<4x7xf32>
      %concatenate3A_80 = tpu.concatenate %broadcast_in_dim3A_79, %slice3A_77 in 1 : vector<4x7xf32>, vector<4x57xf32> -> vector<4x64xf32>
      %broadcast_in_dim3A_81 = vector.shape_cast %concatenate3A_80 : vector<4x64xf32> to vector<4x1x64xf32>
      %slice3A_82 = vector.extract_strided_slice %add3A_48 {offsets = [0, 420], sizes = [4, 56], strides = [1, 1]} : vector<4x2016xf32> to vector<4x56xf32>
      %broadcast_in_dim3A_83 = arith.constant 0.000000e+00 : f32
      %broadcast_in_dim3A_84 = vector.broadcast %broadcast_in_dim3A_83 : f32 to vector<4x8xf32>
      %concatenate3A_85 = tpu.concatenate %broadcast_in_dim3A_84, %slice3A_82 in 1 : vector<4x8xf32>, vector<4x56xf32> -> vector<4x64xf32>
      %broadcast_in_dim3A_86 = vector.shape_cast %concatenate3A_85 : vector<4x64xf32> to vector<4x1x64xf32>
      %slice3A_87 = vector.extract_strided_slice %add3A_48 {offsets = [0, 476], sizes = [4, 55], strides = [1, 1]} : vector<4x2016xf32> to vector<4x55xf32>
      %broadcast_in_dim3A_88 = arith.constant 0.000000e+00 : f32
      %broadcast_in_dim3A_89 = vector.broadcast %broadcast_in_dim3A_88 : f32 to vector<4x9xf32>
      %concatenate3A_90 = tpu.concatenate %broadcast_in_dim3A_89, %slice3A_87 in 1 : vector<4x9xf32>, vector<4x55xf32> -> vector<4x64xf32>
      %broadcast_in_dim3A_91 = vector.shape_cast %concatenate3A_90 : vector<4x64xf32> to vector<4x1x64xf32>
      %slice3A_92 = vector.extract_strided_slice %add3A_48 {offsets = [0, 531], sizes = [4, 54], strides = [1, 1]} : vector<4x2016xf32> to vector<4x54xf32>
      %broadcast_in_dim3A_93 = arith.constant 0.000000e+00 : f32
      %broadcast_in_dim3A_94 = vector.broadcast %broadcast_in_dim3A_93 : f32 to vector<4x10xf32>
      %concatenate3A_95 = tpu.concatenate %broadcast_in_dim3A_94, %slice3A_92 in 1 : vector<4x10xf32>, vector<4x54xf32> -> vector<4x64xf32>
      %broadcast_in_dim3A_96 = vector.shape_cast %concatenate3A_95 : vector<4x64xf32> to vector<4x1x64xf32>
      %slice3A_97 = vector.extract_strided_slice %add3A_48 {offsets = [0, 585], sizes = [4, 53], strides = [1, 1]} : vector<4x2016xf32> to vector<4x53xf32>
      %broadcast_in_dim3A_98 = arith.constant 0.000000e+00 : f32
      %broadcast_in_dim3A_99 = vector.broadcast %broadcast_in_dim3A_98 : f32 to vector<4x11xf32>
      %concatenate3A_100 = tpu.concatenate %broadcast_in_dim3A_99, %slice3A_97 in 1 : vector<4x11xf32>, vector<4x53xf32> -> vector<4x64xf32>
      %broadcast_in_dim3A_101 = vector.shape_cast %concatenate3A_100 : vector<4x64xf32> to vector<4x1x64xf32>
      %slice3A_102 = vector.extract_strided_slice %add3A_48 {offsets = [0, 638], sizes = [4, 52], strides = [1, 1]} : vector<4x2016xf32> to vector<4x52xf32>
      %broadcast_in_dim3A_103 = arith.constant 0.000000e+00 : f32
      %broadcast_in_dim3A_104 = vector.broadcast %broadcast_in_dim3A_103 : f32 to vector<4x12xf32>
      %concatenate3A_105 = tpu.concatenate %broadcast_in_dim3A_104, %slice3A_102 in 1 : vector<4x12xf32>, vector<4x52xf32> -> vector<4x64xf32>
      %broadcast_in_dim3A_106 = vector.shape_cast %concatenate3A_105 : vector<4x64xf32> to vector<4x1x64xf32>
      %slice3A_107 = vector.extract_strided_slice %add3A_48 {offsets = [0, 690], sizes = [4, 51], strides = [1, 1]} : vector<4x2016xf32> to vector<4x51xf32>
      %broadcast_in_dim3A_108 = arith.constant 0.000000e+00 : f32
      %broadcast_in_dim3A_109 = vector.broadcast %broadcast_in_dim3A_108 : f32 to vector<4x13xf32>
      %concatenate3A_110 = tpu.concatenate %broadcast_in_dim3A_109, %slice3A_107 in 1 : vector<4x13xf32>, vector<4x51xf32> -> vector<4x64xf32>
      %broadcast_in_dim3A_111 = vector.shape_cast %concatenate3A_110 : vector<4x64xf32> to vector<4x1x64xf32>
      %slice3A_112 = vector.extract_strided_slice %add3A_48 {offsets = [0, 741], sizes = [4, 50], strides = [1, 1]} : vector<4x2016xf32> to vector<4x50xf32>
      %broadcast_in_dim3A_113 = arith.constant 0.000000e+00 : f32
      %broadcast_in_dim3A_114 = vector.broadcast %broadcast_in_dim3A_113 : f32 to vector<4x14xf32>
      %concatenate3A_115 = tpu.concatenate %broadcast_in_dim3A_114, %slice3A_112 in 1 : vector<4x14xf32>, vector<4x50xf32> -> vector<4x64xf32>
      %broadcast_in_dim3A_116 = vector.shape_cast %concatenate3A_115 : vector<4x64xf32> to vector<4x1x64xf32>
      %slice3A_117 = vector.extract_strided_slice %add3A_48 {offsets = [0, 791], sizes = [4, 49], strides = [1, 1]} : vector<4x2016xf32> to vector<4x49xf32>
      %broadcast_in_dim3A_118 = arith.constant 0.000000e+00 : f32
      %broadcast_in_dim3A_119 = vector.broadcast %broadcast_in_dim3A_118 : f32 to vector<4x15xf32>
      %concatenate3A_120 = tpu.concatenate %broadcast_in_dim3A_119, %slice3A_117 in 1 : vector<4x15xf32>, vector<4x49xf32> -> vector<4x64xf32>
      %broadcast_in_dim3A_121 = vector.shape_cast %concatenate3A_120 : vector<4x64xf32> to vector<4x1x64xf32>
      %slice3A_122 = vector.extract_strided_slice %add3A_48 {offsets = [0, 840], sizes = [4, 48], strides = [1, 1]} : vector<4x2016xf32> to vector<4x48xf32>
      %broadcast_in_dim3A_123 = arith.constant 0.000000e+00 : f32
      %broadcast_in_dim3A_124 = vector.broadcast %broadcast_in_dim3A_123 : f32 to vector<4x16xf32>
      %concatenate3A_125 = tpu.concatenate %broadcast_in_dim3A_124, %slice3A_122 in 1 : vector<4x16xf32>, vector<4x48xf32> -> vector<4x64xf32>
      %broadcast_in_dim3A_126 = vector.shape_cast %concatenate3A_125 : vector<4x64xf32> to vector<4x1x64xf32>
      %slice3A_127 = vector.extract_strided_slice %add3A_48 {offsets = [0, 888], sizes = [4, 47], strides = [1, 1]} : vector<4x2016xf32> to vector<4x47xf32>
      %broadcast_in_dim3A_128 = arith.constant 0.000000e+00 : f32
      %broadcast_in_dim3A_129 = vector.broadcast %broadcast_in_dim3A_128 : f32 to vector<4x17xf32>
      %concatenate3A_130 = tpu.concatenate %broadcast_in_dim3A_129, %slice3A_127 in 1 : vector<4x17xf32>, vector<4x47xf32> -> vector<4x64xf32>
      %broadcast_in_dim3A_131 = vector.shape_cast %concatenate3A_130 : vector<4x64xf32> to vector<4x1x64xf32>
      %slice3A_132 = vector.extract_strided_slice %add3A_48 {offsets = [0, 935], sizes = [4, 46], strides = [1, 1]} : vector<4x2016xf32> to vector<4x46xf32>
      %broadcast_in_dim3A_133 = arith.constant 0.000000e+00 : f32
      %broadcast_in_dim3A_134 = vector.broadcast %broadcast_in_dim3A_133 : f32 to vector<4x18xf32>
      %concatenate3A_135 = tpu.concatenate %broadcast_in_dim3A_134, %slice3A_132 in 1 : vector<4x18xf32>, vector<4x46xf32> -> vector<4x64xf32>
      %broadcast_in_dim3A_136 = vector.shape_cast %concatenate3A_135 : vector<4x64xf32> to vector<4x1x64xf32>
      %slice3A_137 = vector.extract_strided_slice %add3A_48 {offsets = [0, 981], sizes = [4, 45], strides = [1, 1]} : vector<4x2016xf32> to vector<4x45xf32>
      %broadcast_in_dim3A_138 = arith.constant 0.000000e+00 : f32
      %broadcast_in_dim3A_139 = vector.broadcast %broadcast_in_dim3A_138 : f32 to vector<4x19xf32>
      %concatenate3A_140 = tpu.concatenate %broadcast_in_dim3A_139, %slice3A_137 in 1 : vector<4x19xf32>, vector<4x45xf32> -> vector<4x64xf32>
      %broadcast_in_dim3A_141 = vector.shape_cast %concatenate3A_140 : vector<4x64xf32> to vector<4x1x64xf32>
      %slice3A_142 = vector.extract_strided_slice %add3A_48 {offsets = [0, 1026], sizes = [4, 44], strides = [1, 1]} : vector<4x2016xf32> to vector<4x44xf32>
      %broadcast_in_dim3A_143 = arith.constant 0.000000e+00 : f32
      %broadcast_in_dim3A_144 = vector.broadcast %broadcast_in_dim3A_143 : f32 to vector<4x20xf32>
      %concatenate3A_145 = tpu.concatenate %broadcast_in_dim3A_144, %slice3A_142 in 1 : vector<4x20xf32>, vector<4x44xf32> -> vector<4x64xf32>
      %broadcast_in_dim3A_146 = vector.shape_cast %concatenate3A_145 : vector<4x64xf32> to vector<4x1x64xf32>
      %slice3A_147 = vector.extract_strided_slice %add3A_48 {offsets = [0, 1070], sizes = [4, 43], strides = [1, 1]} : vector<4x2016xf32> to vector<4x43xf32>
      %broadcast_in_dim3A_148 = arith.constant 0.000000e+00 : f32
      %broadcast_in_dim3A_149 = vector.broadcast %broadcast_in_dim3A_148 : f32 to vector<4x21xf32>
      %concatenate3A_150 = tpu.concatenate %broadcast_in_dim3A_149, %slice3A_147 in 1 : vector<4x21xf32>, vector<4x43xf32> -> vector<4x64xf32>
      %broadcast_in_dim3A_151 = vector.shape_cast %concatenate3A_150 : vector<4x64xf32> to vector<4x1x64xf32>
      %slice3A_152 = vector.extract_strided_slice %add3A_48 {offsets = [0, 1113], sizes = [4, 42], strides = [1, 1]} : vector<4x2016xf32> to vector<4x42xf32>
      %broadcast_in_dim3A_153 = arith.constant 0.000000e+00 : f32
      %broadcast_in_dim3A_154 = vector.broadcast %broadcast_in_dim3A_153 : f32 to vector<4x22xf32>
      %concatenate3A_155 = tpu.concatenate %broadcast_in_dim3A_154, %slice3A_152 in 1 : vector<4x22xf32>, vector<4x42xf32> -> vector<4x64xf32>
      %broadcast_in_dim3A_156 = vector.shape_cast %concatenate3A_155 : vector<4x64xf32> to vector<4x1x64xf32>
      %slice3A_157 = vector.extract_strided_slice %add3A_48 {offsets = [0, 1155], sizes = [4, 41], strides = [1, 1]} : vector<4x2016xf32> to vector<4x41xf32>
      %broadcast_in_dim3A_158 = arith.constant 0.000000e+00 : f32
      %broadcast_in_dim3A_159 = vector.broadcast %broadcast_in_dim3A_158 : f32 to vector<4x23xf32>
      %concatenate3A_160 = tpu.concatenate %broadcast_in_dim3A_159, %slice3A_157 in 1 : vector<4x23xf32>, vector<4x41xf32> -> vector<4x64xf32>
      %broadcast_in_dim3A_161 = vector.shape_cast %concatenate3A_160 : vector<4x64xf32> to vector<4x1x64xf32>
      %slice3A_162 = vector.extract_strided_slice %add3A_48 {offsets = [0, 1196], sizes = [4, 40], strides = [1, 1]} : vector<4x2016xf32> to vector<4x40xf32>
      %broadcast_in_dim3A_163 = arith.constant 0.000000e+00 : f32
      %broadcast_in_dim3A_164 = vector.broadcast %broadcast_in_dim3A_163 : f32 to vector<4x24xf32>
      %concatenate3A_165 = tpu.concatenate %broadcast_in_dim3A_164, %slice3A_162 in 1 : vector<4x24xf32>, vector<4x40xf32> -> vector<4x64xf32>
      %broadcast_in_dim3A_166 = vector.shape_cast %concatenate3A_165 : vector<4x64xf32> to vector<4x1x64xf32>
      %slice3A_167 = vector.extract_strided_slice %add3A_48 {offsets = [0, 1236], sizes = [4, 39], strides = [1, 1]} : vector<4x2016xf32> to vector<4x39xf32>
      %broadcast_in_dim3A_168 = arith.constant 0.000000e+00 : f32
      %broadcast_in_dim3A_169 = vector.broadcast %broadcast_in_dim3A_168 : f32 to vector<4x25xf32>
      %concatenate3A_170 = tpu.concatenate %broadcast_in_dim3A_169, %slice3A_167 in 1 : vector<4x25xf32>, vector<4x39xf32> -> vector<4x64xf32>
      %broadcast_in_dim3A_171 = vector.shape_cast %concatenate3A_170 : vector<4x64xf32> to vector<4x1x64xf32>
      %slice3A_172 = vector.extract_strided_slice %add3A_48 {offsets = [0, 1275], sizes = [4, 38], strides = [1, 1]} : vector<4x2016xf32> to vector<4x38xf32>
      %broadcast_in_dim3A_173 = arith.constant 0.000000e+00 : f32
      %broadcast_in_dim3A_174 = vector.broadcast %broadcast_in_dim3A_173 : f32 to vector<4x26xf32>
      %concatenate3A_175 = tpu.concatenate %broadcast_in_dim3A_174, %slice3A_172 in 1 : vector<4x26xf32>, vector<4x38xf32> -> vector<4x64xf32>
      %broadcast_in_dim3A_176 = vector.shape_cast %concatenate3A_175 : vector<4x64xf32> to vector<4x1x64xf32>
      %slice3A_177 = vector.extract_strided_slice %add3A_48 {offsets = [0, 1313], sizes = [4, 37], strides = [1, 1]} : vector<4x2016xf32> to vector<4x37xf32>
      %broadcast_in_dim3A_178 = arith.constant 0.000000e+00 : f32
      %broadcast_in_dim3A_179 = vector.broadcast %broadcast_in_dim3A_178 : f32 to vector<4x27xf32>
      %concatenate3A_180 = tpu.concatenate %broadcast_in_dim3A_179, %slice3A_177 in 1 : vector<4x27xf32>, vector<4x37xf32> -> vector<4x64xf32>
      %broadcast_in_dim3A_181 = vector.shape_cast %concatenate3A_180 : vector<4x64xf32> to vector<4x1x64xf32>
      %slice3A_182 = vector.extract_strided_slice %add3A_48 {offsets = [0, 1350], sizes = [4, 36], strides = [1, 1]} : vector<4x2016xf32> to vector<4x36xf32>
      %broadcast_in_dim3A_183 = arith.constant 0.000000e+00 : f32
      %broadcast_in_dim3A_184 = vector.broadcast %broadcast_in_dim3A_183 : f32 to vector<4x28xf32>
      %concatenate3A_185 = tpu.concatenate %broadcast_in_dim3A_184, %slice3A_182 in 1 : vector<4x28xf32>, vector<4x36xf32> -> vector<4x64xf32>
      %broadcast_in_dim3A_186 = vector.shape_cast %concatenate3A_185 : vector<4x64xf32> to vector<4x1x64xf32>
      %slice3A_187 = vector.extract_strided_slice %add3A_48 {offsets = [0, 1386], sizes = [4, 35], strides = [1, 1]} : vector<4x2016xf32> to vector<4x35xf32>
      %broadcast_in_dim3A_188 = arith.constant 0.000000e+00 : f32
      %broadcast_in_dim3A_189 = vector.broadcast %broadcast_in_dim3A_188 : f32 to vector<4x29xf32>
      %concatenate3A_190 = tpu.concatenate %broadcast_in_dim3A_189, %slice3A_187 in 1 : vector<4x29xf32>, vector<4x35xf32> -> vector<4x64xf32>
      %broadcast_in_dim3A_191 = vector.shape_cast %concatenate3A_190 : vector<4x64xf32> to vector<4x1x64xf32>
      %slice3A_192 = vector.extract_strided_slice %add3A_48 {offsets = [0, 1421], sizes = [4, 34], strides = [1, 1]} : vector<4x2016xf32> to vector<4x34xf32>
      %broadcast_in_dim3A_193 = arith.constant 0.000000e+00 : f32
      %broadcast_in_dim3A_194 = vector.broadcast %broadcast_in_dim3A_193 : f32 to vector<4x30xf32>
      %concatenate3A_195 = tpu.concatenate %broadcast_in_dim3A_194, %slice3A_192 in 1 : vector<4x30xf32>, vector<4x34xf32> -> vector<4x64xf32>
      %broadcast_in_dim3A_196 = vector.shape_cast %concatenate3A_195 : vector<4x64xf32> to vector<4x1x64xf32>
      %slice3A_197 = vector.extract_strided_slice %add3A_48 {offsets = [0, 1455], sizes = [4, 33], strides = [1, 1]} : vector<4x2016xf32> to vector<4x33xf32>
      %broadcast_in_dim3A_198 = arith.constant 0.000000e+00 : f32
      %broadcast_in_dim3A_199 = vector.broadcast %broadcast_in_dim3A_198 : f32 to vector<4x31xf32>
      %concatenate3A_200 = tpu.concatenate %broadcast_in_dim3A_199, %slice3A_197 in 1 : vector<4x31xf32>, vector<4x33xf32> -> vector<4x64xf32>
      %broadcast_in_dim3A_201 = vector.shape_cast %concatenate3A_200 : vector<4x64xf32> to vector<4x1x64xf32>
      %slice3A_202 = vector.extract_strided_slice %add3A_48 {offsets = [0, 1488], sizes = [4, 32], strides = [1, 1]} : vector<4x2016xf32> to vector<4x32xf32>
      %broadcast_in_dim3A_203 = arith.constant 0.000000e+00 : f32
      %broadcast_in_dim3A_204 = vector.broadcast %broadcast_in_dim3A_203 : f32 to vector<4x32xf32>
      %concatenate3A_205 = tpu.concatenate %broadcast_in_dim3A_204, %slice3A_202 in 1 : vector<4x32xf32>, vector<4x32xf32> -> vector<4x64xf32>
      %broadcast_in_dim3A_206 = vector.shape_cast %concatenate3A_205 : vector<4x64xf32> to vector<4x1x64xf32>
      %slice3A_207 = vector.extract_strided_slice %add3A_48 {offsets = [0, 1520], sizes = [4, 31], strides = [1, 1]} : vector<4x2016xf32> to vector<4x31xf32>
      %broadcast_in_dim3A_208 = arith.constant 0.000000e+00 : f32
      %broadcast_in_dim3A_209 = vector.broadcast %broadcast_in_dim3A_208 : f32 to vector<4x33xf32>
      %concatenate3A_210 = tpu.concatenate %broadcast_in_dim3A_209, %slice3A_207 in 1 : vector<4x33xf32>, vector<4x31xf32> -> vector<4x64xf32>
      %broadcast_in_dim3A_211 = vector.shape_cast %concatenate3A_210 : vector<4x64xf32> to vector<4x1x64xf32>
      %slice3A_212 = vector.extract_strided_slice %add3A_48 {offsets = [0, 1551], sizes = [4, 30], strides = [1, 1]} : vector<4x2016xf32> to vector<4x30xf32>
      %broadcast_in_dim3A_213 = arith.constant 0.000000e+00 : f32
      %broadcast_in_dim3A_214 = vector.broadcast %broadcast_in_dim3A_213 : f32 to vector<4x34xf32>
      %concatenate3A_215 = tpu.concatenate %broadcast_in_dim3A_214, %slice3A_212 in 1 : vector<4x34xf32>, vector<4x30xf32> -> vector<4x64xf32>
      %broadcast_in_dim3A_216 = vector.shape_cast %concatenate3A_215 : vector<4x64xf32> to vector<4x1x64xf32>
      %slice3A_217 = vector.extract_strided_slice %add3A_48 {offsets = [0, 1581], sizes = [4, 29], strides = [1, 1]} : vector<4x2016xf32> to vector<4x29xf32>
      %broadcast_in_dim3A_218 = arith.constant 0.000000e+00 : f32
      %broadcast_in_dim3A_219 = vector.broadcast %broadcast_in_dim3A_218 : f32 to vector<4x35xf32>
      %concatenate3A_220 = tpu.concatenate %broadcast_in_dim3A_219, %slice3A_217 in 1 : vector<4x35xf32>, vector<4x29xf32> -> vector<4x64xf32>
      %broadcast_in_dim3A_221 = vector.shape_cast %concatenate3A_220 : vector<4x64xf32> to vector<4x1x64xf32>
      %slice3A_222 = vector.extract_strided_slice %add3A_48 {offsets = [0, 1610], sizes = [4, 28], strides = [1, 1]} : vector<4x2016xf32> to vector<4x28xf32>
      %broadcast_in_dim3A_223 = arith.constant 0.000000e+00 : f32
      %broadcast_in_dim3A_224 = vector.broadcast %broadcast_in_dim3A_223 : f32 to vector<4x36xf32>
      %concatenate3A_225 = tpu.concatenate %broadcast_in_dim3A_224, %slice3A_222 in 1 : vector<4x36xf32>, vector<4x28xf32> -> vector<4x64xf32>
      %broadcast_in_dim3A_226 = vector.shape_cast %concatenate3A_225 : vector<4x64xf32> to vector<4x1x64xf32>
      %slice3A_227 = vector.extract_strided_slice %add3A_48 {offsets = [0, 1638], sizes = [4, 27], strides = [1, 1]} : vector<4x2016xf32> to vector<4x27xf32>
      %broadcast_in_dim3A_228 = arith.constant 0.000000e+00 : f32
      %broadcast_in_dim3A_229 = vector.broadcast %broadcast_in_dim3A_228 : f32 to vector<4x37xf32>
      %concatenate3A_230 = tpu.concatenate %broadcast_in_dim3A_229, %slice3A_227 in 1 : vector<4x37xf32>, vector<4x27xf32> -> vector<4x64xf32>
      %broadcast_in_dim3A_231 = vector.shape_cast %concatenate3A_230 : vector<4x64xf32> to vector<4x1x64xf32>
      %slice3A_232 = vector.extract_strided_slice %add3A_48 {offsets = [0, 1665], sizes = [4, 26], strides = [1, 1]} : vector<4x2016xf32> to vector<4x26xf32>
      %broadcast_in_dim3A_233 = arith.constant 0.000000e+00 : f32
      %broadcast_in_dim3A_234 = vector.broadcast %broadcast_in_dim3A_233 : f32 to vector<4x38xf32>
      %concatenate3A_235 = tpu.concatenate %broadcast_in_dim3A_234, %slice3A_232 in 1 : vector<4x38xf32>, vector<4x26xf32> -> vector<4x64xf32>
      %broadcast_in_dim3A_236 = vector.shape_cast %concatenate3A_235 : vector<4x64xf32> to vector<4x1x64xf32>
      %slice3A_237 = vector.extract_strided_slice %add3A_48 {offsets = [0, 1691], sizes = [4, 25], strides = [1, 1]} : vector<4x2016xf32> to vector<4x25xf32>
      %broadcast_in_dim3A_238 = arith.constant 0.000000e+00 : f32
      %broadcast_in_dim3A_239 = vector.broadcast %broadcast_in_dim3A_238 : f32 to vector<4x39xf32>
      %concatenate3A_240 = tpu.concatenate %broadcast_in_dim3A_239, %slice3A_237 in 1 : vector<4x39xf32>, vector<4x25xf32> -> vector<4x64xf32>
      %broadcast_in_dim3A_241 = vector.shape_cast %concatenate3A_240 : vector<4x64xf32> to vector<4x1x64xf32>
      %slice3A_242 = vector.extract_strided_slice %add3A_48 {offsets = [0, 1716], sizes = [4, 24], strides = [1, 1]} : vector<4x2016xf32> to vector<4x24xf32>
      %broadcast_in_dim3A_243 = arith.constant 0.000000e+00 : f32
      %broadcast_in_dim3A_244 = vector.broadcast %broadcast_in_dim3A_243 : f32 to vector<4x40xf32>
      %concatenate3A_245 = tpu.concatenate %broadcast_in_dim3A_244, %slice3A_242 in 1 : vector<4x40xf32>, vector<4x24xf32> -> vector<4x64xf32>
      %broadcast_in_dim3A_246 = vector.shape_cast %concatenate3A_245 : vector<4x64xf32> to vector<4x1x64xf32>
      %slice3A_247 = vector.extract_strided_slice %add3A_48 {offsets = [0, 1740], sizes = [4, 23], strides = [1, 1]} : vector<4x2016xf32> to vector<4x23xf32>
      %broadcast_in_dim3A_248 = arith.constant 0.000000e+00 : f32
      %broadcast_in_dim3A_249 = vector.broadcast %broadcast_in_dim3A_248 : f32 to vector<4x41xf32>
      %concatenate3A_250 = tpu.concatenate %broadcast_in_dim3A_249, %slice3A_247 in 1 : vector<4x41xf32>, vector<4x23xf32> -> vector<4x64xf32>
      %broadcast_in_dim3A_251 = vector.shape_cast %concatenate3A_250 : vector<4x64xf32> to vector<4x1x64xf32>
      %slice3A_252 = vector.extract_strided_slice %add3A_48 {offsets = [0, 1763], sizes = [4, 22], strides = [1, 1]} : vector<4x2016xf32> to vector<4x22xf32>
      %broadcast_in_dim3A_253 = arith.constant 0.000000e+00 : f32
      %broadcast_in_dim3A_254 = vector.broadcast %broadcast_in_dim3A_253 : f32 to vector<4x42xf32>
      %concatenate3A_255 = tpu.concatenate %broadcast_in_dim3A_254, %slice3A_252 in 1 : vector<4x42xf32>, vector<4x22xf32> -> vector<4x64xf32>
      %broadcast_in_dim3A_256 = vector.shape_cast %concatenate3A_255 : vector<4x64xf32> to vector<4x1x64xf32>
      %slice3A_257 = vector.extract_strided_slice %add3A_48 {offsets = [0, 1785], sizes = [4, 21], strides = [1, 1]} : vector<4x2016xf32> to vector<4x21xf32>
      %broadcast_in_dim3A_258 = arith.constant 0.000000e+00 : f32
      %broadcast_in_dim3A_259 = vector.broadcast %broadcast_in_dim3A_258 : f32 to vector<4x43xf32>
      %concatenate3A_260 = tpu.concatenate %broadcast_in_dim3A_259, %slice3A_257 in 1 : vector<4x43xf32>, vector<4x21xf32> -> vector<4x64xf32>
      %broadcast_in_dim3A_261 = vector.shape_cast %concatenate3A_260 : vector<4x64xf32> to vector<4x1x64xf32>
      %slice3A_262 = vector.extract_strided_slice %add3A_48 {offsets = [0, 1806], sizes = [4, 20], strides = [1, 1]} : vector<4x2016xf32> to vector<4x20xf32>
      %broadcast_in_dim3A_263 = arith.constant 0.000000e+00 : f32
      %broadcast_in_dim3A_264 = vector.broadcast %broadcast_in_dim3A_263 : f32 to vector<4x44xf32>
      %concatenate3A_265 = tpu.concatenate %broadcast_in_dim3A_264, %slice3A_262 in 1 : vector<4x44xf32>, vector<4x20xf32> -> vector<4x64xf32>
      %broadcast_in_dim3A_266 = vector.shape_cast %concatenate3A_265 : vector<4x64xf32> to vector<4x1x64xf32>
      %slice3A_267 = vector.extract_strided_slice %add3A_48 {offsets = [0, 1826], sizes = [4, 19], strides = [1, 1]} : vector<4x2016xf32> to vector<4x19xf32>
      %broadcast_in_dim3A_268 = arith.constant 0.000000e+00 : f32
      %broadcast_in_dim3A_269 = vector.broadcast %broadcast_in_dim3A_268 : f32 to vector<4x45xf32>
      %concatenate3A_270 = tpu.concatenate %broadcast_in_dim3A_269, %slice3A_267 in 1 : vector<4x45xf32>, vector<4x19xf32> -> vector<4x64xf32>
      %broadcast_in_dim3A_271 = vector.shape_cast %concatenate3A_270 : vector<4x64xf32> to vector<4x1x64xf32>
      %slice3A_272 = vector.extract_strided_slice %add3A_48 {offsets = [0, 1845], sizes = [4, 18], strides = [1, 1]} : vector<4x2016xf32> to vector<4x18xf32>
      %broadcast_in_dim3A_273 = arith.constant 0.000000e+00 : f32
      %broadcast_in_dim3A_274 = vector.broadcast %broadcast_in_dim3A_273 : f32 to vector<4x46xf32>
      %concatenate3A_275 = tpu.concatenate %broadcast_in_dim3A_274, %slice3A_272 in 1 : vector<4x46xf32>, vector<4x18xf32> -> vector<4x64xf32>
      %broadcast_in_dim3A_276 = vector.shape_cast %concatenate3A_275 : vector<4x64xf32> to vector<4x1x64xf32>
      %slice3A_277 = vector.extract_strided_slice %add3A_48 {offsets = [0, 1863], sizes = [4, 17], strides = [1, 1]} : vector<4x2016xf32> to vector<4x17xf32>
      %broadcast_in_dim3A_278 = arith.constant 0.000000e+00 : f32
      %broadcast_in_dim3A_279 = vector.broadcast %broadcast_in_dim3A_278 : f32 to vector<4x47xf32>
      %concatenate3A_280 = tpu.concatenate %broadcast_in_dim3A_279, %slice3A_277 in 1 : vector<4x47xf32>, vector<4x17xf32> -> vector<4x64xf32>
      %broadcast_in_dim3A_281 = vector.shape_cast %concatenate3A_280 : vector<4x64xf32> to vector<4x1x64xf32>
      %slice3A_282 = vector.extract_strided_slice %add3A_48 {offsets = [0, 1880], sizes = [4, 16], strides = [1, 1]} : vector<4x2016xf32> to vector<4x16xf32>
      %broadcast_in_dim3A_283 = arith.constant 0.000000e+00 : f32
      %broadcast_in_dim3A_284 = vector.broadcast %broadcast_in_dim3A_283 : f32 to vector<4x48xf32>
      %concatenate3A_285 = tpu.concatenate %broadcast_in_dim3A_284, %slice3A_282 in 1 : vector<4x48xf32>, vector<4x16xf32> -> vector<4x64xf32>
      %broadcast_in_dim3A_286 = vector.shape_cast %concatenate3A_285 : vector<4x64xf32> to vector<4x1x64xf32>
      %slice3A_287 = vector.extract_strided_slice %add3A_48 {offsets = [0, 1896], sizes = [4, 15], strides = [1, 1]} : vector<4x2016xf32> to vector<4x15xf32>
      %broadcast_in_dim3A_288 = arith.constant 0.000000e+00 : f32
      %broadcast_in_dim3A_289 = vector.broadcast %broadcast_in_dim3A_288 : f32 to vector<4x49xf32>
      %concatenate3A_290 = tpu.concatenate %broadcast_in_dim3A_289, %slice3A_287 in 1 : vector<4x49xf32>, vector<4x15xf32> -> vector<4x64xf32>
      %broadcast_in_dim3A_291 = vector.shape_cast %concatenate3A_290 : vector<4x64xf32> to vector<4x1x64xf32>
      %slice3A_292 = vector.extract_strided_slice %add3A_48 {offsets = [0, 1911], sizes = [4, 14], strides = [1, 1]} : vector<4x2016xf32> to vector<4x14xf32>
      %broadcast_in_dim3A_293 = arith.constant 0.000000e+00 : f32
      %broadcast_in_dim3A_294 = vector.broadcast %broadcast_in_dim3A_293 : f32 to vector<4x50xf32>
      %concatenate3A_295 = tpu.concatenate %broadcast_in_dim3A_294, %slice3A_292 in 1 : vector<4x50xf32>, vector<4x14xf32> -> vector<4x64xf32>
      %broadcast_in_dim3A_296 = vector.shape_cast %concatenate3A_295 : vector<4x64xf32> to vector<4x1x64xf32>
      %slice3A_297 = vector.extract_strided_slice %add3A_48 {offsets = [0, 1925], sizes = [4, 13], strides = [1, 1]} : vector<4x2016xf32> to vector<4x13xf32>
      %broadcast_in_dim3A_298 = arith.constant 0.000000e+00 : f32
      %broadcast_in_dim3A_299 = vector.broadcast %broadcast_in_dim3A_298 : f32 to vector<4x51xf32>
      %concatenate3A_300 = tpu.concatenate %broadcast_in_dim3A_299, %slice3A_297 in 1 : vector<4x51xf32>, vector<4x13xf32> -> vector<4x64xf32>
      %broadcast_in_dim3A_301 = vector.shape_cast %concatenate3A_300 : vector<4x64xf32> to vector<4x1x64xf32>
      %slice3A_302 = vector.extract_strided_slice %add3A_48 {offsets = [0, 1938], sizes = [4, 12], strides = [1, 1]} : vector<4x2016xf32> to vector<4x12xf32>
      %broadcast_in_dim3A_303 = arith.constant 0.000000e+00 : f32
      %broadcast_in_dim3A_304 = vector.broadcast %broadcast_in_dim3A_303 : f32 to vector<4x52xf32>
      %concatenate3A_305 = tpu.concatenate %broadcast_in_dim3A_304, %slice3A_302 in 1 : vector<4x52xf32>, vector<4x12xf32> -> vector<4x64xf32>
      %broadcast_in_dim3A_306 = vector.shape_cast %concatenate3A_305 : vector<4x64xf32> to vector<4x1x64xf32>
      %slice3A_307 = vector.extract_strided_slice %add3A_48 {offsets = [0, 1950], sizes = [4, 11], strides = [1, 1]} : vector<4x2016xf32> to vector<4x11xf32>
      %broadcast_in_dim3A_308 = arith.constant 0.000000e+00 : f32
      %broadcast_in_dim3A_309 = vector.broadcast %broadcast_in_dim3A_308 : f32 to vector<4x53xf32>
      %concatenate3A_310 = tpu.concatenate %broadcast_in_dim3A_309, %slice3A_307 in 1 : vector<4x53xf32>, vector<4x11xf32> -> vector<4x64xf32>
      %broadcast_in_dim3A_311 = vector.shape_cast %concatenate3A_310 : vector<4x64xf32> to vector<4x1x64xf32>
      %slice3A_312 = vector.extract_strided_slice %add3A_48 {offsets = [0, 1961], sizes = [4, 10], strides = [1, 1]} : vector<4x2016xf32> to vector<4x10xf32>
      %broadcast_in_dim3A_313 = arith.constant 0.000000e+00 : f32
      %broadcast_in_dim3A_314 = vector.broadcast %broadcast_in_dim3A_313 : f32 to vector<4x54xf32>
      %concatenate3A_315 = tpu.concatenate %broadcast_in_dim3A_314, %slice3A_312 in 1 : vector<4x54xf32>, vector<4x10xf32> -> vector<4x64xf32>
      %broadcast_in_dim3A_316 = vector.shape_cast %concatenate3A_315 : vector<4x64xf32> to vector<4x1x64xf32>
      %slice3A_317 = vector.extract_strided_slice %add3A_48 {offsets = [0, 1971], sizes = [4, 9], strides = [1, 1]} : vector<4x2016xf32> to vector<4x9xf32>
      %broadcast_in_dim3A_318 = arith.constant 0.000000e+00 : f32
      %broadcast_in_dim3A_319 = vector.broadcast %broadcast_in_dim3A_318 : f32 to vector<4x55xf32>
      %concatenate3A_320 = tpu.concatenate %broadcast_in_dim3A_319, %slice3A_317 in 1 : vector<4x55xf32>, vector<4x9xf32> -> vector<4x64xf32>
      %broadcast_in_dim3A_321 = vector.shape_cast %concatenate3A_320 : vector<4x64xf32> to vector<4x1x64xf32>
      %slice3A_322 = vector.extract_strided_slice %add3A_48 {offsets = [0, 1980], sizes = [4, 8], strides = [1, 1]} : vector<4x2016xf32> to vector<4x8xf32>
      %broadcast_in_dim3A_323 = arith.constant 0.000000e+00 : f32
      %broadcast_in_dim3A_324 = vector.broadcast %broadcast_in_dim3A_323 : f32 to vector<4x56xf32>
      %concatenate3A_325 = tpu.concatenate %broadcast_in_dim3A_324, %slice3A_322 in 1 : vector<4x56xf32>, vector<4x8xf32> -> vector<4x64xf32>
      %broadcast_in_dim3A_326 = vector.shape_cast %concatenate3A_325 : vector<4x64xf32> to vector<4x1x64xf32>
      %slice3A_327 = vector.extract_strided_slice %add3A_48 {offsets = [0, 1988], sizes = [4, 7], strides = [1, 1]} : vector<4x2016xf32> to vector<4x7xf32>
      %broadcast_in_dim3A_328 = arith.constant 0.000000e+00 : f32
      %broadcast_in_dim3A_329 = vector.broadcast %broadcast_in_dim3A_328 : f32 to vector<4x57xf32>
      %concatenate3A_330 = tpu.concatenate %broadcast_in_dim3A_329, %slice3A_327 in 1 : vector<4x57xf32>, vector<4x7xf32> -> vector<4x64xf32>
      %broadcast_in_dim3A_331 = vector.shape_cast %concatenate3A_330 : vector<4x64xf32> to vector<4x1x64xf32>
      %slice3A_332 = vector.extract_strided_slice %add3A_48 {offsets = [0, 1995], sizes = [4, 6], strides = [1, 1]} : vector<4x2016xf32> to vector<4x6xf32>
      %broadcast_in_dim3A_333 = arith.constant 0.000000e+00 : f32
      %broadcast_in_dim3A_334 = vector.broadcast %broadcast_in_dim3A_333 : f32 to vector<4x58xf32>
      %concatenate3A_335 = tpu.concatenate %broadcast_in_dim3A_334, %slice3A_332 in 1 : vector<4x58xf32>, vector<4x6xf32> -> vector<4x64xf32>
      %broadcast_in_dim3A_336 = vector.shape_cast %concatenate3A_335 : vector<4x64xf32> to vector<4x1x64xf32>
      %slice3A_337 = vector.extract_strided_slice %add3A_48 {offsets = [0, 2001], sizes = [4, 5], strides = [1, 1]} : vector<4x2016xf32> to vector<4x5xf32>
      %broadcast_in_dim3A_338 = arith.constant 0.000000e+00 : f32
      %broadcast_in_dim3A_339 = vector.broadcast %broadcast_in_dim3A_338 : f32 to vector<4x59xf32>
      %concatenate3A_340 = tpu.concatenate %broadcast_in_dim3A_339, %slice3A_337 in 1 : vector<4x59xf32>, vector<4x5xf32> -> vector<4x64xf32>
      %broadcast_in_dim3A_341 = vector.shape_cast %concatenate3A_340 : vector<4x64xf32> to vector<4x1x64xf32>
      %slice3A_342 = vector.extract_strided_slice %add3A_48 {offsets = [0, 2006], sizes = [4, 4], strides = [1, 1]} : vector<4x2016xf32> to vector<4x4xf32>
      %broadcast_in_dim3A_343 = arith.constant 0.000000e+00 : f32
      %broadcast_in_dim3A_344 = vector.broadcast %broadcast_in_dim3A_343 : f32 to vector<4x60xf32>
      %concatenate3A_345 = tpu.concatenate %broadcast_in_dim3A_344, %slice3A_342 in 1 : vector<4x60xf32>, vector<4x4xf32> -> vector<4x64xf32>
      %broadcast_in_dim3A_346 = vector.shape_cast %concatenate3A_345 : vector<4x64xf32> to vector<4x1x64xf32>
      %slice3A_347 = vector.extract_strided_slice %add3A_48 {offsets = [0, 2010], sizes = [4, 3], strides = [1, 1]} : vector<4x2016xf32> to vector<4x3xf32>
      %broadcast_in_dim3A_348 = arith.constant 0.000000e+00 : f32
      %broadcast_in_dim3A_349 = vector.broadcast %broadcast_in_dim3A_348 : f32 to vector<4x61xf32>
      %concatenate3A_350 = tpu.concatenate %broadcast_in_dim3A_349, %slice3A_347 in 1 : vector<4x61xf32>, vector<4x3xf32> -> vector<4x64xf32>
      %broadcast_in_dim3A_351 = vector.shape_cast %concatenate3A_350 : vector<4x64xf32> to vector<4x1x64xf32>
      %slice3A_352 = vector.extract_strided_slice %add3A_48 {offsets = [0, 2013], sizes = [4, 2], strides = [1, 1]} : vector<4x2016xf32> to vector<4x2xf32>
      %broadcast_in_dim3A_353 = arith.constant 0.000000e+00 : f32
      %broadcast_in_dim3A_354 = vector.broadcast %broadcast_in_dim3A_353 : f32 to vector<4x62xf32>
      %concatenate3A_355 = tpu.concatenate %broadcast_in_dim3A_354, %slice3A_352 in 1 : vector<4x62xf32>, vector<4x2xf32> -> vector<4x64xf32>
      %broadcast_in_dim3A_356 = vector.shape_cast %concatenate3A_355 : vector<4x64xf32> to vector<4x1x64xf32>
      %slice3A_357 = vector.extract_strided_slice %add3A_48 {offsets = [0, 2015], sizes = [4, 1], strides = [1, 1]} : vector<4x2016xf32> to vector<4x1xf32>
      %broadcast_in_dim3A_358 = arith.constant 0.000000e+00 : f32
      %broadcast_in_dim3A_359 = vector.broadcast %broadcast_in_dim3A_358 : f32 to vector<4x63xf32>
      %concatenate3A_360 = tpu.concatenate %broadcast_in_dim3A_359, %slice3A_357 in 1 : vector<4x63xf32>, vector<4x1xf32> -> vector<4x64xf32>
      %broadcast_in_dim3A_361 = vector.shape_cast %concatenate3A_360 : vector<4x64xf32> to vector<4x1x64xf32>
      %broadcast_in_dim3A_362 = arith.constant 0.000000e+00 : f32
      %broadcast_in_dim3A_363 = vector.broadcast %broadcast_in_dim3A_362 : f32 to vector<4x64xf32>
      %broadcast_in_dim3A_364 = vector.shape_cast %broadcast_in_dim3A_363 : vector<4x64xf32> to vector<4x1x64xf32>
      %concatenate3A_365 = tpu.concatenate %broadcast_in_dim3A_51, %broadcast_in_dim3A_56, %broadcast_in_dim3A_61, %broadcast_in_dim3A_66, %broadcast_in_dim3A_71, %broadcast_in_dim3A_76, %broadcast_in_dim3A_81, %broadcast_in_dim3A_86, %broadcast_in_dim3A_91, %broadcast_in_dim3A_96, %broadcast_in_dim3A_101, %broadcast_in_dim3A_106, %broadcast_in_dim3A_111, %broadcast_in_dim3A_116, %broadcast_in_dim3A_121, %broadcast_in_dim3A_126, %broadcast_in_dim3A_131, %broadcast_in_dim3A_136, %broadcast_in_dim3A_141, %broadcast_in_dim3A_146, %broadcast_in_dim3A_151, %broadcast_in_dim3A_156, %broadcast_in_dim3A_161, %broadcast_in_dim3A_166, %broadcast_in_dim3A_171, %broadcast_in_dim3A_176, %broadcast_in_dim3A_181, %broadcast_in_dim3A_186, %broadcast_in_dim3A_191, %broadcast_in_dim3A_196, %broadcast_in_dim3A_201, %broadcast_in_dim3A_206, %broadcast_in_dim3A_211, %broadcast_in_dim3A_216, %broadcast_in_dim3A_221, %broadcast_in_dim3A_226, %broadcast_in_dim3A_231, %broadcast_in_dim3A_236, %broadcast_in_dim3A_241, %broadcast_in_dim3A_246, %broadcast_in_dim3A_251, %broadcast_in_dim3A_256, %broadcast_in_dim3A_261, %broadcast_in_dim3A_266, %broadcast_in_dim3A_271, %broadcast_in_dim3A_276, %broadcast_in_dim3A_281, %broadcast_in_dim3A_286, %broadcast_in_dim3A_291, %broadcast_in_dim3A_296, %broadcast_in_dim3A_301, %broadcast_in_dim3A_306, %broadcast_in_dim3A_311, %broadcast_in_dim3A_316, %broadcast_in_dim3A_321, %broadcast_in_dim3A_326, %broadcast_in_dim3A_331, %broadcast_in_dim3A_336, %broadcast_in_dim3A_341, %broadcast_in_dim3A_346, %broadcast_in_dim3A_351, %broadcast_in_dim3A_356, %broadcast_in_dim3A_361, %broadcast_in_dim3A_364 in 1 : vector<4x1x64xf32>, vector<4x1x64xf32>, vector<4x1x64xf32>, vector<4x1x64xf32>, vector<4x1x64xf32>, vector<4x1x64xf32>, vector<4x1x64xf32>, vector<4x1x64xf32>, vector<4x1x64xf32>, vector<4x1x64xf32>, vector<4x1x64xf32>, vector<4x1x64xf32>, vector<4x1x64xf32>, vector<4x1x64xf32>, vector<4x1x64xf32>, vector<4x1x64xf32>, vector<4x1x64xf32>, vector<4x1x64xf32>, vector<4x1x64xf32>, vector<4x1x64xf32>, vector<4x1x64xf32>, vector<4x1x64xf32>, vector<4x1x64xf32>, vector<4x1x64xf32>, vector<4x1x64xf32>, vector<4x1x64xf32>, vector<4x1x64xf32>, vector<4x1x64xf32>, vector<4x1x64xf32>, vector<4x1x64xf32>, vector<4x1x64xf32>, vector<4x1x64xf32>, vector<4x1x64xf32>, vector<4x1x64xf32>, vector<4x1x64xf32>, vector<4x1x64xf32>, vector<4x1x64xf32>, vector<4x1x64xf32>, vector<4x1x64xf32>, vector<4x1x64xf32>, vector<4x1x64xf32>, vector<4x1x64xf32>, vector<4x1x64xf32>, vector<4x1x64xf32>, vector<4x1x64xf32>, vector<4x1x64xf32>, vector<4x1x64xf32>, vector<4x1x64xf32>, vector<4x1x64xf32>, vector<4x1x64xf32>, vector<4x1x64xf32>, vector<4x1x64xf32>, vector<4x1x64xf32>, vector<4x1x64xf32>, vector<4x1x64xf32>, vector<4x1x64xf32>, vector<4x1x64xf32>, vector<4x1x64xf32>, vector<4x1x64xf32>, vector<4x1x64xf32>, vector<4x1x64xf32>, vector<4x1x64xf32>, vector<4x1x64xf32>, vector<4x1x64xf32> -> vector<4x64x64xf32>
      %iota3A = tpu.iota {dimensions = array<i32: 0>} : vector<64x64xi32>
      %iota3A_366 = tpu.iota {dimensions = array<i32: 1>} : vector<64x64xi32>
      %eq3A_367 = arith.cmpi eq, %iota3A, %iota3A_366 : vector<64x64xi32>
      %convert_element_type3A_368 = arith.extui %eq3A_367 : vector<64x64xi1> to vector<64x64xi32>
      %convert_element_type3A_369 = arith.sitofp %convert_element_type3A_368 : vector<64x64xi32> to vector<64x64xf32>
      %broadcast_in_dim3A_370 = vector.shape_cast %convert_element_type3A_369 : vector<64x64xf32> to vector<1x64x64xf32>
      %broadcast_in_dim3A_371 = vector.shape_cast %broadcast_in_dim3A_370 : vector<1x64x64xf32> to vector<1x64x64xf32>
      %broadcast_in_dim3A_372 = vector.broadcast %broadcast_in_dim3A_371 : vector<1x64x64xf32> to vector<4x64x64xf32>
      %dot_general3A_373 = arith.constant dense<0.000000e+00> : vector<4x64x64xf32>
      %dot_general3A_374 = tpu.matmul %concatenate3A_365, %broadcast_in_dim3A_372, %dot_general3A_373 {dimension_numbers = #tpu.dot_dimension_numbers<[1], [1], [2], [2], [0, 0, 0, 2, 1, 2], [0], [0]>, transpose_lhs_hint = false} : vector<4x64x64xf32>, vector<4x64x64xf32>, vector<4x64x64xf32> -> vector<4x64x64xf32>
      %sub3A_375 = arith.subf %concatenate3A_365, %dot_general3A_374 : vector<4x64x64xf32>
      %broadcast_in_dim3A_376 = vector.shape_cast %convert_element_type3A_369 : vector<64x64xf32> to vector<1x64x64xf32>
      %mul3A_377 = arith.constant 5.000000e-01 : f32
      %mul3A_378 = vector.broadcast %mul3A_377 : f32 to vector<4x64x64xf32>
      %mul3A_379 = arith.mulf %mul3A_378, %sub3A_375 : vector<4x64x64xf32>
      %sub3A_380 = vector.broadcast %broadcast_in_dim3A_376 : vector<1x64x64xf32> to vector<4x64x64xf32>
      %sub3A_381 = arith.subf %sub3A_380, %mul3A_379 : vector<4x64x64xf32>
      %broadcast_in_dim3A_382 = vector.shape_cast %convert_element_type3A_369 : vector<64x64xf32> to vector<1x64x64xf32>
      %mul3A_383 = arith.constant 5.000000e-01 : f32
      %mul3A_384 = vector.broadcast %mul3A_383 : f32 to vector<4x64x64xf32>
      %mul3A_385 = arith.mulf %mul3A_384, %sub3A_375 : vector<4x64x64xf32>
      %add3A_386 = vector.broadcast %broadcast_in_dim3A_382 : vector<1x64x64xf32> to vector<4x64x64xf32>
      %add3A_387 = arith.addf %add3A_386, %mul3A_385 : vector<4x64x64xf32>
      %concatenate3A_388 = tpu.concatenate %sub3A_381, %add3A_387 in 2 : vector<4x64x64xf32>, vector<4x64x64xf32> -> vector<4x64x128xf32>
      %iota3A_389 = tpu.iota {dimensions = array<i32: 2>} : vector<1x1x128xi32>
      %iota3A_390 = tpu.iota {dimensions = array<i32: 1>} : vector<1x64x1xi32>
      %scan3A = arith.constant 0 : i32
      %scan3A_391 = arith.constant 64 : i32
      %scan3A_392 = arith.addi %scan3A, %scan3A_391 : i32
      %scan3A_393 = arith.constant 1 : i32
      %scan3A_394 = scf.for %scan3A_411 = %scan3A to %scan3A_392 step %scan3A_393 iter_args(%scan3A_412 = %concatenate3A_388) -> (vector<4x64x128xf32>)  : i32 {
        %eq3A_413 = vector.broadcast %scan3A_411 : i32 to vector<1x1x128xi32>
        %eq3A_414 = arith.cmpi eq, %iota3A_389, %eq3A_413 : vector<1x1x128xi32>
        %convert_element_type3A_415 = arith.extui %eq3A_414 : vector<1x1x128xi1> to vector<1x1x128xi32>
        %convert_element_type3A_416 = arith.sitofp %convert_element_type3A_415 : vector<1x1x128xi32> to vector<1x1x128xf32>
        %eq3A_417 = vector.broadcast %scan3A_411 : i32 to vector<1x64x1xi32>
        %eq3A_418 = arith.cmpi eq, %iota3A_390, %eq3A_417 : vector<1x64x1xi32>
        %convert_element_type3A_419 = arith.extui %eq3A_418 : vector<1x64x1xi1> to vector<1x64x1xi32>
        %convert_element_type3A_420 = arith.sitofp %convert_element_type3A_419 : vector<1x64x1xi32> to vector<1x64x1xf32>
        %mul3A_421 = vector.broadcast %convert_element_type3A_416 : vector<1x1x128xf32> to vector<4x64x128xf32>
        %mul3A_422 = arith.mulf %scan3A_412, %mul3A_421 : vector<4x64x128xf32>
        %reduce_sum3A_423 = arith.constant dense<0.000000e+00> : vector<4x64xf32>
        %reduce_sum3A_424 = vector.multi_reduction <add>, %mul3A_422, %reduce_sum3A_423 [2] : vector<4x64x128xf32> to vector<4x64xf32>
        %broadcast_in_dim3A_425 = vector.shape_cast %reduce_sum3A_424 : vector<4x64xf32> to vector<4x64x1xf32>
        %mul3A_426 = vector.broadcast %convert_element_type3A_420 : vector<1x64x1xf32> to vector<4x64x128xf32>
        %mul3A_427 = arith.mulf %scan3A_412, %mul3A_426 : vector<4x64x128xf32>
        %reduce_sum3A_428 = arith.constant dense<0.000000e+00> : vector<4x128xf32>
        %reduce_sum3A_429 = vector.multi_reduction <add>, %mul3A_427, %reduce_sum3A_428 [1] : vector<4x64x128xf32> to vector<4x128xf32>
        %broadcast_in_dim3A_430 = vector.shape_cast %reduce_sum3A_429 : vector<4x128xf32> to vector<4x1x128xf32>
        %mul3A_431 = vector.broadcast %convert_element_type3A_416 : vector<1x1x128xf32> to vector<4x1x128xf32>
        %mul3A_432 = arith.mulf %broadcast_in_dim3A_430, %mul3A_431 : vector<4x1x128xf32>
        %reduce_sum3A_433 = arith.constant dense<0.000000e+00> : vector<4x1xf32>
        %reduce_sum3A_434 = vector.multi_reduction <add>, %mul3A_432, %reduce_sum3A_433 [2] : vector<4x1x128xf32> to vector<4x1xf32>
        %broadcast_in_dim3A_435 = vector.shape_cast %reduce_sum3A_434 : vector<4x1xf32> to vector<4x1x1xf32>
        %div3A = vector.broadcast %broadcast_in_dim3A_435 : vector<4x1x1xf32> to vector<4x1x128xf32>
        %div3A_436 = arith.divf %broadcast_in_dim3A_430, %div3A : vector<4x1x128xf32>
        %sub3A_437 = vector.broadcast %convert_element_type3A_420 : vector<1x64x1xf32> to vector<4x64x1xf32>
        %sub3A_438 = arith.subf %broadcast_in_dim3A_425, %sub3A_437 : vector<4x64x1xf32>
        %mul3A_439 = vector.broadcast %sub3A_438 : vector<4x64x1xf32> to vector<4x64x128xf32>
        %mul3A_440 = vector.broadcast %div3A_436 : vector<4x1x128xf32> to vector<4x64x128xf32>
        %mul3A_441 = arith.mulf %mul3A_439, %mul3A_440 : vector<4x64x128xf32>
        %sub3A_442 = arith.subf %scan3A_412, %mul3A_441 : vector<4x64x128xf32>
        scf.yield %sub3A_442 : vector<4x64x128xf32>
      }
      %scan3A_395 = arith.constant 64 : i32
      %slice3A_396 = vector.extract_strided_slice %scan3A_394 {offsets = [0, 0, 64], sizes = [4, 64, 64], strides = [1, 1, 1]} : vector<4x64x128xf32> to vector<4x64x64xf32>
      %get3A_397 = arith.constant 0 : index
      %get3A_398 = arith.constant 0 : index
      %get3A_399 = vector.load %arg6[%get3A_397, %get3A_398] : memref<2048x64xf32, #tpu.memory_space<vmem>>, vector<2048x64xf32>
      %dot_general3A_400 = arith.constant dense<0.000000e+00> : vector<4x64x2048xf32>
      %dot_general3A_401 = tpu.matmul %slice3A_396, %get3A_399, %dot_general3A_400 {dimension_numbers = #tpu.dot_dimension_numbers<[2], [1], [0, 1], [0], [0, 0, 0, 1, 1, 0], [], []>, transpose_lhs_hint = false} : vector<4x64x64xf32>, vector<2048x64xf32>, vector<4x64x2048xf32> -> vector<4x64x2048xf32>
      %get3A_402 = arith.constant 0 : index
      %get3A_403 = arith.constant 0 : index
      %get3A_404 = memref.load %arg7[%get3A_402, %get3A_403] : memref<1x1xf32, #tpu.memory_space<smem>>
      %mul3A_405 = vector.broadcast %get3A_404 : f32 to vector<4x64x2048xf32>
      %mul3A_406 = arith.mulf %dot_general3A_401, %mul3A_405 : vector<4x64x2048xf32>
      %swap3A_407 = arith.constant 0 : index
      %swap3A_408 = arith.constant 0 : index
      %swap3A_409 = arith.constant 0 : index
      %swap3A_410 = vector.load %arg10[%swap3A_407, %swap3A_408, %swap3A_409] : memref<4x64x2048xf32, #tpu.memory_space<vmem>>, vector<4x64x2048xf32>
      tpu.vector_store %arg10[%swap3A_407, %swap3A_408, %swap3A_409], %mul3A_406 {strides = array<i32>} : memref<4x64x2048xf32, #tpu.memory_space<vmem>>, vector<4x64x2048xf32>,
    } else {
    }
    return
  }
  func.func @transform_0(%arg0: i32) -> (i32, i32) {
    %c0_i32 = arith.constant 0 : i32
    %c0_i32_0 = arith.constant 0 : i32
    %c0_i32_1 = arith.constant 0 : i32
    return %c0_i32, %c0_i32_0 : i32, i32
  }
  func.func @transform_1(%arg0: i32) -> (i32, i32) {
    %c0_i32 = arith.constant 0 : i32
    %c0_i32_0 = arith.constant 0 : i32
    %c0_i32_1 = arith.constant 0 : i32
    return %c0_i32, %c0_i32_0 : i32, i32
  }
  func.func @transform_2(%arg0: i32) -> (i32, i32) {
    %c0_i32 = arith.constant 0 : i32
    %c0_i32_0 = arith.constant 0 : i32
    %c0_i32_1 = arith.constant 0 : i32
    return %c0_i32, %c0_i32_0 : i32, i32
  }
  func.func @transform_3(%arg0: i32) -> (i32, i32) {
    %c0_i32 = arith.constant 0 : i32
    %c0_i32_0 = arith.constant 0 : i32
    %c0_i32_1 = arith.constant 0 : i32
    return %c0_i32, %c0_i32_0 : i32, i32
  }
  func.func @transform_4(%arg0: i32) -> (i32, i32) {
    %c0_i32 = arith.constant 0 : i32
    %c0_i32_0 = arith.constant 0 : i32
    %c0_i32_1 = arith.constant 0 : i32
    return %c0_i32, %c0_i32_0 : i32, i32
  }
  func.func @transform_5(%arg0: i32) -> (i32, i32) {
    %c0_i32 = arith.constant 0 : i32
    %c0_i32_0 = arith.constant 0 : i32
    %c0_i32_1 = arith.constant 0 : i32
    return %c0_i32, %c0_i32_0 : i32, i32
  }
  func.func @transform_6(%arg0: i32) -> (i32, i32) {
    %c0_i32 = arith.constant 0 : i32
    %c0_i32_0 = arith.constant 0 : i32
    %c0_i32_1 = arith.constant 0 : i32
    return %c0_i32, %c0_i32_0 : i32, i32
  }
  func.func @transform_7(%arg0: i32) -> (i32, i32, i32) {
    %c0_i32 = arith.constant 0 : i32
    %c0_i32_0 = arith.constant 0 : i32
    %c0_i32_1 = arith.constant 0 : i32
    return %c0_i32, %arg0, %c0_i32_0 : i32, i32, i32
  }
  func.func @transform_8(%arg0: i32) -> (i32, i32) {
    %c0_i32 = arith.constant 0 : i32
    %c0_i32_0 = arith.constant 0 : i32
    %c0_i32_1 = arith.constant 0 : i32
    return %c0_i32, %c0_i32_0 : i32, i32
  }
  func.func @transform_9(%arg0: i32) -> (i32, i32, i32) {
    %c0_i32 = arith.constant 0 : i32
    %c0_i32_0 = arith.constant 0 : i32
    %c0_i32_1 = arith.constant 0 : i32
    %c0_i32_2 = arith.constant 0 : i32
    return %c0_i32, %c0_i32_0, %c0_i32_1 : i32, i32, i32
  }
}

module attributes {stable_mosaic.version = 14 : i64} {
  func.func @_main_body(%arg0: i32, %arg1: i32, %arg2: memref<1x512x2048xf32, #tpu.memory_space<vmem>>, %arg3: memref<1x64x2048xf32, #tpu.memory_space<vmem>>, %arg4: memref<1x1x64xf32, #tpu.memory_space<vmem>>, %arg5: memref<2048x64xf32, #tpu.memory_space<vmem>>, %arg6: memref<1x2048xf32, #tpu.memory_space<vmem>>, %arg7: memref<1x2048xf32, #tpu.memory_space<vmem>>, %arg8: memref<1x2048xf32, #tpu.memory_space<vmem>>, %arg9: memref<1x2048xf32, #tpu.memory_space<vmem>>, %arg10: memref<1x1xf32, #tpu.memory_space<smem>>, %arg11: memref<1x1xf32, #tpu.memory_space<smem>>, %arg12: memref<1x512x2048xf32, #tpu.memory_space<vmem>>, %arg13: memref<512x2048xf32, #tpu.memory_space<vmem>>, %arg14: memref<512x1xf32, #tpu.memory_space<vmem>>, %arg15: memref<512x1xf32, #tpu.memory_space<vmem>>) attributes {dimension_semantics = [#tpu.dimension_semantics<arbitrary>, #tpu.dimension_semantics<arbitrary>], iteration_bounds = array<i64: 4, 4>, scalar_prefetch = 0 : i64, scratch_operands = 3 : i64, tpu.core_type = #tpu.core_type<tc>, window_params = [{transform_indices = @transform_0, window_bounds = array<i64: 1, 512, 2048>}, {transform_indices = @transform_1, window_bounds = array<i64: 1, 64, 2048>}, {transform_indices = @transform_2, window_bounds = array<i64: 1, 1, 64>}, {pipeline_mode = #tpu.pipeline_mode<synchronous>, transform_indices = @transform_3, window_bounds = array<i64: 2048, 64>}, {pipeline_mode = #tpu.pipeline_mode<synchronous>, transform_indices = @transform_4, window_bounds = array<i64: 1, 2048>}, {pipeline_mode = #tpu.pipeline_mode<synchronous>, transform_indices = @transform_5, window_bounds = array<i64: 1, 2048>}, {pipeline_mode = #tpu.pipeline_mode<synchronous>, transform_indices = @transform_6, window_bounds = array<i64: 1, 2048>}, {pipeline_mode = #tpu.pipeline_mode<synchronous>, transform_indices = @transform_7, window_bounds = array<i64: 1, 2048>}, {transform_indices = @transform_8, window_bounds = array<i64: 1, 1>}, {transform_indices = @transform_9, window_bounds = array<i64: 1, 1>}, {transform_indices = @transform_10, window_bounds = array<i64: 1, 512, 2048>}]} {
    %get3A = arith.constant 0 : index
    %get3A_0 = arith.constant 0 : index
    %get3A_1 = arith.constant 0 : index
    %get3A_2 = vector.load %arg2[%get3A, %get3A_0, %get3A_1] : memref<1x512x2048xf32, #tpu.memory_space<vmem>>, vector<1x512x64xf32>
    %get3A_3 = vector.shape_cast %get3A_2 : vector<1x512x64xf32> to vector<512x64xf32>
    %convert_element_type3A = arith.truncf %get3A_3 : vector<512x64xf32> to vector<512x64xbf16>
    %get3A_4 = arith.constant 0 : index
    %get3A_5 = arith.constant 0 : index
    %get3A_6 = arith.constant 0 : index
    %get3A_7 = vector.load %arg3[%get3A_4, %get3A_5, %get3A_6] : memref<1x64x2048xf32, #tpu.memory_space<vmem>>, vector<1x64x2048xf32>
    %get3A_8 = vector.shape_cast %get3A_7 : vector<1x64x2048xf32> to vector<64x2048xf32>
    %convert_element_type3A_9 = arith.truncf %get3A_8 : vector<64x2048xf32> to vector<64x2048xbf16>
    %dot_general3A = arith.constant dense<0.000000e+00> : vector<512x2048xf32>
    %dot_general3A_10 = tpu.matmul %convert_element_type3A, %convert_element_type3A_9, %dot_general3A {dimension_numbers = #tpu.dot_dimension_numbers<[1], [0], [0], [1], [0, 0, 1, 1], [], []>, transpose_lhs_hint = false} : vector<512x64xbf16>, vector<64x2048xbf16>, vector<512x2048xf32> -> vector<512x2048xf32>
    %swap3A = arith.constant 0 : index
    %swap3A_11 = arith.constant 0 : index
    %swap3A_12 = vector.load %arg13[%swap3A, %swap3A_11] : memref<512x2048xf32, #tpu.memory_space<vmem>>, vector<512x2048xf32>
    tpu.vector_store %arg13[%swap3A, %swap3A_11], %dot_general3A_10 {strides = array<i32>} : memref<512x2048xf32, #tpu.memory_space<vmem>>, vector<512x2048xf32>,
    %get3A_13 = arith.constant 0 : index
    %get3A_14 = arith.constant 0 : index
    %get3A_15 = arith.constant 0 : index
    %get3A_16 = vector.load %arg4[%get3A_13, %get3A_14, %get3A_15] : memref<1x1x64xf32, #tpu.memory_space<vmem>>, vector<1x1x64xf32>
    %get3A_17 = vector.shape_cast %get3A_16 : vector<1x1x64xf32> to vector<1x64xf32>
    %get3A_18 = arith.constant 0 : index
    %get3A_19 = arith.constant 0 : index
    %get3A_20 = vector.load %arg5[%get3A_18, %get3A_19] : memref<2048x64xf32, #tpu.memory_space<vmem>>, vector<2048x64xf32>
    %dot_general3A_21 = arith.constant dense<0.000000e+00> : vector<1x2048xf32>
    %dot_general3A_22 = tpu.matmul %get3A_17, %get3A_20, %dot_general3A_21 {dimension_numbers = #tpu.dot_dimension_numbers<[1], [1], [0], [0], [0, 0, 1, 0], [], []>, transpose_lhs_hint = false} : vector<1x64xf32>, vector<2048x64xf32>, vector<1x2048xf32> -> vector<1x2048xf32>
    %get3A_23 = arith.constant 0 : index
    %get3A_24 = arith.constant 0 : index
    %get3A_25 = memref.load %arg10[%get3A_23, %get3A_24] : memref<1x1xf32, #tpu.memory_space<smem>>
    %get3A_26 = arith.constant 0 : index
    %get3A_27 = arith.constant 0 : index
    %get3A_28 = vector.load %arg7[%get3A_26, %get3A_27] : memref<1x2048xf32, #tpu.memory_space<vmem>>, vector<1x2048xf32>
    %mul3A = vector.broadcast %get3A_25 : f32 to vector<1x2048xf32>
    %mul3A_29 = arith.mulf %mul3A, %get3A_28 : vector<1x2048xf32>
    %get3A_30 = arith.constant 0 : index
    %get3A_31 = arith.constant 0 : index
    %get3A_32 = memref.load %arg11[%get3A_30, %get3A_31] : memref<1x1xf32, #tpu.memory_space<smem>>
    %get3A_33 = arith.constant 0 : index
    %get3A_34 = arith.constant 0 : index
    %get3A_35 = vector.load %arg6[%get3A_33, %get3A_34] : memref<1x2048xf32, #tpu.memory_space<vmem>>, vector<1x2048xf32>
    %add3A = arith.addf %dot_general3A_22, %get3A_35 : vector<1x2048xf32>
    %mul3A_36 = vector.broadcast %get3A_32 : f32 to vector<1x2048xf32>
    %mul3A_37 = arith.mulf %mul3A_36, %add3A : vector<1x2048xf32>
    %add3A_38 = arith.addf %mul3A_29, %mul3A_37 : vector<1x2048xf32>
    %get3A_39 = arith.constant 0 : index
    %get3A_40 = arith.constant 0 : index
    %get3A_41 = arith.constant 0 : index
    %get3A_42 = vector.load %arg2[%get3A_39, %get3A_40, %get3A_41] : memref<1x512x2048xf32, #tpu.memory_space<vmem>>, vector<1x8x2048xf32>
    %get3A_43 = vector.shape_cast %get3A_42 : vector<1x8x2048xf32> to vector<8x2048xf32>
    %get3A_44 = arith.constant 0 : index
    %get3A_45 = arith.constant 0 : index
    %get3A_46 = vector.load %arg13[%get3A_44, %get3A_45] : memref<512x2048xf32, #tpu.memory_space<vmem>>, vector<8x2048xf32>
    %add3A_47 = arith.addf %get3A_43, %get3A_46 : vector<8x2048xf32>
    %add3A_48 = vector.broadcast %add3A_38 : vector<1x2048xf32> to vector<8x2048xf32>
    %add3A_49 = arith.addf %add3A_47, %add3A_48 : vector<8x2048xf32>
    %reduce_sum3A = arith.constant dense<0.000000e+00> : vector<8xf32>
    %reduce_sum3A_50 = vector.multi_reduction <add>, %add3A_49, %reduce_sum3A [1] : vector<8x2048xf32> to vector<8xf32>
    %broadcast_in_dim3A = vector.shape_cast %reduce_sum3A_50 : vector<8xf32> to vector<8x1xf32>
    %swap3A_51 = arith.constant 0 : index
    %swap3A_52 = arith.constant 0 : index
    %swap3A_53 = vector.load %arg14[%swap3A_51, %swap3A_52] : memref<512x1xf32, #tpu.memory_space<vmem>>, vector<8x1xf32>
    tpu.vector_store %arg14[%swap3A_51, %swap3A_52], %broadcast_in_dim3A {strides = array<i32>} : memref<512x1xf32, #tpu.memory_space<vmem>>, vector<8x1xf32>,
    %mul3A_54 = arith.mulf %add3A_49, %add3A_49 : vector<8x2048xf32>
    %reduce_sum3A_55 = arith.constant dense<0.000000e+00> : vector<8xf32>
    %reduce_sum3A_56 = vector.multi_reduction <add>, %mul3A_54, %reduce_sum3A_55 [1] : vector<8x2048xf32> to vector<8xf32>
    %broadcast_in_dim3A_57 = vector.shape_cast %reduce_sum3A_56 : vector<8xf32> to vector<8x1xf32>
    %swap3A_58 = arith.constant 0 : index
    %swap3A_59 = arith.constant 0 : index
    %swap3A_60 = vector.load %arg15[%swap3A_58, %swap3A_59] : memref<512x1xf32, #tpu.memory_space<vmem>>, vector<8x1xf32>
    tpu.vector_store %arg15[%swap3A_58, %swap3A_59], %broadcast_in_dim3A_57 {strides = array<i32>} : memref<512x1xf32, #tpu.memory_space<vmem>>, vector<8x1xf32>,
    %get3A_61 = arith.constant 0 : index
    %get3A_62 = arith.constant 8 : index
    %get3A_63 = arith.constant 0 : index
    %get3A_64 = vector.load %arg2[%get3A_61, %get3A_62, %get3A_63] : memref<1x512x2048xf32, #tpu.memory_space<vmem>>, vector<1x8x2048xf32>
    %get3A_65 = vector.shape_cast %get3A_64 : vector<1x8x2048xf32> to vector<8x2048xf32>
    %get3A_66 = arith.constant 8 : index
    %get3A_67 = arith.constant 0 : index
    %get3A_68 = vector.load %arg13[%get3A_66, %get3A_67] : memref<512x2048xf32, #tpu.memory_space<vmem>>, vector<8x2048xf32>
    %add3A_69 = arith.addf %get3A_65, %get3A_68 : vector<8x2048xf32>
    %add3A_70 = vector.broadcast %add3A_38 : vector<1x2048xf32> to vector<8x2048xf32>
    %add3A_71 = arith.addf %add3A_69, %add3A_70 : vector<8x2048xf32>
    %reduce_sum3A_72 = arith.constant dense<0.000000e+00> : vector<8xf32>
    %reduce_sum3A_73 = vector.multi_reduction <add>, %add3A_71, %reduce_sum3A_72 [1] : vector<8x2048xf32> to vector<8xf32>
    %broadcast_in_dim3A_74 = vector.shape_cast %reduce_sum3A_73 : vector<8xf32> to vector<8x1xf32>
    %swap3A_75 = arith.constant 8 : index
    %swap3A_76 = arith.constant 0 : index
    %swap3A_77 = vector.load %arg14[%swap3A_75, %swap3A_76] : memref<512x1xf32, #tpu.memory_space<vmem>>, vector<8x1xf32>
    tpu.vector_store %arg14[%swap3A_75, %swap3A_76], %broadcast_in_dim3A_74 {strides = array<i32>} : memref<512x1xf32, #tpu.memory_space<vmem>>, vector<8x1xf32>,
    %mul3A_78 = arith.mulf %add3A_71, %add3A_71 : vector<8x2048xf32>
    %reduce_sum3A_79 = arith.constant dense<0.000000e+00> : vector<8xf32>
    %reduce_sum3A_80 = vector.multi_reduction <add>, %mul3A_78, %reduce_sum3A_79 [1] : vector<8x2048xf32> to vector<8xf32>
    %broadcast_in_dim3A_81 = vector.shape_cast %reduce_sum3A_80 : vector<8xf32> to vector<8x1xf32>
    %swap3A_82 = arith.constant 8 : index
    %swap3A_83 = arith.constant 0 : index
    %swap3A_84 = vector.load %arg15[%swap3A_82, %swap3A_83] : memref<512x1xf32, #tpu.memory_space<vmem>>, vector<8x1xf32>
    tpu.vector_store %arg15[%swap3A_82, %swap3A_83], %broadcast_in_dim3A_81 {strides = array<i32>} : memref<512x1xf32, #tpu.memory_space<vmem>>, vector<8x1xf32>,
    %get3A_85 = arith.constant 0 : index
    %get3A_86 = arith.constant 16 : index
    %get3A_87 = arith.constant 0 : index
    %get3A_88 = vector.load %arg2[%get3A_85, %get3A_86, %get3A_87] : memref<1x512x2048xf32, #tpu.memory_space<vmem>>, vector<1x8x2048xf32>
    %get3A_89 = vector.shape_cast %get3A_88 : vector<1x8x2048xf32> to vector<8x2048xf32>
    %get3A_90 = arith.constant 16 : index
    %get3A_91 = arith.constant 0 : index
    %get3A_92 = vector.load %arg13[%get3A_90, %get3A_91] : memref<512x2048xf32, #tpu.memory_space<vmem>>, vector<8x2048xf32>
    %add3A_93 = arith.addf %get3A_89, %get3A_92 : vector<8x2048xf32>
    %add3A_94 = vector.broadcast %add3A_38 : vector<1x2048xf32> to vector<8x2048xf32>
    %add3A_95 = arith.addf %add3A_93, %add3A_94 : vector<8x2048xf32>
    %reduce_sum3A_96 = arith.constant dense<0.000000e+00> : vector<8xf32>
    %reduce_sum3A_97 = vector.multi_reduction <add>, %add3A_95, %reduce_sum3A_96 [1] : vector<8x2048xf32> to vector<8xf32>
    %broadcast_in_dim3A_98 = vector.shape_cast %reduce_sum3A_97 : vector<8xf32> to vector<8x1xf32>
    %swap3A_99 = arith.constant 16 : index
    %swap3A_100 = arith.constant 0 : index
    %swap3A_101 = vector.load %arg14[%swap3A_99, %swap3A_100] : memref<512x1xf32, #tpu.memory_space<vmem>>, vector<8x1xf32>
    tpu.vector_store %arg14[%swap3A_99, %swap3A_100], %broadcast_in_dim3A_98 {strides = array<i32>} : memref<512x1xf32, #tpu.memory_space<vmem>>, vector<8x1xf32>,
    %mul3A_102 = arith.mulf %add3A_95, %add3A_95 : vector<8x2048xf32>
    %reduce_sum3A_103 = arith.constant dense<0.000000e+00> : vector<8xf32>
    %reduce_sum3A_104 = vector.multi_reduction <add>, %mul3A_102, %reduce_sum3A_103 [1] : vector<8x2048xf32> to vector<8xf32>
    %broadcast_in_dim3A_105 = vector.shape_cast %reduce_sum3A_104 : vector<8xf32> to vector<8x1xf32>
    %swap3A_106 = arith.constant 16 : index
    %swap3A_107 = arith.constant 0 : index
    %swap3A_108 = vector.load %arg15[%swap3A_106, %swap3A_107] : memref<512x1xf32, #tpu.memory_space<vmem>>, vector<8x1xf32>
    tpu.vector_store %arg15[%swap3A_106, %swap3A_107], %broadcast_in_dim3A_105 {strides = array<i32>} : memref<512x1xf32, #tpu.memory_space<vmem>>, vector<8x1xf32>,
    %get3A_109 = arith.constant 0 : index
    %get3A_110 = arith.constant 24 : index
    %get3A_111 = arith.constant 0 : index
    %get3A_112 = vector.load %arg2[%get3A_109, %get3A_110, %get3A_111] : memref<1x512x2048xf32, #tpu.memory_space<vmem>>, vector<1x8x2048xf32>
    %get3A_113 = vector.shape_cast %get3A_112 : vector<1x8x2048xf32> to vector<8x2048xf32>
    %get3A_114 = arith.constant 24 : index
    %get3A_115 = arith.constant 0 : index
    %get3A_116 = vector.load %arg13[%get3A_114, %get3A_115] : memref<512x2048xf32, #tpu.memory_space<vmem>>, vector<8x2048xf32>
    %add3A_117 = arith.addf %get3A_113, %get3A_116 : vector<8x2048xf32>
    %add3A_118 = vector.broadcast %add3A_38 : vector<1x2048xf32> to vector<8x2048xf32>
    %add3A_119 = arith.addf %add3A_117, %add3A_118 : vector<8x2048xf32>
    %reduce_sum3A_120 = arith.constant dense<0.000000e+00> : vector<8xf32>
    %reduce_sum3A_121 = vector.multi_reduction <add>, %add3A_119, %reduce_sum3A_120 [1] : vector<8x2048xf32> to vector<8xf32>
    %broadcast_in_dim3A_122 = vector.shape_cast %reduce_sum3A_121 : vector<8xf32> to vector<8x1xf32>
    %swap3A_123 = arith.constant 24 : index
    %swap3A_124 = arith.constant 0 : index
    %swap3A_125 = vector.load %arg14[%swap3A_123, %swap3A_124] : memref<512x1xf32, #tpu.memory_space<vmem>>, vector<8x1xf32>
    tpu.vector_store %arg14[%swap3A_123, %swap3A_124], %broadcast_in_dim3A_122 {strides = array<i32>} : memref<512x1xf32, #tpu.memory_space<vmem>>, vector<8x1xf32>,
    %mul3A_126 = arith.mulf %add3A_119, %add3A_119 : vector<8x2048xf32>
    %reduce_sum3A_127 = arith.constant dense<0.000000e+00> : vector<8xf32>
    %reduce_sum3A_128 = vector.multi_reduction <add>, %mul3A_126, %reduce_sum3A_127 [1] : vector<8x2048xf32> to vector<8xf32>
    %broadcast_in_dim3A_129 = vector.shape_cast %reduce_sum3A_128 : vector<8xf32> to vector<8x1xf32>
    %swap3A_130 = arith.constant 24 : index
    %swap3A_131 = arith.constant 0 : index
    %swap3A_132 = vector.load %arg15[%swap3A_130, %swap3A_131] : memref<512x1xf32, #tpu.memory_space<vmem>>, vector<8x1xf32>
    tpu.vector_store %arg15[%swap3A_130, %swap3A_131], %broadcast_in_dim3A_129 {strides = array<i32>} : memref<512x1xf32, #tpu.memory_space<vmem>>, vector<8x1xf32>,
    %get3A_133 = arith.constant 0 : index
    %get3A_134 = arith.constant 32 : index
    %get3A_135 = arith.constant 0 : index
    %get3A_136 = vector.load %arg2[%get3A_133, %get3A_134, %get3A_135] : memref<1x512x2048xf32, #tpu.memory_space<vmem>>, vector<1x8x2048xf32>
    %get3A_137 = vector.shape_cast %get3A_136 : vector<1x8x2048xf32> to vector<8x2048xf32>
    %get3A_138 = arith.constant 32 : index
    %get3A_139 = arith.constant 0 : index
    %get3A_140 = vector.load %arg13[%get3A_138, %get3A_139] : memref<512x2048xf32, #tpu.memory_space<vmem>>, vector<8x2048xf32>
    %add3A_141 = arith.addf %get3A_137, %get3A_140 : vector<8x2048xf32>
    %add3A_142 = vector.broadcast %add3A_38 : vector<1x2048xf32> to vector<8x2048xf32>
    %add3A_143 = arith.addf %add3A_141, %add3A_142 : vector<8x2048xf32>
    %reduce_sum3A_144 = arith.constant dense<0.000000e+00> : vector<8xf32>
    %reduce_sum3A_145 = vector.multi_reduction <add>, %add3A_143, %reduce_sum3A_144 [1] : vector<8x2048xf32> to vector<8xf32>
    %broadcast_in_dim3A_146 = vector.shape_cast %reduce_sum3A_145 : vector<8xf32> to vector<8x1xf32>
    %swap3A_147 = arith.constant 32 : index
    %swap3A_148 = arith.constant 0 : index
    %swap3A_149 = vector.load %arg14[%swap3A_147, %swap3A_148] : memref<512x1xf32, #tpu.memory_space<vmem>>, vector<8x1xf32>
    tpu.vector_store %arg14[%swap3A_147, %swap3A_148], %broadcast_in_dim3A_146 {strides = array<i32>} : memref<512x1xf32, #tpu.memory_space<vmem>>, vector<8x1xf32>,
    %mul3A_150 = arith.mulf %add3A_143, %add3A_143 : vector<8x2048xf32>
    %reduce_sum3A_151 = arith.constant dense<0.000000e+00> : vector<8xf32>
    %reduce_sum3A_152 = vector.multi_reduction <add>, %mul3A_150, %reduce_sum3A_151 [1] : vector<8x2048xf32> to vector<8xf32>
    %broadcast_in_dim3A_153 = vector.shape_cast %reduce_sum3A_152 : vector<8xf32> to vector<8x1xf32>
    %swap3A_154 = arith.constant 32 : index
    %swap3A_155 = arith.constant 0 : index
    %swap3A_156 = vector.load %arg15[%swap3A_154, %swap3A_155] : memref<512x1xf32, #tpu.memory_space<vmem>>, vector<8x1xf32>
    tpu.vector_store %arg15[%swap3A_154, %swap3A_155], %broadcast_in_dim3A_153 {strides = array<i32>} : memref<512x1xf32, #tpu.memory_space<vmem>>, vector<8x1xf32>,
    %get3A_157 = arith.constant 0 : index
    %get3A_158 = arith.constant 40 : index
    %get3A_159 = arith.constant 0 : index
    %get3A_160 = vector.load %arg2[%get3A_157, %get3A_158, %get3A_159] : memref<1x512x2048xf32, #tpu.memory_space<vmem>>, vector<1x8x2048xf32>
    %get3A_161 = vector.shape_cast %get3A_160 : vector<1x8x2048xf32> to vector<8x2048xf32>
    %get3A_162 = arith.constant 40 : index
    %get3A_163 = arith.constant 0 : index
    %get3A_164 = vector.load %arg13[%get3A_162, %get3A_163] : memref<512x2048xf32, #tpu.memory_space<vmem>>, vector<8x2048xf32>
    %add3A_165 = arith.addf %get3A_161, %get3A_164 : vector<8x2048xf32>
    %add3A_166 = vector.broadcast %add3A_38 : vector<1x2048xf32> to vector<8x2048xf32>
    %add3A_167 = arith.addf %add3A_165, %add3A_166 : vector<8x2048xf32>
    %reduce_sum3A_168 = arith.constant dense<0.000000e+00> : vector<8xf32>
    %reduce_sum3A_169 = vector.multi_reduction <add>, %add3A_167, %reduce_sum3A_168 [1] : vector<8x2048xf32> to vector<8xf32>
    %broadcast_in_dim3A_170 = vector.shape_cast %reduce_sum3A_169 : vector<8xf32> to vector<8x1xf32>
    %swap3A_171 = arith.constant 40 : index
    %swap3A_172 = arith.constant 0 : index
    %swap3A_173 = vector.load %arg14[%swap3A_171, %swap3A_172] : memref<512x1xf32, #tpu.memory_space<vmem>>, vector<8x1xf32>
    tpu.vector_store %arg14[%swap3A_171, %swap3A_172], %broadcast_in_dim3A_170 {strides = array<i32>} : memref<512x1xf32, #tpu.memory_space<vmem>>, vector<8x1xf32>,
    %mul3A_174 = arith.mulf %add3A_167, %add3A_167 : vector<8x2048xf32>
    %reduce_sum3A_175 = arith.constant dense<0.000000e+00> : vector<8xf32>
    %reduce_sum3A_176 = vector.multi_reduction <add>, %mul3A_174, %reduce_sum3A_175 [1] : vector<8x2048xf32> to vector<8xf32>
    %broadcast_in_dim3A_177 = vector.shape_cast %reduce_sum3A_176 : vector<8xf32> to vector<8x1xf32>
    %swap3A_178 = arith.constant 40 : index
    %swap3A_179 = arith.constant 0 : index
    %swap3A_180 = vector.load %arg15[%swap3A_178, %swap3A_179] : memref<512x1xf32, #tpu.memory_space<vmem>>, vector<8x1xf32>
    tpu.vector_store %arg15[%swap3A_178, %swap3A_179], %broadcast_in_dim3A_177 {strides = array<i32>} : memref<512x1xf32, #tpu.memory_space<vmem>>, vector<8x1xf32>,
    %get3A_181 = arith.constant 0 : index
    %get3A_182 = arith.constant 48 : index
    %get3A_183 = arith.constant 0 : index
    %get3A_184 = vector.load %arg2[%get3A_181, %get3A_182, %get3A_183] : memref<1x512x2048xf32, #tpu.memory_space<vmem>>, vector<1x8x2048xf32>
    %get3A_185 = vector.shape_cast %get3A_184 : vector<1x8x2048xf32> to vector<8x2048xf32>
    %get3A_186 = arith.constant 48 : index
    %get3A_187 = arith.constant 0 : index
    %get3A_188 = vector.load %arg13[%get3A_186, %get3A_187] : memref<512x2048xf32, #tpu.memory_space<vmem>>, vector<8x2048xf32>
    %add3A_189 = arith.addf %get3A_185, %get3A_188 : vector<8x2048xf32>
    %add3A_190 = vector.broadcast %add3A_38 : vector<1x2048xf32> to vector<8x2048xf32>
    %add3A_191 = arith.addf %add3A_189, %add3A_190 : vector<8x2048xf32>
    %reduce_sum3A_192 = arith.constant dense<0.000000e+00> : vector<8xf32>
    %reduce_sum3A_193 = vector.multi_reduction <add>, %add3A_191, %reduce_sum3A_192 [1] : vector<8x2048xf32> to vector<8xf32>
    %broadcast_in_dim3A_194 = vector.shape_cast %reduce_sum3A_193 : vector<8xf32> to vector<8x1xf32>
    %swap3A_195 = arith.constant 48 : index
    %swap3A_196 = arith.constant 0 : index
    %swap3A_197 = vector.load %arg14[%swap3A_195, %swap3A_196] : memref<512x1xf32, #tpu.memory_space<vmem>>, vector<8x1xf32>
    tpu.vector_store %arg14[%swap3A_195, %swap3A_196], %broadcast_in_dim3A_194 {strides = array<i32>} : memref<512x1xf32, #tpu.memory_space<vmem>>, vector<8x1xf32>,
    %mul3A_198 = arith.mulf %add3A_191, %add3A_191 : vector<8x2048xf32>
    %reduce_sum3A_199 = arith.constant dense<0.000000e+00> : vector<8xf32>
    %reduce_sum3A_200 = vector.multi_reduction <add>, %mul3A_198, %reduce_sum3A_199 [1] : vector<8x2048xf32> to vector<8xf32>
    %broadcast_in_dim3A_201 = vector.shape_cast %reduce_sum3A_200 : vector<8xf32> to vector<8x1xf32>
    %swap3A_202 = arith.constant 48 : index
    %swap3A_203 = arith.constant 0 : index
    %swap3A_204 = vector.load %arg15[%swap3A_202, %swap3A_203] : memref<512x1xf32, #tpu.memory_space<vmem>>, vector<8x1xf32>
    tpu.vector_store %arg15[%swap3A_202, %swap3A_203], %broadcast_in_dim3A_201 {strides = array<i32>} : memref<512x1xf32, #tpu.memory_space<vmem>>, vector<8x1xf32>,
    %get3A_205 = arith.constant 0 : index
    %get3A_206 = arith.constant 56 : index
    %get3A_207 = arith.constant 0 : index
    %get3A_208 = vector.load %arg2[%get3A_205, %get3A_206, %get3A_207] : memref<1x512x2048xf32, #tpu.memory_space<vmem>>, vector<1x8x2048xf32>
    %get3A_209 = vector.shape_cast %get3A_208 : vector<1x8x2048xf32> to vector<8x2048xf32>
    %get3A_210 = arith.constant 56 : index
    %get3A_211 = arith.constant 0 : index
    %get3A_212 = vector.load %arg13[%get3A_210, %get3A_211] : memref<512x2048xf32, #tpu.memory_space<vmem>>, vector<8x2048xf32>
    %add3A_213 = arith.addf %get3A_209, %get3A_212 : vector<8x2048xf32>
    %add3A_214 = vector.broadcast %add3A_38 : vector<1x2048xf32> to vector<8x2048xf32>
    %add3A_215 = arith.addf %add3A_213, %add3A_214 : vector<8x2048xf32>
    %reduce_sum3A_216 = arith.constant dense<0.000000e+00> : vector<8xf32>
    %reduce_sum3A_217 = vector.multi_reduction <add>, %add3A_215, %reduce_sum3A_216 [1] : vector<8x2048xf32> to vector<8xf32>
    %broadcast_in_dim3A_218 = vector.shape_cast %reduce_sum3A_217 : vector<8xf32> to vector<8x1xf32>
    %swap3A_219 = arith.constant 56 : index
    %swap3A_220 = arith.constant 0 : index
    %swap3A_221 = vector.load %arg14[%swap3A_219, %swap3A_220] : memref<512x1xf32, #tpu.memory_space<vmem>>, vector<8x1xf32>
    tpu.vector_store %arg14[%swap3A_219, %swap3A_220], %broadcast_in_dim3A_218 {strides = array<i32>} : memref<512x1xf32, #tpu.memory_space<vmem>>, vector<8x1xf32>,
    %mul3A_222 = arith.mulf %add3A_215, %add3A_215 : vector<8x2048xf32>
    %reduce_sum3A_223 = arith.constant dense<0.000000e+00> : vector<8xf32>
    %reduce_sum3A_224 = vector.multi_reduction <add>, %mul3A_222, %reduce_sum3A_223 [1] : vector<8x2048xf32> to vector<8xf32>
    %broadcast_in_dim3A_225 = vector.shape_cast %reduce_sum3A_224 : vector<8xf32> to vector<8x1xf32>
    %swap3A_226 = arith.constant 56 : index
    %swap3A_227 = arith.constant 0 : index
    %swap3A_228 = vector.load %arg15[%swap3A_226, %swap3A_227] : memref<512x1xf32, #tpu.memory_space<vmem>>, vector<8x1xf32>
    tpu.vector_store %arg15[%swap3A_226, %swap3A_227], %broadcast_in_dim3A_225 {strides = array<i32>} : memref<512x1xf32, #tpu.memory_space<vmem>>, vector<8x1xf32>,
    %get3A_229 = arith.constant 0 : index
    %get3A_230 = arith.constant 64 : index
    %get3A_231 = arith.constant 0 : index
    %get3A_232 = vector.load %arg2[%get3A_229, %get3A_230, %get3A_231] : memref<1x512x2048xf32, #tpu.memory_space<vmem>>, vector<1x8x2048xf32>
    %get3A_233 = vector.shape_cast %get3A_232 : vector<1x8x2048xf32> to vector<8x2048xf32>
    %get3A_234 = arith.constant 64 : index
    %get3A_235 = arith.constant 0 : index
    %get3A_236 = vector.load %arg13[%get3A_234, %get3A_235] : memref<512x2048xf32, #tpu.memory_space<vmem>>, vector<8x2048xf32>
    %add3A_237 = arith.addf %get3A_233, %get3A_236 : vector<8x2048xf32>
    %add3A_238 = vector.broadcast %add3A_38 : vector<1x2048xf32> to vector<8x2048xf32>
    %add3A_239 = arith.addf %add3A_237, %add3A_238 : vector<8x2048xf32>
    %reduce_sum3A_240 = arith.constant dense<0.000000e+00> : vector<8xf32>
    %reduce_sum3A_241 = vector.multi_reduction <add>, %add3A_239, %reduce_sum3A_240 [1] : vector<8x2048xf32> to vector<8xf32>
    %broadcast_in_dim3A_242 = vector.shape_cast %reduce_sum3A_241 : vector<8xf32> to vector<8x1xf32>
    %swap3A_243 = arith.constant 64 : index
    %swap3A_244 = arith.constant 0 : index
    %swap3A_245 = vector.load %arg14[%swap3A_243, %swap3A_244] : memref<512x1xf32, #tpu.memory_space<vmem>>, vector<8x1xf32>
    tpu.vector_store %arg14[%swap3A_243, %swap3A_244], %broadcast_in_dim3A_242 {strides = array<i32>} : memref<512x1xf32, #tpu.memory_space<vmem>>, vector<8x1xf32>,
    %mul3A_246 = arith.mulf %add3A_239, %add3A_239 : vector<8x2048xf32>
    %reduce_sum3A_247 = arith.constant dense<0.000000e+00> : vector<8xf32>
    %reduce_sum3A_248 = vector.multi_reduction <add>, %mul3A_246, %reduce_sum3A_247 [1] : vector<8x2048xf32> to vector<8xf32>
    %broadcast_in_dim3A_249 = vector.shape_cast %reduce_sum3A_248 : vector<8xf32> to vector<8x1xf32>
    %swap3A_250 = arith.constant 64 : index
    %swap3A_251 = arith.constant 0 : index
    %swap3A_252 = vector.load %arg15[%swap3A_250, %swap3A_251] : memref<512x1xf32, #tpu.memory_space<vmem>>, vector<8x1xf32>
    tpu.vector_store %arg15[%swap3A_250, %swap3A_251], %broadcast_in_dim3A_249 {strides = array<i32>} : memref<512x1xf32, #tpu.memory_space<vmem>>, vector<8x1xf32>,
    %get3A_253 = arith.constant 0 : index
    %get3A_254 = arith.constant 72 : index
    %get3A_255 = arith.constant 0 : index
    %get3A_256 = vector.load %arg2[%get3A_253, %get3A_254, %get3A_255] : memref<1x512x2048xf32, #tpu.memory_space<vmem>>, vector<1x8x2048xf32>
    %get3A_257 = vector.shape_cast %get3A_256 : vector<1x8x2048xf32> to vector<8x2048xf32>
    %get3A_258 = arith.constant 72 : index
    %get3A_259 = arith.constant 0 : index
    %get3A_260 = vector.load %arg13[%get3A_258, %get3A_259] : memref<512x2048xf32, #tpu.memory_space<vmem>>, vector<8x2048xf32>
    %add3A_261 = arith.addf %get3A_257, %get3A_260 : vector<8x2048xf32>
    %add3A_262 = vector.broadcast %add3A_38 : vector<1x2048xf32> to vector<8x2048xf32>
    %add3A_263 = arith.addf %add3A_261, %add3A_262 : vector<8x2048xf32>
    %reduce_sum3A_264 = arith.constant dense<0.000000e+00> : vector<8xf32>
    %reduce_sum3A_265 = vector.multi_reduction <add>, %add3A_263, %reduce_sum3A_264 [1] : vector<8x2048xf32> to vector<8xf32>
    %broadcast_in_dim3A_266 = vector.shape_cast %reduce_sum3A_265 : vector<8xf32> to vector<8x1xf32>
    %swap3A_267 = arith.constant 72 : index
    %swap3A_268 = arith.constant 0 : index
    %swap3A_269 = vector.load %arg14[%swap3A_267, %swap3A_268] : memref<512x1xf32, #tpu.memory_space<vmem>>, vector<8x1xf32>
    tpu.vector_store %arg14[%swap3A_267, %swap3A_268], %broadcast_in_dim3A_266 {strides = array<i32>} : memref<512x1xf32, #tpu.memory_space<vmem>>, vector<8x1xf32>,
    %mul3A_270 = arith.mulf %add3A_263, %add3A_263 : vector<8x2048xf32>
    %reduce_sum3A_271 = arith.constant dense<0.000000e+00> : vector<8xf32>
    %reduce_sum3A_272 = vector.multi_reduction <add>, %mul3A_270, %reduce_sum3A_271 [1] : vector<8x2048xf32> to vector<8xf32>
    %broadcast_in_dim3A_273 = vector.shape_cast %reduce_sum3A_272 : vector<8xf32> to vector<8x1xf32>
    %swap3A_274 = arith.constant 72 : index
    %swap3A_275 = arith.constant 0 : index
    %swap3A_276 = vector.load %arg15[%swap3A_274, %swap3A_275] : memref<512x1xf32, #tpu.memory_space<vmem>>, vector<8x1xf32>
    tpu.vector_store %arg15[%swap3A_274, %swap3A_275], %broadcast_in_dim3A_273 {strides = array<i32>} : memref<512x1xf32, #tpu.memory_space<vmem>>, vector<8x1xf32>,
    %get3A_277 = arith.constant 0 : index
    %get3A_278 = arith.constant 80 : index
    %get3A_279 = arith.constant 0 : index
    %get3A_280 = vector.load %arg2[%get3A_277, %get3A_278, %get3A_279] : memref<1x512x2048xf32, #tpu.memory_space<vmem>>, vector<1x8x2048xf32>
    %get3A_281 = vector.shape_cast %get3A_280 : vector<1x8x2048xf32> to vector<8x2048xf32>
    %get3A_282 = arith.constant 80 : index
    %get3A_283 = arith.constant 0 : index
    %get3A_284 = vector.load %arg13[%get3A_282, %get3A_283] : memref<512x2048xf32, #tpu.memory_space<vmem>>, vector<8x2048xf32>
    %add3A_285 = arith.addf %get3A_281, %get3A_284 : vector<8x2048xf32>
    %add3A_286 = vector.broadcast %add3A_38 : vector<1x2048xf32> to vector<8x2048xf32>
    %add3A_287 = arith.addf %add3A_285, %add3A_286 : vector<8x2048xf32>
    %reduce_sum3A_288 = arith.constant dense<0.000000e+00> : vector<8xf32>
    %reduce_sum3A_289 = vector.multi_reduction <add>, %add3A_287, %reduce_sum3A_288 [1] : vector<8x2048xf32> to vector<8xf32>
    %broadcast_in_dim3A_290 = vector.shape_cast %reduce_sum3A_289 : vector<8xf32> to vector<8x1xf32>
    %swap3A_291 = arith.constant 80 : index
    %swap3A_292 = arith.constant 0 : index
    %swap3A_293 = vector.load %arg14[%swap3A_291, %swap3A_292] : memref<512x1xf32, #tpu.memory_space<vmem>>, vector<8x1xf32>
    tpu.vector_store %arg14[%swap3A_291, %swap3A_292], %broadcast_in_dim3A_290 {strides = array<i32>} : memref<512x1xf32, #tpu.memory_space<vmem>>, vector<8x1xf32>,
    %mul3A_294 = arith.mulf %add3A_287, %add3A_287 : vector<8x2048xf32>
    %reduce_sum3A_295 = arith.constant dense<0.000000e+00> : vector<8xf32>
    %reduce_sum3A_296 = vector.multi_reduction <add>, %mul3A_294, %reduce_sum3A_295 [1] : vector<8x2048xf32> to vector<8xf32>
    %broadcast_in_dim3A_297 = vector.shape_cast %reduce_sum3A_296 : vector<8xf32> to vector<8x1xf32>
    %swap3A_298 = arith.constant 80 : index
    %swap3A_299 = arith.constant 0 : index
    %swap3A_300 = vector.load %arg15[%swap3A_298, %swap3A_299] : memref<512x1xf32, #tpu.memory_space<vmem>>, vector<8x1xf32>
    tpu.vector_store %arg15[%swap3A_298, %swap3A_299], %broadcast_in_dim3A_297 {strides = array<i32>} : memref<512x1xf32, #tpu.memory_space<vmem>>, vector<8x1xf32>,
    %get3A_301 = arith.constant 0 : index
    %get3A_302 = arith.constant 88 : index
    %get3A_303 = arith.constant 0 : index
    %get3A_304 = vector.load %arg2[%get3A_301, %get3A_302, %get3A_303] : memref<1x512x2048xf32, #tpu.memory_space<vmem>>, vector<1x8x2048xf32>
    %get3A_305 = vector.shape_cast %get3A_304 : vector<1x8x2048xf32> to vector<8x2048xf32>
    %get3A_306 = arith.constant 88 : index
    %get3A_307 = arith.constant 0 : index
    %get3A_308 = vector.load %arg13[%get3A_306, %get3A_307] : memref<512x2048xf32, #tpu.memory_space<vmem>>, vector<8x2048xf32>
    %add3A_309 = arith.addf %get3A_305, %get3A_308 : vector<8x2048xf32>
    %add3A_310 = vector.broadcast %add3A_38 : vector<1x2048xf32> to vector<8x2048xf32>
    %add3A_311 = arith.addf %add3A_309, %add3A_310 : vector<8x2048xf32>
    %reduce_sum3A_312 = arith.constant dense<0.000000e+00> : vector<8xf32>
    %reduce_sum3A_313 = vector.multi_reduction <add>, %add3A_311, %reduce_sum3A_312 [1] : vector<8x2048xf32> to vector<8xf32>
    %broadcast_in_dim3A_314 = vector.shape_cast %reduce_sum3A_313 : vector<8xf32> to vector<8x1xf32>
    %swap3A_315 = arith.constant 88 : index
    %swap3A_316 = arith.constant 0 : index
    %swap3A_317 = vector.load %arg14[%swap3A_315, %swap3A_316] : memref<512x1xf32, #tpu.memory_space<vmem>>, vector<8x1xf32>
    tpu.vector_store %arg14[%swap3A_315, %swap3A_316], %broadcast_in_dim3A_314 {strides = array<i32>} : memref<512x1xf32, #tpu.memory_space<vmem>>, vector<8x1xf32>,
    %mul3A_318 = arith.mulf %add3A_311, %add3A_311 : vector<8x2048xf32>
    %reduce_sum3A_319 = arith.constant dense<0.000000e+00> : vector<8xf32>
    %reduce_sum3A_320 = vector.multi_reduction <add>, %mul3A_318, %reduce_sum3A_319 [1] : vector<8x2048xf32> to vector<8xf32>
    %broadcast_in_dim3A_321 = vector.shape_cast %reduce_sum3A_320 : vector<8xf32> to vector<8x1xf32>
    %swap3A_322 = arith.constant 88 : index
    %swap3A_323 = arith.constant 0 : index
    %swap3A_324 = vector.load %arg15[%swap3A_322, %swap3A_323] : memref<512x1xf32, #tpu.memory_space<vmem>>, vector<8x1xf32>
    tpu.vector_store %arg15[%swap3A_322, %swap3A_323], %broadcast_in_dim3A_321 {strides = array<i32>} : memref<512x1xf32, #tpu.memory_space<vmem>>, vector<8x1xf32>,
    %get3A_325 = arith.constant 0 : index
    %get3A_326 = arith.constant 96 : index
    %get3A_327 = arith.constant 0 : index
    %get3A_328 = vector.load %arg2[%get3A_325, %get3A_326, %get3A_327] : memref<1x512x2048xf32, #tpu.memory_space<vmem>>, vector<1x8x2048xf32>
    %get3A_329 = vector.shape_cast %get3A_328 : vector<1x8x2048xf32> to vector<8x2048xf32>
    %get3A_330 = arith.constant 96 : index
    %get3A_331 = arith.constant 0 : index
    %get3A_332 = vector.load %arg13[%get3A_330, %get3A_331] : memref<512x2048xf32, #tpu.memory_space<vmem>>, vector<8x2048xf32>
    %add3A_333 = arith.addf %get3A_329, %get3A_332 : vector<8x2048xf32>
    %add3A_334 = vector.broadcast %add3A_38 : vector<1x2048xf32> to vector<8x2048xf32>
    %add3A_335 = arith.addf %add3A_333, %add3A_334 : vector<8x2048xf32>
    %reduce_sum3A_336 = arith.constant dense<0.000000e+00> : vector<8xf32>
    %reduce_sum3A_337 = vector.multi_reduction <add>, %add3A_335, %reduce_sum3A_336 [1] : vector<8x2048xf32> to vector<8xf32>
    %broadcast_in_dim3A_338 = vector.shape_cast %reduce_sum3A_337 : vector<8xf32> to vector<8x1xf32>
    %swap3A_339 = arith.constant 96 : index
    %swap3A_340 = arith.constant 0 : index
    %swap3A_341 = vector.load %arg14[%swap3A_339, %swap3A_340] : memref<512x1xf32, #tpu.memory_space<vmem>>, vector<8x1xf32>
    tpu.vector_store %arg14[%swap3A_339, %swap3A_340], %broadcast_in_dim3A_338 {strides = array<i32>} : memref<512x1xf32, #tpu.memory_space<vmem>>, vector<8x1xf32>,
    %mul3A_342 = arith.mulf %add3A_335, %add3A_335 : vector<8x2048xf32>
    %reduce_sum3A_343 = arith.constant dense<0.000000e+00> : vector<8xf32>
    %reduce_sum3A_344 = vector.multi_reduction <add>, %mul3A_342, %reduce_sum3A_343 [1] : vector<8x2048xf32> to vector<8xf32>
    %broadcast_in_dim3A_345 = vector.shape_cast %reduce_sum3A_344 : vector<8xf32> to vector<8x1xf32>
    %swap3A_346 = arith.constant 96 : index
    %swap3A_347 = arith.constant 0 : index
    %swap3A_348 = vector.load %arg15[%swap3A_346, %swap3A_347] : memref<512x1xf32, #tpu.memory_space<vmem>>, vector<8x1xf32>
    tpu.vector_store %arg15[%swap3A_346, %swap3A_347], %broadcast_in_dim3A_345 {strides = array<i32>} : memref<512x1xf32, #tpu.memory_space<vmem>>, vector<8x1xf32>,
    %get3A_349 = arith.constant 0 : index
    %get3A_350 = arith.constant 104 : index
    %get3A_351 = arith.constant 0 : index
    %get3A_352 = vector.load %arg2[%get3A_349, %get3A_350, %get3A_351] : memref<1x512x2048xf32, #tpu.memory_space<vmem>>, vector<1x8x2048xf32>
    %get3A_353 = vector.shape_cast %get3A_352 : vector<1x8x2048xf32> to vector<8x2048xf32>
    %get3A_354 = arith.constant 104 : index
    %get3A_355 = arith.constant 0 : index
    %get3A_356 = vector.load %arg13[%get3A_354, %get3A_355] : memref<512x2048xf32, #tpu.memory_space<vmem>>, vector<8x2048xf32>
    %add3A_357 = arith.addf %get3A_353, %get3A_356 : vector<8x2048xf32>
    %add3A_358 = vector.broadcast %add3A_38 : vector<1x2048xf32> to vector<8x2048xf32>
    %add3A_359 = arith.addf %add3A_357, %add3A_358 : vector<8x2048xf32>
    %reduce_sum3A_360 = arith.constant dense<0.000000e+00> : vector<8xf32>
    %reduce_sum3A_361 = vector.multi_reduction <add>, %add3A_359, %reduce_sum3A_360 [1] : vector<8x2048xf32> to vector<8xf32>
    %broadcast_in_dim3A_362 = vector.shape_cast %reduce_sum3A_361 : vector<8xf32> to vector<8x1xf32>
    %swap3A_363 = arith.constant 104 : index
    %swap3A_364 = arith.constant 0 : index
    %swap3A_365 = vector.load %arg14[%swap3A_363, %swap3A_364] : memref<512x1xf32, #tpu.memory_space<vmem>>, vector<8x1xf32>
    tpu.vector_store %arg14[%swap3A_363, %swap3A_364], %broadcast_in_dim3A_362 {strides = array<i32>} : memref<512x1xf32, #tpu.memory_space<vmem>>, vector<8x1xf32>,
    %mul3A_366 = arith.mulf %add3A_359, %add3A_359 : vector<8x2048xf32>
    %reduce_sum3A_367 = arith.constant dense<0.000000e+00> : vector<8xf32>
    %reduce_sum3A_368 = vector.multi_reduction <add>, %mul3A_366, %reduce_sum3A_367 [1] : vector<8x2048xf32> to vector<8xf32>
    %broadcast_in_dim3A_369 = vector.shape_cast %reduce_sum3A_368 : vector<8xf32> to vector<8x1xf32>
    %swap3A_370 = arith.constant 104 : index
    %swap3A_371 = arith.constant 0 : index
    %swap3A_372 = vector.load %arg15[%swap3A_370, %swap3A_371] : memref<512x1xf32, #tpu.memory_space<vmem>>, vector<8x1xf32>
    tpu.vector_store %arg15[%swap3A_370, %swap3A_371], %broadcast_in_dim3A_369 {strides = array<i32>} : memref<512x1xf32, #tpu.memory_space<vmem>>, vector<8x1xf32>,
    %get3A_373 = arith.constant 0 : index
    %get3A_374 = arith.constant 112 : index
    %get3A_375 = arith.constant 0 : index
    %get3A_376 = vector.load %arg2[%get3A_373, %get3A_374, %get3A_375] : memref<1x512x2048xf32, #tpu.memory_space<vmem>>, vector<1x8x2048xf32>
    %get3A_377 = vector.shape_cast %get3A_376 : vector<1x8x2048xf32> to vector<8x2048xf32>
    %get3A_378 = arith.constant 112 : index
    %get3A_379 = arith.constant 0 : index
    %get3A_380 = vector.load %arg13[%get3A_378, %get3A_379] : memref<512x2048xf32, #tpu.memory_space<vmem>>, vector<8x2048xf32>
    %add3A_381 = arith.addf %get3A_377, %get3A_380 : vector<8x2048xf32>
    %add3A_382 = vector.broadcast %add3A_38 : vector<1x2048xf32> to vector<8x2048xf32>
    %add3A_383 = arith.addf %add3A_381, %add3A_382 : vector<8x2048xf32>
    %reduce_sum3A_384 = arith.constant dense<0.000000e+00> : vector<8xf32>
    %reduce_sum3A_385 = vector.multi_reduction <add>, %add3A_383, %reduce_sum3A_384 [1] : vector<8x2048xf32> to vector<8xf32>
    %broadcast_in_dim3A_386 = vector.shape_cast %reduce_sum3A_385 : vector<8xf32> to vector<8x1xf32>
    %swap3A_387 = arith.constant 112 : index
    %swap3A_388 = arith.constant 0 : index
    %swap3A_389 = vector.load %arg14[%swap3A_387, %swap3A_388] : memref<512x1xf32, #tpu.memory_space<vmem>>, vector<8x1xf32>
    tpu.vector_store %arg14[%swap3A_387, %swap3A_388], %broadcast_in_dim3A_386 {strides = array<i32>} : memref<512x1xf32, #tpu.memory_space<vmem>>, vector<8x1xf32>,
    %mul3A_390 = arith.mulf %add3A_383, %add3A_383 : vector<8x2048xf32>
    %reduce_sum3A_391 = arith.constant dense<0.000000e+00> : vector<8xf32>
    %reduce_sum3A_392 = vector.multi_reduction <add>, %mul3A_390, %reduce_sum3A_391 [1] : vector<8x2048xf32> to vector<8xf32>
    %broadcast_in_dim3A_393 = vector.shape_cast %reduce_sum3A_392 : vector<8xf32> to vector<8x1xf32>
    %swap3A_394 = arith.constant 112 : index
    %swap3A_395 = arith.constant 0 : index
    %swap3A_396 = vector.load %arg15[%swap3A_394, %swap3A_395] : memref<512x1xf32, #tpu.memory_space<vmem>>, vector<8x1xf32>
    tpu.vector_store %arg15[%swap3A_394, %swap3A_395], %broadcast_in_dim3A_393 {strides = array<i32>} : memref<512x1xf32, #tpu.memory_space<vmem>>, vector<8x1xf32>,
    %get3A_397 = arith.constant 0 : index
    %get3A_398 = arith.constant 120 : index
    %get3A_399 = arith.constant 0 : index
    %get3A_400 = vector.load %arg2[%get3A_397, %get3A_398, %get3A_399] : memref<1x512x2048xf32, #tpu.memory_space<vmem>>, vector<1x8x2048xf32>
    %get3A_401 = vector.shape_cast %get3A_400 : vector<1x8x2048xf32> to vector<8x2048xf32>
    %get3A_402 = arith.constant 120 : index
    %get3A_403 = arith.constant 0 : index
    %get3A_404 = vector.load %arg13[%get3A_402, %get3A_403] : memref<512x2048xf32, #tpu.memory_space<vmem>>, vector<8x2048xf32>
    %add3A_405 = arith.addf %get3A_401, %get3A_404 : vector<8x2048xf32>
    %add3A_406 = vector.broadcast %add3A_38 : vector<1x2048xf32> to vector<8x2048xf32>
    %add3A_407 = arith.addf %add3A_405, %add3A_406 : vector<8x2048xf32>
    %reduce_sum3A_408 = arith.constant dense<0.000000e+00> : vector<8xf32>
    %reduce_sum3A_409 = vector.multi_reduction <add>, %add3A_407, %reduce_sum3A_408 [1] : vector<8x2048xf32> to vector<8xf32>
    %broadcast_in_dim3A_410 = vector.shape_cast %reduce_sum3A_409 : vector<8xf32> to vector<8x1xf32>
    %swap3A_411 = arith.constant 120 : index
    %swap3A_412 = arith.constant 0 : index
    %swap3A_413 = vector.load %arg14[%swap3A_411, %swap3A_412] : memref<512x1xf32, #tpu.memory_space<vmem>>, vector<8x1xf32>
    tpu.vector_store %arg14[%swap3A_411, %swap3A_412], %broadcast_in_dim3A_410 {strides = array<i32>} : memref<512x1xf32, #tpu.memory_space<vmem>>, vector<8x1xf32>,
    %mul3A_414 = arith.mulf %add3A_407, %add3A_407 : vector<8x2048xf32>
    %reduce_sum3A_415 = arith.constant dense<0.000000e+00> : vector<8xf32>
    %reduce_sum3A_416 = vector.multi_reduction <add>, %mul3A_414, %reduce_sum3A_415 [1] : vector<8x2048xf32> to vector<8xf32>
    %broadcast_in_dim3A_417 = vector.shape_cast %reduce_sum3A_416 : vector<8xf32> to vector<8x1xf32>
    %swap3A_418 = arith.constant 120 : index
    %swap3A_419 = arith.constant 0 : index
    %swap3A_420 = vector.load %arg15[%swap3A_418, %swap3A_419] : memref<512x1xf32, #tpu.memory_space<vmem>>, vector<8x1xf32>
    tpu.vector_store %arg15[%swap3A_418, %swap3A_419], %broadcast_in_dim3A_417 {strides = array<i32>} : memref<512x1xf32, #tpu.memory_space<vmem>>, vector<8x1xf32>,
    %get3A_421 = arith.constant 0 : index
    %get3A_422 = arith.constant 128 : index
    %get3A_423 = arith.constant 0 : index
    %get3A_424 = vector.load %arg2[%get3A_421, %get3A_422, %get3A_423] : memref<1x512x2048xf32, #tpu.memory_space<vmem>>, vector<1x8x2048xf32>
    %get3A_425 = vector.shape_cast %get3A_424 : vector<1x8x2048xf32> to vector<8x2048xf32>
    %get3A_426 = arith.constant 128 : index
    %get3A_427 = arith.constant 0 : index
    %get3A_428 = vector.load %arg13[%get3A_426, %get3A_427] : memref<512x2048xf32, #tpu.memory_space<vmem>>, vector<8x2048xf32>
    %add3A_429 = arith.addf %get3A_425, %get3A_428 : vector<8x2048xf32>
    %add3A_430 = vector.broadcast %add3A_38 : vector<1x2048xf32> to vector<8x2048xf32>
    %add3A_431 = arith.addf %add3A_429, %add3A_430 : vector<8x2048xf32>
    %reduce_sum3A_432 = arith.constant dense<0.000000e+00> : vector<8xf32>
    %reduce_sum3A_433 = vector.multi_reduction <add>, %add3A_431, %reduce_sum3A_432 [1] : vector<8x2048xf32> to vector<8xf32>
    %broadcast_in_dim3A_434 = vector.shape_cast %reduce_sum3A_433 : vector<8xf32> to vector<8x1xf32>
    %swap3A_435 = arith.constant 128 : index
    %swap3A_436 = arith.constant 0 : index
    %swap3A_437 = vector.load %arg14[%swap3A_435, %swap3A_436] : memref<512x1xf32, #tpu.memory_space<vmem>>, vector<8x1xf32>
    tpu.vector_store %arg14[%swap3A_435, %swap3A_436], %broadcast_in_dim3A_434 {strides = array<i32>} : memref<512x1xf32, #tpu.memory_space<vmem>>, vector<8x1xf32>,
    %mul3A_438 = arith.mulf %add3A_431, %add3A_431 : vector<8x2048xf32>
    %reduce_sum3A_439 = arith.constant dense<0.000000e+00> : vector<8xf32>
    %reduce_sum3A_440 = vector.multi_reduction <add>, %mul3A_438, %reduce_sum3A_439 [1] : vector<8x2048xf32> to vector<8xf32>
    %broadcast_in_dim3A_441 = vector.shape_cast %reduce_sum3A_440 : vector<8xf32> to vector<8x1xf32>
    %swap3A_442 = arith.constant 128 : index
    %swap3A_443 = arith.constant 0 : index
    %swap3A_444 = vector.load %arg15[%swap3A_442, %swap3A_443] : memref<512x1xf32, #tpu.memory_space<vmem>>, vector<8x1xf32>
    tpu.vector_store %arg15[%swap3A_442, %swap3A_443], %broadcast_in_dim3A_441 {strides = array<i32>} : memref<512x1xf32, #tpu.memory_space<vmem>>, vector<8x1xf32>,
    %get3A_445 = arith.constant 0 : index
    %get3A_446 = arith.constant 136 : index
    %get3A_447 = arith.constant 0 : index
    %get3A_448 = vector.load %arg2[%get3A_445, %get3A_446, %get3A_447] : memref<1x512x2048xf32, #tpu.memory_space<vmem>>, vector<1x8x2048xf32>
    %get3A_449 = vector.shape_cast %get3A_448 : vector<1x8x2048xf32> to vector<8x2048xf32>
    %get3A_450 = arith.constant 136 : index
    %get3A_451 = arith.constant 0 : index
    %get3A_452 = vector.load %arg13[%get3A_450, %get3A_451] : memref<512x2048xf32, #tpu.memory_space<vmem>>, vector<8x2048xf32>
    %add3A_453 = arith.addf %get3A_449, %get3A_452 : vector<8x2048xf32>
    %add3A_454 = vector.broadcast %add3A_38 : vector<1x2048xf32> to vector<8x2048xf32>
    %add3A_455 = arith.addf %add3A_453, %add3A_454 : vector<8x2048xf32>
    %reduce_sum3A_456 = arith.constant dense<0.000000e+00> : vector<8xf32>
    %reduce_sum3A_457 = vector.multi_reduction <add>, %add3A_455, %reduce_sum3A_456 [1] : vector<8x2048xf32> to vector<8xf32>
    %broadcast_in_dim3A_458 = vector.shape_cast %reduce_sum3A_457 : vector<8xf32> to vector<8x1xf32>
    %swap3A_459 = arith.constant 136 : index
    %swap3A_460 = arith.constant 0 : index
    %swap3A_461 = vector.load %arg14[%swap3A_459, %swap3A_460] : memref<512x1xf32, #tpu.memory_space<vmem>>, vector<8x1xf32>
    tpu.vector_store %arg14[%swap3A_459, %swap3A_460], %broadcast_in_dim3A_458 {strides = array<i32>} : memref<512x1xf32, #tpu.memory_space<vmem>>, vector<8x1xf32>,
    %mul3A_462 = arith.mulf %add3A_455, %add3A_455 : vector<8x2048xf32>
    %reduce_sum3A_463 = arith.constant dense<0.000000e+00> : vector<8xf32>
    %reduce_sum3A_464 = vector.multi_reduction <add>, %mul3A_462, %reduce_sum3A_463 [1] : vector<8x2048xf32> to vector<8xf32>
    %broadcast_in_dim3A_465 = vector.shape_cast %reduce_sum3A_464 : vector<8xf32> to vector<8x1xf32>
    %swap3A_466 = arith.constant 136 : index
    %swap3A_467 = arith.constant 0 : index
    %swap3A_468 = vector.load %arg15[%swap3A_466, %swap3A_467] : memref<512x1xf32, #tpu.memory_space<vmem>>, vector<8x1xf32>
    tpu.vector_store %arg15[%swap3A_466, %swap3A_467], %broadcast_in_dim3A_465 {strides = array<i32>} : memref<512x1xf32, #tpu.memory_space<vmem>>, vector<8x1xf32>,
    %get3A_469 = arith.constant 0 : index
    %get3A_470 = arith.constant 144 : index
    %get3A_471 = arith.constant 0 : index
    %get3A_472 = vector.load %arg2[%get3A_469, %get3A_470, %get3A_471] : memref<1x512x2048xf32, #tpu.memory_space<vmem>>, vector<1x8x2048xf32>
    %get3A_473 = vector.shape_cast %get3A_472 : vector<1x8x2048xf32> to vector<8x2048xf32>
    %get3A_474 = arith.constant 144 : index
    %get3A_475 = arith.constant 0 : index
    %get3A_476 = vector.load %arg13[%get3A_474, %get3A_475] : memref<512x2048xf32, #tpu.memory_space<vmem>>, vector<8x2048xf32>
    %add3A_477 = arith.addf %get3A_473, %get3A_476 : vector<8x2048xf32>
    %add3A_478 = vector.broadcast %add3A_38 : vector<1x2048xf32> to vector<8x2048xf32>
    %add3A_479 = arith.addf %add3A_477, %add3A_478 : vector<8x2048xf32>
    %reduce_sum3A_480 = arith.constant dense<0.000000e+00> : vector<8xf32>
    %reduce_sum3A_481 = vector.multi_reduction <add>, %add3A_479, %reduce_sum3A_480 [1] : vector<8x2048xf32> to vector<8xf32>
    %broadcast_in_dim3A_482 = vector.shape_cast %reduce_sum3A_481 : vector<8xf32> to vector<8x1xf32>
    %swap3A_483 = arith.constant 144 : index
    %swap3A_484 = arith.constant 0 : index
    %swap3A_485 = vector.load %arg14[%swap3A_483, %swap3A_484] : memref<512x1xf32, #tpu.memory_space<vmem>>, vector<8x1xf32>
    tpu.vector_store %arg14[%swap3A_483, %swap3A_484], %broadcast_in_dim3A_482 {strides = array<i32>} : memref<512x1xf32, #tpu.memory_space<vmem>>, vector<8x1xf32>,
    %mul3A_486 = arith.mulf %add3A_479, %add3A_479 : vector<8x2048xf32>
    %reduce_sum3A_487 = arith.constant dense<0.000000e+00> : vector<8xf32>
    %reduce_sum3A_488 = vector.multi_reduction <add>, %mul3A_486, %reduce_sum3A_487 [1] : vector<8x2048xf32> to vector<8xf32>
    %broadcast_in_dim3A_489 = vector.shape_cast %reduce_sum3A_488 : vector<8xf32> to vector<8x1xf32>
    %swap3A_490 = arith.constant 144 : index
    %swap3A_491 = arith.constant 0 : index
    %swap3A_492 = vector.load %arg15[%swap3A_490, %swap3A_491] : memref<512x1xf32, #tpu.memory_space<vmem>>, vector<8x1xf32>
    tpu.vector_store %arg15[%swap3A_490, %swap3A_491], %broadcast_in_dim3A_489 {strides = array<i32>} : memref<512x1xf32, #tpu.memory_space<vmem>>, vector<8x1xf32>,
    %get3A_493 = arith.constant 0 : index
    %get3A_494 = arith.constant 152 : index
    %get3A_495 = arith.constant 0 : index
    %get3A_496 = vector.load %arg2[%get3A_493, %get3A_494, %get3A_495] : memref<1x512x2048xf32, #tpu.memory_space<vmem>>, vector<1x8x2048xf32>
    %get3A_497 = vector.shape_cast %get3A_496 : vector<1x8x2048xf32> to vector<8x2048xf32>
    %get3A_498 = arith.constant 152 : index
    %get3A_499 = arith.constant 0 : index
    %get3A_500 = vector.load %arg13[%get3A_498, %get3A_499] : memref<512x2048xf32, #tpu.memory_space<vmem>>, vector<8x2048xf32>
    %add3A_501 = arith.addf %get3A_497, %get3A_500 : vector<8x2048xf32>
    %add3A_502 = vector.broadcast %add3A_38 : vector<1x2048xf32> to vector<8x2048xf32>
    %add3A_503 = arith.addf %add3A_501, %add3A_502 : vector<8x2048xf32>
    %reduce_sum3A_504 = arith.constant dense<0.000000e+00> : vector<8xf32>
    %reduce_sum3A_505 = vector.multi_reduction <add>, %add3A_503, %reduce_sum3A_504 [1] : vector<8x2048xf32> to vector<8xf32>
    %broadcast_in_dim3A_506 = vector.shape_cast %reduce_sum3A_505 : vector<8xf32> to vector<8x1xf32>
    %swap3A_507 = arith.constant 152 : index
    %swap3A_508 = arith.constant 0 : index
    %swap3A_509 = vector.load %arg14[%swap3A_507, %swap3A_508] : memref<512x1xf32, #tpu.memory_space<vmem>>, vector<8x1xf32>
    tpu.vector_store %arg14[%swap3A_507, %swap3A_508], %broadcast_in_dim3A_506 {strides = array<i32>} : memref<512x1xf32, #tpu.memory_space<vmem>>, vector<8x1xf32>,
    %mul3A_510 = arith.mulf %add3A_503, %add3A_503 : vector<8x2048xf32>
    %reduce_sum3A_511 = arith.constant dense<0.000000e+00> : vector<8xf32>
    %reduce_sum3A_512 = vector.multi_reduction <add>, %mul3A_510, %reduce_sum3A_511 [1] : vector<8x2048xf32> to vector<8xf32>
    %broadcast_in_dim3A_513 = vector.shape_cast %reduce_sum3A_512 : vector<8xf32> to vector<8x1xf32>
    %swap3A_514 = arith.constant 152 : index
    %swap3A_515 = arith.constant 0 : index
    %swap3A_516 = vector.load %arg15[%swap3A_514, %swap3A_515] : memref<512x1xf32, #tpu.memory_space<vmem>>, vector<8x1xf32>
    tpu.vector_store %arg15[%swap3A_514, %swap3A_515], %broadcast_in_dim3A_513 {strides = array<i32>} : memref<512x1xf32, #tpu.memory_space<vmem>>, vector<8x1xf32>,
    %get3A_517 = arith.constant 0 : index
    %get3A_518 = arith.constant 160 : index
    %get3A_519 = arith.constant 0 : index
    %get3A_520 = vector.load %arg2[%get3A_517, %get3A_518, %get3A_519] : memref<1x512x2048xf32, #tpu.memory_space<vmem>>, vector<1x8x2048xf32>
    %get3A_521 = vector.shape_cast %get3A_520 : vector<1x8x2048xf32> to vector<8x2048xf32>
    %get3A_522 = arith.constant 160 : index
    %get3A_523 = arith.constant 0 : index
    %get3A_524 = vector.load %arg13[%get3A_522, %get3A_523] : memref<512x2048xf32, #tpu.memory_space<vmem>>, vector<8x2048xf32>
    %add3A_525 = arith.addf %get3A_521, %get3A_524 : vector<8x2048xf32>
    %add3A_526 = vector.broadcast %add3A_38 : vector<1x2048xf32> to vector<8x2048xf32>
    %add3A_527 = arith.addf %add3A_525, %add3A_526 : vector<8x2048xf32>
    %reduce_sum3A_528 = arith.constant dense<0.000000e+00> : vector<8xf32>
    %reduce_sum3A_529 = vector.multi_reduction <add>, %add3A_527, %reduce_sum3A_528 [1] : vector<8x2048xf32> to vector<8xf32>
    %broadcast_in_dim3A_530 = vector.shape_cast %reduce_sum3A_529 : vector<8xf32> to vector<8x1xf32>
    %swap3A_531 = arith.constant 160 : index
    %swap3A_532 = arith.constant 0 : index
    %swap3A_533 = vector.load %arg14[%swap3A_531, %swap3A_532] : memref<512x1xf32, #tpu.memory_space<vmem>>, vector<8x1xf32>
    tpu.vector_store %arg14[%swap3A_531, %swap3A_532], %broadcast_in_dim3A_530 {strides = array<i32>} : memref<512x1xf32, #tpu.memory_space<vmem>>, vector<8x1xf32>,
    %mul3A_534 = arith.mulf %add3A_527, %add3A_527 : vector<8x2048xf32>
    %reduce_sum3A_535 = arith.constant dense<0.000000e+00> : vector<8xf32>
    %reduce_sum3A_536 = vector.multi_reduction <add>, %mul3A_534, %reduce_sum3A_535 [1] : vector<8x2048xf32> to vector<8xf32>
    %broadcast_in_dim3A_537 = vector.shape_cast %reduce_sum3A_536 : vector<8xf32> to vector<8x1xf32>
    %swap3A_538 = arith.constant 160 : index
    %swap3A_539 = arith.constant 0 : index
    %swap3A_540 = vector.load %arg15[%swap3A_538, %swap3A_539] : memref<512x1xf32, #tpu.memory_space<vmem>>, vector<8x1xf32>
    tpu.vector_store %arg15[%swap3A_538, %swap3A_539], %broadcast_in_dim3A_537 {strides = array<i32>} : memref<512x1xf32, #tpu.memory_space<vmem>>, vector<8x1xf32>,
    %get3A_541 = arith.constant 0 : index
    %get3A_542 = arith.constant 168 : index
    %get3A_543 = arith.constant 0 : index
    %get3A_544 = vector.load %arg2[%get3A_541, %get3A_542, %get3A_543] : memref<1x512x2048xf32, #tpu.memory_space<vmem>>, vector<1x8x2048xf32>
    %get3A_545 = vector.shape_cast %get3A_544 : vector<1x8x2048xf32> to vector<8x2048xf32>
    %get3A_546 = arith.constant 168 : index
    %get3A_547 = arith.constant 0 : index
    %get3A_548 = vector.load %arg13[%get3A_546, %get3A_547] : memref<512x2048xf32, #tpu.memory_space<vmem>>, vector<8x2048xf32>
    %add3A_549 = arith.addf %get3A_545, %get3A_548 : vector<8x2048xf32>
    %add3A_550 = vector.broadcast %add3A_38 : vector<1x2048xf32> to vector<8x2048xf32>
    %add3A_551 = arith.addf %add3A_549, %add3A_550 : vector<8x2048xf32>
    %reduce_sum3A_552 = arith.constant dense<0.000000e+00> : vector<8xf32>
    %reduce_sum3A_553 = vector.multi_reduction <add>, %add3A_551, %reduce_sum3A_552 [1] : vector<8x2048xf32> to vector<8xf32>
    %broadcast_in_dim3A_554 = vector.shape_cast %reduce_sum3A_553 : vector<8xf32> to vector<8x1xf32>
    %swap3A_555 = arith.constant 168 : index
    %swap3A_556 = arith.constant 0 : index
    %swap3A_557 = vector.load %arg14[%swap3A_555, %swap3A_556] : memref<512x1xf32, #tpu.memory_space<vmem>>, vector<8x1xf32>
    tpu.vector_store %arg14[%swap3A_555, %swap3A_556], %broadcast_in_dim3A_554 {strides = array<i32>} : memref<512x1xf32, #tpu.memory_space<vmem>>, vector<8x1xf32>,
    %mul3A_558 = arith.mulf %add3A_551, %add3A_551 : vector<8x2048xf32>
    %reduce_sum3A_559 = arith.constant dense<0.000000e+00> : vector<8xf32>
    %reduce_sum3A_560 = vector.multi_reduction <add>, %mul3A_558, %reduce_sum3A_559 [1] : vector<8x2048xf32> to vector<8xf32>
    %broadcast_in_dim3A_561 = vector.shape_cast %reduce_sum3A_560 : vector<8xf32> to vector<8x1xf32>
    %swap3A_562 = arith.constant 168 : index
    %swap3A_563 = arith.constant 0 : index
    %swap3A_564 = vector.load %arg15[%swap3A_562, %swap3A_563] : memref<512x1xf32, #tpu.memory_space<vmem>>, vector<8x1xf32>
    tpu.vector_store %arg15[%swap3A_562, %swap3A_563], %broadcast_in_dim3A_561 {strides = array<i32>} : memref<512x1xf32, #tpu.memory_space<vmem>>, vector<8x1xf32>,
    %get3A_565 = arith.constant 0 : index
    %get3A_566 = arith.constant 176 : index
    %get3A_567 = arith.constant 0 : index
    %get3A_568 = vector.load %arg2[%get3A_565, %get3A_566, %get3A_567] : memref<1x512x2048xf32, #tpu.memory_space<vmem>>, vector<1x8x2048xf32>
    %get3A_569 = vector.shape_cast %get3A_568 : vector<1x8x2048xf32> to vector<8x2048xf32>
    %get3A_570 = arith.constant 176 : index
    %get3A_571 = arith.constant 0 : index
    %get3A_572 = vector.load %arg13[%get3A_570, %get3A_571] : memref<512x2048xf32, #tpu.memory_space<vmem>>, vector<8x2048xf32>
    %add3A_573 = arith.addf %get3A_569, %get3A_572 : vector<8x2048xf32>
    %add3A_574 = vector.broadcast %add3A_38 : vector<1x2048xf32> to vector<8x2048xf32>
    %add3A_575 = arith.addf %add3A_573, %add3A_574 : vector<8x2048xf32>
    %reduce_sum3A_576 = arith.constant dense<0.000000e+00> : vector<8xf32>
    %reduce_sum3A_577 = vector.multi_reduction <add>, %add3A_575, %reduce_sum3A_576 [1] : vector<8x2048xf32> to vector<8xf32>
    %broadcast_in_dim3A_578 = vector.shape_cast %reduce_sum3A_577 : vector<8xf32> to vector<8x1xf32>
    %swap3A_579 = arith.constant 176 : index
    %swap3A_580 = arith.constant 0 : index
    %swap3A_581 = vector.load %arg14[%swap3A_579, %swap3A_580] : memref<512x1xf32, #tpu.memory_space<vmem>>, vector<8x1xf32>
    tpu.vector_store %arg14[%swap3A_579, %swap3A_580], %broadcast_in_dim3A_578 {strides = array<i32>} : memref<512x1xf32, #tpu.memory_space<vmem>>, vector<8x1xf32>,
    %mul3A_582 = arith.mulf %add3A_575, %add3A_575 : vector<8x2048xf32>
    %reduce_sum3A_583 = arith.constant dense<0.000000e+00> : vector<8xf32>
    %reduce_sum3A_584 = vector.multi_reduction <add>, %mul3A_582, %reduce_sum3A_583 [1] : vector<8x2048xf32> to vector<8xf32>
    %broadcast_in_dim3A_585 = vector.shape_cast %reduce_sum3A_584 : vector<8xf32> to vector<8x1xf32>
    %swap3A_586 = arith.constant 176 : index
    %swap3A_587 = arith.constant 0 : index
    %swap3A_588 = vector.load %arg15[%swap3A_586, %swap3A_587] : memref<512x1xf32, #tpu.memory_space<vmem>>, vector<8x1xf32>
    tpu.vector_store %arg15[%swap3A_586, %swap3A_587], %broadcast_in_dim3A_585 {strides = array<i32>} : memref<512x1xf32, #tpu.memory_space<vmem>>, vector<8x1xf32>,
    %get3A_589 = arith.constant 0 : index
    %get3A_590 = arith.constant 184 : index
    %get3A_591 = arith.constant 0 : index
    %get3A_592 = vector.load %arg2[%get3A_589, %get3A_590, %get3A_591] : memref<1x512x2048xf32, #tpu.memory_space<vmem>>, vector<1x8x2048xf32>
    %get3A_593 = vector.shape_cast %get3A_592 : vector<1x8x2048xf32> to vector<8x2048xf32>
    %get3A_594 = arith.constant 184 : index
    %get3A_595 = arith.constant 0 : index
    %get3A_596 = vector.load %arg13[%get3A_594, %get3A_595] : memref<512x2048xf32, #tpu.memory_space<vmem>>, vector<8x2048xf32>
    %add3A_597 = arith.addf %get3A_593, %get3A_596 : vector<8x2048xf32>
    %add3A_598 = vector.broadcast %add3A_38 : vector<1x2048xf32> to vector<8x2048xf32>
    %add3A_599 = arith.addf %add3A_597, %add3A_598 : vector<8x2048xf32>
    %reduce_sum3A_600 = arith.constant dense<0.000000e+00> : vector<8xf32>
    %reduce_sum3A_601 = vector.multi_reduction <add>, %add3A_599, %reduce_sum3A_600 [1] : vector<8x2048xf32> to vector<8xf32>
    %broadcast_in_dim3A_602 = vector.shape_cast %reduce_sum3A_601 : vector<8xf32> to vector<8x1xf32>
    %swap3A_603 = arith.constant 184 : index
    %swap3A_604 = arith.constant 0 : index
    %swap3A_605 = vector.load %arg14[%swap3A_603, %swap3A_604] : memref<512x1xf32, #tpu.memory_space<vmem>>, vector<8x1xf32>
    tpu.vector_store %arg14[%swap3A_603, %swap3A_604], %broadcast_in_dim3A_602 {strides = array<i32>} : memref<512x1xf32, #tpu.memory_space<vmem>>, vector<8x1xf32>,
    %mul3A_606 = arith.mulf %add3A_599, %add3A_599 : vector<8x2048xf32>
    %reduce_sum3A_607 = arith.constant dense<0.000000e+00> : vector<8xf32>
    %reduce_sum3A_608 = vector.multi_reduction <add>, %mul3A_606, %reduce_sum3A_607 [1] : vector<8x2048xf32> to vector<8xf32>
    %broadcast_in_dim3A_609 = vector.shape_cast %reduce_sum3A_608 : vector<8xf32> to vector<8x1xf32>
    %swap3A_610 = arith.constant 184 : index
    %swap3A_611 = arith.constant 0 : index
    %swap3A_612 = vector.load %arg15[%swap3A_610, %swap3A_611] : memref<512x1xf32, #tpu.memory_space<vmem>>, vector<8x1xf32>
    tpu.vector_store %arg15[%swap3A_610, %swap3A_611], %broadcast_in_dim3A_609 {strides = array<i32>} : memref<512x1xf32, #tpu.memory_space<vmem>>, vector<8x1xf32>,
    %get3A_613 = arith.constant 0 : index
    %get3A_614 = arith.constant 192 : index
    %get3A_615 = arith.constant 0 : index
    %get3A_616 = vector.load %arg2[%get3A_613, %get3A_614, %get3A_615] : memref<1x512x2048xf32, #tpu.memory_space<vmem>>, vector<1x8x2048xf32>
    %get3A_617 = vector.shape_cast %get3A_616 : vector<1x8x2048xf32> to vector<8x2048xf32>
    %get3A_618 = arith.constant 192 : index
    %get3A_619 = arith.constant 0 : index
    %get3A_620 = vector.load %arg13[%get3A_618, %get3A_619] : memref<512x2048xf32, #tpu.memory_space<vmem>>, vector<8x2048xf32>
    %add3A_621 = arith.addf %get3A_617, %get3A_620 : vector<8x2048xf32>
    %add3A_622 = vector.broadcast %add3A_38 : vector<1x2048xf32> to vector<8x2048xf32>
    %add3A_623 = arith.addf %add3A_621, %add3A_622 : vector<8x2048xf32>
    %reduce_sum3A_624 = arith.constant dense<0.000000e+00> : vector<8xf32>
    %reduce_sum3A_625 = vector.multi_reduction <add>, %add3A_623, %reduce_sum3A_624 [1] : vector<8x2048xf32> to vector<8xf32>
    %broadcast_in_dim3A_626 = vector.shape_cast %reduce_sum3A_625 : vector<8xf32> to vector<8x1xf32>
    %swap3A_627 = arith.constant 192 : index
    %swap3A_628 = arith.constant 0 : index
    %swap3A_629 = vector.load %arg14[%swap3A_627, %swap3A_628] : memref<512x1xf32, #tpu.memory_space<vmem>>, vector<8x1xf32>
    tpu.vector_store %arg14[%swap3A_627, %swap3A_628], %broadcast_in_dim3A_626 {strides = array<i32>} : memref<512x1xf32, #tpu.memory_space<vmem>>, vector<8x1xf32>,
    %mul3A_630 = arith.mulf %add3A_623, %add3A_623 : vector<8x2048xf32>
    %reduce_sum3A_631 = arith.constant dense<0.000000e+00> : vector<8xf32>
    %reduce_sum3A_632 = vector.multi_reduction <add>, %mul3A_630, %reduce_sum3A_631 [1] : vector<8x2048xf32> to vector<8xf32>
    %broadcast_in_dim3A_633 = vector.shape_cast %reduce_sum3A_632 : vector<8xf32> to vector<8x1xf32>
    %swap3A_634 = arith.constant 192 : index
    %swap3A_635 = arith.constant 0 : index
    %swap3A_636 = vector.load %arg15[%swap3A_634, %swap3A_635] : memref<512x1xf32, #tpu.memory_space<vmem>>, vector<8x1xf32>
    tpu.vector_store %arg15[%swap3A_634, %swap3A_635], %broadcast_in_dim3A_633 {strides = array<i32>} : memref<512x1xf32, #tpu.memory_space<vmem>>, vector<8x1xf32>,
    %get3A_637 = arith.constant 0 : index
    %get3A_638 = arith.constant 200 : index
    %get3A_639 = arith.constant 0 : index
    %get3A_640 = vector.load %arg2[%get3A_637, %get3A_638, %get3A_639] : memref<1x512x2048xf32, #tpu.memory_space<vmem>>, vector<1x8x2048xf32>
    %get3A_641 = vector.shape_cast %get3A_640 : vector<1x8x2048xf32> to vector<8x2048xf32>
    %get3A_642 = arith.constant 200 : index
    %get3A_643 = arith.constant 0 : index
    %get3A_644 = vector.load %arg13[%get3A_642, %get3A_643] : memref<512x2048xf32, #tpu.memory_space<vmem>>, vector<8x2048xf32>
    %add3A_645 = arith.addf %get3A_641, %get3A_644 : vector<8x2048xf32>
    %add3A_646 = vector.broadcast %add3A_38 : vector<1x2048xf32> to vector<8x2048xf32>
    %add3A_647 = arith.addf %add3A_645, %add3A_646 : vector<8x2048xf32>
    %reduce_sum3A_648 = arith.constant dense<0.000000e+00> : vector<8xf32>
    %reduce_sum3A_649 = vector.multi_reduction <add>, %add3A_647, %reduce_sum3A_648 [1] : vector<8x2048xf32> to vector<8xf32>
    %broadcast_in_dim3A_650 = vector.shape_cast %reduce_sum3A_649 : vector<8xf32> to vector<8x1xf32>
    %swap3A_651 = arith.constant 200 : index
    %swap3A_652 = arith.constant 0 : index
    %swap3A_653 = vector.load %arg14[%swap3A_651, %swap3A_652] : memref<512x1xf32, #tpu.memory_space<vmem>>, vector<8x1xf32>
    tpu.vector_store %arg14[%swap3A_651, %swap3A_652], %broadcast_in_dim3A_650 {strides = array<i32>} : memref<512x1xf32, #tpu.memory_space<vmem>>, vector<8x1xf32>,
    %mul3A_654 = arith.mulf %add3A_647, %add3A_647 : vector<8x2048xf32>
    %reduce_sum3A_655 = arith.constant dense<0.000000e+00> : vector<8xf32>
    %reduce_sum3A_656 = vector.multi_reduction <add>, %mul3A_654, %reduce_sum3A_655 [1] : vector<8x2048xf32> to vector<8xf32>
    %broadcast_in_dim3A_657 = vector.shape_cast %reduce_sum3A_656 : vector<8xf32> to vector<8x1xf32>
    %swap3A_658 = arith.constant 200 : index
    %swap3A_659 = arith.constant 0 : index
    %swap3A_660 = vector.load %arg15[%swap3A_658, %swap3A_659] : memref<512x1xf32, #tpu.memory_space<vmem>>, vector<8x1xf32>
    tpu.vector_store %arg15[%swap3A_658, %swap3A_659], %broadcast_in_dim3A_657 {strides = array<i32>} : memref<512x1xf32, #tpu.memory_space<vmem>>, vector<8x1xf32>,
    %get3A_661 = arith.constant 0 : index
    %get3A_662 = arith.constant 208 : index
    %get3A_663 = arith.constant 0 : index
    %get3A_664 = vector.load %arg2[%get3A_661, %get3A_662, %get3A_663] : memref<1x512x2048xf32, #tpu.memory_space<vmem>>, vector<1x8x2048xf32>
    %get3A_665 = vector.shape_cast %get3A_664 : vector<1x8x2048xf32> to vector<8x2048xf32>
    %get3A_666 = arith.constant 208 : index
    %get3A_667 = arith.constant 0 : index
    %get3A_668 = vector.load %arg13[%get3A_666, %get3A_667] : memref<512x2048xf32, #tpu.memory_space<vmem>>, vector<8x2048xf32>
    %add3A_669 = arith.addf %get3A_665, %get3A_668 : vector<8x2048xf32>
    %add3A_670 = vector.broadcast %add3A_38 : vector<1x2048xf32> to vector<8x2048xf32>
    %add3A_671 = arith.addf %add3A_669, %add3A_670 : vector<8x2048xf32>
    %reduce_sum3A_672 = arith.constant dense<0.000000e+00> : vector<8xf32>
    %reduce_sum3A_673 = vector.multi_reduction <add>, %add3A_671, %reduce_sum3A_672 [1] : vector<8x2048xf32> to vector<8xf32>
    %broadcast_in_dim3A_674 = vector.shape_cast %reduce_sum3A_673 : vector<8xf32> to vector<8x1xf32>
    %swap3A_675 = arith.constant 208 : index
    %swap3A_676 = arith.constant 0 : index
    %swap3A_677 = vector.load %arg14[%swap3A_675, %swap3A_676] : memref<512x1xf32, #tpu.memory_space<vmem>>, vector<8x1xf32>
    tpu.vector_store %arg14[%swap3A_675, %swap3A_676], %broadcast_in_dim3A_674 {strides = array<i32>} : memref<512x1xf32, #tpu.memory_space<vmem>>, vector<8x1xf32>,
    %mul3A_678 = arith.mulf %add3A_671, %add3A_671 : vector<8x2048xf32>
    %reduce_sum3A_679 = arith.constant dense<0.000000e+00> : vector<8xf32>
    %reduce_sum3A_680 = vector.multi_reduction <add>, %mul3A_678, %reduce_sum3A_679 [1] : vector<8x2048xf32> to vector<8xf32>
    %broadcast_in_dim3A_681 = vector.shape_cast %reduce_sum3A_680 : vector<8xf32> to vector<8x1xf32>
    %swap3A_682 = arith.constant 208 : index
    %swap3A_683 = arith.constant 0 : index
    %swap3A_684 = vector.load %arg15[%swap3A_682, %swap3A_683] : memref<512x1xf32, #tpu.memory_space<vmem>>, vector<8x1xf32>
    tpu.vector_store %arg15[%swap3A_682, %swap3A_683], %broadcast_in_dim3A_681 {strides = array<i32>} : memref<512x1xf32, #tpu.memory_space<vmem>>, vector<8x1xf32>,
    %get3A_685 = arith.constant 0 : index
    %get3A_686 = arith.constant 216 : index
    %get3A_687 = arith.constant 0 : index
    %get3A_688 = vector.load %arg2[%get3A_685, %get3A_686, %get3A_687] : memref<1x512x2048xf32, #tpu.memory_space<vmem>>, vector<1x8x2048xf32>
    %get3A_689 = vector.shape_cast %get3A_688 : vector<1x8x2048xf32> to vector<8x2048xf32>
    %get3A_690 = arith.constant 216 : index
    %get3A_691 = arith.constant 0 : index
    %get3A_692 = vector.load %arg13[%get3A_690, %get3A_691] : memref<512x2048xf32, #tpu.memory_space<vmem>>, vector<8x2048xf32>
    %add3A_693 = arith.addf %get3A_689, %get3A_692 : vector<8x2048xf32>
    %add3A_694 = vector.broadcast %add3A_38 : vector<1x2048xf32> to vector<8x2048xf32>
    %add3A_695 = arith.addf %add3A_693, %add3A_694 : vector<8x2048xf32>
    %reduce_sum3A_696 = arith.constant dense<0.000000e+00> : vector<8xf32>
    %reduce_sum3A_697 = vector.multi_reduction <add>, %add3A_695, %reduce_sum3A_696 [1] : vector<8x2048xf32> to vector<8xf32>
    %broadcast_in_dim3A_698 = vector.shape_cast %reduce_sum3A_697 : vector<8xf32> to vector<8x1xf32>
    %swap3A_699 = arith.constant 216 : index
    %swap3A_700 = arith.constant 0 : index
    %swap3A_701 = vector.load %arg14[%swap3A_699, %swap3A_700] : memref<512x1xf32, #tpu.memory_space<vmem>>, vector<8x1xf32>
    tpu.vector_store %arg14[%swap3A_699, %swap3A_700], %broadcast_in_dim3A_698 {strides = array<i32>} : memref<512x1xf32, #tpu.memory_space<vmem>>, vector<8x1xf32>,
    %mul3A_702 = arith.mulf %add3A_695, %add3A_695 : vector<8x2048xf32>
    %reduce_sum3A_703 = arith.constant dense<0.000000e+00> : vector<8xf32>
    %reduce_sum3A_704 = vector.multi_reduction <add>, %mul3A_702, %reduce_sum3A_703 [1] : vector<8x2048xf32> to vector<8xf32>
    %broadcast_in_dim3A_705 = vector.shape_cast %reduce_sum3A_704 : vector<8xf32> to vector<8x1xf32>
    %swap3A_706 = arith.constant 216 : index
    %swap3A_707 = arith.constant 0 : index
    %swap3A_708 = vector.load %arg15[%swap3A_706, %swap3A_707] : memref<512x1xf32, #tpu.memory_space<vmem>>, vector<8x1xf32>
    tpu.vector_store %arg15[%swap3A_706, %swap3A_707], %broadcast_in_dim3A_705 {strides = array<i32>} : memref<512x1xf32, #tpu.memory_space<vmem>>, vector<8x1xf32>,
    %get3A_709 = arith.constant 0 : index
    %get3A_710 = arith.constant 224 : index
    %get3A_711 = arith.constant 0 : index
    %get3A_712 = vector.load %arg2[%get3A_709, %get3A_710, %get3A_711] : memref<1x512x2048xf32, #tpu.memory_space<vmem>>, vector<1x8x2048xf32>
    %get3A_713 = vector.shape_cast %get3A_712 : vector<1x8x2048xf32> to vector<8x2048xf32>
    %get3A_714 = arith.constant 224 : index
    %get3A_715 = arith.constant 0 : index
    %get3A_716 = vector.load %arg13[%get3A_714, %get3A_715] : memref<512x2048xf32, #tpu.memory_space<vmem>>, vector<8x2048xf32>
    %add3A_717 = arith.addf %get3A_713, %get3A_716 : vector<8x2048xf32>
    %add3A_718 = vector.broadcast %add3A_38 : vector<1x2048xf32> to vector<8x2048xf32>
    %add3A_719 = arith.addf %add3A_717, %add3A_718 : vector<8x2048xf32>
    %reduce_sum3A_720 = arith.constant dense<0.000000e+00> : vector<8xf32>
    %reduce_sum3A_721 = vector.multi_reduction <add>, %add3A_719, %reduce_sum3A_720 [1] : vector<8x2048xf32> to vector<8xf32>
    %broadcast_in_dim3A_722 = vector.shape_cast %reduce_sum3A_721 : vector<8xf32> to vector<8x1xf32>
    %swap3A_723 = arith.constant 224 : index
    %swap3A_724 = arith.constant 0 : index
    %swap3A_725 = vector.load %arg14[%swap3A_723, %swap3A_724] : memref<512x1xf32, #tpu.memory_space<vmem>>, vector<8x1xf32>
    tpu.vector_store %arg14[%swap3A_723, %swap3A_724], %broadcast_in_dim3A_722 {strides = array<i32>} : memref<512x1xf32, #tpu.memory_space<vmem>>, vector<8x1xf32>,
    %mul3A_726 = arith.mulf %add3A_719, %add3A_719 : vector<8x2048xf32>
    %reduce_sum3A_727 = arith.constant dense<0.000000e+00> : vector<8xf32>
    %reduce_sum3A_728 = vector.multi_reduction <add>, %mul3A_726, %reduce_sum3A_727 [1] : vector<8x2048xf32> to vector<8xf32>
    %broadcast_in_dim3A_729 = vector.shape_cast %reduce_sum3A_728 : vector<8xf32> to vector<8x1xf32>
    %swap3A_730 = arith.constant 224 : index
    %swap3A_731 = arith.constant 0 : index
    %swap3A_732 = vector.load %arg15[%swap3A_730, %swap3A_731] : memref<512x1xf32, #tpu.memory_space<vmem>>, vector<8x1xf32>
    tpu.vector_store %arg15[%swap3A_730, %swap3A_731], %broadcast_in_dim3A_729 {strides = array<i32>} : memref<512x1xf32, #tpu.memory_space<vmem>>, vector<8x1xf32>,
    %get3A_733 = arith.constant 0 : index
    %get3A_734 = arith.constant 232 : index
    %get3A_735 = arith.constant 0 : index
    %get3A_736 = vector.load %arg2[%get3A_733, %get3A_734, %get3A_735] : memref<1x512x2048xf32, #tpu.memory_space<vmem>>, vector<1x8x2048xf32>
    %get3A_737 = vector.shape_cast %get3A_736 : vector<1x8x2048xf32> to vector<8x2048xf32>
    %get3A_738 = arith.constant 232 : index
    %get3A_739 = arith.constant 0 : index
    %get3A_740 = vector.load %arg13[%get3A_738, %get3A_739] : memref<512x2048xf32, #tpu.memory_space<vmem>>, vector<8x2048xf32>
    %add3A_741 = arith.addf %get3A_737, %get3A_740 : vector<8x2048xf32>
    %add3A_742 = vector.broadcast %add3A_38 : vector<1x2048xf32> to vector<8x2048xf32>
    %add3A_743 = arith.addf %add3A_741, %add3A_742 : vector<8x2048xf32>
    %reduce_sum3A_744 = arith.constant dense<0.000000e+00> : vector<8xf32>
    %reduce_sum3A_745 = vector.multi_reduction <add>, %add3A_743, %reduce_sum3A_744 [1] : vector<8x2048xf32> to vector<8xf32>
    %broadcast_in_dim3A_746 = vector.shape_cast %reduce_sum3A_745 : vector<8xf32> to vector<8x1xf32>
    %swap3A_747 = arith.constant 232 : index
    %swap3A_748 = arith.constant 0 : index
    %swap3A_749 = vector.load %arg14[%swap3A_747, %swap3A_748] : memref<512x1xf32, #tpu.memory_space<vmem>>, vector<8x1xf32>
    tpu.vector_store %arg14[%swap3A_747, %swap3A_748], %broadcast_in_dim3A_746 {strides = array<i32>} : memref<512x1xf32, #tpu.memory_space<vmem>>, vector<8x1xf32>,
    %mul3A_750 = arith.mulf %add3A_743, %add3A_743 : vector<8x2048xf32>
    %reduce_sum3A_751 = arith.constant dense<0.000000e+00> : vector<8xf32>
    %reduce_sum3A_752 = vector.multi_reduction <add>, %mul3A_750, %reduce_sum3A_751 [1] : vector<8x2048xf32> to vector<8xf32>
    %broadcast_in_dim3A_753 = vector.shape_cast %reduce_sum3A_752 : vector<8xf32> to vector<8x1xf32>
    %swap3A_754 = arith.constant 232 : index
    %swap3A_755 = arith.constant 0 : index
    %swap3A_756 = vector.load %arg15[%swap3A_754, %swap3A_755] : memref<512x1xf32, #tpu.memory_space<vmem>>, vector<8x1xf32>
    tpu.vector_store %arg15[%swap3A_754, %swap3A_755], %broadcast_in_dim3A_753 {strides = array<i32>} : memref<512x1xf32, #tpu.memory_space<vmem>>, vector<8x1xf32>,
    %get3A_757 = arith.constant 0 : index
    %get3A_758 = arith.constant 240 : index
    %get3A_759 = arith.constant 0 : index
    %get3A_760 = vector.load %arg2[%get3A_757, %get3A_758, %get3A_759] : memref<1x512x2048xf32, #tpu.memory_space<vmem>>, vector<1x8x2048xf32>
    %get3A_761 = vector.shape_cast %get3A_760 : vector<1x8x2048xf32> to vector<8x2048xf32>
    %get3A_762 = arith.constant 240 : index
    %get3A_763 = arith.constant 0 : index
    %get3A_764 = vector.load %arg13[%get3A_762, %get3A_763] : memref<512x2048xf32, #tpu.memory_space<vmem>>, vector<8x2048xf32>
    %add3A_765 = arith.addf %get3A_761, %get3A_764 : vector<8x2048xf32>
    %add3A_766 = vector.broadcast %add3A_38 : vector<1x2048xf32> to vector<8x2048xf32>
    %add3A_767 = arith.addf %add3A_765, %add3A_766 : vector<8x2048xf32>
    %reduce_sum3A_768 = arith.constant dense<0.000000e+00> : vector<8xf32>
    %reduce_sum3A_769 = vector.multi_reduction <add>, %add3A_767, %reduce_sum3A_768 [1] : vector<8x2048xf32> to vector<8xf32>
    %broadcast_in_dim3A_770 = vector.shape_cast %reduce_sum3A_769 : vector<8xf32> to vector<8x1xf32>
    %swap3A_771 = arith.constant 240 : index
    %swap3A_772 = arith.constant 0 : index
    %swap3A_773 = vector.load %arg14[%swap3A_771, %swap3A_772] : memref<512x1xf32, #tpu.memory_space<vmem>>, vector<8x1xf32>
    tpu.vector_store %arg14[%swap3A_771, %swap3A_772], %broadcast_in_dim3A_770 {strides = array<i32>} : memref<512x1xf32, #tpu.memory_space<vmem>>, vector<8x1xf32>,
    %mul3A_774 = arith.mulf %add3A_767, %add3A_767 : vector<8x2048xf32>
    %reduce_sum3A_775 = arith.constant dense<0.000000e+00> : vector<8xf32>
    %reduce_sum3A_776 = vector.multi_reduction <add>, %mul3A_774, %reduce_sum3A_775 [1] : vector<8x2048xf32> to vector<8xf32>
    %broadcast_in_dim3A_777 = vector.shape_cast %reduce_sum3A_776 : vector<8xf32> to vector<8x1xf32>
    %swap3A_778 = arith.constant 240 : index
    %swap3A_779 = arith.constant 0 : index
    %swap3A_780 = vector.load %arg15[%swap3A_778, %swap3A_779] : memref<512x1xf32, #tpu.memory_space<vmem>>, vector<8x1xf32>
    tpu.vector_store %arg15[%swap3A_778, %swap3A_779], %broadcast_in_dim3A_777 {strides = array<i32>} : memref<512x1xf32, #tpu.memory_space<vmem>>, vector<8x1xf32>,
    %get3A_781 = arith.constant 0 : index
    %get3A_782 = arith.constant 248 : index
    %get3A_783 = arith.constant 0 : index
    %get3A_784 = vector.load %arg2[%get3A_781, %get3A_782, %get3A_783] : memref<1x512x2048xf32, #tpu.memory_space<vmem>>, vector<1x8x2048xf32>
    %get3A_785 = vector.shape_cast %get3A_784 : vector<1x8x2048xf32> to vector<8x2048xf32>
    %get3A_786 = arith.constant 248 : index
    %get3A_787 = arith.constant 0 : index
    %get3A_788 = vector.load %arg13[%get3A_786, %get3A_787] : memref<512x2048xf32, #tpu.memory_space<vmem>>, vector<8x2048xf32>
    %add3A_789 = arith.addf %get3A_785, %get3A_788 : vector<8x2048xf32>
    %add3A_790 = vector.broadcast %add3A_38 : vector<1x2048xf32> to vector<8x2048xf32>
    %add3A_791 = arith.addf %add3A_789, %add3A_790 : vector<8x2048xf32>
    %reduce_sum3A_792 = arith.constant dense<0.000000e+00> : vector<8xf32>
    %reduce_sum3A_793 = vector.multi_reduction <add>, %add3A_791, %reduce_sum3A_792 [1] : vector<8x2048xf32> to vector<8xf32>
    %broadcast_in_dim3A_794 = vector.shape_cast %reduce_sum3A_793 : vector<8xf32> to vector<8x1xf32>
    %swap3A_795 = arith.constant 248 : index
    %swap3A_796 = arith.constant 0 : index
    %swap3A_797 = vector.load %arg14[%swap3A_795, %swap3A_796] : memref<512x1xf32, #tpu.memory_space<vmem>>, vector<8x1xf32>
    tpu.vector_store %arg14[%swap3A_795, %swap3A_796], %broadcast_in_dim3A_794 {strides = array<i32>} : memref<512x1xf32, #tpu.memory_space<vmem>>, vector<8x1xf32>,
    %mul3A_798 = arith.mulf %add3A_791, %add3A_791 : vector<8x2048xf32>
    %reduce_sum3A_799 = arith.constant dense<0.000000e+00> : vector<8xf32>
    %reduce_sum3A_800 = vector.multi_reduction <add>, %mul3A_798, %reduce_sum3A_799 [1] : vector<8x2048xf32> to vector<8xf32>
    %broadcast_in_dim3A_801 = vector.shape_cast %reduce_sum3A_800 : vector<8xf32> to vector<8x1xf32>
    %swap3A_802 = arith.constant 248 : index
    %swap3A_803 = arith.constant 0 : index
    %swap3A_804 = vector.load %arg15[%swap3A_802, %swap3A_803] : memref<512x1xf32, #tpu.memory_space<vmem>>, vector<8x1xf32>
    tpu.vector_store %arg15[%swap3A_802, %swap3A_803], %broadcast_in_dim3A_801 {strides = array<i32>} : memref<512x1xf32, #tpu.memory_space<vmem>>, vector<8x1xf32>,
    %get3A_805 = arith.constant 0 : index
    %get3A_806 = arith.constant 256 : index
    %get3A_807 = arith.constant 0 : index
    %get3A_808 = vector.load %arg2[%get3A_805, %get3A_806, %get3A_807] : memref<1x512x2048xf32, #tpu.memory_space<vmem>>, vector<1x8x2048xf32>
    %get3A_809 = vector.shape_cast %get3A_808 : vector<1x8x2048xf32> to vector<8x2048xf32>
    %get3A_810 = arith.constant 256 : index
    %get3A_811 = arith.constant 0 : index
    %get3A_812 = vector.load %arg13[%get3A_810, %get3A_811] : memref<512x2048xf32, #tpu.memory_space<vmem>>, vector<8x2048xf32>
    %add3A_813 = arith.addf %get3A_809, %get3A_812 : vector<8x2048xf32>
    %add3A_814 = vector.broadcast %add3A_38 : vector<1x2048xf32> to vector<8x2048xf32>
    %add3A_815 = arith.addf %add3A_813, %add3A_814 : vector<8x2048xf32>
    %reduce_sum3A_816 = arith.constant dense<0.000000e+00> : vector<8xf32>
    %reduce_sum3A_817 = vector.multi_reduction <add>, %add3A_815, %reduce_sum3A_816 [1] : vector<8x2048xf32> to vector<8xf32>
    %broadcast_in_dim3A_818 = vector.shape_cast %reduce_sum3A_817 : vector<8xf32> to vector<8x1xf32>
    %swap3A_819 = arith.constant 256 : index
    %swap3A_820 = arith.constant 0 : index
    %swap3A_821 = vector.load %arg14[%swap3A_819, %swap3A_820] : memref<512x1xf32, #tpu.memory_space<vmem>>, vector<8x1xf32>
    tpu.vector_store %arg14[%swap3A_819, %swap3A_820], %broadcast_in_dim3A_818 {strides = array<i32>} : memref<512x1xf32, #tpu.memory_space<vmem>>, vector<8x1xf32>,
    %mul3A_822 = arith.mulf %add3A_815, %add3A_815 : vector<8x2048xf32>
    %reduce_sum3A_823 = arith.constant dense<0.000000e+00> : vector<8xf32>
    %reduce_sum3A_824 = vector.multi_reduction <add>, %mul3A_822, %reduce_sum3A_823 [1] : vector<8x2048xf32> to vector<8xf32>
    %broadcast_in_dim3A_825 = vector.shape_cast %reduce_sum3A_824 : vector<8xf32> to vector<8x1xf32>
    %swap3A_826 = arith.constant 256 : index
    %swap3A_827 = arith.constant 0 : index
    %swap3A_828 = vector.load %arg15[%swap3A_826, %swap3A_827] : memref<512x1xf32, #tpu.memory_space<vmem>>, vector<8x1xf32>
    tpu.vector_store %arg15[%swap3A_826, %swap3A_827], %broadcast_in_dim3A_825 {strides = array<i32>} : memref<512x1xf32, #tpu.memory_space<vmem>>, vector<8x1xf32>,
    %get3A_829 = arith.constant 0 : index
    %get3A_830 = arith.constant 264 : index
    %get3A_831 = arith.constant 0 : index
    %get3A_832 = vector.load %arg2[%get3A_829, %get3A_830, %get3A_831] : memref<1x512x2048xf32, #tpu.memory_space<vmem>>, vector<1x8x2048xf32>
    %get3A_833 = vector.shape_cast %get3A_832 : vector<1x8x2048xf32> to vector<8x2048xf32>
    %get3A_834 = arith.constant 264 : index
    %get3A_835 = arith.constant 0 : index
    %get3A_836 = vector.load %arg13[%get3A_834, %get3A_835] : memref<512x2048xf32, #tpu.memory_space<vmem>>, vector<8x2048xf32>
    %add3A_837 = arith.addf %get3A_833, %get3A_836 : vector<8x2048xf32>
    %add3A_838 = vector.broadcast %add3A_38 : vector<1x2048xf32> to vector<8x2048xf32>
    %add3A_839 = arith.addf %add3A_837, %add3A_838 : vector<8x2048xf32>
    %reduce_sum3A_840 = arith.constant dense<0.000000e+00> : vector<8xf32>
    %reduce_sum3A_841 = vector.multi_reduction <add>, %add3A_839, %reduce_sum3A_840 [1] : vector<8x2048xf32> to vector<8xf32>
    %broadcast_in_dim3A_842 = vector.shape_cast %reduce_sum3A_841 : vector<8xf32> to vector<8x1xf32>
    %swap3A_843 = arith.constant 264 : index
    %swap3A_844 = arith.constant 0 : index
    %swap3A_845 = vector.load %arg14[%swap3A_843, %swap3A_844] : memref<512x1xf32, #tpu.memory_space<vmem>>, vector<8x1xf32>
    tpu.vector_store %arg14[%swap3A_843, %swap3A_844], %broadcast_in_dim3A_842 {strides = array<i32>} : memref<512x1xf32, #tpu.memory_space<vmem>>, vector<8x1xf32>,
    %mul3A_846 = arith.mulf %add3A_839, %add3A_839 : vector<8x2048xf32>
    %reduce_sum3A_847 = arith.constant dense<0.000000e+00> : vector<8xf32>
    %reduce_sum3A_848 = vector.multi_reduction <add>, %mul3A_846, %reduce_sum3A_847 [1] : vector<8x2048xf32> to vector<8xf32>
    %broadcast_in_dim3A_849 = vector.shape_cast %reduce_sum3A_848 : vector<8xf32> to vector<8x1xf32>
    %swap3A_850 = arith.constant 264 : index
    %swap3A_851 = arith.constant 0 : index
    %swap3A_852 = vector.load %arg15[%swap3A_850, %swap3A_851] : memref<512x1xf32, #tpu.memory_space<vmem>>, vector<8x1xf32>
    tpu.vector_store %arg15[%swap3A_850, %swap3A_851], %broadcast_in_dim3A_849 {strides = array<i32>} : memref<512x1xf32, #tpu.memory_space<vmem>>, vector<8x1xf32>,
    %get3A_853 = arith.constant 0 : index
    %get3A_854 = arith.constant 272 : index
    %get3A_855 = arith.constant 0 : index
    %get3A_856 = vector.load %arg2[%get3A_853, %get3A_854, %get3A_855] : memref<1x512x2048xf32, #tpu.memory_space<vmem>>, vector<1x8x2048xf32>
    %get3A_857 = vector.shape_cast %get3A_856 : vector<1x8x2048xf32> to vector<8x2048xf32>
    %get3A_858 = arith.constant 272 : index
    %get3A_859 = arith.constant 0 : index
    %get3A_860 = vector.load %arg13[%get3A_858, %get3A_859] : memref<512x2048xf32, #tpu.memory_space<vmem>>, vector<8x2048xf32>
    %add3A_861 = arith.addf %get3A_857, %get3A_860 : vector<8x2048xf32>
    %add3A_862 = vector.broadcast %add3A_38 : vector<1x2048xf32> to vector<8x2048xf32>
    %add3A_863 = arith.addf %add3A_861, %add3A_862 : vector<8x2048xf32>
    %reduce_sum3A_864 = arith.constant dense<0.000000e+00> : vector<8xf32>
    %reduce_sum3A_865 = vector.multi_reduction <add>, %add3A_863, %reduce_sum3A_864 [1] : vector<8x2048xf32> to vector<8xf32>
    %broadcast_in_dim3A_866 = vector.shape_cast %reduce_sum3A_865 : vector<8xf32> to vector<8x1xf32>
    %swap3A_867 = arith.constant 272 : index
    %swap3A_868 = arith.constant 0 : index
    %swap3A_869 = vector.load %arg14[%swap3A_867, %swap3A_868] : memref<512x1xf32, #tpu.memory_space<vmem>>, vector<8x1xf32>
    tpu.vector_store %arg14[%swap3A_867, %swap3A_868], %broadcast_in_dim3A_866 {strides = array<i32>} : memref<512x1xf32, #tpu.memory_space<vmem>>, vector<8x1xf32>,
    %mul3A_870 = arith.mulf %add3A_863, %add3A_863 : vector<8x2048xf32>
    %reduce_sum3A_871 = arith.constant dense<0.000000e+00> : vector<8xf32>
    %reduce_sum3A_872 = vector.multi_reduction <add>, %mul3A_870, %reduce_sum3A_871 [1] : vector<8x2048xf32> to vector<8xf32>
    %broadcast_in_dim3A_873 = vector.shape_cast %reduce_sum3A_872 : vector<8xf32> to vector<8x1xf32>
    %swap3A_874 = arith.constant 272 : index
    %swap3A_875 = arith.constant 0 : index
    %swap3A_876 = vector.load %arg15[%swap3A_874, %swap3A_875] : memref<512x1xf32, #tpu.memory_space<vmem>>, vector<8x1xf32>
    tpu.vector_store %arg15[%swap3A_874, %swap3A_875], %broadcast_in_dim3A_873 {strides = array<i32>} : memref<512x1xf32, #tpu.memory_space<vmem>>, vector<8x1xf32>,
    %get3A_877 = arith.constant 0 : index
    %get3A_878 = arith.constant 280 : index
    %get3A_879 = arith.constant 0 : index
    %get3A_880 = vector.load %arg2[%get3A_877, %get3A_878, %get3A_879] : memref<1x512x2048xf32, #tpu.memory_space<vmem>>, vector<1x8x2048xf32>
    %get3A_881 = vector.shape_cast %get3A_880 : vector<1x8x2048xf32> to vector<8x2048xf32>
    %get3A_882 = arith.constant 280 : index
    %get3A_883 = arith.constant 0 : index
    %get3A_884 = vector.load %arg13[%get3A_882, %get3A_883] : memref<512x2048xf32, #tpu.memory_space<vmem>>, vector<8x2048xf32>
    %add3A_885 = arith.addf %get3A_881, %get3A_884 : vector<8x2048xf32>
    %add3A_886 = vector.broadcast %add3A_38 : vector<1x2048xf32> to vector<8x2048xf32>
    %add3A_887 = arith.addf %add3A_885, %add3A_886 : vector<8x2048xf32>
    %reduce_sum3A_888 = arith.constant dense<0.000000e+00> : vector<8xf32>
    %reduce_sum3A_889 = vector.multi_reduction <add>, %add3A_887, %reduce_sum3A_888 [1] : vector<8x2048xf32> to vector<8xf32>
    %broadcast_in_dim3A_890 = vector.shape_cast %reduce_sum3A_889 : vector<8xf32> to vector<8x1xf32>
    %swap3A_891 = arith.constant 280 : index
    %swap3A_892 = arith.constant 0 : index
    %swap3A_893 = vector.load %arg14[%swap3A_891, %swap3A_892] : memref<512x1xf32, #tpu.memory_space<vmem>>, vector<8x1xf32>
    tpu.vector_store %arg14[%swap3A_891, %swap3A_892], %broadcast_in_dim3A_890 {strides = array<i32>} : memref<512x1xf32, #tpu.memory_space<vmem>>, vector<8x1xf32>,
    %mul3A_894 = arith.mulf %add3A_887, %add3A_887 : vector<8x2048xf32>
    %reduce_sum3A_895 = arith.constant dense<0.000000e+00> : vector<8xf32>
    %reduce_sum3A_896 = vector.multi_reduction <add>, %mul3A_894, %reduce_sum3A_895 [1] : vector<8x2048xf32> to vector<8xf32>
    %broadcast_in_dim3A_897 = vector.shape_cast %reduce_sum3A_896 : vector<8xf32> to vector<8x1xf32>
    %swap3A_898 = arith.constant 280 : index
    %swap3A_899 = arith.constant 0 : index
    %swap3A_900 = vector.load %arg15[%swap3A_898, %swap3A_899] : memref<512x1xf32, #tpu.memory_space<vmem>>, vector<8x1xf32>
    tpu.vector_store %arg15[%swap3A_898, %swap3A_899], %broadcast_in_dim3A_897 {strides = array<i32>} : memref<512x1xf32, #tpu.memory_space<vmem>>, vector<8x1xf32>,
    %get3A_901 = arith.constant 0 : index
    %get3A_902 = arith.constant 288 : index
    %get3A_903 = arith.constant 0 : index
    %get3A_904 = vector.load %arg2[%get3A_901, %get3A_902, %get3A_903] : memref<1x512x2048xf32, #tpu.memory_space<vmem>>, vector<1x8x2048xf32>
    %get3A_905 = vector.shape_cast %get3A_904 : vector<1x8x2048xf32> to vector<8x2048xf32>
    %get3A_906 = arith.constant 288 : index
    %get3A_907 = arith.constant 0 : index
    %get3A_908 = vector.load %arg13[%get3A_906, %get3A_907] : memref<512x2048xf32, #tpu.memory_space<vmem>>, vector<8x2048xf32>
    %add3A_909 = arith.addf %get3A_905, %get3A_908 : vector<8x2048xf32>
    %add3A_910 = vector.broadcast %add3A_38 : vector<1x2048xf32> to vector<8x2048xf32>
    %add3A_911 = arith.addf %add3A_909, %add3A_910 : vector<8x2048xf32>
    %reduce_sum3A_912 = arith.constant dense<0.000000e+00> : vector<8xf32>
    %reduce_sum3A_913 = vector.multi_reduction <add>, %add3A_911, %reduce_sum3A_912 [1] : vector<8x2048xf32> to vector<8xf32>
    %broadcast_in_dim3A_914 = vector.shape_cast %reduce_sum3A_913 : vector<8xf32> to vector<8x1xf32>
    %swap3A_915 = arith.constant 288 : index
    %swap3A_916 = arith.constant 0 : index
    %swap3A_917 = vector.load %arg14[%swap3A_915, %swap3A_916] : memref<512x1xf32, #tpu.memory_space<vmem>>, vector<8x1xf32>
    tpu.vector_store %arg14[%swap3A_915, %swap3A_916], %broadcast_in_dim3A_914 {strides = array<i32>} : memref<512x1xf32, #tpu.memory_space<vmem>>, vector<8x1xf32>,
    %mul3A_918 = arith.mulf %add3A_911, %add3A_911 : vector<8x2048xf32>
    %reduce_sum3A_919 = arith.constant dense<0.000000e+00> : vector<8xf32>
    %reduce_sum3A_920 = vector.multi_reduction <add>, %mul3A_918, %reduce_sum3A_919 [1] : vector<8x2048xf32> to vector<8xf32>
    %broadcast_in_dim3A_921 = vector.shape_cast %reduce_sum3A_920 : vector<8xf32> to vector<8x1xf32>
    %swap3A_922 = arith.constant 288 : index
    %swap3A_923 = arith.constant 0 : index
    %swap3A_924 = vector.load %arg15[%swap3A_922, %swap3A_923] : memref<512x1xf32, #tpu.memory_space<vmem>>, vector<8x1xf32>
    tpu.vector_store %arg15[%swap3A_922, %swap3A_923], %broadcast_in_dim3A_921 {strides = array<i32>} : memref<512x1xf32, #tpu.memory_space<vmem>>, vector<8x1xf32>,
    %get3A_925 = arith.constant 0 : index
    %get3A_926 = arith.constant 296 : index
    %get3A_927 = arith.constant 0 : index
    %get3A_928 = vector.load %arg2[%get3A_925, %get3A_926, %get3A_927] : memref<1x512x2048xf32, #tpu.memory_space<vmem>>, vector<1x8x2048xf32>
    %get3A_929 = vector.shape_cast %get3A_928 : vector<1x8x2048xf32> to vector<8x2048xf32>
    %get3A_930 = arith.constant 296 : index
    %get3A_931 = arith.constant 0 : index
    %get3A_932 = vector.load %arg13[%get3A_930, %get3A_931] : memref<512x2048xf32, #tpu.memory_space<vmem>>, vector<8x2048xf32>
    %add3A_933 = arith.addf %get3A_929, %get3A_932 : vector<8x2048xf32>
    %add3A_934 = vector.broadcast %add3A_38 : vector<1x2048xf32> to vector<8x2048xf32>
    %add3A_935 = arith.addf %add3A_933, %add3A_934 : vector<8x2048xf32>
    %reduce_sum3A_936 = arith.constant dense<0.000000e+00> : vector<8xf32>
    %reduce_sum3A_937 = vector.multi_reduction <add>, %add3A_935, %reduce_sum3A_936 [1] : vector<8x2048xf32> to vector<8xf32>
    %broadcast_in_dim3A_938 = vector.shape_cast %reduce_sum3A_937 : vector<8xf32> to vector<8x1xf32>
    %swap3A_939 = arith.constant 296 : index
    %swap3A_940 = arith.constant 0 : index
    %swap3A_941 = vector.load %arg14[%swap3A_939, %swap3A_940] : memref<512x1xf32, #tpu.memory_space<vmem>>, vector<8x1xf32>
    tpu.vector_store %arg14[%swap3A_939, %swap3A_940], %broadcast_in_dim3A_938 {strides = array<i32>} : memref<512x1xf32, #tpu.memory_space<vmem>>, vector<8x1xf32>,
    %mul3A_942 = arith.mulf %add3A_935, %add3A_935 : vector<8x2048xf32>
    %reduce_sum3A_943 = arith.constant dense<0.000000e+00> : vector<8xf32>
    %reduce_sum3A_944 = vector.multi_reduction <add>, %mul3A_942, %reduce_sum3A_943 [1] : vector<8x2048xf32> to vector<8xf32>
    %broadcast_in_dim3A_945 = vector.shape_cast %reduce_sum3A_944 : vector<8xf32> to vector<8x1xf32>
    %swap3A_946 = arith.constant 296 : index
    %swap3A_947 = arith.constant 0 : index
    %swap3A_948 = vector.load %arg15[%swap3A_946, %swap3A_947] : memref<512x1xf32, #tpu.memory_space<vmem>>, vector<8x1xf32>
    tpu.vector_store %arg15[%swap3A_946, %swap3A_947], %broadcast_in_dim3A_945 {strides = array<i32>} : memref<512x1xf32, #tpu.memory_space<vmem>>, vector<8x1xf32>,
    %get3A_949 = arith.constant 0 : index
    %get3A_950 = arith.constant 304 : index
    %get3A_951 = arith.constant 0 : index
    %get3A_952 = vector.load %arg2[%get3A_949, %get3A_950, %get3A_951] : memref<1x512x2048xf32, #tpu.memory_space<vmem>>, vector<1x8x2048xf32>
    %get3A_953 = vector.shape_cast %get3A_952 : vector<1x8x2048xf32> to vector<8x2048xf32>
    %get3A_954 = arith.constant 304 : index
    %get3A_955 = arith.constant 0 : index
    %get3A_956 = vector.load %arg13[%get3A_954, %get3A_955] : memref<512x2048xf32, #tpu.memory_space<vmem>>, vector<8x2048xf32>
    %add3A_957 = arith.addf %get3A_953, %get3A_956 : vector<8x2048xf32>
    %add3A_958 = vector.broadcast %add3A_38 : vector<1x2048xf32> to vector<8x2048xf32>
    %add3A_959 = arith.addf %add3A_957, %add3A_958 : vector<8x2048xf32>
    %reduce_sum3A_960 = arith.constant dense<0.000000e+00> : vector<8xf32>
    %reduce_sum3A_961 = vector.multi_reduction <add>, %add3A_959, %reduce_sum3A_960 [1] : vector<8x2048xf32> to vector<8xf32>
    %broadcast_in_dim3A_962 = vector.shape_cast %reduce_sum3A_961 : vector<8xf32> to vector<8x1xf32>
    %swap3A_963 = arith.constant 304 : index
    %swap3A_964 = arith.constant 0 : index
    %swap3A_965 = vector.load %arg14[%swap3A_963, %swap3A_964] : memref<512x1xf32, #tpu.memory_space<vmem>>, vector<8x1xf32>
    tpu.vector_store %arg14[%swap3A_963, %swap3A_964], %broadcast_in_dim3A_962 {strides = array<i32>} : memref<512x1xf32, #tpu.memory_space<vmem>>, vector<8x1xf32>,
    %mul3A_966 = arith.mulf %add3A_959, %add3A_959 : vector<8x2048xf32>
    %reduce_sum3A_967 = arith.constant dense<0.000000e+00> : vector<8xf32>
    %reduce_sum3A_968 = vector.multi_reduction <add>, %mul3A_966, %reduce_sum3A_967 [1] : vector<8x2048xf32> to vector<8xf32>
    %broadcast_in_dim3A_969 = vector.shape_cast %reduce_sum3A_968 : vector<8xf32> to vector<8x1xf32>
    %swap3A_970 = arith.constant 304 : index
    %swap3A_971 = arith.constant 0 : index
    %swap3A_972 = vector.load %arg15[%swap3A_970, %swap3A_971] : memref<512x1xf32, #tpu.memory_space<vmem>>, vector<8x1xf32>
    tpu.vector_store %arg15[%swap3A_970, %swap3A_971], %broadcast_in_dim3A_969 {strides = array<i32>} : memref<512x1xf32, #tpu.memory_space<vmem>>, vector<8x1xf32>,
    %get3A_973 = arith.constant 0 : index
    %get3A_974 = arith.constant 312 : index
    %get3A_975 = arith.constant 0 : index
    %get3A_976 = vector.load %arg2[%get3A_973, %get3A_974, %get3A_975] : memref<1x512x2048xf32, #tpu.memory_space<vmem>>, vector<1x8x2048xf32>
    %get3A_977 = vector.shape_cast %get3A_976 : vector<1x8x2048xf32> to vector<8x2048xf32>
    %get3A_978 = arith.constant 312 : index
    %get3A_979 = arith.constant 0 : index
    %get3A_980 = vector.load %arg13[%get3A_978, %get3A_979] : memref<512x2048xf32, #tpu.memory_space<vmem>>, vector<8x2048xf32>
    %add3A_981 = arith.addf %get3A_977, %get3A_980 : vector<8x2048xf32>
    %add3A_982 = vector.broadcast %add3A_38 : vector<1x2048xf32> to vector<8x2048xf32>
    %add3A_983 = arith.addf %add3A_981, %add3A_982 : vector<8x2048xf32>
    %reduce_sum3A_984 = arith.constant dense<0.000000e+00> : vector<8xf32>
    %reduce_sum3A_985 = vector.multi_reduction <add>, %add3A_983, %reduce_sum3A_984 [1] : vector<8x2048xf32> to vector<8xf32>
    %broadcast_in_dim3A_986 = vector.shape_cast %reduce_sum3A_985 : vector<8xf32> to vector<8x1xf32>
    %swap3A_987 = arith.constant 312 : index
    %swap3A_988 = arith.constant 0 : index
    %swap3A_989 = vector.load %arg14[%swap3A_987, %swap3A_988] : memref<512x1xf32, #tpu.memory_space<vmem>>, vector<8x1xf32>
    tpu.vector_store %arg14[%swap3A_987, %swap3A_988], %broadcast_in_dim3A_986 {strides = array<i32>} : memref<512x1xf32, #tpu.memory_space<vmem>>, vector<8x1xf32>,
    %mul3A_990 = arith.mulf %add3A_983, %add3A_983 : vector<8x2048xf32>
    %reduce_sum3A_991 = arith.constant dense<0.000000e+00> : vector<8xf32>
    %reduce_sum3A_992 = vector.multi_reduction <add>, %mul3A_990, %reduce_sum3A_991 [1] : vector<8x2048xf32> to vector<8xf32>
    %broadcast_in_dim3A_993 = vector.shape_cast %reduce_sum3A_992 : vector<8xf32> to vector<8x1xf32>
    %swap3A_994 = arith.constant 312 : index
    %swap3A_995 = arith.constant 0 : index
    %swap3A_996 = vector.load %arg15[%swap3A_994, %swap3A_995] : memref<512x1xf32, #tpu.memory_space<vmem>>, vector<8x1xf32>
    tpu.vector_store %arg15[%swap3A_994, %swap3A_995], %broadcast_in_dim3A_993 {strides = array<i32>} : memref<512x1xf32, #tpu.memory_space<vmem>>, vector<8x1xf32>,
    %get3A_997 = arith.constant 0 : index
    %get3A_998 = arith.constant 320 : index
    %get3A_999 = arith.constant 0 : index
    %get3A_1000 = vector.load %arg2[%get3A_997, %get3A_998, %get3A_999] : memref<1x512x2048xf32, #tpu.memory_space<vmem>>, vector<1x8x2048xf32>
    %get3A_1001 = vector.shape_cast %get3A_1000 : vector<1x8x2048xf32> to vector<8x2048xf32>
    %get3A_1002 = arith.constant 320 : index
    %get3A_1003 = arith.constant 0 : index
    %get3A_1004 = vector.load %arg13[%get3A_1002, %get3A_1003] : memref<512x2048xf32, #tpu.memory_space<vmem>>, vector<8x2048xf32>
    %add3A_1005 = arith.addf %get3A_1001, %get3A_1004 : vector<8x2048xf32>
    %add3A_1006 = vector.broadcast %add3A_38 : vector<1x2048xf32> to vector<8x2048xf32>
    %add3A_1007 = arith.addf %add3A_1005, %add3A_1006 : vector<8x2048xf32>
    %reduce_sum3A_1008 = arith.constant dense<0.000000e+00> : vector<8xf32>
    %reduce_sum3A_1009 = vector.multi_reduction <add>, %add3A_1007, %reduce_sum3A_1008 [1] : vector<8x2048xf32> to vector<8xf32>
    %broadcast_in_dim3A_1010 = vector.shape_cast %reduce_sum3A_1009 : vector<8xf32> to vector<8x1xf32>
    %swap3A_1011 = arith.constant 320 : index
    %swap3A_1012 = arith.constant 0 : index
    %swap3A_1013 = vector.load %arg14[%swap3A_1011, %swap3A_1012] : memref<512x1xf32, #tpu.memory_space<vmem>>, vector<8x1xf32>
    tpu.vector_store %arg14[%swap3A_1011, %swap3A_1012], %broadcast_in_dim3A_1010 {strides = array<i32>} : memref<512x1xf32, #tpu.memory_space<vmem>>, vector<8x1xf32>,
    %mul3A_1014 = arith.mulf %add3A_1007, %add3A_1007 : vector<8x2048xf32>
    %reduce_sum3A_1015 = arith.constant dense<0.000000e+00> : vector<8xf32>
    %reduce_sum3A_1016 = vector.multi_reduction <add>, %mul3A_1014, %reduce_sum3A_1015 [1] : vector<8x2048xf32> to vector<8xf32>
    %broadcast_in_dim3A_1017 = vector.shape_cast %reduce_sum3A_1016 : vector<8xf32> to vector<8x1xf32>
    %swap3A_1018 = arith.constant 320 : index
    %swap3A_1019 = arith.constant 0 : index
    %swap3A_1020 = vector.load %arg15[%swap3A_1018, %swap3A_1019] : memref<512x1xf32, #tpu.memory_space<vmem>>, vector<8x1xf32>
    tpu.vector_store %arg15[%swap3A_1018, %swap3A_1019], %broadcast_in_dim3A_1017 {strides = array<i32>} : memref<512x1xf32, #tpu.memory_space<vmem>>, vector<8x1xf32>,
    %get3A_1021 = arith.constant 0 : index
    %get3A_1022 = arith.constant 328 : index
    %get3A_1023 = arith.constant 0 : index
    %get3A_1024 = vector.load %arg2[%get3A_1021, %get3A_1022, %get3A_1023] : memref<1x512x2048xf32, #tpu.memory_space<vmem>>, vector<1x8x2048xf32>
    %get3A_1025 = vector.shape_cast %get3A_1024 : vector<1x8x2048xf32> to vector<8x2048xf32>
    %get3A_1026 = arith.constant 328 : index
    %get3A_1027 = arith.constant 0 : index
    %get3A_1028 = vector.load %arg13[%get3A_1026, %get3A_1027] : memref<512x2048xf32, #tpu.memory_space<vmem>>, vector<8x2048xf32>
    %add3A_1029 = arith.addf %get3A_1025, %get3A_1028 : vector<8x2048xf32>
    %add3A_1030 = vector.broadcast %add3A_38 : vector<1x2048xf32> to vector<8x2048xf32>
    %add3A_1031 = arith.addf %add3A_1029, %add3A_1030 : vector<8x2048xf32>
    %reduce_sum3A_1032 = arith.constant dense<0.000000e+00> : vector<8xf32>
    %reduce_sum3A_1033 = vector.multi_reduction <add>, %add3A_1031, %reduce_sum3A_1032 [1] : vector<8x2048xf32> to vector<8xf32>
    %broadcast_in_dim3A_1034 = vector.shape_cast %reduce_sum3A_1033 : vector<8xf32> to vector<8x1xf32>
    %swap3A_1035 = arith.constant 328 : index
    %swap3A_1036 = arith.constant 0 : index
    %swap3A_1037 = vector.load %arg14[%swap3A_1035, %swap3A_1036] : memref<512x1xf32, #tpu.memory_space<vmem>>, vector<8x1xf32>
    tpu.vector_store %arg14[%swap3A_1035, %swap3A_1036], %broadcast_in_dim3A_1034 {strides = array<i32>} : memref<512x1xf32, #tpu.memory_space<vmem>>, vector<8x1xf32>,
    %mul3A_1038 = arith.mulf %add3A_1031, %add3A_1031 : vector<8x2048xf32>
    %reduce_sum3A_1039 = arith.constant dense<0.000000e+00> : vector<8xf32>
    %reduce_sum3A_1040 = vector.multi_reduction <add>, %mul3A_1038, %reduce_sum3A_1039 [1] : vector<8x2048xf32> to vector<8xf32>
    %broadcast_in_dim3A_1041 = vector.shape_cast %reduce_sum3A_1040 : vector<8xf32> to vector<8x1xf32>
    %swap3A_1042 = arith.constant 328 : index
    %swap3A_1043 = arith.constant 0 : index
    %swap3A_1044 = vector.load %arg15[%swap3A_1042, %swap3A_1043] : memref<512x1xf32, #tpu.memory_space<vmem>>, vector<8x1xf32>
    tpu.vector_store %arg15[%swap3A_1042, %swap3A_1043], %broadcast_in_dim3A_1041 {strides = array<i32>} : memref<512x1xf32, #tpu.memory_space<vmem>>, vector<8x1xf32>,
    %get3A_1045 = arith.constant 0 : index
    %get3A_1046 = arith.constant 336 : index
    %get3A_1047 = arith.constant 0 : index
    %get3A_1048 = vector.load %arg2[%get3A_1045, %get3A_1046, %get3A_1047] : memref<1x512x2048xf32, #tpu.memory_space<vmem>>, vector<1x8x2048xf32>
    %get3A_1049 = vector.shape_cast %get3A_1048 : vector<1x8x2048xf32> to vector<8x2048xf32>
    %get3A_1050 = arith.constant 336 : index
    %get3A_1051 = arith.constant 0 : index
    %get3A_1052 = vector.load %arg13[%get3A_1050, %get3A_1051] : memref<512x2048xf32, #tpu.memory_space<vmem>>, vector<8x2048xf32>
    %add3A_1053 = arith.addf %get3A_1049, %get3A_1052 : vector<8x2048xf32>
    %add3A_1054 = vector.broadcast %add3A_38 : vector<1x2048xf32> to vector<8x2048xf32>
    %add3A_1055 = arith.addf %add3A_1053, %add3A_1054 : vector<8x2048xf32>
    %reduce_sum3A_1056 = arith.constant dense<0.000000e+00> : vector<8xf32>
    %reduce_sum3A_1057 = vector.multi_reduction <add>, %add3A_1055, %reduce_sum3A_1056 [1] : vector<8x2048xf32> to vector<8xf32>
    %broadcast_in_dim3A_1058 = vector.shape_cast %reduce_sum3A_1057 : vector<8xf32> to vector<8x1xf32>
    %swap3A_1059 = arith.constant 336 : index
    %swap3A_1060 = arith.constant 0 : index
    %swap3A_1061 = vector.load %arg14[%swap3A_1059, %swap3A_1060] : memref<512x1xf32, #tpu.memory_space<vmem>>, vector<8x1xf32>
    tpu.vector_store %arg14[%swap3A_1059, %swap3A_1060], %broadcast_in_dim3A_1058 {strides = array<i32>} : memref<512x1xf32, #tpu.memory_space<vmem>>, vector<8x1xf32>,
    %mul3A_1062 = arith.mulf %add3A_1055, %add3A_1055 : vector<8x2048xf32>
    %reduce_sum3A_1063 = arith.constant dense<0.000000e+00> : vector<8xf32>
    %reduce_sum3A_1064 = vector.multi_reduction <add>, %mul3A_1062, %reduce_sum3A_1063 [1] : vector<8x2048xf32> to vector<8xf32>
    %broadcast_in_dim3A_1065 = vector.shape_cast %reduce_sum3A_1064 : vector<8xf32> to vector<8x1xf32>
    %swap3A_1066 = arith.constant 336 : index
    %swap3A_1067 = arith.constant 0 : index
    %swap3A_1068 = vector.load %arg15[%swap3A_1066, %swap3A_1067] : memref<512x1xf32, #tpu.memory_space<vmem>>, vector<8x1xf32>
    tpu.vector_store %arg15[%swap3A_1066, %swap3A_1067], %broadcast_in_dim3A_1065 {strides = array<i32>} : memref<512x1xf32, #tpu.memory_space<vmem>>, vector<8x1xf32>,
    %get3A_1069 = arith.constant 0 : index
    %get3A_1070 = arith.constant 344 : index
    %get3A_1071 = arith.constant 0 : index
    %get3A_1072 = vector.load %arg2[%get3A_1069, %get3A_1070, %get3A_1071] : memref<1x512x2048xf32, #tpu.memory_space<vmem>>, vector<1x8x2048xf32>
    %get3A_1073 = vector.shape_cast %get3A_1072 : vector<1x8x2048xf32> to vector<8x2048xf32>
    %get3A_1074 = arith.constant 344 : index
    %get3A_1075 = arith.constant 0 : index
    %get3A_1076 = vector.load %arg13[%get3A_1074, %get3A_1075] : memref<512x2048xf32, #tpu.memory_space<vmem>>, vector<8x2048xf32>
    %add3A_1077 = arith.addf %get3A_1073, %get3A_1076 : vector<8x2048xf32>
    %add3A_1078 = vector.broadcast %add3A_38 : vector<1x2048xf32> to vector<8x2048xf32>
    %add3A_1079 = arith.addf %add3A_1077, %add3A_1078 : vector<8x2048xf32>
    %reduce_sum3A_1080 = arith.constant dense<0.000000e+00> : vector<8xf32>
    %reduce_sum3A_1081 = vector.multi_reduction <add>, %add3A_1079, %reduce_sum3A_1080 [1] : vector<8x2048xf32> to vector<8xf32>
    %broadcast_in_dim3A_1082 = vector.shape_cast %reduce_sum3A_1081 : vector<8xf32> to vector<8x1xf32>
    %swap3A_1083 = arith.constant 344 : index
    %swap3A_1084 = arith.constant 0 : index
    %swap3A_1085 = vector.load %arg14[%swap3A_1083, %swap3A_1084] : memref<512x1xf32, #tpu.memory_space<vmem>>, vector<8x1xf32>
    tpu.vector_store %arg14[%swap3A_1083, %swap3A_1084], %broadcast_in_dim3A_1082 {strides = array<i32>} : memref<512x1xf32, #tpu.memory_space<vmem>>, vector<8x1xf32>,
    %mul3A_1086 = arith.mulf %add3A_1079, %add3A_1079 : vector<8x2048xf32>
    %reduce_sum3A_1087 = arith.constant dense<0.000000e+00> : vector<8xf32>
    %reduce_sum3A_1088 = vector.multi_reduction <add>, %mul3A_1086, %reduce_sum3A_1087 [1] : vector<8x2048xf32> to vector<8xf32>
    %broadcast_in_dim3A_1089 = vector.shape_cast %reduce_sum3A_1088 : vector<8xf32> to vector<8x1xf32>
    %swap3A_1090 = arith.constant 344 : index
    %swap3A_1091 = arith.constant 0 : index
    %swap3A_1092 = vector.load %arg15[%swap3A_1090, %swap3A_1091] : memref<512x1xf32, #tpu.memory_space<vmem>>, vector<8x1xf32>
    tpu.vector_store %arg15[%swap3A_1090, %swap3A_1091], %broadcast_in_dim3A_1089 {strides = array<i32>} : memref<512x1xf32, #tpu.memory_space<vmem>>, vector<8x1xf32>,
    %get3A_1093 = arith.constant 0 : index
    %get3A_1094 = arith.constant 352 : index
    %get3A_1095 = arith.constant 0 : index
    %get3A_1096 = vector.load %arg2[%get3A_1093, %get3A_1094, %get3A_1095] : memref<1x512x2048xf32, #tpu.memory_space<vmem>>, vector<1x8x2048xf32>
    %get3A_1097 = vector.shape_cast %get3A_1096 : vector<1x8x2048xf32> to vector<8x2048xf32>
    %get3A_1098 = arith.constant 352 : index
    %get3A_1099 = arith.constant 0 : index
    %get3A_1100 = vector.load %arg13[%get3A_1098, %get3A_1099] : memref<512x2048xf32, #tpu.memory_space<vmem>>, vector<8x2048xf32>
    %add3A_1101 = arith.addf %get3A_1097, %get3A_1100 : vector<8x2048xf32>
    %add3A_1102 = vector.broadcast %add3A_38 : vector<1x2048xf32> to vector<8x2048xf32>
    %add3A_1103 = arith.addf %add3A_1101, %add3A_1102 : vector<8x2048xf32>
    %reduce_sum3A_1104 = arith.constant dense<0.000000e+00> : vector<8xf32>
    %reduce_sum3A_1105 = vector.multi_reduction <add>, %add3A_1103, %reduce_sum3A_1104 [1] : vector<8x2048xf32> to vector<8xf32>
    %broadcast_in_dim3A_1106 = vector.shape_cast %reduce_sum3A_1105 : vector<8xf32> to vector<8x1xf32>
    %swap3A_1107 = arith.constant 352 : index
    %swap3A_1108 = arith.constant 0 : index
    %swap3A_1109 = vector.load %arg14[%swap3A_1107, %swap3A_1108] : memref<512x1xf32, #tpu.memory_space<vmem>>, vector<8x1xf32>
    tpu.vector_store %arg14[%swap3A_1107, %swap3A_1108], %broadcast_in_dim3A_1106 {strides = array<i32>} : memref<512x1xf32, #tpu.memory_space<vmem>>, vector<8x1xf32>,
    %mul3A_1110 = arith.mulf %add3A_1103, %add3A_1103 : vector<8x2048xf32>
    %reduce_sum3A_1111 = arith.constant dense<0.000000e+00> : vector<8xf32>
    %reduce_sum3A_1112 = vector.multi_reduction <add>, %mul3A_1110, %reduce_sum3A_1111 [1] : vector<8x2048xf32> to vector<8xf32>
    %broadcast_in_dim3A_1113 = vector.shape_cast %reduce_sum3A_1112 : vector<8xf32> to vector<8x1xf32>
    %swap3A_1114 = arith.constant 352 : index
    %swap3A_1115 = arith.constant 0 : index
    %swap3A_1116 = vector.load %arg15[%swap3A_1114, %swap3A_1115] : memref<512x1xf32, #tpu.memory_space<vmem>>, vector<8x1xf32>
    tpu.vector_store %arg15[%swap3A_1114, %swap3A_1115], %broadcast_in_dim3A_1113 {strides = array<i32>} : memref<512x1xf32, #tpu.memory_space<vmem>>, vector<8x1xf32>,
    %get3A_1117 = arith.constant 0 : index
    %get3A_1118 = arith.constant 360 : index
    %get3A_1119 = arith.constant 0 : index
    %get3A_1120 = vector.load %arg2[%get3A_1117, %get3A_1118, %get3A_1119] : memref<1x512x2048xf32, #tpu.memory_space<vmem>>, vector<1x8x2048xf32>
    %get3A_1121 = vector.shape_cast %get3A_1120 : vector<1x8x2048xf32> to vector<8x2048xf32>
    %get3A_1122 = arith.constant 360 : index
    %get3A_1123 = arith.constant 0 : index
    %get3A_1124 = vector.load %arg13[%get3A_1122, %get3A_1123] : memref<512x2048xf32, #tpu.memory_space<vmem>>, vector<8x2048xf32>
    %add3A_1125 = arith.addf %get3A_1121, %get3A_1124 : vector<8x2048xf32>
    %add3A_1126 = vector.broadcast %add3A_38 : vector<1x2048xf32> to vector<8x2048xf32>
    %add3A_1127 = arith.addf %add3A_1125, %add3A_1126 : vector<8x2048xf32>
    %reduce_sum3A_1128 = arith.constant dense<0.000000e+00> : vector<8xf32>
    %reduce_sum3A_1129 = vector.multi_reduction <add>, %add3A_1127, %reduce_sum3A_1128 [1] : vector<8x2048xf32> to vector<8xf32>
    %broadcast_in_dim3A_1130 = vector.shape_cast %reduce_sum3A_1129 : vector<8xf32> to vector<8x1xf32>
    %swap3A_1131 = arith.constant 360 : index
    %swap3A_1132 = arith.constant 0 : index
    %swap3A_1133 = vector.load %arg14[%swap3A_1131, %swap3A_1132] : memref<512x1xf32, #tpu.memory_space<vmem>>, vector<8x1xf32>
    tpu.vector_store %arg14[%swap3A_1131, %swap3A_1132], %broadcast_in_dim3A_1130 {strides = array<i32>} : memref<512x1xf32, #tpu.memory_space<vmem>>, vector<8x1xf32>,
    %mul3A_1134 = arith.mulf %add3A_1127, %add3A_1127 : vector<8x2048xf32>
    %reduce_sum3A_1135 = arith.constant dense<0.000000e+00> : vector<8xf32>
    %reduce_sum3A_1136 = vector.multi_reduction <add>, %mul3A_1134, %reduce_sum3A_1135 [1] : vector<8x2048xf32> to vector<8xf32>
    %broadcast_in_dim3A_1137 = vector.shape_cast %reduce_sum3A_1136 : vector<8xf32> to vector<8x1xf32>
    %swap3A_1138 = arith.constant 360 : index
    %swap3A_1139 = arith.constant 0 : index
    %swap3A_1140 = vector.load %arg15[%swap3A_1138, %swap3A_1139] : memref<512x1xf32, #tpu.memory_space<vmem>>, vector<8x1xf32>
    tpu.vector_store %arg15[%swap3A_1138, %swap3A_1139], %broadcast_in_dim3A_1137 {strides = array<i32>} : memref<512x1xf32, #tpu.memory_space<vmem>>, vector<8x1xf32>,
    %get3A_1141 = arith.constant 0 : index
    %get3A_1142 = arith.constant 368 : index
    %get3A_1143 = arith.constant 0 : index
    %get3A_1144 = vector.load %arg2[%get3A_1141, %get3A_1142, %get3A_1143] : memref<1x512x2048xf32, #tpu.memory_space<vmem>>, vector<1x8x2048xf32>
    %get3A_1145 = vector.shape_cast %get3A_1144 : vector<1x8x2048xf32> to vector<8x2048xf32>
    %get3A_1146 = arith.constant 368 : index
    %get3A_1147 = arith.constant 0 : index
    %get3A_1148 = vector.load %arg13[%get3A_1146, %get3A_1147] : memref<512x2048xf32, #tpu.memory_space<vmem>>, vector<8x2048xf32>
    %add3A_1149 = arith.addf %get3A_1145, %get3A_1148 : vector<8x2048xf32>
    %add3A_1150 = vector.broadcast %add3A_38 : vector<1x2048xf32> to vector<8x2048xf32>
    %add3A_1151 = arith.addf %add3A_1149, %add3A_1150 : vector<8x2048xf32>
    %reduce_sum3A_1152 = arith.constant dense<0.000000e+00> : vector<8xf32>
    %reduce_sum3A_1153 = vector.multi_reduction <add>, %add3A_1151, %reduce_sum3A_1152 [1] : vector<8x2048xf32> to vector<8xf32>
    %broadcast_in_dim3A_1154 = vector.shape_cast %reduce_sum3A_1153 : vector<8xf32> to vector<8x1xf32>
    %swap3A_1155 = arith.constant 368 : index
    %swap3A_1156 = arith.constant 0 : index
    %swap3A_1157 = vector.load %arg14[%swap3A_1155, %swap3A_1156] : memref<512x1xf32, #tpu.memory_space<vmem>>, vector<8x1xf32>
    tpu.vector_store %arg14[%swap3A_1155, %swap3A_1156], %broadcast_in_dim3A_1154 {strides = array<i32>} : memref<512x1xf32, #tpu.memory_space<vmem>>, vector<8x1xf32>,
    %mul3A_1158 = arith.mulf %add3A_1151, %add3A_1151 : vector<8x2048xf32>
    %reduce_sum3A_1159 = arith.constant dense<0.000000e+00> : vector<8xf32>
    %reduce_sum3A_1160 = vector.multi_reduction <add>, %mul3A_1158, %reduce_sum3A_1159 [1] : vector<8x2048xf32> to vector<8xf32>
    %broadcast_in_dim3A_1161 = vector.shape_cast %reduce_sum3A_1160 : vector<8xf32> to vector<8x1xf32>
    %swap3A_1162 = arith.constant 368 : index
    %swap3A_1163 = arith.constant 0 : index
    %swap3A_1164 = vector.load %arg15[%swap3A_1162, %swap3A_1163] : memref<512x1xf32, #tpu.memory_space<vmem>>, vector<8x1xf32>
    tpu.vector_store %arg15[%swap3A_1162, %swap3A_1163], %broadcast_in_dim3A_1161 {strides = array<i32>} : memref<512x1xf32, #tpu.memory_space<vmem>>, vector<8x1xf32>,
    %get3A_1165 = arith.constant 0 : index
    %get3A_1166 = arith.constant 376 : index
    %get3A_1167 = arith.constant 0 : index
    %get3A_1168 = vector.load %arg2[%get3A_1165, %get3A_1166, %get3A_1167] : memref<1x512x2048xf32, #tpu.memory_space<vmem>>, vector<1x8x2048xf32>
    %get3A_1169 = vector.shape_cast %get3A_1168 : vector<1x8x2048xf32> to vector<8x2048xf32>
    %get3A_1170 = arith.constant 376 : index
    %get3A_1171 = arith.constant 0 : index
    %get3A_1172 = vector.load %arg13[%get3A_1170, %get3A_1171] : memref<512x2048xf32, #tpu.memory_space<vmem>>, vector<8x2048xf32>
    %add3A_1173 = arith.addf %get3A_1169, %get3A_1172 : vector<8x2048xf32>
    %add3A_1174 = vector.broadcast %add3A_38 : vector<1x2048xf32> to vector<8x2048xf32>
    %add3A_1175 = arith.addf %add3A_1173, %add3A_1174 : vector<8x2048xf32>
    %reduce_sum3A_1176 = arith.constant dense<0.000000e+00> : vector<8xf32>
    %reduce_sum3A_1177 = vector.multi_reduction <add>, %add3A_1175, %reduce_sum3A_1176 [1] : vector<8x2048xf32> to vector<8xf32>
    %broadcast_in_dim3A_1178 = vector.shape_cast %reduce_sum3A_1177 : vector<8xf32> to vector<8x1xf32>
    %swap3A_1179 = arith.constant 376 : index
    %swap3A_1180 = arith.constant 0 : index
    %swap3A_1181 = vector.load %arg14[%swap3A_1179, %swap3A_1180] : memref<512x1xf32, #tpu.memory_space<vmem>>, vector<8x1xf32>
    tpu.vector_store %arg14[%swap3A_1179, %swap3A_1180], %broadcast_in_dim3A_1178 {strides = array<i32>} : memref<512x1xf32, #tpu.memory_space<vmem>>, vector<8x1xf32>,
    %mul3A_1182 = arith.mulf %add3A_1175, %add3A_1175 : vector<8x2048xf32>
    %reduce_sum3A_1183 = arith.constant dense<0.000000e+00> : vector<8xf32>
    %reduce_sum3A_1184 = vector.multi_reduction <add>, %mul3A_1182, %reduce_sum3A_1183 [1] : vector<8x2048xf32> to vector<8xf32>
    %broadcast_in_dim3A_1185 = vector.shape_cast %reduce_sum3A_1184 : vector<8xf32> to vector<8x1xf32>
    %swap3A_1186 = arith.constant 376 : index
    %swap3A_1187 = arith.constant 0 : index
    %swap3A_1188 = vector.load %arg15[%swap3A_1186, %swap3A_1187] : memref<512x1xf32, #tpu.memory_space<vmem>>, vector<8x1xf32>
    tpu.vector_store %arg15[%swap3A_1186, %swap3A_1187], %broadcast_in_dim3A_1185 {strides = array<i32>} : memref<512x1xf32, #tpu.memory_space<vmem>>, vector<8x1xf32>,
    %get3A_1189 = arith.constant 0 : index
    %get3A_1190 = arith.constant 384 : index
    %get3A_1191 = arith.constant 0 : index
    %get3A_1192 = vector.load %arg2[%get3A_1189, %get3A_1190, %get3A_1191] : memref<1x512x2048xf32, #tpu.memory_space<vmem>>, vector<1x8x2048xf32>
    %get3A_1193 = vector.shape_cast %get3A_1192 : vector<1x8x2048xf32> to vector<8x2048xf32>
    %get3A_1194 = arith.constant 384 : index
    %get3A_1195 = arith.constant 0 : index
    %get3A_1196 = vector.load %arg13[%get3A_1194, %get3A_1195] : memref<512x2048xf32, #tpu.memory_space<vmem>>, vector<8x2048xf32>
    %add3A_1197 = arith.addf %get3A_1193, %get3A_1196 : vector<8x2048xf32>
    %add3A_1198 = vector.broadcast %add3A_38 : vector<1x2048xf32> to vector<8x2048xf32>
    %add3A_1199 = arith.addf %add3A_1197, %add3A_1198 : vector<8x2048xf32>
    %reduce_sum3A_1200 = arith.constant dense<0.000000e+00> : vector<8xf32>
    %reduce_sum3A_1201 = vector.multi_reduction <add>, %add3A_1199, %reduce_sum3A_1200 [1] : vector<8x2048xf32> to vector<8xf32>
    %broadcast_in_dim3A_1202 = vector.shape_cast %reduce_sum3A_1201 : vector<8xf32> to vector<8x1xf32>
    %swap3A_1203 = arith.constant 384 : index
    %swap3A_1204 = arith.constant 0 : index
    %swap3A_1205 = vector.load %arg14[%swap3A_1203, %swap3A_1204] : memref<512x1xf32, #tpu.memory_space<vmem>>, vector<8x1xf32>
    tpu.vector_store %arg14[%swap3A_1203, %swap3A_1204], %broadcast_in_dim3A_1202 {strides = array<i32>} : memref<512x1xf32, #tpu.memory_space<vmem>>, vector<8x1xf32>,
    %mul3A_1206 = arith.mulf %add3A_1199, %add3A_1199 : vector<8x2048xf32>
    %reduce_sum3A_1207 = arith.constant dense<0.000000e+00> : vector<8xf32>
    %reduce_sum3A_1208 = vector.multi_reduction <add>, %mul3A_1206, %reduce_sum3A_1207 [1] : vector<8x2048xf32> to vector<8xf32>
    %broadcast_in_dim3A_1209 = vector.shape_cast %reduce_sum3A_1208 : vector<8xf32> to vector<8x1xf32>
    %swap3A_1210 = arith.constant 384 : index
    %swap3A_1211 = arith.constant 0 : index
    %swap3A_1212 = vector.load %arg15[%swap3A_1210, %swap3A_1211] : memref<512x1xf32, #tpu.memory_space<vmem>>, vector<8x1xf32>
    tpu.vector_store %arg15[%swap3A_1210, %swap3A_1211], %broadcast_in_dim3A_1209 {strides = array<i32>} : memref<512x1xf32, #tpu.memory_space<vmem>>, vector<8x1xf32>,
    %get3A_1213 = arith.constant 0 : index
    %get3A_1214 = arith.constant 392 : index
    %get3A_1215 = arith.constant 0 : index
    %get3A_1216 = vector.load %arg2[%get3A_1213, %get3A_1214, %get3A_1215] : memref<1x512x2048xf32, #tpu.memory_space<vmem>>, vector<1x8x2048xf32>
    %get3A_1217 = vector.shape_cast %get3A_1216 : vector<1x8x2048xf32> to vector<8x2048xf32>
    %get3A_1218 = arith.constant 392 : index
    %get3A_1219 = arith.constant 0 : index
    %get3A_1220 = vector.load %arg13[%get3A_1218, %get3A_1219] : memref<512x2048xf32, #tpu.memory_space<vmem>>, vector<8x2048xf32>
    %add3A_1221 = arith.addf %get3A_1217, %get3A_1220 : vector<8x2048xf32>
    %add3A_1222 = vector.broadcast %add3A_38 : vector<1x2048xf32> to vector<8x2048xf32>
    %add3A_1223 = arith.addf %add3A_1221, %add3A_1222 : vector<8x2048xf32>
    %reduce_sum3A_1224 = arith.constant dense<0.000000e+00> : vector<8xf32>
    %reduce_sum3A_1225 = vector.multi_reduction <add>, %add3A_1223, %reduce_sum3A_1224 [1] : vector<8x2048xf32> to vector<8xf32>
    %broadcast_in_dim3A_1226 = vector.shape_cast %reduce_sum3A_1225 : vector<8xf32> to vector<8x1xf32>
    %swap3A_1227 = arith.constant 392 : index
    %swap3A_1228 = arith.constant 0 : index
    %swap3A_1229 = vector.load %arg14[%swap3A_1227, %swap3A_1228] : memref<512x1xf32, #tpu.memory_space<vmem>>, vector<8x1xf32>
    tpu.vector_store %arg14[%swap3A_1227, %swap3A_1228], %broadcast_in_dim3A_1226 {strides = array<i32>} : memref<512x1xf32, #tpu.memory_space<vmem>>, vector<8x1xf32>,
    %mul3A_1230 = arith.mulf %add3A_1223, %add3A_1223 : vector<8x2048xf32>
    %reduce_sum3A_1231 = arith.constant dense<0.000000e+00> : vector<8xf32>
    %reduce_sum3A_1232 = vector.multi_reduction <add>, %mul3A_1230, %reduce_sum3A_1231 [1] : vector<8x2048xf32> to vector<8xf32>
    %broadcast_in_dim3A_1233 = vector.shape_cast %reduce_sum3A_1232 : vector<8xf32> to vector<8x1xf32>
    %swap3A_1234 = arith.constant 392 : index
    %swap3A_1235 = arith.constant 0 : index
    %swap3A_1236 = vector.load %arg15[%swap3A_1234, %swap3A_1235] : memref<512x1xf32, #tpu.memory_space<vmem>>, vector<8x1xf32>
    tpu.vector_store %arg15[%swap3A_1234, %swap3A_1235], %broadcast_in_dim3A_1233 {strides = array<i32>} : memref<512x1xf32, #tpu.memory_space<vmem>>, vector<8x1xf32>,
    %get3A_1237 = arith.constant 0 : index
    %get3A_1238 = arith.constant 400 : index
    %get3A_1239 = arith.constant 0 : index
    %get3A_1240 = vector.load %arg2[%get3A_1237, %get3A_1238, %get3A_1239] : memref<1x512x2048xf32, #tpu.memory_space<vmem>>, vector<1x8x2048xf32>
    %get3A_1241 = vector.shape_cast %get3A_1240 : vector<1x8x2048xf32> to vector<8x2048xf32>
    %get3A_1242 = arith.constant 400 : index
    %get3A_1243 = arith.constant 0 : index
    %get3A_1244 = vector.load %arg13[%get3A_1242, %get3A_1243] : memref<512x2048xf32, #tpu.memory_space<vmem>>, vector<8x2048xf32>
    %add3A_1245 = arith.addf %get3A_1241, %get3A_1244 : vector<8x2048xf32>
    %add3A_1246 = vector.broadcast %add3A_38 : vector<1x2048xf32> to vector<8x2048xf32>
    %add3A_1247 = arith.addf %add3A_1245, %add3A_1246 : vector<8x2048xf32>
    %reduce_sum3A_1248 = arith.constant dense<0.000000e+00> : vector<8xf32>
    %reduce_sum3A_1249 = vector.multi_reduction <add>, %add3A_1247, %reduce_sum3A_1248 [1] : vector<8x2048xf32> to vector<8xf32>
    %broadcast_in_dim3A_1250 = vector.shape_cast %reduce_sum3A_1249 : vector<8xf32> to vector<8x1xf32>
    %swap3A_1251 = arith.constant 400 : index
    %swap3A_1252 = arith.constant 0 : index
    %swap3A_1253 = vector.load %arg14[%swap3A_1251, %swap3A_1252] : memref<512x1xf32, #tpu.memory_space<vmem>>, vector<8x1xf32>
    tpu.vector_store %arg14[%swap3A_1251, %swap3A_1252], %broadcast_in_dim3A_1250 {strides = array<i32>} : memref<512x1xf32, #tpu.memory_space<vmem>>, vector<8x1xf32>,
    %mul3A_1254 = arith.mulf %add3A_1247, %add3A_1247 : vector<8x2048xf32>
    %reduce_sum3A_1255 = arith.constant dense<0.000000e+00> : vector<8xf32>
    %reduce_sum3A_1256 = vector.multi_reduction <add>, %mul3A_1254, %reduce_sum3A_1255 [1] : vector<8x2048xf32> to vector<8xf32>
    %broadcast_in_dim3A_1257 = vector.shape_cast %reduce_sum3A_1256 : vector<8xf32> to vector<8x1xf32>
    %swap3A_1258 = arith.constant 400 : index
    %swap3A_1259 = arith.constant 0 : index
    %swap3A_1260 = vector.load %arg15[%swap3A_1258, %swap3A_1259] : memref<512x1xf32, #tpu.memory_space<vmem>>, vector<8x1xf32>
    tpu.vector_store %arg15[%swap3A_1258, %swap3A_1259], %broadcast_in_dim3A_1257 {strides = array<i32>} : memref<512x1xf32, #tpu.memory_space<vmem>>, vector<8x1xf32>,
    %get3A_1261 = arith.constant 0 : index
    %get3A_1262 = arith.constant 408 : index
    %get3A_1263 = arith.constant 0 : index
    %get3A_1264 = vector.load %arg2[%get3A_1261, %get3A_1262, %get3A_1263] : memref<1x512x2048xf32, #tpu.memory_space<vmem>>, vector<1x8x2048xf32>
    %get3A_1265 = vector.shape_cast %get3A_1264 : vector<1x8x2048xf32> to vector<8x2048xf32>
    %get3A_1266 = arith.constant 408 : index
    %get3A_1267 = arith.constant 0 : index
    %get3A_1268 = vector.load %arg13[%get3A_1266, %get3A_1267] : memref<512x2048xf32, #tpu.memory_space<vmem>>, vector<8x2048xf32>
    %add3A_1269 = arith.addf %get3A_1265, %get3A_1268 : vector<8x2048xf32>
    %add3A_1270 = vector.broadcast %add3A_38 : vector<1x2048xf32> to vector<8x2048xf32>
    %add3A_1271 = arith.addf %add3A_1269, %add3A_1270 : vector<8x2048xf32>
    %reduce_sum3A_1272 = arith.constant dense<0.000000e+00> : vector<8xf32>
    %reduce_sum3A_1273 = vector.multi_reduction <add>, %add3A_1271, %reduce_sum3A_1272 [1] : vector<8x2048xf32> to vector<8xf32>
    %broadcast_in_dim3A_1274 = vector.shape_cast %reduce_sum3A_1273 : vector<8xf32> to vector<8x1xf32>
    %swap3A_1275 = arith.constant 408 : index
    %swap3A_1276 = arith.constant 0 : index
    %swap3A_1277 = vector.load %arg14[%swap3A_1275, %swap3A_1276] : memref<512x1xf32, #tpu.memory_space<vmem>>, vector<8x1xf32>
    tpu.vector_store %arg14[%swap3A_1275, %swap3A_1276], %broadcast_in_dim3A_1274 {strides = array<i32>} : memref<512x1xf32, #tpu.memory_space<vmem>>, vector<8x1xf32>,
    %mul3A_1278 = arith.mulf %add3A_1271, %add3A_1271 : vector<8x2048xf32>
    %reduce_sum3A_1279 = arith.constant dense<0.000000e+00> : vector<8xf32>
    %reduce_sum3A_1280 = vector.multi_reduction <add>, %mul3A_1278, %reduce_sum3A_1279 [1] : vector<8x2048xf32> to vector<8xf32>
    %broadcast_in_dim3A_1281 = vector.shape_cast %reduce_sum3A_1280 : vector<8xf32> to vector<8x1xf32>
    %swap3A_1282 = arith.constant 408 : index
    %swap3A_1283 = arith.constant 0 : index
    %swap3A_1284 = vector.load %arg15[%swap3A_1282, %swap3A_1283] : memref<512x1xf32, #tpu.memory_space<vmem>>, vector<8x1xf32>
    tpu.vector_store %arg15[%swap3A_1282, %swap3A_1283], %broadcast_in_dim3A_1281 {strides = array<i32>} : memref<512x1xf32, #tpu.memory_space<vmem>>, vector<8x1xf32>,
    %get3A_1285 = arith.constant 0 : index
    %get3A_1286 = arith.constant 416 : index
    %get3A_1287 = arith.constant 0 : index
    %get3A_1288 = vector.load %arg2[%get3A_1285, %get3A_1286, %get3A_1287] : memref<1x512x2048xf32, #tpu.memory_space<vmem>>, vector<1x8x2048xf32>
    %get3A_1289 = vector.shape_cast %get3A_1288 : vector<1x8x2048xf32> to vector<8x2048xf32>
    %get3A_1290 = arith.constant 416 : index
    %get3A_1291 = arith.constant 0 : index
    %get3A_1292 = vector.load %arg13[%get3A_1290, %get3A_1291] : memref<512x2048xf32, #tpu.memory_space<vmem>>, vector<8x2048xf32>
    %add3A_1293 = arith.addf %get3A_1289, %get3A_1292 : vector<8x2048xf32>
    %add3A_1294 = vector.broadcast %add3A_38 : vector<1x2048xf32> to vector<8x2048xf32>
    %add3A_1295 = arith.addf %add3A_1293, %add3A_1294 : vector<8x2048xf32>
    %reduce_sum3A_1296 = arith.constant dense<0.000000e+00> : vector<8xf32>
    %reduce_sum3A_1297 = vector.multi_reduction <add>, %add3A_1295, %reduce_sum3A_1296 [1] : vector<8x2048xf32> to vector<8xf32>
    %broadcast_in_dim3A_1298 = vector.shape_cast %reduce_sum3A_1297 : vector<8xf32> to vector<8x1xf32>
    %swap3A_1299 = arith.constant 416 : index
    %swap3A_1300 = arith.constant 0 : index
    %swap3A_1301 = vector.load %arg14[%swap3A_1299, %swap3A_1300] : memref<512x1xf32, #tpu.memory_space<vmem>>, vector<8x1xf32>
    tpu.vector_store %arg14[%swap3A_1299, %swap3A_1300], %broadcast_in_dim3A_1298 {strides = array<i32>} : memref<512x1xf32, #tpu.memory_space<vmem>>, vector<8x1xf32>,
    %mul3A_1302 = arith.mulf %add3A_1295, %add3A_1295 : vector<8x2048xf32>
    %reduce_sum3A_1303 = arith.constant dense<0.000000e+00> : vector<8xf32>
    %reduce_sum3A_1304 = vector.multi_reduction <add>, %mul3A_1302, %reduce_sum3A_1303 [1] : vector<8x2048xf32> to vector<8xf32>
    %broadcast_in_dim3A_1305 = vector.shape_cast %reduce_sum3A_1304 : vector<8xf32> to vector<8x1xf32>
    %swap3A_1306 = arith.constant 416 : index
    %swap3A_1307 = arith.constant 0 : index
    %swap3A_1308 = vector.load %arg15[%swap3A_1306, %swap3A_1307] : memref<512x1xf32, #tpu.memory_space<vmem>>, vector<8x1xf32>
    tpu.vector_store %arg15[%swap3A_1306, %swap3A_1307], %broadcast_in_dim3A_1305 {strides = array<i32>} : memref<512x1xf32, #tpu.memory_space<vmem>>, vector<8x1xf32>,
    %get3A_1309 = arith.constant 0 : index
    %get3A_1310 = arith.constant 424 : index
    %get3A_1311 = arith.constant 0 : index
    %get3A_1312 = vector.load %arg2[%get3A_1309, %get3A_1310, %get3A_1311] : memref<1x512x2048xf32, #tpu.memory_space<vmem>>, vector<1x8x2048xf32>
    %get3A_1313 = vector.shape_cast %get3A_1312 : vector<1x8x2048xf32> to vector<8x2048xf32>
    %get3A_1314 = arith.constant 424 : index
    %get3A_1315 = arith.constant 0 : index
    %get3A_1316 = vector.load %arg13[%get3A_1314, %get3A_1315] : memref<512x2048xf32, #tpu.memory_space<vmem>>, vector<8x2048xf32>
    %add3A_1317 = arith.addf %get3A_1313, %get3A_1316 : vector<8x2048xf32>
    %add3A_1318 = vector.broadcast %add3A_38 : vector<1x2048xf32> to vector<8x2048xf32>
    %add3A_1319 = arith.addf %add3A_1317, %add3A_1318 : vector<8x2048xf32>
    %reduce_sum3A_1320 = arith.constant dense<0.000000e+00> : vector<8xf32>
    %reduce_sum3A_1321 = vector.multi_reduction <add>, %add3A_1319, %reduce_sum3A_1320 [1] : vector<8x2048xf32> to vector<8xf32>
    %broadcast_in_dim3A_1322 = vector.shape_cast %reduce_sum3A_1321 : vector<8xf32> to vector<8x1xf32>
    %swap3A_1323 = arith.constant 424 : index
    %swap3A_1324 = arith.constant 0 : index
    %swap3A_1325 = vector.load %arg14[%swap3A_1323, %swap3A_1324] : memref<512x1xf32, #tpu.memory_space<vmem>>, vector<8x1xf32>
    tpu.vector_store %arg14[%swap3A_1323, %swap3A_1324], %broadcast_in_dim3A_1322 {strides = array<i32>} : memref<512x1xf32, #tpu.memory_space<vmem>>, vector<8x1xf32>,
    %mul3A_1326 = arith.mulf %add3A_1319, %add3A_1319 : vector<8x2048xf32>
    %reduce_sum3A_1327 = arith.constant dense<0.000000e+00> : vector<8xf32>
    %reduce_sum3A_1328 = vector.multi_reduction <add>, %mul3A_1326, %reduce_sum3A_1327 [1] : vector<8x2048xf32> to vector<8xf32>
    %broadcast_in_dim3A_1329 = vector.shape_cast %reduce_sum3A_1328 : vector<8xf32> to vector<8x1xf32>
    %swap3A_1330 = arith.constant 424 : index
    %swap3A_1331 = arith.constant 0 : index
    %swap3A_1332 = vector.load %arg15[%swap3A_1330, %swap3A_1331] : memref<512x1xf32, #tpu.memory_space<vmem>>, vector<8x1xf32>
    tpu.vector_store %arg15[%swap3A_1330, %swap3A_1331], %broadcast_in_dim3A_1329 {strides = array<i32>} : memref<512x1xf32, #tpu.memory_space<vmem>>, vector<8x1xf32>,
    %get3A_1333 = arith.constant 0 : index
    %get3A_1334 = arith.constant 432 : index
    %get3A_1335 = arith.constant 0 : index
    %get3A_1336 = vector.load %arg2[%get3A_1333, %get3A_1334, %get3A_1335] : memref<1x512x2048xf32, #tpu.memory_space<vmem>>, vector<1x8x2048xf32>
    %get3A_1337 = vector.shape_cast %get3A_1336 : vector<1x8x2048xf32> to vector<8x2048xf32>
    %get3A_1338 = arith.constant 432 : index
    %get3A_1339 = arith.constant 0 : index
    %get3A_1340 = vector.load %arg13[%get3A_1338, %get3A_1339] : memref<512x2048xf32, #tpu.memory_space<vmem>>, vector<8x2048xf32>
    %add3A_1341 = arith.addf %get3A_1337, %get3A_1340 : vector<8x2048xf32>
    %add3A_1342 = vector.broadcast %add3A_38 : vector<1x2048xf32> to vector<8x2048xf32>
    %add3A_1343 = arith.addf %add3A_1341, %add3A_1342 : vector<8x2048xf32>
    %reduce_sum3A_1344 = arith.constant dense<0.000000e+00> : vector<8xf32>
    %reduce_sum3A_1345 = vector.multi_reduction <add>, %add3A_1343, %reduce_sum3A_1344 [1] : vector<8x2048xf32> to vector<8xf32>
    %broadcast_in_dim3A_1346 = vector.shape_cast %reduce_sum3A_1345 : vector<8xf32> to vector<8x1xf32>
    %swap3A_1347 = arith.constant 432 : index
    %swap3A_1348 = arith.constant 0 : index
    %swap3A_1349 = vector.load %arg14[%swap3A_1347, %swap3A_1348] : memref<512x1xf32, #tpu.memory_space<vmem>>, vector<8x1xf32>
    tpu.vector_store %arg14[%swap3A_1347, %swap3A_1348], %broadcast_in_dim3A_1346 {strides = array<i32>} : memref<512x1xf32, #tpu.memory_space<vmem>>, vector<8x1xf32>,
    %mul3A_1350 = arith.mulf %add3A_1343, %add3A_1343 : vector<8x2048xf32>
    %reduce_sum3A_1351 = arith.constant dense<0.000000e+00> : vector<8xf32>
    %reduce_sum3A_1352 = vector.multi_reduction <add>, %mul3A_1350, %reduce_sum3A_1351 [1] : vector<8x2048xf32> to vector<8xf32>
    %broadcast_in_dim3A_1353 = vector.shape_cast %reduce_sum3A_1352 : vector<8xf32> to vector<8x1xf32>
    %swap3A_1354 = arith.constant 432 : index
    %swap3A_1355 = arith.constant 0 : index
    %swap3A_1356 = vector.load %arg15[%swap3A_1354, %swap3A_1355] : memref<512x1xf32, #tpu.memory_space<vmem>>, vector<8x1xf32>
    tpu.vector_store %arg15[%swap3A_1354, %swap3A_1355], %broadcast_in_dim3A_1353 {strides = array<i32>} : memref<512x1xf32, #tpu.memory_space<vmem>>, vector<8x1xf32>,
    %get3A_1357 = arith.constant 0 : index
    %get3A_1358 = arith.constant 440 : index
    %get3A_1359 = arith.constant 0 : index
    %get3A_1360 = vector.load %arg2[%get3A_1357, %get3A_1358, %get3A_1359] : memref<1x512x2048xf32, #tpu.memory_space<vmem>>, vector<1x8x2048xf32>
    %get3A_1361 = vector.shape_cast %get3A_1360 : vector<1x8x2048xf32> to vector<8x2048xf32>
    %get3A_1362 = arith.constant 440 : index
    %get3A_1363 = arith.constant 0 : index
    %get3A_1364 = vector.load %arg13[%get3A_1362, %get3A_1363] : memref<512x2048xf32, #tpu.memory_space<vmem>>, vector<8x2048xf32>
    %add3A_1365 = arith.addf %get3A_1361, %get3A_1364 : vector<8x2048xf32>
    %add3A_1366 = vector.broadcast %add3A_38 : vector<1x2048xf32> to vector<8x2048xf32>
    %add3A_1367 = arith.addf %add3A_1365, %add3A_1366 : vector<8x2048xf32>
    %reduce_sum3A_1368 = arith.constant dense<0.000000e+00> : vector<8xf32>
    %reduce_sum3A_1369 = vector.multi_reduction <add>, %add3A_1367, %reduce_sum3A_1368 [1] : vector<8x2048xf32> to vector<8xf32>
    %broadcast_in_dim3A_1370 = vector.shape_cast %reduce_sum3A_1369 : vector<8xf32> to vector<8x1xf32>
    %swap3A_1371 = arith.constant 440 : index
    %swap3A_1372 = arith.constant 0 : index
    %swap3A_1373 = vector.load %arg14[%swap3A_1371, %swap3A_1372] : memref<512x1xf32, #tpu.memory_space<vmem>>, vector<8x1xf32>
    tpu.vector_store %arg14[%swap3A_1371, %swap3A_1372], %broadcast_in_dim3A_1370 {strides = array<i32>} : memref<512x1xf32, #tpu.memory_space<vmem>>, vector<8x1xf32>,
    %mul3A_1374 = arith.mulf %add3A_1367, %add3A_1367 : vector<8x2048xf32>
    %reduce_sum3A_1375 = arith.constant dense<0.000000e+00> : vector<8xf32>
    %reduce_sum3A_1376 = vector.multi_reduction <add>, %mul3A_1374, %reduce_sum3A_1375 [1] : vector<8x2048xf32> to vector<8xf32>
    %broadcast_in_dim3A_1377 = vector.shape_cast %reduce_sum3A_1376 : vector<8xf32> to vector<8x1xf32>
    %swap3A_1378 = arith.constant 440 : index
    %swap3A_1379 = arith.constant 0 : index
    %swap3A_1380 = vector.load %arg15[%swap3A_1378, %swap3A_1379] : memref<512x1xf32, #tpu.memory_space<vmem>>, vector<8x1xf32>
    tpu.vector_store %arg15[%swap3A_1378, %swap3A_1379], %broadcast_in_dim3A_1377 {strides = array<i32>} : memref<512x1xf32, #tpu.memory_space<vmem>>, vector<8x1xf32>,
    %get3A_1381 = arith.constant 0 : index
    %get3A_1382 = arith.constant 448 : index
    %get3A_1383 = arith.constant 0 : index
    %get3A_1384 = vector.load %arg2[%get3A_1381, %get3A_1382, %get3A_1383] : memref<1x512x2048xf32, #tpu.memory_space<vmem>>, vector<1x8x2048xf32>
    %get3A_1385 = vector.shape_cast %get3A_1384 : vector<1x8x2048xf32> to vector<8x2048xf32>
    %get3A_1386 = arith.constant 448 : index
    %get3A_1387 = arith.constant 0 : index
    %get3A_1388 = vector.load %arg13[%get3A_1386, %get3A_1387] : memref<512x2048xf32, #tpu.memory_space<vmem>>, vector<8x2048xf32>
    %add3A_1389 = arith.addf %get3A_1385, %get3A_1388 : vector<8x2048xf32>
    %add3A_1390 = vector.broadcast %add3A_38 : vector<1x2048xf32> to vector<8x2048xf32>
    %add3A_1391 = arith.addf %add3A_1389, %add3A_1390 : vector<8x2048xf32>
    %reduce_sum3A_1392 = arith.constant dense<0.000000e+00> : vector<8xf32>
    %reduce_sum3A_1393 = vector.multi_reduction <add>, %add3A_1391, %reduce_sum3A_1392 [1] : vector<8x2048xf32> to vector<8xf32>
    %broadcast_in_dim3A_1394 = vector.shape_cast %reduce_sum3A_1393 : vector<8xf32> to vector<8x1xf32>
    %swap3A_1395 = arith.constant 448 : index
    %swap3A_1396 = arith.constant 0 : index
    %swap3A_1397 = vector.load %arg14[%swap3A_1395, %swap3A_1396] : memref<512x1xf32, #tpu.memory_space<vmem>>, vector<8x1xf32>
    tpu.vector_store %arg14[%swap3A_1395, %swap3A_1396], %broadcast_in_dim3A_1394 {strides = array<i32>} : memref<512x1xf32, #tpu.memory_space<vmem>>, vector<8x1xf32>,
    %mul3A_1398 = arith.mulf %add3A_1391, %add3A_1391 : vector<8x2048xf32>
    %reduce_sum3A_1399 = arith.constant dense<0.000000e+00> : vector<8xf32>
    %reduce_sum3A_1400 = vector.multi_reduction <add>, %mul3A_1398, %reduce_sum3A_1399 [1] : vector<8x2048xf32> to vector<8xf32>
    %broadcast_in_dim3A_1401 = vector.shape_cast %reduce_sum3A_1400 : vector<8xf32> to vector<8x1xf32>
    %swap3A_1402 = arith.constant 448 : index
    %swap3A_1403 = arith.constant 0 : index
    %swap3A_1404 = vector.load %arg15[%swap3A_1402, %swap3A_1403] : memref<512x1xf32, #tpu.memory_space<vmem>>, vector<8x1xf32>
    tpu.vector_store %arg15[%swap3A_1402, %swap3A_1403], %broadcast_in_dim3A_1401 {strides = array<i32>} : memref<512x1xf32, #tpu.memory_space<vmem>>, vector<8x1xf32>,
    %get3A_1405 = arith.constant 0 : index
    %get3A_1406 = arith.constant 456 : index
    %get3A_1407 = arith.constant 0 : index
    %get3A_1408 = vector.load %arg2[%get3A_1405, %get3A_1406, %get3A_1407] : memref<1x512x2048xf32, #tpu.memory_space<vmem>>, vector<1x8x2048xf32>
    %get3A_1409 = vector.shape_cast %get3A_1408 : vector<1x8x2048xf32> to vector<8x2048xf32>
    %get3A_1410 = arith.constant 456 : index
    %get3A_1411 = arith.constant 0 : index
    %get3A_1412 = vector.load %arg13[%get3A_1410, %get3A_1411] : memref<512x2048xf32, #tpu.memory_space<vmem>>, vector<8x2048xf32>
    %add3A_1413 = arith.addf %get3A_1409, %get3A_1412 : vector<8x2048xf32>
    %add3A_1414 = vector.broadcast %add3A_38 : vector<1x2048xf32> to vector<8x2048xf32>
    %add3A_1415 = arith.addf %add3A_1413, %add3A_1414 : vector<8x2048xf32>
    %reduce_sum3A_1416 = arith.constant dense<0.000000e+00> : vector<8xf32>
    %reduce_sum3A_1417 = vector.multi_reduction <add>, %add3A_1415, %reduce_sum3A_1416 [1] : vector<8x2048xf32> to vector<8xf32>
    %broadcast_in_dim3A_1418 = vector.shape_cast %reduce_sum3A_1417 : vector<8xf32> to vector<8x1xf32>
    %swap3A_1419 = arith.constant 456 : index
    %swap3A_1420 = arith.constant 0 : index
    %swap3A_1421 = vector.load %arg14[%swap3A_1419, %swap3A_1420] : memref<512x1xf32, #tpu.memory_space<vmem>>, vector<8x1xf32>
    tpu.vector_store %arg14[%swap3A_1419, %swap3A_1420], %broadcast_in_dim3A_1418 {strides = array<i32>} : memref<512x1xf32, #tpu.memory_space<vmem>>, vector<8x1xf32>,
    %mul3A_1422 = arith.mulf %add3A_1415, %add3A_1415 : vector<8x2048xf32>
    %reduce_sum3A_1423 = arith.constant dense<0.000000e+00> : vector<8xf32>
    %reduce_sum3A_1424 = vector.multi_reduction <add>, %mul3A_1422, %reduce_sum3A_1423 [1] : vector<8x2048xf32> to vector<8xf32>
    %broadcast_in_dim3A_1425 = vector.shape_cast %reduce_sum3A_1424 : vector<8xf32> to vector<8x1xf32>
    %swap3A_1426 = arith.constant 456 : index
    %swap3A_1427 = arith.constant 0 : index
    %swap3A_1428 = vector.load %arg15[%swap3A_1426, %swap3A_1427] : memref<512x1xf32, #tpu.memory_space<vmem>>, vector<8x1xf32>
    tpu.vector_store %arg15[%swap3A_1426, %swap3A_1427], %broadcast_in_dim3A_1425 {strides = array<i32>} : memref<512x1xf32, #tpu.memory_space<vmem>>, vector<8x1xf32>,
    %get3A_1429 = arith.constant 0 : index
    %get3A_1430 = arith.constant 464 : index
    %get3A_1431 = arith.constant 0 : index
    %get3A_1432 = vector.load %arg2[%get3A_1429, %get3A_1430, %get3A_1431] : memref<1x512x2048xf32, #tpu.memory_space<vmem>>, vector<1x8x2048xf32>
    %get3A_1433 = vector.shape_cast %get3A_1432 : vector<1x8x2048xf32> to vector<8x2048xf32>
    %get3A_1434 = arith.constant 464 : index
    %get3A_1435 = arith.constant 0 : index
    %get3A_1436 = vector.load %arg13[%get3A_1434, %get3A_1435] : memref<512x2048xf32, #tpu.memory_space<vmem>>, vector<8x2048xf32>
    %add3A_1437 = arith.addf %get3A_1433, %get3A_1436 : vector<8x2048xf32>
    %add3A_1438 = vector.broadcast %add3A_38 : vector<1x2048xf32> to vector<8x2048xf32>
    %add3A_1439 = arith.addf %add3A_1437, %add3A_1438 : vector<8x2048xf32>
    %reduce_sum3A_1440 = arith.constant dense<0.000000e+00> : vector<8xf32>
    %reduce_sum3A_1441 = vector.multi_reduction <add>, %add3A_1439, %reduce_sum3A_1440 [1] : vector<8x2048xf32> to vector<8xf32>
    %broadcast_in_dim3A_1442 = vector.shape_cast %reduce_sum3A_1441 : vector<8xf32> to vector<8x1xf32>
    %swap3A_1443 = arith.constant 464 : index
    %swap3A_1444 = arith.constant 0 : index
    %swap3A_1445 = vector.load %arg14[%swap3A_1443, %swap3A_1444] : memref<512x1xf32, #tpu.memory_space<vmem>>, vector<8x1xf32>
    tpu.vector_store %arg14[%swap3A_1443, %swap3A_1444], %broadcast_in_dim3A_1442 {strides = array<i32>} : memref<512x1xf32, #tpu.memory_space<vmem>>, vector<8x1xf32>,
    %mul3A_1446 = arith.mulf %add3A_1439, %add3A_1439 : vector<8x2048xf32>
    %reduce_sum3A_1447 = arith.constant dense<0.000000e+00> : vector<8xf32>
    %reduce_sum3A_1448 = vector.multi_reduction <add>, %mul3A_1446, %reduce_sum3A_1447 [1] : vector<8x2048xf32> to vector<8xf32>
    %broadcast_in_dim3A_1449 = vector.shape_cast %reduce_sum3A_1448 : vector<8xf32> to vector<8x1xf32>
    %swap3A_1450 = arith.constant 464 : index
    %swap3A_1451 = arith.constant 0 : index
    %swap3A_1452 = vector.load %arg15[%swap3A_1450, %swap3A_1451] : memref<512x1xf32, #tpu.memory_space<vmem>>, vector<8x1xf32>
    tpu.vector_store %arg15[%swap3A_1450, %swap3A_1451], %broadcast_in_dim3A_1449 {strides = array<i32>} : memref<512x1xf32, #tpu.memory_space<vmem>>, vector<8x1xf32>,
    %get3A_1453 = arith.constant 0 : index
    %get3A_1454 = arith.constant 472 : index
    %get3A_1455 = arith.constant 0 : index
    %get3A_1456 = vector.load %arg2[%get3A_1453, %get3A_1454, %get3A_1455] : memref<1x512x2048xf32, #tpu.memory_space<vmem>>, vector<1x8x2048xf32>
    %get3A_1457 = vector.shape_cast %get3A_1456 : vector<1x8x2048xf32> to vector<8x2048xf32>
    %get3A_1458 = arith.constant 472 : index
    %get3A_1459 = arith.constant 0 : index
    %get3A_1460 = vector.load %arg13[%get3A_1458, %get3A_1459] : memref<512x2048xf32, #tpu.memory_space<vmem>>, vector<8x2048xf32>
    %add3A_1461 = arith.addf %get3A_1457, %get3A_1460 : vector<8x2048xf32>
    %add3A_1462 = vector.broadcast %add3A_38 : vector<1x2048xf32> to vector<8x2048xf32>
    %add3A_1463 = arith.addf %add3A_1461, %add3A_1462 : vector<8x2048xf32>
    %reduce_sum3A_1464 = arith.constant dense<0.000000e+00> : vector<8xf32>
    %reduce_sum3A_1465 = vector.multi_reduction <add>, %add3A_1463, %reduce_sum3A_1464 [1] : vector<8x2048xf32> to vector<8xf32>
    %broadcast_in_dim3A_1466 = vector.shape_cast %reduce_sum3A_1465 : vector<8xf32> to vector<8x1xf32>
    %swap3A_1467 = arith.constant 472 : index
    %swap3A_1468 = arith.constant 0 : index
    %swap3A_1469 = vector.load %arg14[%swap3A_1467, %swap3A_1468] : memref<512x1xf32, #tpu.memory_space<vmem>>, vector<8x1xf32>
    tpu.vector_store %arg14[%swap3A_1467, %swap3A_1468], %broadcast_in_dim3A_1466 {strides = array<i32>} : memref<512x1xf32, #tpu.memory_space<vmem>>, vector<8x1xf32>,
    %mul3A_1470 = arith.mulf %add3A_1463, %add3A_1463 : vector<8x2048xf32>
    %reduce_sum3A_1471 = arith.constant dense<0.000000e+00> : vector<8xf32>
    %reduce_sum3A_1472 = vector.multi_reduction <add>, %mul3A_1470, %reduce_sum3A_1471 [1] : vector<8x2048xf32> to vector<8xf32>
    %broadcast_in_dim3A_1473 = vector.shape_cast %reduce_sum3A_1472 : vector<8xf32> to vector<8x1xf32>
    %swap3A_1474 = arith.constant 472 : index
    %swap3A_1475 = arith.constant 0 : index
    %swap3A_1476 = vector.load %arg15[%swap3A_1474, %swap3A_1475] : memref<512x1xf32, #tpu.memory_space<vmem>>, vector<8x1xf32>
    tpu.vector_store %arg15[%swap3A_1474, %swap3A_1475], %broadcast_in_dim3A_1473 {strides = array<i32>} : memref<512x1xf32, #tpu.memory_space<vmem>>, vector<8x1xf32>,
    %get3A_1477 = arith.constant 0 : index
    %get3A_1478 = arith.constant 480 : index
    %get3A_1479 = arith.constant 0 : index
    %get3A_1480 = vector.load %arg2[%get3A_1477, %get3A_1478, %get3A_1479] : memref<1x512x2048xf32, #tpu.memory_space<vmem>>, vector<1x8x2048xf32>
    %get3A_1481 = vector.shape_cast %get3A_1480 : vector<1x8x2048xf32> to vector<8x2048xf32>
    %get3A_1482 = arith.constant 480 : index
    %get3A_1483 = arith.constant 0 : index
    %get3A_1484 = vector.load %arg13[%get3A_1482, %get3A_1483] : memref<512x2048xf32, #tpu.memory_space<vmem>>, vector<8x2048xf32>
    %add3A_1485 = arith.addf %get3A_1481, %get3A_1484 : vector<8x2048xf32>
    %add3A_1486 = vector.broadcast %add3A_38 : vector<1x2048xf32> to vector<8x2048xf32>
    %add3A_1487 = arith.addf %add3A_1485, %add3A_1486 : vector<8x2048xf32>
    %reduce_sum3A_1488 = arith.constant dense<0.000000e+00> : vector<8xf32>
    %reduce_sum3A_1489 = vector.multi_reduction <add>, %add3A_1487, %reduce_sum3A_1488 [1] : vector<8x2048xf32> to vector<8xf32>
    %broadcast_in_dim3A_1490 = vector.shape_cast %reduce_sum3A_1489 : vector<8xf32> to vector<8x1xf32>
    %swap3A_1491 = arith.constant 480 : index
    %swap3A_1492 = arith.constant 0 : index
    %swap3A_1493 = vector.load %arg14[%swap3A_1491, %swap3A_1492] : memref<512x1xf32, #tpu.memory_space<vmem>>, vector<8x1xf32>
    tpu.vector_store %arg14[%swap3A_1491, %swap3A_1492], %broadcast_in_dim3A_1490 {strides = array<i32>} : memref<512x1xf32, #tpu.memory_space<vmem>>, vector<8x1xf32>,
    %mul3A_1494 = arith.mulf %add3A_1487, %add3A_1487 : vector<8x2048xf32>
    %reduce_sum3A_1495 = arith.constant dense<0.000000e+00> : vector<8xf32>
    %reduce_sum3A_1496 = vector.multi_reduction <add>, %mul3A_1494, %reduce_sum3A_1495 [1] : vector<8x2048xf32> to vector<8xf32>
    %broadcast_in_dim3A_1497 = vector.shape_cast %reduce_sum3A_1496 : vector<8xf32> to vector<8x1xf32>
    %swap3A_1498 = arith.constant 480 : index
    %swap3A_1499 = arith.constant 0 : index
    %swap3A_1500 = vector.load %arg15[%swap3A_1498, %swap3A_1499] : memref<512x1xf32, #tpu.memory_space<vmem>>, vector<8x1xf32>
    tpu.vector_store %arg15[%swap3A_1498, %swap3A_1499], %broadcast_in_dim3A_1497 {strides = array<i32>} : memref<512x1xf32, #tpu.memory_space<vmem>>, vector<8x1xf32>,
    %get3A_1501 = arith.constant 0 : index
    %get3A_1502 = arith.constant 488 : index
    %get3A_1503 = arith.constant 0 : index
    %get3A_1504 = vector.load %arg2[%get3A_1501, %get3A_1502, %get3A_1503] : memref<1x512x2048xf32, #tpu.memory_space<vmem>>, vector<1x8x2048xf32>
    %get3A_1505 = vector.shape_cast %get3A_1504 : vector<1x8x2048xf32> to vector<8x2048xf32>
    %get3A_1506 = arith.constant 488 : index
    %get3A_1507 = arith.constant 0 : index
    %get3A_1508 = vector.load %arg13[%get3A_1506, %get3A_1507] : memref<512x2048xf32, #tpu.memory_space<vmem>>, vector<8x2048xf32>
    %add3A_1509 = arith.addf %get3A_1505, %get3A_1508 : vector<8x2048xf32>
    %add3A_1510 = vector.broadcast %add3A_38 : vector<1x2048xf32> to vector<8x2048xf32>
    %add3A_1511 = arith.addf %add3A_1509, %add3A_1510 : vector<8x2048xf32>
    %reduce_sum3A_1512 = arith.constant dense<0.000000e+00> : vector<8xf32>
    %reduce_sum3A_1513 = vector.multi_reduction <add>, %add3A_1511, %reduce_sum3A_1512 [1] : vector<8x2048xf32> to vector<8xf32>
    %broadcast_in_dim3A_1514 = vector.shape_cast %reduce_sum3A_1513 : vector<8xf32> to vector<8x1xf32>
    %swap3A_1515 = arith.constant 488 : index
    %swap3A_1516 = arith.constant 0 : index
    %swap3A_1517 = vector.load %arg14[%swap3A_1515, %swap3A_1516] : memref<512x1xf32, #tpu.memory_space<vmem>>, vector<8x1xf32>
    tpu.vector_store %arg14[%swap3A_1515, %swap3A_1516], %broadcast_in_dim3A_1514 {strides = array<i32>} : memref<512x1xf32, #tpu.memory_space<vmem>>, vector<8x1xf32>,
    %mul3A_1518 = arith.mulf %add3A_1511, %add3A_1511 : vector<8x2048xf32>
    %reduce_sum3A_1519 = arith.constant dense<0.000000e+00> : vector<8xf32>
    %reduce_sum3A_1520 = vector.multi_reduction <add>, %mul3A_1518, %reduce_sum3A_1519 [1] : vector<8x2048xf32> to vector<8xf32>
    %broadcast_in_dim3A_1521 = vector.shape_cast %reduce_sum3A_1520 : vector<8xf32> to vector<8x1xf32>
    %swap3A_1522 = arith.constant 488 : index
    %swap3A_1523 = arith.constant 0 : index
    %swap3A_1524 = vector.load %arg15[%swap3A_1522, %swap3A_1523] : memref<512x1xf32, #tpu.memory_space<vmem>>, vector<8x1xf32>
    tpu.vector_store %arg15[%swap3A_1522, %swap3A_1523], %broadcast_in_dim3A_1521 {strides = array<i32>} : memref<512x1xf32, #tpu.memory_space<vmem>>, vector<8x1xf32>,
    %get3A_1525 = arith.constant 0 : index
    %get3A_1526 = arith.constant 496 : index
    %get3A_1527 = arith.constant 0 : index
    %get3A_1528 = vector.load %arg2[%get3A_1525, %get3A_1526, %get3A_1527] : memref<1x512x2048xf32, #tpu.memory_space<vmem>>, vector<1x8x2048xf32>
    %get3A_1529 = vector.shape_cast %get3A_1528 : vector<1x8x2048xf32> to vector<8x2048xf32>
    %get3A_1530 = arith.constant 496 : index
    %get3A_1531 = arith.constant 0 : index
    %get3A_1532 = vector.load %arg13[%get3A_1530, %get3A_1531] : memref<512x2048xf32, #tpu.memory_space<vmem>>, vector<8x2048xf32>
    %add3A_1533 = arith.addf %get3A_1529, %get3A_1532 : vector<8x2048xf32>
    %add3A_1534 = vector.broadcast %add3A_38 : vector<1x2048xf32> to vector<8x2048xf32>
    %add3A_1535 = arith.addf %add3A_1533, %add3A_1534 : vector<8x2048xf32>
    %reduce_sum3A_1536 = arith.constant dense<0.000000e+00> : vector<8xf32>
    %reduce_sum3A_1537 = vector.multi_reduction <add>, %add3A_1535, %reduce_sum3A_1536 [1] : vector<8x2048xf32> to vector<8xf32>
    %broadcast_in_dim3A_1538 = vector.shape_cast %reduce_sum3A_1537 : vector<8xf32> to vector<8x1xf32>
    %swap3A_1539 = arith.constant 496 : index
    %swap3A_1540 = arith.constant 0 : index
    %swap3A_1541 = vector.load %arg14[%swap3A_1539, %swap3A_1540] : memref<512x1xf32, #tpu.memory_space<vmem>>, vector<8x1xf32>
    tpu.vector_store %arg14[%swap3A_1539, %swap3A_1540], %broadcast_in_dim3A_1538 {strides = array<i32>} : memref<512x1xf32, #tpu.memory_space<vmem>>, vector<8x1xf32>,
    %mul3A_1542 = arith.mulf %add3A_1535, %add3A_1535 : vector<8x2048xf32>
    %reduce_sum3A_1543 = arith.constant dense<0.000000e+00> : vector<8xf32>
    %reduce_sum3A_1544 = vector.multi_reduction <add>, %mul3A_1542, %reduce_sum3A_1543 [1] : vector<8x2048xf32> to vector<8xf32>
    %broadcast_in_dim3A_1545 = vector.shape_cast %reduce_sum3A_1544 : vector<8xf32> to vector<8x1xf32>
    %swap3A_1546 = arith.constant 496 : index
    %swap3A_1547 = arith.constant 0 : index
    %swap3A_1548 = vector.load %arg15[%swap3A_1546, %swap3A_1547] : memref<512x1xf32, #tpu.memory_space<vmem>>, vector<8x1xf32>
    tpu.vector_store %arg15[%swap3A_1546, %swap3A_1547], %broadcast_in_dim3A_1545 {strides = array<i32>} : memref<512x1xf32, #tpu.memory_space<vmem>>, vector<8x1xf32>,
    %get3A_1549 = arith.constant 0 : index
    %get3A_1550 = arith.constant 504 : index
    %get3A_1551 = arith.constant 0 : index
    %get3A_1552 = vector.load %arg2[%get3A_1549, %get3A_1550, %get3A_1551] : memref<1x512x2048xf32, #tpu.memory_space<vmem>>, vector<1x8x2048xf32>
    %get3A_1553 = vector.shape_cast %get3A_1552 : vector<1x8x2048xf32> to vector<8x2048xf32>
    %get3A_1554 = arith.constant 504 : index
    %get3A_1555 = arith.constant 0 : index
    %get3A_1556 = vector.load %arg13[%get3A_1554, %get3A_1555] : memref<512x2048xf32, #tpu.memory_space<vmem>>, vector<8x2048xf32>
    %add3A_1557 = arith.addf %get3A_1553, %get3A_1556 : vector<8x2048xf32>
    %add3A_1558 = vector.broadcast %add3A_38 : vector<1x2048xf32> to vector<8x2048xf32>
    %add3A_1559 = arith.addf %add3A_1557, %add3A_1558 : vector<8x2048xf32>
    %reduce_sum3A_1560 = arith.constant dense<0.000000e+00> : vector<8xf32>
    %reduce_sum3A_1561 = vector.multi_reduction <add>, %add3A_1559, %reduce_sum3A_1560 [1] : vector<8x2048xf32> to vector<8xf32>
    %broadcast_in_dim3A_1562 = vector.shape_cast %reduce_sum3A_1561 : vector<8xf32> to vector<8x1xf32>
    %swap3A_1563 = arith.constant 504 : index
    %swap3A_1564 = arith.constant 0 : index
    %swap3A_1565 = vector.load %arg14[%swap3A_1563, %swap3A_1564] : memref<512x1xf32, #tpu.memory_space<vmem>>, vector<8x1xf32>
    tpu.vector_store %arg14[%swap3A_1563, %swap3A_1564], %broadcast_in_dim3A_1562 {strides = array<i32>} : memref<512x1xf32, #tpu.memory_space<vmem>>, vector<8x1xf32>,
    %mul3A_1566 = arith.mulf %add3A_1559, %add3A_1559 : vector<8x2048xf32>
    %reduce_sum3A_1567 = arith.constant dense<0.000000e+00> : vector<8xf32>
    %reduce_sum3A_1568 = vector.multi_reduction <add>, %mul3A_1566, %reduce_sum3A_1567 [1] : vector<8x2048xf32> to vector<8xf32>
    %broadcast_in_dim3A_1569 = vector.shape_cast %reduce_sum3A_1568 : vector<8xf32> to vector<8x1xf32>
    %swap3A_1570 = arith.constant 504 : index
    %swap3A_1571 = arith.constant 0 : index
    %swap3A_1572 = vector.load %arg15[%swap3A_1570, %swap3A_1571] : memref<512x1xf32, #tpu.memory_space<vmem>>, vector<8x1xf32>
    tpu.vector_store %arg15[%swap3A_1570, %swap3A_1571], %broadcast_in_dim3A_1569 {strides = array<i32>} : memref<512x1xf32, #tpu.memory_space<vmem>>, vector<8x1xf32>,
    %get3A_1573 = arith.constant 0 : index
    %get3A_1574 = arith.constant 0 : index
    %get3A_1575 = vector.load %arg14[%get3A_1573, %get3A_1574] : memref<512x1xf32, #tpu.memory_space<vmem>>, vector<512x1xf32>
    %mul3A_1576 = arith.constant 4.8828125E-4 : f32
    %mul3A_1577 = vector.broadcast %mul3A_1576 : f32 to vector<512x1xf32>
    %mul3A_1578 = arith.mulf %get3A_1575, %mul3A_1577 : vector<512x1xf32>
    %get3A_1579 = arith.constant 0 : index
    %get3A_1580 = arith.constant 0 : index
    %get3A_1581 = vector.load %arg15[%get3A_1579, %get3A_1580] : memref<512x1xf32, #tpu.memory_space<vmem>>, vector<512x1xf32>
    %mul3A_1582 = arith.constant 4.8828125E-4 : f32
    %mul3A_1583 = vector.broadcast %mul3A_1582 : f32 to vector<512x1xf32>
    %mul3A_1584 = arith.mulf %get3A_1581, %mul3A_1583 : vector<512x1xf32>
    %mul3A_1585 = arith.mulf %mul3A_1578, %mul3A_1578 : vector<512x1xf32>
    %sub3A = arith.subf %mul3A_1584, %mul3A_1585 : vector<512x1xf32>
    %add3A_1586 = arith.constant 9.99999974E-6 : f32
    %add3A_1587 = vector.broadcast %add3A_1586 : f32 to vector<512x1xf32>
    %add3A_1588 = arith.addf %sub3A, %add3A_1587 : vector<512x1xf32>
    %rsqrt3A = math.rsqrt %add3A_1588 : vector<512x1xf32>
    %swap3A_1589 = arith.constant 0 : index
    %swap3A_1590 = arith.constant 0 : index
    %swap3A_1591 = vector.load %arg14[%swap3A_1589, %swap3A_1590] : memref<512x1xf32, #tpu.memory_space<vmem>>, vector<512x1xf32>
    tpu.vector_store %arg14[%swap3A_1589, %swap3A_1590], %rsqrt3A {strides = array<i32>} : memref<512x1xf32, #tpu.memory_space<vmem>>, vector<512x1xf32>,
    %swap3A_1592 = arith.constant 0 : index
    %swap3A_1593 = arith.constant 0 : index
    %swap3A_1594 = vector.load %arg15[%swap3A_1592, %swap3A_1593] : memref<512x1xf32, #tpu.memory_space<vmem>>, vector<512x1xf32>
    tpu.vector_store %arg15[%swap3A_1592, %swap3A_1593], %mul3A_1578 {strides = array<i32>} : memref<512x1xf32, #tpu.memory_space<vmem>>, vector<512x1xf32>,
    %get3A_1595 = arith.constant 0 : index
    %get3A_1596 = arith.constant 0 : index
    %get3A_1597 = arith.constant 0 : index
    %get3A_1598 = vector.load %arg2[%get3A_1595, %get3A_1596, %get3A_1597] : memref<1x512x2048xf32, #tpu.memory_space<vmem>>, vector<1x8x2048xf32>
    %get3A_1599 = vector.shape_cast %get3A_1598 : vector<1x8x2048xf32> to vector<8x2048xf32>
    %get3A_1600 = arith.constant 0 : index
    %get3A_1601 = arith.constant 0 : index
    %get3A_1602 = vector.load %arg13[%get3A_1600, %get3A_1601] : memref<512x2048xf32, #tpu.memory_space<vmem>>, vector<8x2048xf32>
    %add3A_1603 = arith.addf %get3A_1599, %get3A_1602 : vector<8x2048xf32>
    %add3A_1604 = vector.broadcast %add3A_38 : vector<1x2048xf32> to vector<8x2048xf32>
    %add3A_1605 = arith.addf %add3A_1603, %add3A_1604 : vector<8x2048xf32>
    %get3A_1606 = arith.constant 0 : index
    %get3A_1607 = arith.constant 0 : index
    %get3A_1608 = vector.load %arg14[%get3A_1606, %get3A_1607] : memref<512x1xf32, #tpu.memory_space<vmem>>, vector<8x1xf32>
    %get3A_1609 = arith.constant 0 : index
    %get3A_1610 = arith.constant 0 : index
    %get3A_1611 = vector.load %arg15[%get3A_1609, %get3A_1610] : memref<512x1xf32, #tpu.memory_space<vmem>>, vector<8x1xf32>
    %sub3A_1612 = vector.broadcast %get3A_1611 : vector<8x1xf32> to vector<8x2048xf32>
    %sub3A_1613 = arith.subf %add3A_1605, %sub3A_1612 : vector<8x2048xf32>
    %mul3A_1614 = vector.broadcast %get3A_1608 : vector<8x1xf32> to vector<8x2048xf32>
    %mul3A_1615 = arith.mulf %sub3A_1613, %mul3A_1614 : vector<8x2048xf32>
    %get3A_1616 = arith.constant 0 : index
    %get3A_1617 = arith.constant 0 : index
    %get3A_1618 = vector.load %arg8[%get3A_1616, %get3A_1617] : memref<1x2048xf32, #tpu.memory_space<vmem>>, vector<1x2048xf32>
    %mul3A_1619 = vector.broadcast %get3A_1618 : vector<1x2048xf32> to vector<8x2048xf32>
    %mul3A_1620 = arith.mulf %mul3A_1615, %mul3A_1619 : vector<8x2048xf32>
    %get3A_1621 = arith.constant 0 : index
    %get3A_1622 = arith.constant 0 : index
    %get3A_1623 = vector.load %arg9[%get3A_1621, %get3A_1622] : memref<1x2048xf32, #tpu.memory_space<vmem>>, vector<1x2048xf32>
    %add3A_1624 = vector.broadcast %get3A_1623 : vector<1x2048xf32> to vector<8x2048xf32>
    %add3A_1625 = arith.addf %mul3A_1620, %add3A_1624 : vector<8x2048xf32>
    %swap3A_1626 = arith.constant 0 : index
    %swap3A_1627 = arith.constant 0 : index
    %swap3A_1628 = arith.constant 0 : index
    %swap3A_1629 = vector.load %arg12[%swap3A_1626, %swap3A_1627, %swap3A_1628] : memref<1x512x2048xf32, #tpu.memory_space<vmem>>, vector<1x8x2048xf32>
    %swap3A_1630 = vector.shape_cast %swap3A_1629 : vector<1x8x2048xf32> to vector<8x2048xf32>
    %swap3A_1631 = vector.shape_cast %add3A_1625 : vector<8x2048xf32> to vector<1x8x2048xf32>
    tpu.vector_store %arg12[%swap3A_1626, %swap3A_1627, %swap3A_1628], %swap3A_1631 {strides = array<i32>} : memref<1x512x2048xf32, #tpu.memory_space<vmem>>, vector<1x8x2048xf32>,
    %get3A_1632 = arith.constant 0 : index
    %get3A_1633 = arith.constant 8 : index
    %get3A_1634 = arith.constant 0 : index
    %get3A_1635 = vector.load %arg2[%get3A_1632, %get3A_1633, %get3A_1634] : memref<1x512x2048xf32, #tpu.memory_space<vmem>>, vector<1x8x2048xf32>
    %get3A_1636 = vector.shape_cast %get3A_1635 : vector<1x8x2048xf32> to vector<8x2048xf32>
    %get3A_1637 = arith.constant 8 : index
    %get3A_1638 = arith.constant 0 : index
    %get3A_1639 = vector.load %arg13[%get3A_1637, %get3A_1638] : memref<512x2048xf32, #tpu.memory_space<vmem>>, vector<8x2048xf32>
    %add3A_1640 = arith.addf %get3A_1636, %get3A_1639 : vector<8x2048xf32>
    %add3A_1641 = vector.broadcast %add3A_38 : vector<1x2048xf32> to vector<8x2048xf32>
    %add3A_1642 = arith.addf %add3A_1640, %add3A_1641 : vector<8x2048xf32>
    %get3A_1643 = arith.constant 8 : index
    %get3A_1644 = arith.constant 0 : index
    %get3A_1645 = vector.load %arg14[%get3A_1643, %get3A_1644] : memref<512x1xf32, #tpu.memory_space<vmem>>, vector<8x1xf32>
    %get3A_1646 = arith.constant 8 : index
    %get3A_1647 = arith.constant 0 : index
    %get3A_1648 = vector.load %arg15[%get3A_1646, %get3A_1647] : memref<512x1xf32, #tpu.memory_space<vmem>>, vector<8x1xf32>
    %sub3A_1649 = vector.broadcast %get3A_1648 : vector<8x1xf32> to vector<8x2048xf32>
    %sub3A_1650 = arith.subf %add3A_1642, %sub3A_1649 : vector<8x2048xf32>
    %mul3A_1651 = vector.broadcast %get3A_1645 : vector<8x1xf32> to vector<8x2048xf32>
    %mul3A_1652 = arith.mulf %sub3A_1650, %mul3A_1651 : vector<8x2048xf32>
    %get3A_1653 = arith.constant 0 : index
    %get3A_1654 = arith.constant 0 : index
    %get3A_1655 = vector.load %arg8[%get3A_1653, %get3A_1654] : memref<1x2048xf32, #tpu.memory_space<vmem>>, vector<1x2048xf32>
    %mul3A_1656 = vector.broadcast %get3A_1655 : vector<1x2048xf32> to vector<8x2048xf32>
    %mul3A_1657 = arith.mulf %mul3A_1652, %mul3A_1656 : vector<8x2048xf32>
    %get3A_1658 = arith.constant 0 : index
    %get3A_1659 = arith.constant 0 : index
    %get3A_1660 = vector.load %arg9[%get3A_1658, %get3A_1659] : memref<1x2048xf32, #tpu.memory_space<vmem>>, vector<1x2048xf32>
    %add3A_1661 = vector.broadcast %get3A_1660 : vector<1x2048xf32> to vector<8x2048xf32>
    %add3A_1662 = arith.addf %mul3A_1657, %add3A_1661 : vector<8x2048xf32>
    %swap3A_1663 = arith.constant 0 : index
    %swap3A_1664 = arith.constant 8 : index
    %swap3A_1665 = arith.constant 0 : index
    %swap3A_1666 = vector.load %arg12[%swap3A_1663, %swap3A_1664, %swap3A_1665] : memref<1x512x2048xf32, #tpu.memory_space<vmem>>, vector<1x8x2048xf32>
    %swap3A_1667 = vector.shape_cast %swap3A_1666 : vector<1x8x2048xf32> to vector<8x2048xf32>
    %swap3A_1668 = vector.shape_cast %add3A_1662 : vector<8x2048xf32> to vector<1x8x2048xf32>
    tpu.vector_store %arg12[%swap3A_1663, %swap3A_1664, %swap3A_1665], %swap3A_1668 {strides = array<i32>} : memref<1x512x2048xf32, #tpu.memory_space<vmem>>, vector<1x8x2048xf32>,
    %get3A_1669 = arith.constant 0 : index
    %get3A_1670 = arith.constant 16 : index
    %get3A_1671 = arith.constant 0 : index
    %get3A_1672 = vector.load %arg2[%get3A_1669, %get3A_1670, %get3A_1671] : memref<1x512x2048xf32, #tpu.memory_space<vmem>>, vector<1x8x2048xf32>
    %get3A_1673 = vector.shape_cast %get3A_1672 : vector<1x8x2048xf32> to vector<8x2048xf32>
    %get3A_1674 = arith.constant 16 : index
    %get3A_1675 = arith.constant 0 : index
    %get3A_1676 = vector.load %arg13[%get3A_1674, %get3A_1675] : memref<512x2048xf32, #tpu.memory_space<vmem>>, vector<8x2048xf32>
    %add3A_1677 = arith.addf %get3A_1673, %get3A_1676 : vector<8x2048xf32>
    %add3A_1678 = vector.broadcast %add3A_38 : vector<1x2048xf32> to vector<8x2048xf32>
    %add3A_1679 = arith.addf %add3A_1677, %add3A_1678 : vector<8x2048xf32>
    %get3A_1680 = arith.constant 16 : index
    %get3A_1681 = arith.constant 0 : index
    %get3A_1682 = vector.load %arg14[%get3A_1680, %get3A_1681] : memref<512x1xf32, #tpu.memory_space<vmem>>, vector<8x1xf32>
    %get3A_1683 = arith.constant 16 : index
    %get3A_1684 = arith.constant 0 : index
    %get3A_1685 = vector.load %arg15[%get3A_1683, %get3A_1684] : memref<512x1xf32, #tpu.memory_space<vmem>>, vector<8x1xf32>
    %sub3A_1686 = vector.broadcast %get3A_1685 : vector<8x1xf32> to vector<8x2048xf32>
    %sub3A_1687 = arith.subf %add3A_1679, %sub3A_1686 : vector<8x2048xf32>
    %mul3A_1688 = vector.broadcast %get3A_1682 : vector<8x1xf32> to vector<8x2048xf32>
    %mul3A_1689 = arith.mulf %sub3A_1687, %mul3A_1688 : vector<8x2048xf32>
    %get3A_1690 = arith.constant 0 : index
    %get3A_1691 = arith.constant 0 : index
    %get3A_1692 = vector.load %arg8[%get3A_1690, %get3A_1691] : memref<1x2048xf32, #tpu.memory_space<vmem>>, vector<1x2048xf32>
    %mul3A_1693 = vector.broadcast %get3A_1692 : vector<1x2048xf32> to vector<8x2048xf32>
    %mul3A_1694 = arith.mulf %mul3A_1689, %mul3A_1693 : vector<8x2048xf32>
    %get3A_1695 = arith.constant 0 : index
    %get3A_1696 = arith.constant 0 : index
    %get3A_1697 = vector.load %arg9[%get3A_1695, %get3A_1696] : memref<1x2048xf32, #tpu.memory_space<vmem>>, vector<1x2048xf32>
    %add3A_1698 = vector.broadcast %get3A_1697 : vector<1x2048xf32> to vector<8x2048xf32>
    %add3A_1699 = arith.addf %mul3A_1694, %add3A_1698 : vector<8x2048xf32>
    %swap3A_1700 = arith.constant 0 : index
    %swap3A_1701 = arith.constant 16 : index
    %swap3A_1702 = arith.constant 0 : index
    %swap3A_1703 = vector.load %arg12[%swap3A_1700, %swap3A_1701, %swap3A_1702] : memref<1x512x2048xf32, #tpu.memory_space<vmem>>, vector<1x8x2048xf32>
    %swap3A_1704 = vector.shape_cast %swap3A_1703 : vector<1x8x2048xf32> to vector<8x2048xf32>
    %swap3A_1705 = vector.shape_cast %add3A_1699 : vector<8x2048xf32> to vector<1x8x2048xf32>
    tpu.vector_store %arg12[%swap3A_1700, %swap3A_1701, %swap3A_1702], %swap3A_1705 {strides = array<i32>} : memref<1x512x2048xf32, #tpu.memory_space<vmem>>, vector<1x8x2048xf32>,
    %get3A_1706 = arith.constant 0 : index
    %get3A_1707 = arith.constant 24 : index
    %get3A_1708 = arith.constant 0 : index
    %get3A_1709 = vector.load %arg2[%get3A_1706, %get3A_1707, %get3A_1708] : memref<1x512x2048xf32, #tpu.memory_space<vmem>>, vector<1x8x2048xf32>
    %get3A_1710 = vector.shape_cast %get3A_1709 : vector<1x8x2048xf32> to vector<8x2048xf32>
    %get3A_1711 = arith.constant 24 : index
    %get3A_1712 = arith.constant 0 : index
    %get3A_1713 = vector.load %arg13[%get3A_1711, %get3A_1712] : memref<512x2048xf32, #tpu.memory_space<vmem>>, vector<8x2048xf32>
    %add3A_1714 = arith.addf %get3A_1710, %get3A_1713 : vector<8x2048xf32>
    %add3A_1715 = vector.broadcast %add3A_38 : vector<1x2048xf32> to vector<8x2048xf32>
    %add3A_1716 = arith.addf %add3A_1714, %add3A_1715 : vector<8x2048xf32>
    %get3A_1717 = arith.constant 24 : index
    %get3A_1718 = arith.constant 0 : index
    %get3A_1719 = vector.load %arg14[%get3A_1717, %get3A_1718] : memref<512x1xf32, #tpu.memory_space<vmem>>, vector<8x1xf32>
    %get3A_1720 = arith.constant 24 : index
    %get3A_1721 = arith.constant 0 : index
    %get3A_1722 = vector.load %arg15[%get3A_1720, %get3A_1721] : memref<512x1xf32, #tpu.memory_space<vmem>>, vector<8x1xf32>
    %sub3A_1723 = vector.broadcast %get3A_1722 : vector<8x1xf32> to vector<8x2048xf32>
    %sub3A_1724 = arith.subf %add3A_1716, %sub3A_1723 : vector<8x2048xf32>
    %mul3A_1725 = vector.broadcast %get3A_1719 : vector<8x1xf32> to vector<8x2048xf32>
    %mul3A_1726 = arith.mulf %sub3A_1724, %mul3A_1725 : vector<8x2048xf32>
    %get3A_1727 = arith.constant 0 : index
    %get3A_1728 = arith.constant 0 : index
    %get3A_1729 = vector.load %arg8[%get3A_1727, %get3A_1728] : memref<1x2048xf32, #tpu.memory_space<vmem>>, vector<1x2048xf32>
    %mul3A_1730 = vector.broadcast %get3A_1729 : vector<1x2048xf32> to vector<8x2048xf32>
    %mul3A_1731 = arith.mulf %mul3A_1726, %mul3A_1730 : vector<8x2048xf32>
    %get3A_1732 = arith.constant 0 : index
    %get3A_1733 = arith.constant 0 : index
    %get3A_1734 = vector.load %arg9[%get3A_1732, %get3A_1733] : memref<1x2048xf32, #tpu.memory_space<vmem>>, vector<1x2048xf32>
    %add3A_1735 = vector.broadcast %get3A_1734 : vector<1x2048xf32> to vector<8x2048xf32>
    %add3A_1736 = arith.addf %mul3A_1731, %add3A_1735 : vector<8x2048xf32>
    %swap3A_1737 = arith.constant 0 : index
    %swap3A_1738 = arith.constant 24 : index
    %swap3A_1739 = arith.constant 0 : index
    %swap3A_1740 = vector.load %arg12[%swap3A_1737, %swap3A_1738, %swap3A_1739] : memref<1x512x2048xf32, #tpu.memory_space<vmem>>, vector<1x8x2048xf32>
    %swap3A_1741 = vector.shape_cast %swap3A_1740 : vector<1x8x2048xf32> to vector<8x2048xf32>
    %swap3A_1742 = vector.shape_cast %add3A_1736 : vector<8x2048xf32> to vector<1x8x2048xf32>
    tpu.vector_store %arg12[%swap3A_1737, %swap3A_1738, %swap3A_1739], %swap3A_1742 {strides = array<i32>} : memref<1x512x2048xf32, #tpu.memory_space<vmem>>, vector<1x8x2048xf32>,
    %get3A_1743 = arith.constant 0 : index
    %get3A_1744 = arith.constant 32 : index
    %get3A_1745 = arith.constant 0 : index
    %get3A_1746 = vector.load %arg2[%get3A_1743, %get3A_1744, %get3A_1745] : memref<1x512x2048xf32, #tpu.memory_space<vmem>>, vector<1x8x2048xf32>
    %get3A_1747 = vector.shape_cast %get3A_1746 : vector<1x8x2048xf32> to vector<8x2048xf32>
    %get3A_1748 = arith.constant 32 : index
    %get3A_1749 = arith.constant 0 : index
    %get3A_1750 = vector.load %arg13[%get3A_1748, %get3A_1749] : memref<512x2048xf32, #tpu.memory_space<vmem>>, vector<8x2048xf32>
    %add3A_1751 = arith.addf %get3A_1747, %get3A_1750 : vector<8x2048xf32>
    %add3A_1752 = vector.broadcast %add3A_38 : vector<1x2048xf32> to vector<8x2048xf32>
    %add3A_1753 = arith.addf %add3A_1751, %add3A_1752 : vector<8x2048xf32>
    %get3A_1754 = arith.constant 32 : index
    %get3A_1755 = arith.constant 0 : index
    %get3A_1756 = vector.load %arg14[%get3A_1754, %get3A_1755] : memref<512x1xf32, #tpu.memory_space<vmem>>, vector<8x1xf32>
    %get3A_1757 = arith.constant 32 : index
    %get3A_1758 = arith.constant 0 : index
    %get3A_1759 = vector.load %arg15[%get3A_1757, %get3A_1758] : memref<512x1xf32, #tpu.memory_space<vmem>>, vector<8x1xf32>
    %sub3A_1760 = vector.broadcast %get3A_1759 : vector<8x1xf32> to vector<8x2048xf32>
    %sub3A_1761 = arith.subf %add3A_1753, %sub3A_1760 : vector<8x2048xf32>
    %mul3A_1762 = vector.broadcast %get3A_1756 : vector<8x1xf32> to vector<8x2048xf32>
    %mul3A_1763 = arith.mulf %sub3A_1761, %mul3A_1762 : vector<8x2048xf32>
    %get3A_1764 = arith.constant 0 : index
    %get3A_1765 = arith.constant 0 : index
    %get3A_1766 = vector.load %arg8[%get3A_1764, %get3A_1765] : memref<1x2048xf32, #tpu.memory_space<vmem>>, vector<1x2048xf32>
    %mul3A_1767 = vector.broadcast %get3A_1766 : vector<1x2048xf32> to vector<8x2048xf32>
    %mul3A_1768 = arith.mulf %mul3A_1763, %mul3A_1767 : vector<8x2048xf32>
    %get3A_1769 = arith.constant 0 : index
    %get3A_1770 = arith.constant 0 : index
    %get3A_1771 = vector.load %arg9[%get3A_1769, %get3A_1770] : memref<1x2048xf32, #tpu.memory_space<vmem>>, vector<1x2048xf32>
    %add3A_1772 = vector.broadcast %get3A_1771 : vector<1x2048xf32> to vector<8x2048xf32>
    %add3A_1773 = arith.addf %mul3A_1768, %add3A_1772 : vector<8x2048xf32>
    %swap3A_1774 = arith.constant 0 : index
    %swap3A_1775 = arith.constant 32 : index
    %swap3A_1776 = arith.constant 0 : index
    %swap3A_1777 = vector.load %arg12[%swap3A_1774, %swap3A_1775, %swap3A_1776] : memref<1x512x2048xf32, #tpu.memory_space<vmem>>, vector<1x8x2048xf32>
    %swap3A_1778 = vector.shape_cast %swap3A_1777 : vector<1x8x2048xf32> to vector<8x2048xf32>
    %swap3A_1779 = vector.shape_cast %add3A_1773 : vector<8x2048xf32> to vector<1x8x2048xf32>
    tpu.vector_store %arg12[%swap3A_1774, %swap3A_1775, %swap3A_1776], %swap3A_1779 {strides = array<i32>} : memref<1x512x2048xf32, #tpu.memory_space<vmem>>, vector<1x8x2048xf32>,
    %get3A_1780 = arith.constant 0 : index
    %get3A_1781 = arith.constant 40 : index
    %get3A_1782 = arith.constant 0 : index
    %get3A_1783 = vector.load %arg2[%get3A_1780, %get3A_1781, %get3A_1782] : memref<1x512x2048xf32, #tpu.memory_space<vmem>>, vector<1x8x2048xf32>
    %get3A_1784 = vector.shape_cast %get3A_1783 : vector<1x8x2048xf32> to vector<8x2048xf32>
    %get3A_1785 = arith.constant 40 : index
    %get3A_1786 = arith.constant 0 : index
    %get3A_1787 = vector.load %arg13[%get3A_1785, %get3A_1786] : memref<512x2048xf32, #tpu.memory_space<vmem>>, vector<8x2048xf32>
    %add3A_1788 = arith.addf %get3A_1784, %get3A_1787 : vector<8x2048xf32>
    %add3A_1789 = vector.broadcast %add3A_38 : vector<1x2048xf32> to vector<8x2048xf32>
    %add3A_1790 = arith.addf %add3A_1788, %add3A_1789 : vector<8x2048xf32>
    %get3A_1791 = arith.constant 40 : index
    %get3A_1792 = arith.constant 0 : index
    %get3A_1793 = vector.load %arg14[%get3A_1791, %get3A_1792] : memref<512x1xf32, #tpu.memory_space<vmem>>, vector<8x1xf32>
    %get3A_1794 = arith.constant 40 : index
    %get3A_1795 = arith.constant 0 : index
    %get3A_1796 = vector.load %arg15[%get3A_1794, %get3A_1795] : memref<512x1xf32, #tpu.memory_space<vmem>>, vector<8x1xf32>
    %sub3A_1797 = vector.broadcast %get3A_1796 : vector<8x1xf32> to vector<8x2048xf32>
    %sub3A_1798 = arith.subf %add3A_1790, %sub3A_1797 : vector<8x2048xf32>
    %mul3A_1799 = vector.broadcast %get3A_1793 : vector<8x1xf32> to vector<8x2048xf32>
    %mul3A_1800 = arith.mulf %sub3A_1798, %mul3A_1799 : vector<8x2048xf32>
    %get3A_1801 = arith.constant 0 : index
    %get3A_1802 = arith.constant 0 : index
    %get3A_1803 = vector.load %arg8[%get3A_1801, %get3A_1802] : memref<1x2048xf32, #tpu.memory_space<vmem>>, vector<1x2048xf32>
    %mul3A_1804 = vector.broadcast %get3A_1803 : vector<1x2048xf32> to vector<8x2048xf32>
    %mul3A_1805 = arith.mulf %mul3A_1800, %mul3A_1804 : vector<8x2048xf32>
    %get3A_1806 = arith.constant 0 : index
    %get3A_1807 = arith.constant 0 : index
    %get3A_1808 = vector.load %arg9[%get3A_1806, %get3A_1807] : memref<1x2048xf32, #tpu.memory_space<vmem>>, vector<1x2048xf32>
    %add3A_1809 = vector.broadcast %get3A_1808 : vector<1x2048xf32> to vector<8x2048xf32>
    %add3A_1810 = arith.addf %mul3A_1805, %add3A_1809 : vector<8x2048xf32>
    %swap3A_1811 = arith.constant 0 : index
    %swap3A_1812 = arith.constant 40 : index
    %swap3A_1813 = arith.constant 0 : index
    %swap3A_1814 = vector.load %arg12[%swap3A_1811, %swap3A_1812, %swap3A_1813] : memref<1x512x2048xf32, #tpu.memory_space<vmem>>, vector<1x8x2048xf32>
    %swap3A_1815 = vector.shape_cast %swap3A_1814 : vector<1x8x2048xf32> to vector<8x2048xf32>
    %swap3A_1816 = vector.shape_cast %add3A_1810 : vector<8x2048xf32> to vector<1x8x2048xf32>
    tpu.vector_store %arg12[%swap3A_1811, %swap3A_1812, %swap3A_1813], %swap3A_1816 {strides = array<i32>} : memref<1x512x2048xf32, #tpu.memory_space<vmem>>, vector<1x8x2048xf32>,
    %get3A_1817 = arith.constant 0 : index
    %get3A_1818 = arith.constant 48 : index
    %get3A_1819 = arith.constant 0 : index
    %get3A_1820 = vector.load %arg2[%get3A_1817, %get3A_1818, %get3A_1819] : memref<1x512x2048xf32, #tpu.memory_space<vmem>>, vector<1x8x2048xf32>
    %get3A_1821 = vector.shape_cast %get3A_1820 : vector<1x8x2048xf32> to vector<8x2048xf32>
    %get3A_1822 = arith.constant 48 : index
    %get3A_1823 = arith.constant 0 : index
    %get3A_1824 = vector.load %arg13[%get3A_1822, %get3A_1823] : memref<512x2048xf32, #tpu.memory_space<vmem>>, vector<8x2048xf32>
    %add3A_1825 = arith.addf %get3A_1821, %get3A_1824 : vector<8x2048xf32>
    %add3A_1826 = vector.broadcast %add3A_38 : vector<1x2048xf32> to vector<8x2048xf32>
    %add3A_1827 = arith.addf %add3A_1825, %add3A_1826 : vector<8x2048xf32>
    %get3A_1828 = arith.constant 48 : index
    %get3A_1829 = arith.constant 0 : index
    %get3A_1830 = vector.load %arg14[%get3A_1828, %get3A_1829] : memref<512x1xf32, #tpu.memory_space<vmem>>, vector<8x1xf32>
    %get3A_1831 = arith.constant 48 : index
    %get3A_1832 = arith.constant 0 : index
    %get3A_1833 = vector.load %arg15[%get3A_1831, %get3A_1832] : memref<512x1xf32, #tpu.memory_space<vmem>>, vector<8x1xf32>
    %sub3A_1834 = vector.broadcast %get3A_1833 : vector<8x1xf32> to vector<8x2048xf32>
    %sub3A_1835 = arith.subf %add3A_1827, %sub3A_1834 : vector<8x2048xf32>
    %mul3A_1836 = vector.broadcast %get3A_1830 : vector<8x1xf32> to vector<8x2048xf32>
    %mul3A_1837 = arith.mulf %sub3A_1835, %mul3A_1836 : vector<8x2048xf32>
    %get3A_1838 = arith.constant 0 : index
    %get3A_1839 = arith.constant 0 : index
    %get3A_1840 = vector.load %arg8[%get3A_1838, %get3A_1839] : memref<1x2048xf32, #tpu.memory_space<vmem>>, vector<1x2048xf32>
    %mul3A_1841 = vector.broadcast %get3A_1840 : vector<1x2048xf32> to vector<8x2048xf32>
    %mul3A_1842 = arith.mulf %mul3A_1837, %mul3A_1841 : vector<8x2048xf32>
    %get3A_1843 = arith.constant 0 : index
    %get3A_1844 = arith.constant 0 : index
    %get3A_1845 = vector.load %arg9[%get3A_1843, %get3A_1844] : memref<1x2048xf32, #tpu.memory_space<vmem>>, vector<1x2048xf32>
    %add3A_1846 = vector.broadcast %get3A_1845 : vector<1x2048xf32> to vector<8x2048xf32>
    %add3A_1847 = arith.addf %mul3A_1842, %add3A_1846 : vector<8x2048xf32>
    %swap3A_1848 = arith.constant 0 : index
    %swap3A_1849 = arith.constant 48 : index
    %swap3A_1850 = arith.constant 0 : index
    %swap3A_1851 = vector.load %arg12[%swap3A_1848, %swap3A_1849, %swap3A_1850] : memref<1x512x2048xf32, #tpu.memory_space<vmem>>, vector<1x8x2048xf32>
    %swap3A_1852 = vector.shape_cast %swap3A_1851 : vector<1x8x2048xf32> to vector<8x2048xf32>
    %swap3A_1853 = vector.shape_cast %add3A_1847 : vector<8x2048xf32> to vector<1x8x2048xf32>
    tpu.vector_store %arg12[%swap3A_1848, %swap3A_1849, %swap3A_1850], %swap3A_1853 {strides = array<i32>} : memref<1x512x2048xf32, #tpu.memory_space<vmem>>, vector<1x8x2048xf32>,
    %get3A_1854 = arith.constant 0 : index
    %get3A_1855 = arith.constant 56 : index
    %get3A_1856 = arith.constant 0 : index
    %get3A_1857 = vector.load %arg2[%get3A_1854, %get3A_1855, %get3A_1856] : memref<1x512x2048xf32, #tpu.memory_space<vmem>>, vector<1x8x2048xf32>
    %get3A_1858 = vector.shape_cast %get3A_1857 : vector<1x8x2048xf32> to vector<8x2048xf32>
    %get3A_1859 = arith.constant 56 : index
    %get3A_1860 = arith.constant 0 : index
    %get3A_1861 = vector.load %arg13[%get3A_1859, %get3A_1860] : memref<512x2048xf32, #tpu.memory_space<vmem>>, vector<8x2048xf32>
    %add3A_1862 = arith.addf %get3A_1858, %get3A_1861 : vector<8x2048xf32>
    %add3A_1863 = vector.broadcast %add3A_38 : vector<1x2048xf32> to vector<8x2048xf32>
    %add3A_1864 = arith.addf %add3A_1862, %add3A_1863 : vector<8x2048xf32>
    %get3A_1865 = arith.constant 56 : index
    %get3A_1866 = arith.constant 0 : index
    %get3A_1867 = vector.load %arg14[%get3A_1865, %get3A_1866] : memref<512x1xf32, #tpu.memory_space<vmem>>, vector<8x1xf32>
    %get3A_1868 = arith.constant 56 : index
    %get3A_1869 = arith.constant 0 : index
    %get3A_1870 = vector.load %arg15[%get3A_1868, %get3A_1869] : memref<512x1xf32, #tpu.memory_space<vmem>>, vector<8x1xf32>
    %sub3A_1871 = vector.broadcast %get3A_1870 : vector<8x1xf32> to vector<8x2048xf32>
    %sub3A_1872 = arith.subf %add3A_1864, %sub3A_1871 : vector<8x2048xf32>
    %mul3A_1873 = vector.broadcast %get3A_1867 : vector<8x1xf32> to vector<8x2048xf32>
    %mul3A_1874 = arith.mulf %sub3A_1872, %mul3A_1873 : vector<8x2048xf32>
    %get3A_1875 = arith.constant 0 : index
    %get3A_1876 = arith.constant 0 : index
    %get3A_1877 = vector.load %arg8[%get3A_1875, %get3A_1876] : memref<1x2048xf32, #tpu.memory_space<vmem>>, vector<1x2048xf32>
    %mul3A_1878 = vector.broadcast %get3A_1877 : vector<1x2048xf32> to vector<8x2048xf32>
    %mul3A_1879 = arith.mulf %mul3A_1874, %mul3A_1878 : vector<8x2048xf32>
    %get3A_1880 = arith.constant 0 : index
    %get3A_1881 = arith.constant 0 : index
    %get3A_1882 = vector.load %arg9[%get3A_1880, %get3A_1881] : memref<1x2048xf32, #tpu.memory_space<vmem>>, vector<1x2048xf32>
    %add3A_1883 = vector.broadcast %get3A_1882 : vector<1x2048xf32> to vector<8x2048xf32>
    %add3A_1884 = arith.addf %mul3A_1879, %add3A_1883 : vector<8x2048xf32>
    %swap3A_1885 = arith.constant 0 : index
    %swap3A_1886 = arith.constant 56 : index
    %swap3A_1887 = arith.constant 0 : index
    %swap3A_1888 = vector.load %arg12[%swap3A_1885, %swap3A_1886, %swap3A_1887] : memref<1x512x2048xf32, #tpu.memory_space<vmem>>, vector<1x8x2048xf32>
    %swap3A_1889 = vector.shape_cast %swap3A_1888 : vector<1x8x2048xf32> to vector<8x2048xf32>
    %swap3A_1890 = vector.shape_cast %add3A_1884 : vector<8x2048xf32> to vector<1x8x2048xf32>
    tpu.vector_store %arg12[%swap3A_1885, %swap3A_1886, %swap3A_1887], %swap3A_1890 {strides = array<i32>} : memref<1x512x2048xf32, #tpu.memory_space<vmem>>, vector<1x8x2048xf32>,
    %get3A_1891 = arith.constant 0 : index
    %get3A_1892 = arith.constant 64 : index
    %get3A_1893 = arith.constant 0 : index
    %get3A_1894 = vector.load %arg2[%get3A_1891, %get3A_1892, %get3A_1893] : memref<1x512x2048xf32, #tpu.memory_space<vmem>>, vector<1x8x2048xf32>
    %get3A_1895 = vector.shape_cast %get3A_1894 : vector<1x8x2048xf32> to vector<8x2048xf32>
    %get3A_1896 = arith.constant 64 : index
    %get3A_1897 = arith.constant 0 : index
    %get3A_1898 = vector.load %arg13[%get3A_1896, %get3A_1897] : memref<512x2048xf32, #tpu.memory_space<vmem>>, vector<8x2048xf32>
    %add3A_1899 = arith.addf %get3A_1895, %get3A_1898 : vector<8x2048xf32>
    %add3A_1900 = vector.broadcast %add3A_38 : vector<1x2048xf32> to vector<8x2048xf32>
    %add3A_1901 = arith.addf %add3A_1899, %add3A_1900 : vector<8x2048xf32>
    %get3A_1902 = arith.constant 64 : index
    %get3A_1903 = arith.constant 0 : index
    %get3A_1904 = vector.load %arg14[%get3A_1902, %get3A_1903] : memref<512x1xf32, #tpu.memory_space<vmem>>, vector<8x1xf32>
    %get3A_1905 = arith.constant 64 : index
    %get3A_1906 = arith.constant 0 : index
    %get3A_1907 = vector.load %arg15[%get3A_1905, %get3A_1906] : memref<512x1xf32, #tpu.memory_space<vmem>>, vector<8x1xf32>
    %sub3A_1908 = vector.broadcast %get3A_1907 : vector<8x1xf32> to vector<8x2048xf32>
    %sub3A_1909 = arith.subf %add3A_1901, %sub3A_1908 : vector<8x2048xf32>
    %mul3A_1910 = vector.broadcast %get3A_1904 : vector<8x1xf32> to vector<8x2048xf32>
    %mul3A_1911 = arith.mulf %sub3A_1909, %mul3A_1910 : vector<8x2048xf32>
    %get3A_1912 = arith.constant 0 : index
    %get3A_1913 = arith.constant 0 : index
    %get3A_1914 = vector.load %arg8[%get3A_1912, %get3A_1913] : memref<1x2048xf32, #tpu.memory_space<vmem>>, vector<1x2048xf32>
    %mul3A_1915 = vector.broadcast %get3A_1914 : vector<1x2048xf32> to vector<8x2048xf32>
    %mul3A_1916 = arith.mulf %mul3A_1911, %mul3A_1915 : vector<8x2048xf32>
    %get3A_1917 = arith.constant 0 : index
    %get3A_1918 = arith.constant 0 : index
    %get3A_1919 = vector.load %arg9[%get3A_1917, %get3A_1918] : memref<1x2048xf32, #tpu.memory_space<vmem>>, vector<1x2048xf32>
    %add3A_1920 = vector.broadcast %get3A_1919 : vector<1x2048xf32> to vector<8x2048xf32>
    %add3A_1921 = arith.addf %mul3A_1916, %add3A_1920 : vector<8x2048xf32>
    %swap3A_1922 = arith.constant 0 : index
    %swap3A_1923 = arith.constant 64 : index
    %swap3A_1924 = arith.constant 0 : index
    %swap3A_1925 = vector.load %arg12[%swap3A_1922, %swap3A_1923, %swap3A_1924] : memref<1x512x2048xf32, #tpu.memory_space<vmem>>, vector<1x8x2048xf32>
    %swap3A_1926 = vector.shape_cast %swap3A_1925 : vector<1x8x2048xf32> to vector<8x2048xf32>
    %swap3A_1927 = vector.shape_cast %add3A_1921 : vector<8x2048xf32> to vector<1x8x2048xf32>
    tpu.vector_store %arg12[%swap3A_1922, %swap3A_1923, %swap3A_1924], %swap3A_1927 {strides = array<i32>} : memref<1x512x2048xf32, #tpu.memory_space<vmem>>, vector<1x8x2048xf32>,
    %get3A_1928 = arith.constant 0 : index
    %get3A_1929 = arith.constant 72 : index
    %get3A_1930 = arith.constant 0 : index
    %get3A_1931 = vector.load %arg2[%get3A_1928, %get3A_1929, %get3A_1930] : memref<1x512x2048xf32, #tpu.memory_space<vmem>>, vector<1x8x2048xf32>
    %get3A_1932 = vector.shape_cast %get3A_1931 : vector<1x8x2048xf32> to vector<8x2048xf32>
    %get3A_1933 = arith.constant 72 : index
    %get3A_1934 = arith.constant 0 : index
    %get3A_1935 = vector.load %arg13[%get3A_1933, %get3A_1934] : memref<512x2048xf32, #tpu.memory_space<vmem>>, vector<8x2048xf32>
    %add3A_1936 = arith.addf %get3A_1932, %get3A_1935 : vector<8x2048xf32>
    %add3A_1937 = vector.broadcast %add3A_38 : vector<1x2048xf32> to vector<8x2048xf32>
    %add3A_1938 = arith.addf %add3A_1936, %add3A_1937 : vector<8x2048xf32>
    %get3A_1939 = arith.constant 72 : index
    %get3A_1940 = arith.constant 0 : index
    %get3A_1941 = vector.load %arg14[%get3A_1939, %get3A_1940] : memref<512x1xf32, #tpu.memory_space<vmem>>, vector<8x1xf32>
    %get3A_1942 = arith.constant 72 : index
    %get3A_1943 = arith.constant 0 : index
    %get3A_1944 = vector.load %arg15[%get3A_1942, %get3A_1943] : memref<512x1xf32, #tpu.memory_space<vmem>>, vector<8x1xf32>
    %sub3A_1945 = vector.broadcast %get3A_1944 : vector<8x1xf32> to vector<8x2048xf32>
    %sub3A_1946 = arith.subf %add3A_1938, %sub3A_1945 : vector<8x2048xf32>
    %mul3A_1947 = vector.broadcast %get3A_1941 : vector<8x1xf32> to vector<8x2048xf32>
    %mul3A_1948 = arith.mulf %sub3A_1946, %mul3A_1947 : vector<8x2048xf32>
    %get3A_1949 = arith.constant 0 : index
    %get3A_1950 = arith.constant 0 : index
    %get3A_1951 = vector.load %arg8[%get3A_1949, %get3A_1950] : memref<1x2048xf32, #tpu.memory_space<vmem>>, vector<1x2048xf32>
    %mul3A_1952 = vector.broadcast %get3A_1951 : vector<1x2048xf32> to vector<8x2048xf32>
    %mul3A_1953 = arith.mulf %mul3A_1948, %mul3A_1952 : vector<8x2048xf32>
    %get3A_1954 = arith.constant 0 : index
    %get3A_1955 = arith.constant 0 : index
    %get3A_1956 = vector.load %arg9[%get3A_1954, %get3A_1955] : memref<1x2048xf32, #tpu.memory_space<vmem>>, vector<1x2048xf32>
    %add3A_1957 = vector.broadcast %get3A_1956 : vector<1x2048xf32> to vector<8x2048xf32>
    %add3A_1958 = arith.addf %mul3A_1953, %add3A_1957 : vector<8x2048xf32>
    %swap3A_1959 = arith.constant 0 : index
    %swap3A_1960 = arith.constant 72 : index
    %swap3A_1961 = arith.constant 0 : index
    %swap3A_1962 = vector.load %arg12[%swap3A_1959, %swap3A_1960, %swap3A_1961] : memref<1x512x2048xf32, #tpu.memory_space<vmem>>, vector<1x8x2048xf32>
    %swap3A_1963 = vector.shape_cast %swap3A_1962 : vector<1x8x2048xf32> to vector<8x2048xf32>
    %swap3A_1964 = vector.shape_cast %add3A_1958 : vector<8x2048xf32> to vector<1x8x2048xf32>
    tpu.vector_store %arg12[%swap3A_1959, %swap3A_1960, %swap3A_1961], %swap3A_1964 {strides = array<i32>} : memref<1x512x2048xf32, #tpu.memory_space<vmem>>, vector<1x8x2048xf32>,
    %get3A_1965 = arith.constant 0 : index
    %get3A_1966 = arith.constant 80 : index
    %get3A_1967 = arith.constant 0 : index
    %get3A_1968 = vector.load %arg2[%get3A_1965, %get3A_1966, %get3A_1967] : memref<1x512x2048xf32, #tpu.memory_space<vmem>>, vector<1x8x2048xf32>
    %get3A_1969 = vector.shape_cast %get3A_1968 : vector<1x8x2048xf32> to vector<8x2048xf32>
    %get3A_1970 = arith.constant 80 : index
    %get3A_1971 = arith.constant 0 : index
    %get3A_1972 = vector.load %arg13[%get3A_1970, %get3A_1971] : memref<512x2048xf32, #tpu.memory_space<vmem>>, vector<8x2048xf32>
    %add3A_1973 = arith.addf %get3A_1969, %get3A_1972 : vector<8x2048xf32>
    %add3A_1974 = vector.broadcast %add3A_38 : vector<1x2048xf32> to vector<8x2048xf32>
    %add3A_1975 = arith.addf %add3A_1973, %add3A_1974 : vector<8x2048xf32>
    %get3A_1976 = arith.constant 80 : index
    %get3A_1977 = arith.constant 0 : index
    %get3A_1978 = vector.load %arg14[%get3A_1976, %get3A_1977] : memref<512x1xf32, #tpu.memory_space<vmem>>, vector<8x1xf32>
    %get3A_1979 = arith.constant 80 : index
    %get3A_1980 = arith.constant 0 : index
    %get3A_1981 = vector.load %arg15[%get3A_1979, %get3A_1980] : memref<512x1xf32, #tpu.memory_space<vmem>>, vector<8x1xf32>
    %sub3A_1982 = vector.broadcast %get3A_1981 : vector<8x1xf32> to vector<8x2048xf32>
    %sub3A_1983 = arith.subf %add3A_1975, %sub3A_1982 : vector<8x2048xf32>
    %mul3A_1984 = vector.broadcast %get3A_1978 : vector<8x1xf32> to vector<8x2048xf32>
    %mul3A_1985 = arith.mulf %sub3A_1983, %mul3A_1984 : vector<8x2048xf32>
    %get3A_1986 = arith.constant 0 : index
    %get3A_1987 = arith.constant 0 : index
    %get3A_1988 = vector.load %arg8[%get3A_1986, %get3A_1987] : memref<1x2048xf32, #tpu.memory_space<vmem>>, vector<1x2048xf32>
    %mul3A_1989 = vector.broadcast %get3A_1988 : vector<1x2048xf32> to vector<8x2048xf32>
    %mul3A_1990 = arith.mulf %mul3A_1985, %mul3A_1989 : vector<8x2048xf32>
    %get3A_1991 = arith.constant 0 : index
    %get3A_1992 = arith.constant 0 : index
    %get3A_1993 = vector.load %arg9[%get3A_1991, %get3A_1992] : memref<1x2048xf32, #tpu.memory_space<vmem>>, vector<1x2048xf32>
    %add3A_1994 = vector.broadcast %get3A_1993 : vector<1x2048xf32> to vector<8x2048xf32>
    %add3A_1995 = arith.addf %mul3A_1990, %add3A_1994 : vector<8x2048xf32>
    %swap3A_1996 = arith.constant 0 : index
    %swap3A_1997 = arith.constant 80 : index
    %swap3A_1998 = arith.constant 0 : index
    %swap3A_1999 = vector.load %arg12[%swap3A_1996, %swap3A_1997, %swap3A_1998] : memref<1x512x2048xf32, #tpu.memory_space<vmem>>, vector<1x8x2048xf32>
    %swap3A_2000 = vector.shape_cast %swap3A_1999 : vector<1x8x2048xf32> to vector<8x2048xf32>
    %swap3A_2001 = vector.shape_cast %add3A_1995 : vector<8x2048xf32> to vector<1x8x2048xf32>
    tpu.vector_store %arg12[%swap3A_1996, %swap3A_1997, %swap3A_1998], %swap3A_2001 {strides = array<i32>} : memref<1x512x2048xf32, #tpu.memory_space<vmem>>, vector<1x8x2048xf32>,
    %get3A_2002 = arith.constant 0 : index
    %get3A_2003 = arith.constant 88 : index
    %get3A_2004 = arith.constant 0 : index
    %get3A_2005 = vector.load %arg2[%get3A_2002, %get3A_2003, %get3A_2004] : memref<1x512x2048xf32, #tpu.memory_space<vmem>>, vector<1x8x2048xf32>
    %get3A_2006 = vector.shape_cast %get3A_2005 : vector<1x8x2048xf32> to vector<8x2048xf32>
    %get3A_2007 = arith.constant 88 : index
    %get3A_2008 = arith.constant 0 : index
    %get3A_2009 = vector.load %arg13[%get3A_2007, %get3A_2008] : memref<512x2048xf32, #tpu.memory_space<vmem>>, vector<8x2048xf32>
    %add3A_2010 = arith.addf %get3A_2006, %get3A_2009 : vector<8x2048xf32>
    %add3A_2011 = vector.broadcast %add3A_38 : vector<1x2048xf32> to vector<8x2048xf32>
    %add3A_2012 = arith.addf %add3A_2010, %add3A_2011 : vector<8x2048xf32>
    %get3A_2013 = arith.constant 88 : index
    %get3A_2014 = arith.constant 0 : index
    %get3A_2015 = vector.load %arg14[%get3A_2013, %get3A_2014] : memref<512x1xf32, #tpu.memory_space<vmem>>, vector<8x1xf32>
    %get3A_2016 = arith.constant 88 : index
    %get3A_2017 = arith.constant 0 : index
    %get3A_2018 = vector.load %arg15[%get3A_2016, %get3A_2017] : memref<512x1xf32, #tpu.memory_space<vmem>>, vector<8x1xf32>
    %sub3A_2019 = vector.broadcast %get3A_2018 : vector<8x1xf32> to vector<8x2048xf32>
    %sub3A_2020 = arith.subf %add3A_2012, %sub3A_2019 : vector<8x2048xf32>
    %mul3A_2021 = vector.broadcast %get3A_2015 : vector<8x1xf32> to vector<8x2048xf32>
    %mul3A_2022 = arith.mulf %sub3A_2020, %mul3A_2021 : vector<8x2048xf32>
    %get3A_2023 = arith.constant 0 : index
    %get3A_2024 = arith.constant 0 : index
    %get3A_2025 = vector.load %arg8[%get3A_2023, %get3A_2024] : memref<1x2048xf32, #tpu.memory_space<vmem>>, vector<1x2048xf32>
    %mul3A_2026 = vector.broadcast %get3A_2025 : vector<1x2048xf32> to vector<8x2048xf32>
    %mul3A_2027 = arith.mulf %mul3A_2022, %mul3A_2026 : vector<8x2048xf32>
    %get3A_2028 = arith.constant 0 : index
    %get3A_2029 = arith.constant 0 : index
    %get3A_2030 = vector.load %arg9[%get3A_2028, %get3A_2029] : memref<1x2048xf32, #tpu.memory_space<vmem>>, vector<1x2048xf32>
    %add3A_2031 = vector.broadcast %get3A_2030 : vector<1x2048xf32> to vector<8x2048xf32>
    %add3A_2032 = arith.addf %mul3A_2027, %add3A_2031 : vector<8x2048xf32>
    %swap3A_2033 = arith.constant 0 : index
    %swap3A_2034 = arith.constant 88 : index
    %swap3A_2035 = arith.constant 0 : index
    %swap3A_2036 = vector.load %arg12[%swap3A_2033, %swap3A_2034, %swap3A_2035] : memref<1x512x2048xf32, #tpu.memory_space<vmem>>, vector<1x8x2048xf32>
    %swap3A_2037 = vector.shape_cast %swap3A_2036 : vector<1x8x2048xf32> to vector<8x2048xf32>
    %swap3A_2038 = vector.shape_cast %add3A_2032 : vector<8x2048xf32> to vector<1x8x2048xf32>
    tpu.vector_store %arg12[%swap3A_2033, %swap3A_2034, %swap3A_2035], %swap3A_2038 {strides = array<i32>} : memref<1x512x2048xf32, #tpu.memory_space<vmem>>, vector<1x8x2048xf32>,
    %get3A_2039 = arith.constant 0 : index
    %get3A_2040 = arith.constant 96 : index
    %get3A_2041 = arith.constant 0 : index
    %get3A_2042 = vector.load %arg2[%get3A_2039, %get3A_2040, %get3A_2041] : memref<1x512x2048xf32, #tpu.memory_space<vmem>>, vector<1x8x2048xf32>
    %get3A_2043 = vector.shape_cast %get3A_2042 : vector<1x8x2048xf32> to vector<8x2048xf32>
    %get3A_2044 = arith.constant 96 : index
    %get3A_2045 = arith.constant 0 : index
    %get3A_2046 = vector.load %arg13[%get3A_2044, %get3A_2045] : memref<512x2048xf32, #tpu.memory_space<vmem>>, vector<8x2048xf32>
    %add3A_2047 = arith.addf %get3A_2043, %get3A_2046 : vector<8x2048xf32>
    %add3A_2048 = vector.broadcast %add3A_38 : vector<1x2048xf32> to vector<8x2048xf32>
    %add3A_2049 = arith.addf %add3A_2047, %add3A_2048 : vector<8x2048xf32>
    %get3A_2050 = arith.constant 96 : index
    %get3A_2051 = arith.constant 0 : index
    %get3A_2052 = vector.load %arg14[%get3A_2050, %get3A_2051] : memref<512x1xf32, #tpu.memory_space<vmem>>, vector<8x1xf32>
    %get3A_2053 = arith.constant 96 : index
    %get3A_2054 = arith.constant 0 : index
    %get3A_2055 = vector.load %arg15[%get3A_2053, %get3A_2054] : memref<512x1xf32, #tpu.memory_space<vmem>>, vector<8x1xf32>
    %sub3A_2056 = vector.broadcast %get3A_2055 : vector<8x1xf32> to vector<8x2048xf32>
    %sub3A_2057 = arith.subf %add3A_2049, %sub3A_2056 : vector<8x2048xf32>
    %mul3A_2058 = vector.broadcast %get3A_2052 : vector<8x1xf32> to vector<8x2048xf32>
    %mul3A_2059 = arith.mulf %sub3A_2057, %mul3A_2058 : vector<8x2048xf32>
    %get3A_2060 = arith.constant 0 : index
    %get3A_2061 = arith.constant 0 : index
    %get3A_2062 = vector.load %arg8[%get3A_2060, %get3A_2061] : memref<1x2048xf32, #tpu.memory_space<vmem>>, vector<1x2048xf32>
    %mul3A_2063 = vector.broadcast %get3A_2062 : vector<1x2048xf32> to vector<8x2048xf32>
    %mul3A_2064 = arith.mulf %mul3A_2059, %mul3A_2063 : vector<8x2048xf32>
    %get3A_2065 = arith.constant 0 : index
    %get3A_2066 = arith.constant 0 : index
    %get3A_2067 = vector.load %arg9[%get3A_2065, %get3A_2066] : memref<1x2048xf32, #tpu.memory_space<vmem>>, vector<1x2048xf32>
    %add3A_2068 = vector.broadcast %get3A_2067 : vector<1x2048xf32> to vector<8x2048xf32>
    %add3A_2069 = arith.addf %mul3A_2064, %add3A_2068 : vector<8x2048xf32>
    %swap3A_2070 = arith.constant 0 : index
    %swap3A_2071 = arith.constant 96 : index
    %swap3A_2072 = arith.constant 0 : index
    %swap3A_2073 = vector.load %arg12[%swap3A_2070, %swap3A_2071, %swap3A_2072] : memref<1x512x2048xf32, #tpu.memory_space<vmem>>, vector<1x8x2048xf32>
    %swap3A_2074 = vector.shape_cast %swap3A_2073 : vector<1x8x2048xf32> to vector<8x2048xf32>
    %swap3A_2075 = vector.shape_cast %add3A_2069 : vector<8x2048xf32> to vector<1x8x2048xf32>
    tpu.vector_store %arg12[%swap3A_2070, %swap3A_2071, %swap3A_2072], %swap3A_2075 {strides = array<i32>} : memref<1x512x2048xf32, #tpu.memory_space<vmem>>, vector<1x8x2048xf32>,
    %get3A_2076 = arith.constant 0 : index
    %get3A_2077 = arith.constant 104 : index
    %get3A_2078 = arith.constant 0 : index
    %get3A_2079 = vector.load %arg2[%get3A_2076, %get3A_2077, %get3A_2078] : memref<1x512x2048xf32, #tpu.memory_space<vmem>>, vector<1x8x2048xf32>
    %get3A_2080 = vector.shape_cast %get3A_2079 : vector<1x8x2048xf32> to vector<8x2048xf32>
    %get3A_2081 = arith.constant 104 : index
    %get3A_2082 = arith.constant 0 : index
    %get3A_2083 = vector.load %arg13[%get3A_2081, %get3A_2082] : memref<512x2048xf32, #tpu.memory_space<vmem>>, vector<8x2048xf32>
    %add3A_2084 = arith.addf %get3A_2080, %get3A_2083 : vector<8x2048xf32>
    %add3A_2085 = vector.broadcast %add3A_38 : vector<1x2048xf32> to vector<8x2048xf32>
    %add3A_2086 = arith.addf %add3A_2084, %add3A_2085 : vector<8x2048xf32>
    %get3A_2087 = arith.constant 104 : index
    %get3A_2088 = arith.constant 0 : index
    %get3A_2089 = vector.load %arg14[%get3A_2087, %get3A_2088] : memref<512x1xf32, #tpu.memory_space<vmem>>, vector<8x1xf32>
    %get3A_2090 = arith.constant 104 : index
    %get3A_2091 = arith.constant 0 : index
    %get3A_2092 = vector.load %arg15[%get3A_2090, %get3A_2091] : memref<512x1xf32, #tpu.memory_space<vmem>>, vector<8x1xf32>
    %sub3A_2093 = vector.broadcast %get3A_2092 : vector<8x1xf32> to vector<8x2048xf32>
    %sub3A_2094 = arith.subf %add3A_2086, %sub3A_2093 : vector<8x2048xf32>
    %mul3A_2095 = vector.broadcast %get3A_2089 : vector<8x1xf32> to vector<8x2048xf32>
    %mul3A_2096 = arith.mulf %sub3A_2094, %mul3A_2095 : vector<8x2048xf32>
    %get3A_2097 = arith.constant 0 : index
    %get3A_2098 = arith.constant 0 : index
    %get3A_2099 = vector.load %arg8[%get3A_2097, %get3A_2098] : memref<1x2048xf32, #tpu.memory_space<vmem>>, vector<1x2048xf32>
    %mul3A_2100 = vector.broadcast %get3A_2099 : vector<1x2048xf32> to vector<8x2048xf32>
    %mul3A_2101 = arith.mulf %mul3A_2096, %mul3A_2100 : vector<8x2048xf32>
    %get3A_2102 = arith.constant 0 : index
    %get3A_2103 = arith.constant 0 : index
    %get3A_2104 = vector.load %arg9[%get3A_2102, %get3A_2103] : memref<1x2048xf32, #tpu.memory_space<vmem>>, vector<1x2048xf32>
    %add3A_2105 = vector.broadcast %get3A_2104 : vector<1x2048xf32> to vector<8x2048xf32>
    %add3A_2106 = arith.addf %mul3A_2101, %add3A_2105 : vector<8x2048xf32>
    %swap3A_2107 = arith.constant 0 : index
    %swap3A_2108 = arith.constant 104 : index
    %swap3A_2109 = arith.constant 0 : index
    %swap3A_2110 = vector.load %arg12[%swap3A_2107, %swap3A_2108, %swap3A_2109] : memref<1x512x2048xf32, #tpu.memory_space<vmem>>, vector<1x8x2048xf32>
    %swap3A_2111 = vector.shape_cast %swap3A_2110 : vector<1x8x2048xf32> to vector<8x2048xf32>
    %swap3A_2112 = vector.shape_cast %add3A_2106 : vector<8x2048xf32> to vector<1x8x2048xf32>
    tpu.vector_store %arg12[%swap3A_2107, %swap3A_2108, %swap3A_2109], %swap3A_2112 {strides = array<i32>} : memref<1x512x2048xf32, #tpu.memory_space<vmem>>, vector<1x8x2048xf32>,
    %get3A_2113 = arith.constant 0 : index
    %get3A_2114 = arith.constant 112 : index
    %get3A_2115 = arith.constant 0 : index
    %get3A_2116 = vector.load %arg2[%get3A_2113, %get3A_2114, %get3A_2115] : memref<1x512x2048xf32, #tpu.memory_space<vmem>>, vector<1x8x2048xf32>
    %get3A_2117 = vector.shape_cast %get3A_2116 : vector<1x8x2048xf32> to vector<8x2048xf32>
    %get3A_2118 = arith.constant 112 : index
    %get3A_2119 = arith.constant 0 : index
    %get3A_2120 = vector.load %arg13[%get3A_2118, %get3A_2119] : memref<512x2048xf32, #tpu.memory_space<vmem>>, vector<8x2048xf32>
    %add3A_2121 = arith.addf %get3A_2117, %get3A_2120 : vector<8x2048xf32>
    %add3A_2122 = vector.broadcast %add3A_38 : vector<1x2048xf32> to vector<8x2048xf32>
    %add3A_2123 = arith.addf %add3A_2121, %add3A_2122 : vector<8x2048xf32>
    %get3A_2124 = arith.constant 112 : index
    %get3A_2125 = arith.constant 0 : index
    %get3A_2126 = vector.load %arg14[%get3A_2124, %get3A_2125] : memref<512x1xf32, #tpu.memory_space<vmem>>, vector<8x1xf32>
    %get3A_2127 = arith.constant 112 : index
    %get3A_2128 = arith.constant 0 : index
    %get3A_2129 = vector.load %arg15[%get3A_2127, %get3A_2128] : memref<512x1xf32, #tpu.memory_space<vmem>>, vector<8x1xf32>
    %sub3A_2130 = vector.broadcast %get3A_2129 : vector<8x1xf32> to vector<8x2048xf32>
    %sub3A_2131 = arith.subf %add3A_2123, %sub3A_2130 : vector<8x2048xf32>
    %mul3A_2132 = vector.broadcast %get3A_2126 : vector<8x1xf32> to vector<8x2048xf32>
    %mul3A_2133 = arith.mulf %sub3A_2131, %mul3A_2132 : vector<8x2048xf32>
    %get3A_2134 = arith.constant 0 : index
    %get3A_2135 = arith.constant 0 : index
    %get3A_2136 = vector.load %arg8[%get3A_2134, %get3A_2135] : memref<1x2048xf32, #tpu.memory_space<vmem>>, vector<1x2048xf32>
    %mul3A_2137 = vector.broadcast %get3A_2136 : vector<1x2048xf32> to vector<8x2048xf32>
    %mul3A_2138 = arith.mulf %mul3A_2133, %mul3A_2137 : vector<8x2048xf32>
    %get3A_2139 = arith.constant 0 : index
    %get3A_2140 = arith.constant 0 : index
    %get3A_2141 = vector.load %arg9[%get3A_2139, %get3A_2140] : memref<1x2048xf32, #tpu.memory_space<vmem>>, vector<1x2048xf32>
    %add3A_2142 = vector.broadcast %get3A_2141 : vector<1x2048xf32> to vector<8x2048xf32>
    %add3A_2143 = arith.addf %mul3A_2138, %add3A_2142 : vector<8x2048xf32>
    %swap3A_2144 = arith.constant 0 : index
    %swap3A_2145 = arith.constant 112 : index
    %swap3A_2146 = arith.constant 0 : index
    %swap3A_2147 = vector.load %arg12[%swap3A_2144, %swap3A_2145, %swap3A_2146] : memref<1x512x2048xf32, #tpu.memory_space<vmem>>, vector<1x8x2048xf32>
    %swap3A_2148 = vector.shape_cast %swap3A_2147 : vector<1x8x2048xf32> to vector<8x2048xf32>
    %swap3A_2149 = vector.shape_cast %add3A_2143 : vector<8x2048xf32> to vector<1x8x2048xf32>
    tpu.vector_store %arg12[%swap3A_2144, %swap3A_2145, %swap3A_2146], %swap3A_2149 {strides = array<i32>} : memref<1x512x2048xf32, #tpu.memory_space<vmem>>, vector<1x8x2048xf32>,
    %get3A_2150 = arith.constant 0 : index
    %get3A_2151 = arith.constant 120 : index
    %get3A_2152 = arith.constant 0 : index
    %get3A_2153 = vector.load %arg2[%get3A_2150, %get3A_2151, %get3A_2152] : memref<1x512x2048xf32, #tpu.memory_space<vmem>>, vector<1x8x2048xf32>
    %get3A_2154 = vector.shape_cast %get3A_2153 : vector<1x8x2048xf32> to vector<8x2048xf32>
    %get3A_2155 = arith.constant 120 : index
    %get3A_2156 = arith.constant 0 : index
    %get3A_2157 = vector.load %arg13[%get3A_2155, %get3A_2156] : memref<512x2048xf32, #tpu.memory_space<vmem>>, vector<8x2048xf32>
    %add3A_2158 = arith.addf %get3A_2154, %get3A_2157 : vector<8x2048xf32>
    %add3A_2159 = vector.broadcast %add3A_38 : vector<1x2048xf32> to vector<8x2048xf32>
    %add3A_2160 = arith.addf %add3A_2158, %add3A_2159 : vector<8x2048xf32>
    %get3A_2161 = arith.constant 120 : index
    %get3A_2162 = arith.constant 0 : index
    %get3A_2163 = vector.load %arg14[%get3A_2161, %get3A_2162] : memref<512x1xf32, #tpu.memory_space<vmem>>, vector<8x1xf32>
    %get3A_2164 = arith.constant 120 : index
    %get3A_2165 = arith.constant 0 : index
    %get3A_2166 = vector.load %arg15[%get3A_2164, %get3A_2165] : memref<512x1xf32, #tpu.memory_space<vmem>>, vector<8x1xf32>
    %sub3A_2167 = vector.broadcast %get3A_2166 : vector<8x1xf32> to vector<8x2048xf32>
    %sub3A_2168 = arith.subf %add3A_2160, %sub3A_2167 : vector<8x2048xf32>
    %mul3A_2169 = vector.broadcast %get3A_2163 : vector<8x1xf32> to vector<8x2048xf32>
    %mul3A_2170 = arith.mulf %sub3A_2168, %mul3A_2169 : vector<8x2048xf32>
    %get3A_2171 = arith.constant 0 : index
    %get3A_2172 = arith.constant 0 : index
    %get3A_2173 = vector.load %arg8[%get3A_2171, %get3A_2172] : memref<1x2048xf32, #tpu.memory_space<vmem>>, vector<1x2048xf32>
    %mul3A_2174 = vector.broadcast %get3A_2173 : vector<1x2048xf32> to vector<8x2048xf32>
    %mul3A_2175 = arith.mulf %mul3A_2170, %mul3A_2174 : vector<8x2048xf32>
    %get3A_2176 = arith.constant 0 : index
    %get3A_2177 = arith.constant 0 : index
    %get3A_2178 = vector.load %arg9[%get3A_2176, %get3A_2177] : memref<1x2048xf32, #tpu.memory_space<vmem>>, vector<1x2048xf32>
    %add3A_2179 = vector.broadcast %get3A_2178 : vector<1x2048xf32> to vector<8x2048xf32>
    %add3A_2180 = arith.addf %mul3A_2175, %add3A_2179 : vector<8x2048xf32>
    %swap3A_2181 = arith.constant 0 : index
    %swap3A_2182 = arith.constant 120 : index
    %swap3A_2183 = arith.constant 0 : index
    %swap3A_2184 = vector.load %arg12[%swap3A_2181, %swap3A_2182, %swap3A_2183] : memref<1x512x2048xf32, #tpu.memory_space<vmem>>, vector<1x8x2048xf32>
    %swap3A_2185 = vector.shape_cast %swap3A_2184 : vector<1x8x2048xf32> to vector<8x2048xf32>
    %swap3A_2186 = vector.shape_cast %add3A_2180 : vector<8x2048xf32> to vector<1x8x2048xf32>
    tpu.vector_store %arg12[%swap3A_2181, %swap3A_2182, %swap3A_2183], %swap3A_2186 {strides = array<i32>} : memref<1x512x2048xf32, #tpu.memory_space<vmem>>, vector<1x8x2048xf32>,
    %get3A_2187 = arith.constant 0 : index
    %get3A_2188 = arith.constant 128 : index
    %get3A_2189 = arith.constant 0 : index
    %get3A_2190 = vector.load %arg2[%get3A_2187, %get3A_2188, %get3A_2189] : memref<1x512x2048xf32, #tpu.memory_space<vmem>>, vector<1x8x2048xf32>
    %get3A_2191 = vector.shape_cast %get3A_2190 : vector<1x8x2048xf32> to vector<8x2048xf32>
    %get3A_2192 = arith.constant 128 : index
    %get3A_2193 = arith.constant 0 : index
    %get3A_2194 = vector.load %arg13[%get3A_2192, %get3A_2193] : memref<512x2048xf32, #tpu.memory_space<vmem>>, vector<8x2048xf32>
    %add3A_2195 = arith.addf %get3A_2191, %get3A_2194 : vector<8x2048xf32>
    %add3A_2196 = vector.broadcast %add3A_38 : vector<1x2048xf32> to vector<8x2048xf32>
    %add3A_2197 = arith.addf %add3A_2195, %add3A_2196 : vector<8x2048xf32>
    %get3A_2198 = arith.constant 128 : index
    %get3A_2199 = arith.constant 0 : index
    %get3A_2200 = vector.load %arg14[%get3A_2198, %get3A_2199] : memref<512x1xf32, #tpu.memory_space<vmem>>, vector<8x1xf32>
    %get3A_2201 = arith.constant 128 : index
    %get3A_2202 = arith.constant 0 : index
    %get3A_2203 = vector.load %arg15[%get3A_2201, %get3A_2202] : memref<512x1xf32, #tpu.memory_space<vmem>>, vector<8x1xf32>
    %sub3A_2204 = vector.broadcast %get3A_2203 : vector<8x1xf32> to vector<8x2048xf32>
    %sub3A_2205 = arith.subf %add3A_2197, %sub3A_2204 : vector<8x2048xf32>
    %mul3A_2206 = vector.broadcast %get3A_2200 : vector<8x1xf32> to vector<8x2048xf32>
    %mul3A_2207 = arith.mulf %sub3A_2205, %mul3A_2206 : vector<8x2048xf32>
    %get3A_2208 = arith.constant 0 : index
    %get3A_2209 = arith.constant 0 : index
    %get3A_2210 = vector.load %arg8[%get3A_2208, %get3A_2209] : memref<1x2048xf32, #tpu.memory_space<vmem>>, vector<1x2048xf32>
    %mul3A_2211 = vector.broadcast %get3A_2210 : vector<1x2048xf32> to vector<8x2048xf32>
    %mul3A_2212 = arith.mulf %mul3A_2207, %mul3A_2211 : vector<8x2048xf32>
    %get3A_2213 = arith.constant 0 : index
    %get3A_2214 = arith.constant 0 : index
    %get3A_2215 = vector.load %arg9[%get3A_2213, %get3A_2214] : memref<1x2048xf32, #tpu.memory_space<vmem>>, vector<1x2048xf32>
    %add3A_2216 = vector.broadcast %get3A_2215 : vector<1x2048xf32> to vector<8x2048xf32>
    %add3A_2217 = arith.addf %mul3A_2212, %add3A_2216 : vector<8x2048xf32>
    %swap3A_2218 = arith.constant 0 : index
    %swap3A_2219 = arith.constant 128 : index
    %swap3A_2220 = arith.constant 0 : index
    %swap3A_2221 = vector.load %arg12[%swap3A_2218, %swap3A_2219, %swap3A_2220] : memref<1x512x2048xf32, #tpu.memory_space<vmem>>, vector<1x8x2048xf32>
    %swap3A_2222 = vector.shape_cast %swap3A_2221 : vector<1x8x2048xf32> to vector<8x2048xf32>
    %swap3A_2223 = vector.shape_cast %add3A_2217 : vector<8x2048xf32> to vector<1x8x2048xf32>
    tpu.vector_store %arg12[%swap3A_2218, %swap3A_2219, %swap3A_2220], %swap3A_2223 {strides = array<i32>} : memref<1x512x2048xf32, #tpu.memory_space<vmem>>, vector<1x8x2048xf32>,
    %get3A_2224 = arith.constant 0 : index
    %get3A_2225 = arith.constant 136 : index
    %get3A_2226 = arith.constant 0 : index
    %get3A_2227 = vector.load %arg2[%get3A_2224, %get3A_2225, %get3A_2226] : memref<1x512x2048xf32, #tpu.memory_space<vmem>>, vector<1x8x2048xf32>
    %get3A_2228 = vector.shape_cast %get3A_2227 : vector<1x8x2048xf32> to vector<8x2048xf32>
    %get3A_2229 = arith.constant 136 : index
    %get3A_2230 = arith.constant 0 : index
    %get3A_2231 = vector.load %arg13[%get3A_2229, %get3A_2230] : memref<512x2048xf32, #tpu.memory_space<vmem>>, vector<8x2048xf32>
    %add3A_2232 = arith.addf %get3A_2228, %get3A_2231 : vector<8x2048xf32>
    %add3A_2233 = vector.broadcast %add3A_38 : vector<1x2048xf32> to vector<8x2048xf32>
    %add3A_2234 = arith.addf %add3A_2232, %add3A_2233 : vector<8x2048xf32>
    %get3A_2235 = arith.constant 136 : index
    %get3A_2236 = arith.constant 0 : index
    %get3A_2237 = vector.load %arg14[%get3A_2235, %get3A_2236] : memref<512x1xf32, #tpu.memory_space<vmem>>, vector<8x1xf32>
    %get3A_2238 = arith.constant 136 : index
    %get3A_2239 = arith.constant 0 : index
    %get3A_2240 = vector.load %arg15[%get3A_2238, %get3A_2239] : memref<512x1xf32, #tpu.memory_space<vmem>>, vector<8x1xf32>
    %sub3A_2241 = vector.broadcast %get3A_2240 : vector<8x1xf32> to vector<8x2048xf32>
    %sub3A_2242 = arith.subf %add3A_2234, %sub3A_2241 : vector<8x2048xf32>
    %mul3A_2243 = vector.broadcast %get3A_2237 : vector<8x1xf32> to vector<8x2048xf32>
    %mul3A_2244 = arith.mulf %sub3A_2242, %mul3A_2243 : vector<8x2048xf32>
    %get3A_2245 = arith.constant 0 : index
    %get3A_2246 = arith.constant 0 : index
    %get3A_2247 = vector.load %arg8[%get3A_2245, %get3A_2246] : memref<1x2048xf32, #tpu.memory_space<vmem>>, vector<1x2048xf32>
    %mul3A_2248 = vector.broadcast %get3A_2247 : vector<1x2048xf32> to vector<8x2048xf32>
    %mul3A_2249 = arith.mulf %mul3A_2244, %mul3A_2248 : vector<8x2048xf32>
    %get3A_2250 = arith.constant 0 : index
    %get3A_2251 = arith.constant 0 : index
    %get3A_2252 = vector.load %arg9[%get3A_2250, %get3A_2251] : memref<1x2048xf32, #tpu.memory_space<vmem>>, vector<1x2048xf32>
    %add3A_2253 = vector.broadcast %get3A_2252 : vector<1x2048xf32> to vector<8x2048xf32>
    %add3A_2254 = arith.addf %mul3A_2249, %add3A_2253 : vector<8x2048xf32>
    %swap3A_2255 = arith.constant 0 : index
    %swap3A_2256 = arith.constant 136 : index
    %swap3A_2257 = arith.constant 0 : index
    %swap3A_2258 = vector.load %arg12[%swap3A_2255, %swap3A_2256, %swap3A_2257] : memref<1x512x2048xf32, #tpu.memory_space<vmem>>, vector<1x8x2048xf32>
    %swap3A_2259 = vector.shape_cast %swap3A_2258 : vector<1x8x2048xf32> to vector<8x2048xf32>
    %swap3A_2260 = vector.shape_cast %add3A_2254 : vector<8x2048xf32> to vector<1x8x2048xf32>
    tpu.vector_store %arg12[%swap3A_2255, %swap3A_2256, %swap3A_2257], %swap3A_2260 {strides = array<i32>} : memref<1x512x2048xf32, #tpu.memory_space<vmem>>, vector<1x8x2048xf32>,
    %get3A_2261 = arith.constant 0 : index
    %get3A_2262 = arith.constant 144 : index
    %get3A_2263 = arith.constant 0 : index
    %get3A_2264 = vector.load %arg2[%get3A_2261, %get3A_2262, %get3A_2263] : memref<1x512x2048xf32, #tpu.memory_space<vmem>>, vector<1x8x2048xf32>
    %get3A_2265 = vector.shape_cast %get3A_2264 : vector<1x8x2048xf32> to vector<8x2048xf32>
    %get3A_2266 = arith.constant 144 : index
    %get3A_2267 = arith.constant 0 : index
    %get3A_2268 = vector.load %arg13[%get3A_2266, %get3A_2267] : memref<512x2048xf32, #tpu.memory_space<vmem>>, vector<8x2048xf32>
    %add3A_2269 = arith.addf %get3A_2265, %get3A_2268 : vector<8x2048xf32>
    %add3A_2270 = vector.broadcast %add3A_38 : vector<1x2048xf32> to vector<8x2048xf32>
    %add3A_2271 = arith.addf %add3A_2269, %add3A_2270 : vector<8x2048xf32>
    %get3A_2272 = arith.constant 144 : index
    %get3A_2273 = arith.constant 0 : index
    %get3A_2274 = vector.load %arg14[%get3A_2272, %get3A_2273] : memref<512x1xf32, #tpu.memory_space<vmem>>, vector<8x1xf32>
    %get3A_2275 = arith.constant 144 : index
    %get3A_2276 = arith.constant 0 : index
    %get3A_2277 = vector.load %arg15[%get3A_2275, %get3A_2276] : memref<512x1xf32, #tpu.memory_space<vmem>>, vector<8x1xf32>
    %sub3A_2278 = vector.broadcast %get3A_2277 : vector<8x1xf32> to vector<8x2048xf32>
    %sub3A_2279 = arith.subf %add3A_2271, %sub3A_2278 : vector<8x2048xf32>
    %mul3A_2280 = vector.broadcast %get3A_2274 : vector<8x1xf32> to vector<8x2048xf32>
    %mul3A_2281 = arith.mulf %sub3A_2279, %mul3A_2280 : vector<8x2048xf32>
    %get3A_2282 = arith.constant 0 : index
    %get3A_2283 = arith.constant 0 : index
    %get3A_2284 = vector.load %arg8[%get3A_2282, %get3A_2283] : memref<1x2048xf32, #tpu.memory_space<vmem>>, vector<1x2048xf32>
    %mul3A_2285 = vector.broadcast %get3A_2284 : vector<1x2048xf32> to vector<8x2048xf32>
    %mul3A_2286 = arith.mulf %mul3A_2281, %mul3A_2285 : vector<8x2048xf32>
    %get3A_2287 = arith.constant 0 : index
    %get3A_2288 = arith.constant 0 : index
    %get3A_2289 = vector.load %arg9[%get3A_2287, %get3A_2288] : memref<1x2048xf32, #tpu.memory_space<vmem>>, vector<1x2048xf32>
    %add3A_2290 = vector.broadcast %get3A_2289 : vector<1x2048xf32> to vector<8x2048xf32>
    %add3A_2291 = arith.addf %mul3A_2286, %add3A_2290 : vector<8x2048xf32>
    %swap3A_2292 = arith.constant 0 : index
    %swap3A_2293 = arith.constant 144 : index
    %swap3A_2294 = arith.constant 0 : index
    %swap3A_2295 = vector.load %arg12[%swap3A_2292, %swap3A_2293, %swap3A_2294] : memref<1x512x2048xf32, #tpu.memory_space<vmem>>, vector<1x8x2048xf32>
    %swap3A_2296 = vector.shape_cast %swap3A_2295 : vector<1x8x2048xf32> to vector<8x2048xf32>
    %swap3A_2297 = vector.shape_cast %add3A_2291 : vector<8x2048xf32> to vector<1x8x2048xf32>
    tpu.vector_store %arg12[%swap3A_2292, %swap3A_2293, %swap3A_2294], %swap3A_2297 {strides = array<i32>} : memref<1x512x2048xf32, #tpu.memory_space<vmem>>, vector<1x8x2048xf32>,
    %get3A_2298 = arith.constant 0 : index
    %get3A_2299 = arith.constant 152 : index
    %get3A_2300 = arith.constant 0 : index
    %get3A_2301 = vector.load %arg2[%get3A_2298, %get3A_2299, %get3A_2300] : memref<1x512x2048xf32, #tpu.memory_space<vmem>>, vector<1x8x2048xf32>
    %get3A_2302 = vector.shape_cast %get3A_2301 : vector<1x8x2048xf32> to vector<8x2048xf32>
    %get3A_2303 = arith.constant 152 : index
    %get3A_2304 = arith.constant 0 : index
    %get3A_2305 = vector.load %arg13[%get3A_2303, %get3A_2304] : memref<512x2048xf32, #tpu.memory_space<vmem>>, vector<8x2048xf32>
    %add3A_2306 = arith.addf %get3A_2302, %get3A_2305 : vector<8x2048xf32>
    %add3A_2307 = vector.broadcast %add3A_38 : vector<1x2048xf32> to vector<8x2048xf32>
    %add3A_2308 = arith.addf %add3A_2306, %add3A_2307 : vector<8x2048xf32>
    %get3A_2309 = arith.constant 152 : index
    %get3A_2310 = arith.constant 0 : index
    %get3A_2311 = vector.load %arg14[%get3A_2309, %get3A_2310] : memref<512x1xf32, #tpu.memory_space<vmem>>, vector<8x1xf32>
    %get3A_2312 = arith.constant 152 : index
    %get3A_2313 = arith.constant 0 : index
    %get3A_2314 = vector.load %arg15[%get3A_2312, %get3A_2313] : memref<512x1xf32, #tpu.memory_space<vmem>>, vector<8x1xf32>
    %sub3A_2315 = vector.broadcast %get3A_2314 : vector<8x1xf32> to vector<8x2048xf32>
    %sub3A_2316 = arith.subf %add3A_2308, %sub3A_2315 : vector<8x2048xf32>
    %mul3A_2317 = vector.broadcast %get3A_2311 : vector<8x1xf32> to vector<8x2048xf32>
    %mul3A_2318 = arith.mulf %sub3A_2316, %mul3A_2317 : vector<8x2048xf32>
    %get3A_2319 = arith.constant 0 : index
    %get3A_2320 = arith.constant 0 : index
    %get3A_2321 = vector.load %arg8[%get3A_2319, %get3A_2320] : memref<1x2048xf32, #tpu.memory_space<vmem>>, vector<1x2048xf32>
    %mul3A_2322 = vector.broadcast %get3A_2321 : vector<1x2048xf32> to vector<8x2048xf32>
    %mul3A_2323 = arith.mulf %mul3A_2318, %mul3A_2322 : vector<8x2048xf32>
    %get3A_2324 = arith.constant 0 : index
    %get3A_2325 = arith.constant 0 : index
    %get3A_2326 = vector.load %arg9[%get3A_2324, %get3A_2325] : memref<1x2048xf32, #tpu.memory_space<vmem>>, vector<1x2048xf32>
    %add3A_2327 = vector.broadcast %get3A_2326 : vector<1x2048xf32> to vector<8x2048xf32>
    %add3A_2328 = arith.addf %mul3A_2323, %add3A_2327 : vector<8x2048xf32>
    %swap3A_2329 = arith.constant 0 : index
    %swap3A_2330 = arith.constant 152 : index
    %swap3A_2331 = arith.constant 0 : index
    %swap3A_2332 = vector.load %arg12[%swap3A_2329, %swap3A_2330, %swap3A_2331] : memref<1x512x2048xf32, #tpu.memory_space<vmem>>, vector<1x8x2048xf32>
    %swap3A_2333 = vector.shape_cast %swap3A_2332 : vector<1x8x2048xf32> to vector<8x2048xf32>
    %swap3A_2334 = vector.shape_cast %add3A_2328 : vector<8x2048xf32> to vector<1x8x2048xf32>
    tpu.vector_store %arg12[%swap3A_2329, %swap3A_2330, %swap3A_2331], %swap3A_2334 {strides = array<i32>} : memref<1x512x2048xf32, #tpu.memory_space<vmem>>, vector<1x8x2048xf32>,
    %get3A_2335 = arith.constant 0 : index
    %get3A_2336 = arith.constant 160 : index
    %get3A_2337 = arith.constant 0 : index
    %get3A_2338 = vector.load %arg2[%get3A_2335, %get3A_2336, %get3A_2337] : memref<1x512x2048xf32, #tpu.memory_space<vmem>>, vector<1x8x2048xf32>
    %get3A_2339 = vector.shape_cast %get3A_2338 : vector<1x8x2048xf32> to vector<8x2048xf32>
    %get3A_2340 = arith.constant 160 : index
    %get3A_2341 = arith.constant 0 : index
    %get3A_2342 = vector.load %arg13[%get3A_2340, %get3A_2341] : memref<512x2048xf32, #tpu.memory_space<vmem>>, vector<8x2048xf32>
    %add3A_2343 = arith.addf %get3A_2339, %get3A_2342 : vector<8x2048xf32>
    %add3A_2344 = vector.broadcast %add3A_38 : vector<1x2048xf32> to vector<8x2048xf32>
    %add3A_2345 = arith.addf %add3A_2343, %add3A_2344 : vector<8x2048xf32>
    %get3A_2346 = arith.constant 160 : index
    %get3A_2347 = arith.constant 0 : index
    %get3A_2348 = vector.load %arg14[%get3A_2346, %get3A_2347] : memref<512x1xf32, #tpu.memory_space<vmem>>, vector<8x1xf32>
    %get3A_2349 = arith.constant 160 : index
    %get3A_2350 = arith.constant 0 : index
    %get3A_2351 = vector.load %arg15[%get3A_2349, %get3A_2350] : memref<512x1xf32, #tpu.memory_space<vmem>>, vector<8x1xf32>
    %sub3A_2352 = vector.broadcast %get3A_2351 : vector<8x1xf32> to vector<8x2048xf32>
    %sub3A_2353 = arith.subf %add3A_2345, %sub3A_2352 : vector<8x2048xf32>
    %mul3A_2354 = vector.broadcast %get3A_2348 : vector<8x1xf32> to vector<8x2048xf32>
    %mul3A_2355 = arith.mulf %sub3A_2353, %mul3A_2354 : vector<8x2048xf32>
    %get3A_2356 = arith.constant 0 : index
    %get3A_2357 = arith.constant 0 : index
    %get3A_2358 = vector.load %arg8[%get3A_2356, %get3A_2357] : memref<1x2048xf32, #tpu.memory_space<vmem>>, vector<1x2048xf32>
    %mul3A_2359 = vector.broadcast %get3A_2358 : vector<1x2048xf32> to vector<8x2048xf32>
    %mul3A_2360 = arith.mulf %mul3A_2355, %mul3A_2359 : vector<8x2048xf32>
    %get3A_2361 = arith.constant 0 : index
    %get3A_2362 = arith.constant 0 : index
    %get3A_2363 = vector.load %arg9[%get3A_2361, %get3A_2362] : memref<1x2048xf32, #tpu.memory_space<vmem>>, vector<1x2048xf32>
    %add3A_2364 = vector.broadcast %get3A_2363 : vector<1x2048xf32> to vector<8x2048xf32>
    %add3A_2365 = arith.addf %mul3A_2360, %add3A_2364 : vector<8x2048xf32>
    %swap3A_2366 = arith.constant 0 : index
    %swap3A_2367 = arith.constant 160 : index
    %swap3A_2368 = arith.constant 0 : index
    %swap3A_2369 = vector.load %arg12[%swap3A_2366, %swap3A_2367, %swap3A_2368] : memref<1x512x2048xf32, #tpu.memory_space<vmem>>, vector<1x8x2048xf32>
    %swap3A_2370 = vector.shape_cast %swap3A_2369 : vector<1x8x2048xf32> to vector<8x2048xf32>
    %swap3A_2371 = vector.shape_cast %add3A_2365 : vector<8x2048xf32> to vector<1x8x2048xf32>
    tpu.vector_store %arg12[%swap3A_2366, %swap3A_2367, %swap3A_2368], %swap3A_2371 {strides = array<i32>} : memref<1x512x2048xf32, #tpu.memory_space<vmem>>, vector<1x8x2048xf32>,
    %get3A_2372 = arith.constant 0 : index
    %get3A_2373 = arith.constant 168 : index
    %get3A_2374 = arith.constant 0 : index
    %get3A_2375 = vector.load %arg2[%get3A_2372, %get3A_2373, %get3A_2374] : memref<1x512x2048xf32, #tpu.memory_space<vmem>>, vector<1x8x2048xf32>
    %get3A_2376 = vector.shape_cast %get3A_2375 : vector<1x8x2048xf32> to vector<8x2048xf32>
    %get3A_2377 = arith.constant 168 : index
    %get3A_2378 = arith.constant 0 : index
    %get3A_2379 = vector.load %arg13[%get3A_2377, %get3A_2378] : memref<512x2048xf32, #tpu.memory_space<vmem>>, vector<8x2048xf32>
    %add3A_2380 = arith.addf %get3A_2376, %get3A_2379 : vector<8x2048xf32>
    %add3A_2381 = vector.broadcast %add3A_38 : vector<1x2048xf32> to vector<8x2048xf32>
    %add3A_2382 = arith.addf %add3A_2380, %add3A_2381 : vector<8x2048xf32>
    %get3A_2383 = arith.constant 168 : index
    %get3A_2384 = arith.constant 0 : index
    %get3A_2385 = vector.load %arg14[%get3A_2383, %get3A_2384] : memref<512x1xf32, #tpu.memory_space<vmem>>, vector<8x1xf32>
    %get3A_2386 = arith.constant 168 : index
    %get3A_2387 = arith.constant 0 : index
    %get3A_2388 = vector.load %arg15[%get3A_2386, %get3A_2387] : memref<512x1xf32, #tpu.memory_space<vmem>>, vector<8x1xf32>
    %sub3A_2389 = vector.broadcast %get3A_2388 : vector<8x1xf32> to vector<8x2048xf32>
    %sub3A_2390 = arith.subf %add3A_2382, %sub3A_2389 : vector<8x2048xf32>
    %mul3A_2391 = vector.broadcast %get3A_2385 : vector<8x1xf32> to vector<8x2048xf32>
    %mul3A_2392 = arith.mulf %sub3A_2390, %mul3A_2391 : vector<8x2048xf32>
    %get3A_2393 = arith.constant 0 : index
    %get3A_2394 = arith.constant 0 : index
    %get3A_2395 = vector.load %arg8[%get3A_2393, %get3A_2394] : memref<1x2048xf32, #tpu.memory_space<vmem>>, vector<1x2048xf32>
    %mul3A_2396 = vector.broadcast %get3A_2395 : vector<1x2048xf32> to vector<8x2048xf32>
    %mul3A_2397 = arith.mulf %mul3A_2392, %mul3A_2396 : vector<8x2048xf32>
    %get3A_2398 = arith.constant 0 : index
    %get3A_2399 = arith.constant 0 : index
    %get3A_2400 = vector.load %arg9[%get3A_2398, %get3A_2399] : memref<1x2048xf32, #tpu.memory_space<vmem>>, vector<1x2048xf32>
    %add3A_2401 = vector.broadcast %get3A_2400 : vector<1x2048xf32> to vector<8x2048xf32>
    %add3A_2402 = arith.addf %mul3A_2397, %add3A_2401 : vector<8x2048xf32>
    %swap3A_2403 = arith.constant 0 : index
    %swap3A_2404 = arith.constant 168 : index
    %swap3A_2405 = arith.constant 0 : index
    %swap3A_2406 = vector.load %arg12[%swap3A_2403, %swap3A_2404, %swap3A_2405] : memref<1x512x2048xf32, #tpu.memory_space<vmem>>, vector<1x8x2048xf32>
    %swap3A_2407 = vector.shape_cast %swap3A_2406 : vector<1x8x2048xf32> to vector<8x2048xf32>
    %swap3A_2408 = vector.shape_cast %add3A_2402 : vector<8x2048xf32> to vector<1x8x2048xf32>
    tpu.vector_store %arg12[%swap3A_2403, %swap3A_2404, %swap3A_2405], %swap3A_2408 {strides = array<i32>} : memref<1x512x2048xf32, #tpu.memory_space<vmem>>, vector<1x8x2048xf32>,
    %get3A_2409 = arith.constant 0 : index
    %get3A_2410 = arith.constant 176 : index
    %get3A_2411 = arith.constant 0 : index
    %get3A_2412 = vector.load %arg2[%get3A_2409, %get3A_2410, %get3A_2411] : memref<1x512x2048xf32, #tpu.memory_space<vmem>>, vector<1x8x2048xf32>
    %get3A_2413 = vector.shape_cast %get3A_2412 : vector<1x8x2048xf32> to vector<8x2048xf32>
    %get3A_2414 = arith.constant 176 : index
    %get3A_2415 = arith.constant 0 : index
    %get3A_2416 = vector.load %arg13[%get3A_2414, %get3A_2415] : memref<512x2048xf32, #tpu.memory_space<vmem>>, vector<8x2048xf32>
    %add3A_2417 = arith.addf %get3A_2413, %get3A_2416 : vector<8x2048xf32>
    %add3A_2418 = vector.broadcast %add3A_38 : vector<1x2048xf32> to vector<8x2048xf32>
    %add3A_2419 = arith.addf %add3A_2417, %add3A_2418 : vector<8x2048xf32>
    %get3A_2420 = arith.constant 176 : index
    %get3A_2421 = arith.constant 0 : index
    %get3A_2422 = vector.load %arg14[%get3A_2420, %get3A_2421] : memref<512x1xf32, #tpu.memory_space<vmem>>, vector<8x1xf32>
    %get3A_2423 = arith.constant 176 : index
    %get3A_2424 = arith.constant 0 : index
    %get3A_2425 = vector.load %arg15[%get3A_2423, %get3A_2424] : memref<512x1xf32, #tpu.memory_space<vmem>>, vector<8x1xf32>
    %sub3A_2426 = vector.broadcast %get3A_2425 : vector<8x1xf32> to vector<8x2048xf32>
    %sub3A_2427 = arith.subf %add3A_2419, %sub3A_2426 : vector<8x2048xf32>
    %mul3A_2428 = vector.broadcast %get3A_2422 : vector<8x1xf32> to vector<8x2048xf32>
    %mul3A_2429 = arith.mulf %sub3A_2427, %mul3A_2428 : vector<8x2048xf32>
    %get3A_2430 = arith.constant 0 : index
    %get3A_2431 = arith.constant 0 : index
    %get3A_2432 = vector.load %arg8[%get3A_2430, %get3A_2431] : memref<1x2048xf32, #tpu.memory_space<vmem>>, vector<1x2048xf32>
    %mul3A_2433 = vector.broadcast %get3A_2432 : vector<1x2048xf32> to vector<8x2048xf32>
    %mul3A_2434 = arith.mulf %mul3A_2429, %mul3A_2433 : vector<8x2048xf32>
    %get3A_2435 = arith.constant 0 : index
    %get3A_2436 = arith.constant 0 : index
    %get3A_2437 = vector.load %arg9[%get3A_2435, %get3A_2436] : memref<1x2048xf32, #tpu.memory_space<vmem>>, vector<1x2048xf32>
    %add3A_2438 = vector.broadcast %get3A_2437 : vector<1x2048xf32> to vector<8x2048xf32>
    %add3A_2439 = arith.addf %mul3A_2434, %add3A_2438 : vector<8x2048xf32>
    %swap3A_2440 = arith.constant 0 : index
    %swap3A_2441 = arith.constant 176 : index
    %swap3A_2442 = arith.constant 0 : index
    %swap3A_2443 = vector.load %arg12[%swap3A_2440, %swap3A_2441, %swap3A_2442] : memref<1x512x2048xf32, #tpu.memory_space<vmem>>, vector<1x8x2048xf32>
    %swap3A_2444 = vector.shape_cast %swap3A_2443 : vector<1x8x2048xf32> to vector<8x2048xf32>
    %swap3A_2445 = vector.shape_cast %add3A_2439 : vector<8x2048xf32> to vector<1x8x2048xf32>
    tpu.vector_store %arg12[%swap3A_2440, %swap3A_2441, %swap3A_2442], %swap3A_2445 {strides = array<i32>} : memref<1x512x2048xf32, #tpu.memory_space<vmem>>, vector<1x8x2048xf32>,
    %get3A_2446 = arith.constant 0 : index
    %get3A_2447 = arith.constant 184 : index
    %get3A_2448 = arith.constant 0 : index
    %get3A_2449 = vector.load %arg2[%get3A_2446, %get3A_2447, %get3A_2448] : memref<1x512x2048xf32, #tpu.memory_space<vmem>>, vector<1x8x2048xf32>
    %get3A_2450 = vector.shape_cast %get3A_2449 : vector<1x8x2048xf32> to vector<8x2048xf32>
    %get3A_2451 = arith.constant 184 : index
    %get3A_2452 = arith.constant 0 : index
    %get3A_2453 = vector.load %arg13[%get3A_2451, %get3A_2452] : memref<512x2048xf32, #tpu.memory_space<vmem>>, vector<8x2048xf32>
    %add3A_2454 = arith.addf %get3A_2450, %get3A_2453 : vector<8x2048xf32>
    %add3A_2455 = vector.broadcast %add3A_38 : vector<1x2048xf32> to vector<8x2048xf32>
    %add3A_2456 = arith.addf %add3A_2454, %add3A_2455 : vector<8x2048xf32>
    %get3A_2457 = arith.constant 184 : index
    %get3A_2458 = arith.constant 0 : index
    %get3A_2459 = vector.load %arg14[%get3A_2457, %get3A_2458] : memref<512x1xf32, #tpu.memory_space<vmem>>, vector<8x1xf32>
    %get3A_2460 = arith.constant 184 : index
    %get3A_2461 = arith.constant 0 : index
    %get3A_2462 = vector.load %arg15[%get3A_2460, %get3A_2461] : memref<512x1xf32, #tpu.memory_space<vmem>>, vector<8x1xf32>
    %sub3A_2463 = vector.broadcast %get3A_2462 : vector<8x1xf32> to vector<8x2048xf32>
    %sub3A_2464 = arith.subf %add3A_2456, %sub3A_2463 : vector<8x2048xf32>
    %mul3A_2465 = vector.broadcast %get3A_2459 : vector<8x1xf32> to vector<8x2048xf32>
    %mul3A_2466 = arith.mulf %sub3A_2464, %mul3A_2465 : vector<8x2048xf32>
    %get3A_2467 = arith.constant 0 : index
    %get3A_2468 = arith.constant 0 : index
    %get3A_2469 = vector.load %arg8[%get3A_2467, %get3A_2468] : memref<1x2048xf32, #tpu.memory_space<vmem>>, vector<1x2048xf32>
    %mul3A_2470 = vector.broadcast %get3A_2469 : vector<1x2048xf32> to vector<8x2048xf32>
    %mul3A_2471 = arith.mulf %mul3A_2466, %mul3A_2470 : vector<8x2048xf32>
    %get3A_2472 = arith.constant 0 : index
    %get3A_2473 = arith.constant 0 : index
    %get3A_2474 = vector.load %arg9[%get3A_2472, %get3A_2473] : memref<1x2048xf32, #tpu.memory_space<vmem>>, vector<1x2048xf32>
    %add3A_2475 = vector.broadcast %get3A_2474 : vector<1x2048xf32> to vector<8x2048xf32>
    %add3A_2476 = arith.addf %mul3A_2471, %add3A_2475 : vector<8x2048xf32>
    %swap3A_2477 = arith.constant 0 : index
    %swap3A_2478 = arith.constant 184 : index
    %swap3A_2479 = arith.constant 0 : index
    %swap3A_2480 = vector.load %arg12[%swap3A_2477, %swap3A_2478, %swap3A_2479] : memref<1x512x2048xf32, #tpu.memory_space<vmem>>, vector<1x8x2048xf32>
    %swap3A_2481 = vector.shape_cast %swap3A_2480 : vector<1x8x2048xf32> to vector<8x2048xf32>
    %swap3A_2482 = vector.shape_cast %add3A_2476 : vector<8x2048xf32> to vector<1x8x2048xf32>
    tpu.vector_store %arg12[%swap3A_2477, %swap3A_2478, %swap3A_2479], %swap3A_2482 {strides = array<i32>} : memref<1x512x2048xf32, #tpu.memory_space<vmem>>, vector<1x8x2048xf32>,
    %get3A_2483 = arith.constant 0 : index
    %get3A_2484 = arith.constant 192 : index
    %get3A_2485 = arith.constant 0 : index
    %get3A_2486 = vector.load %arg2[%get3A_2483, %get3A_2484, %get3A_2485] : memref<1x512x2048xf32, #tpu.memory_space<vmem>>, vector<1x8x2048xf32>
    %get3A_2487 = vector.shape_cast %get3A_2486 : vector<1x8x2048xf32> to vector<8x2048xf32>
    %get3A_2488 = arith.constant 192 : index
    %get3A_2489 = arith.constant 0 : index
    %get3A_2490 = vector.load %arg13[%get3A_2488, %get3A_2489] : memref<512x2048xf32, #tpu.memory_space<vmem>>, vector<8x2048xf32>
    %add3A_2491 = arith.addf %get3A_2487, %get3A_2490 : vector<8x2048xf32>
    %add3A_2492 = vector.broadcast %add3A_38 : vector<1x2048xf32> to vector<8x2048xf32>
    %add3A_2493 = arith.addf %add3A_2491, %add3A_2492 : vector<8x2048xf32>
    %get3A_2494 = arith.constant 192 : index
    %get3A_2495 = arith.constant 0 : index
    %get3A_2496 = vector.load %arg14[%get3A_2494, %get3A_2495] : memref<512x1xf32, #tpu.memory_space<vmem>>, vector<8x1xf32>
    %get3A_2497 = arith.constant 192 : index
    %get3A_2498 = arith.constant 0 : index
    %get3A_2499 = vector.load %arg15[%get3A_2497, %get3A_2498] : memref<512x1xf32, #tpu.memory_space<vmem>>, vector<8x1xf32>
    %sub3A_2500 = vector.broadcast %get3A_2499 : vector<8x1xf32> to vector<8x2048xf32>
    %sub3A_2501 = arith.subf %add3A_2493, %sub3A_2500 : vector<8x2048xf32>
    %mul3A_2502 = vector.broadcast %get3A_2496 : vector<8x1xf32> to vector<8x2048xf32>
    %mul3A_2503 = arith.mulf %sub3A_2501, %mul3A_2502 : vector<8x2048xf32>
    %get3A_2504 = arith.constant 0 : index
    %get3A_2505 = arith.constant 0 : index
    %get3A_2506 = vector.load %arg8[%get3A_2504, %get3A_2505] : memref<1x2048xf32, #tpu.memory_space<vmem>>, vector<1x2048xf32>
    %mul3A_2507 = vector.broadcast %get3A_2506 : vector<1x2048xf32> to vector<8x2048xf32>
    %mul3A_2508 = arith.mulf %mul3A_2503, %mul3A_2507 : vector<8x2048xf32>
    %get3A_2509 = arith.constant 0 : index
    %get3A_2510 = arith.constant 0 : index
    %get3A_2511 = vector.load %arg9[%get3A_2509, %get3A_2510] : memref<1x2048xf32, #tpu.memory_space<vmem>>, vector<1x2048xf32>
    %add3A_2512 = vector.broadcast %get3A_2511 : vector<1x2048xf32> to vector<8x2048xf32>
    %add3A_2513 = arith.addf %mul3A_2508, %add3A_2512 : vector<8x2048xf32>
    %swap3A_2514 = arith.constant 0 : index
    %swap3A_2515 = arith.constant 192 : index
    %swap3A_2516 = arith.constant 0 : index
    %swap3A_2517 = vector.load %arg12[%swap3A_2514, %swap3A_2515, %swap3A_2516] : memref<1x512x2048xf32, #tpu.memory_space<vmem>>, vector<1x8x2048xf32>
    %swap3A_2518 = vector.shape_cast %swap3A_2517 : vector<1x8x2048xf32> to vector<8x2048xf32>
    %swap3A_2519 = vector.shape_cast %add3A_2513 : vector<8x2048xf32> to vector<1x8x2048xf32>
    tpu.vector_store %arg12[%swap3A_2514, %swap3A_2515, %swap3A_2516], %swap3A_2519 {strides = array<i32>} : memref<1x512x2048xf32, #tpu.memory_space<vmem>>, vector<1x8x2048xf32>,
    %get3A_2520 = arith.constant 0 : index
    %get3A_2521 = arith.constant 200 : index
    %get3A_2522 = arith.constant 0 : index
    %get3A_2523 = vector.load %arg2[%get3A_2520, %get3A_2521, %get3A_2522] : memref<1x512x2048xf32, #tpu.memory_space<vmem>>, vector<1x8x2048xf32>
    %get3A_2524 = vector.shape_cast %get3A_2523 : vector<1x8x2048xf32> to vector<8x2048xf32>
    %get3A_2525 = arith.constant 200 : index
    %get3A_2526 = arith.constant 0 : index
    %get3A_2527 = vector.load %arg13[%get3A_2525, %get3A_2526] : memref<512x2048xf32, #tpu.memory_space<vmem>>, vector<8x2048xf32>
    %add3A_2528 = arith.addf %get3A_2524, %get3A_2527 : vector<8x2048xf32>
    %add3A_2529 = vector.broadcast %add3A_38 : vector<1x2048xf32> to vector<8x2048xf32>
    %add3A_2530 = arith.addf %add3A_2528, %add3A_2529 : vector<8x2048xf32>
    %get3A_2531 = arith.constant 200 : index
    %get3A_2532 = arith.constant 0 : index
    %get3A_2533 = vector.load %arg14[%get3A_2531, %get3A_2532] : memref<512x1xf32, #tpu.memory_space<vmem>>, vector<8x1xf32>
    %get3A_2534 = arith.constant 200 : index
    %get3A_2535 = arith.constant 0 : index
    %get3A_2536 = vector.load %arg15[%get3A_2534, %get3A_2535] : memref<512x1xf32, #tpu.memory_space<vmem>>, vector<8x1xf32>
    %sub3A_2537 = vector.broadcast %get3A_2536 : vector<8x1xf32> to vector<8x2048xf32>
    %sub3A_2538 = arith.subf %add3A_2530, %sub3A_2537 : vector<8x2048xf32>
    %mul3A_2539 = vector.broadcast %get3A_2533 : vector<8x1xf32> to vector<8x2048xf32>
    %mul3A_2540 = arith.mulf %sub3A_2538, %mul3A_2539 : vector<8x2048xf32>
    %get3A_2541 = arith.constant 0 : index
    %get3A_2542 = arith.constant 0 : index
    %get3A_2543 = vector.load %arg8[%get3A_2541, %get3A_2542] : memref<1x2048xf32, #tpu.memory_space<vmem>>, vector<1x2048xf32>
    %mul3A_2544 = vector.broadcast %get3A_2543 : vector<1x2048xf32> to vector<8x2048xf32>
    %mul3A_2545 = arith.mulf %mul3A_2540, %mul3A_2544 : vector<8x2048xf32>
    %get3A_2546 = arith.constant 0 : index
    %get3A_2547 = arith.constant 0 : index
    %get3A_2548 = vector.load %arg9[%get3A_2546, %get3A_2547] : memref<1x2048xf32, #tpu.memory_space<vmem>>, vector<1x2048xf32>
    %add3A_2549 = vector.broadcast %get3A_2548 : vector<1x2048xf32> to vector<8x2048xf32>
    %add3A_2550 = arith.addf %mul3A_2545, %add3A_2549 : vector<8x2048xf32>
    %swap3A_2551 = arith.constant 0 : index
    %swap3A_2552 = arith.constant 200 : index
    %swap3A_2553 = arith.constant 0 : index
    %swap3A_2554 = vector.load %arg12[%swap3A_2551, %swap3A_2552, %swap3A_2553] : memref<1x512x2048xf32, #tpu.memory_space<vmem>>, vector<1x8x2048xf32>
    %swap3A_2555 = vector.shape_cast %swap3A_2554 : vector<1x8x2048xf32> to vector<8x2048xf32>
    %swap3A_2556 = vector.shape_cast %add3A_2550 : vector<8x2048xf32> to vector<1x8x2048xf32>
    tpu.vector_store %arg12[%swap3A_2551, %swap3A_2552, %swap3A_2553], %swap3A_2556 {strides = array<i32>} : memref<1x512x2048xf32, #tpu.memory_space<vmem>>, vector<1x8x2048xf32>,
    %get3A_2557 = arith.constant 0 : index
    %get3A_2558 = arith.constant 208 : index
    %get3A_2559 = arith.constant 0 : index
    %get3A_2560 = vector.load %arg2[%get3A_2557, %get3A_2558, %get3A_2559] : memref<1x512x2048xf32, #tpu.memory_space<vmem>>, vector<1x8x2048xf32>
    %get3A_2561 = vector.shape_cast %get3A_2560 : vector<1x8x2048xf32> to vector<8x2048xf32>
    %get3A_2562 = arith.constant 208 : index
    %get3A_2563 = arith.constant 0 : index
    %get3A_2564 = vector.load %arg13[%get3A_2562, %get3A_2563] : memref<512x2048xf32, #tpu.memory_space<vmem>>, vector<8x2048xf32>
    %add3A_2565 = arith.addf %get3A_2561, %get3A_2564 : vector<8x2048xf32>
    %add3A_2566 = vector.broadcast %add3A_38 : vector<1x2048xf32> to vector<8x2048xf32>
    %add3A_2567 = arith.addf %add3A_2565, %add3A_2566 : vector<8x2048xf32>
    %get3A_2568 = arith.constant 208 : index
    %get3A_2569 = arith.constant 0 : index
    %get3A_2570 = vector.load %arg14[%get3A_2568, %get3A_2569] : memref<512x1xf32, #tpu.memory_space<vmem>>, vector<8x1xf32>
    %get3A_2571 = arith.constant 208 : index
    %get3A_2572 = arith.constant 0 : index
    %get3A_2573 = vector.load %arg15[%get3A_2571, %get3A_2572] : memref<512x1xf32, #tpu.memory_space<vmem>>, vector<8x1xf32>
    %sub3A_2574 = vector.broadcast %get3A_2573 : vector<8x1xf32> to vector<8x2048xf32>
    %sub3A_2575 = arith.subf %add3A_2567, %sub3A_2574 : vector<8x2048xf32>
    %mul3A_2576 = vector.broadcast %get3A_2570 : vector<8x1xf32> to vector<8x2048xf32>
    %mul3A_2577 = arith.mulf %sub3A_2575, %mul3A_2576 : vector<8x2048xf32>
    %get3A_2578 = arith.constant 0 : index
    %get3A_2579 = arith.constant 0 : index
    %get3A_2580 = vector.load %arg8[%get3A_2578, %get3A_2579] : memref<1x2048xf32, #tpu.memory_space<vmem>>, vector<1x2048xf32>
    %mul3A_2581 = vector.broadcast %get3A_2580 : vector<1x2048xf32> to vector<8x2048xf32>
    %mul3A_2582 = arith.mulf %mul3A_2577, %mul3A_2581 : vector<8x2048xf32>
    %get3A_2583 = arith.constant 0 : index
    %get3A_2584 = arith.constant 0 : index
    %get3A_2585 = vector.load %arg9[%get3A_2583, %get3A_2584] : memref<1x2048xf32, #tpu.memory_space<vmem>>, vector<1x2048xf32>
    %add3A_2586 = vector.broadcast %get3A_2585 : vector<1x2048xf32> to vector<8x2048xf32>
    %add3A_2587 = arith.addf %mul3A_2582, %add3A_2586 : vector<8x2048xf32>
    %swap3A_2588 = arith.constant 0 : index
    %swap3A_2589 = arith.constant 208 : index
    %swap3A_2590 = arith.constant 0 : index
    %swap3A_2591 = vector.load %arg12[%swap3A_2588, %swap3A_2589, %swap3A_2590] : memref<1x512x2048xf32, #tpu.memory_space<vmem>>, vector<1x8x2048xf32>
    %swap3A_2592 = vector.shape_cast %swap3A_2591 : vector<1x8x2048xf32> to vector<8x2048xf32>
    %swap3A_2593 = vector.shape_cast %add3A_2587 : vector<8x2048xf32> to vector<1x8x2048xf32>
    tpu.vector_store %arg12[%swap3A_2588, %swap3A_2589, %swap3A_2590], %swap3A_2593 {strides = array<i32>} : memref<1x512x2048xf32, #tpu.memory_space<vmem>>, vector<1x8x2048xf32>,
    %get3A_2594 = arith.constant 0 : index
    %get3A_2595 = arith.constant 216 : index
    %get3A_2596 = arith.constant 0 : index
    %get3A_2597 = vector.load %arg2[%get3A_2594, %get3A_2595, %get3A_2596] : memref<1x512x2048xf32, #tpu.memory_space<vmem>>, vector<1x8x2048xf32>
    %get3A_2598 = vector.shape_cast %get3A_2597 : vector<1x8x2048xf32> to vector<8x2048xf32>
    %get3A_2599 = arith.constant 216 : index
    %get3A_2600 = arith.constant 0 : index
    %get3A_2601 = vector.load %arg13[%get3A_2599, %get3A_2600] : memref<512x2048xf32, #tpu.memory_space<vmem>>, vector<8x2048xf32>
    %add3A_2602 = arith.addf %get3A_2598, %get3A_2601 : vector<8x2048xf32>
    %add3A_2603 = vector.broadcast %add3A_38 : vector<1x2048xf32> to vector<8x2048xf32>
    %add3A_2604 = arith.addf %add3A_2602, %add3A_2603 : vector<8x2048xf32>
    %get3A_2605 = arith.constant 216 : index
    %get3A_2606 = arith.constant 0 : index
    %get3A_2607 = vector.load %arg14[%get3A_2605, %get3A_2606] : memref<512x1xf32, #tpu.memory_space<vmem>>, vector<8x1xf32>
    %get3A_2608 = arith.constant 216 : index
    %get3A_2609 = arith.constant 0 : index
    %get3A_2610 = vector.load %arg15[%get3A_2608, %get3A_2609] : memref<512x1xf32, #tpu.memory_space<vmem>>, vector<8x1xf32>
    %sub3A_2611 = vector.broadcast %get3A_2610 : vector<8x1xf32> to vector<8x2048xf32>
    %sub3A_2612 = arith.subf %add3A_2604, %sub3A_2611 : vector<8x2048xf32>
    %mul3A_2613 = vector.broadcast %get3A_2607 : vector<8x1xf32> to vector<8x2048xf32>
    %mul3A_2614 = arith.mulf %sub3A_2612, %mul3A_2613 : vector<8x2048xf32>
    %get3A_2615 = arith.constant 0 : index
    %get3A_2616 = arith.constant 0 : index
    %get3A_2617 = vector.load %arg8[%get3A_2615, %get3A_2616] : memref<1x2048xf32, #tpu.memory_space<vmem>>, vector<1x2048xf32>
    %mul3A_2618 = vector.broadcast %get3A_2617 : vector<1x2048xf32> to vector<8x2048xf32>
    %mul3A_2619 = arith.mulf %mul3A_2614, %mul3A_2618 : vector<8x2048xf32>
    %get3A_2620 = arith.constant 0 : index
    %get3A_2621 = arith.constant 0 : index
    %get3A_2622 = vector.load %arg9[%get3A_2620, %get3A_2621] : memref<1x2048xf32, #tpu.memory_space<vmem>>, vector<1x2048xf32>
    %add3A_2623 = vector.broadcast %get3A_2622 : vector<1x2048xf32> to vector<8x2048xf32>
    %add3A_2624 = arith.addf %mul3A_2619, %add3A_2623 : vector<8x2048xf32>
    %swap3A_2625 = arith.constant 0 : index
    %swap3A_2626 = arith.constant 216 : index
    %swap3A_2627 = arith.constant 0 : index
    %swap3A_2628 = vector.load %arg12[%swap3A_2625, %swap3A_2626, %swap3A_2627] : memref<1x512x2048xf32, #tpu.memory_space<vmem>>, vector<1x8x2048xf32>
    %swap3A_2629 = vector.shape_cast %swap3A_2628 : vector<1x8x2048xf32> to vector<8x2048xf32>
    %swap3A_2630 = vector.shape_cast %add3A_2624 : vector<8x2048xf32> to vector<1x8x2048xf32>
    tpu.vector_store %arg12[%swap3A_2625, %swap3A_2626, %swap3A_2627], %swap3A_2630 {strides = array<i32>} : memref<1x512x2048xf32, #tpu.memory_space<vmem>>, vector<1x8x2048xf32>,
    %get3A_2631 = arith.constant 0 : index
    %get3A_2632 = arith.constant 224 : index
    %get3A_2633 = arith.constant 0 : index
    %get3A_2634 = vector.load %arg2[%get3A_2631, %get3A_2632, %get3A_2633] : memref<1x512x2048xf32, #tpu.memory_space<vmem>>, vector<1x8x2048xf32>
    %get3A_2635 = vector.shape_cast %get3A_2634 : vector<1x8x2048xf32> to vector<8x2048xf32>
    %get3A_2636 = arith.constant 224 : index
    %get3A_2637 = arith.constant 0 : index
    %get3A_2638 = vector.load %arg13[%get3A_2636, %get3A_2637] : memref<512x2048xf32, #tpu.memory_space<vmem>>, vector<8x2048xf32>
    %add3A_2639 = arith.addf %get3A_2635, %get3A_2638 : vector<8x2048xf32>
    %add3A_2640 = vector.broadcast %add3A_38 : vector<1x2048xf32> to vector<8x2048xf32>
    %add3A_2641 = arith.addf %add3A_2639, %add3A_2640 : vector<8x2048xf32>
    %get3A_2642 = arith.constant 224 : index
    %get3A_2643 = arith.constant 0 : index
    %get3A_2644 = vector.load %arg14[%get3A_2642, %get3A_2643] : memref<512x1xf32, #tpu.memory_space<vmem>>, vector<8x1xf32>
    %get3A_2645 = arith.constant 224 : index
    %get3A_2646 = arith.constant 0 : index
    %get3A_2647 = vector.load %arg15[%get3A_2645, %get3A_2646] : memref<512x1xf32, #tpu.memory_space<vmem>>, vector<8x1xf32>
    %sub3A_2648 = vector.broadcast %get3A_2647 : vector<8x1xf32> to vector<8x2048xf32>
    %sub3A_2649 = arith.subf %add3A_2641, %sub3A_2648 : vector<8x2048xf32>
    %mul3A_2650 = vector.broadcast %get3A_2644 : vector<8x1xf32> to vector<8x2048xf32>
    %mul3A_2651 = arith.mulf %sub3A_2649, %mul3A_2650 : vector<8x2048xf32>
    %get3A_2652 = arith.constant 0 : index
    %get3A_2653 = arith.constant 0 : index
    %get3A_2654 = vector.load %arg8[%get3A_2652, %get3A_2653] : memref<1x2048xf32, #tpu.memory_space<vmem>>, vector<1x2048xf32>
    %mul3A_2655 = vector.broadcast %get3A_2654 : vector<1x2048xf32> to vector<8x2048xf32>
    %mul3A_2656 = arith.mulf %mul3A_2651, %mul3A_2655 : vector<8x2048xf32>
    %get3A_2657 = arith.constant 0 : index
    %get3A_2658 = arith.constant 0 : index
    %get3A_2659 = vector.load %arg9[%get3A_2657, %get3A_2658] : memref<1x2048xf32, #tpu.memory_space<vmem>>, vector<1x2048xf32>
    %add3A_2660 = vector.broadcast %get3A_2659 : vector<1x2048xf32> to vector<8x2048xf32>
    %add3A_2661 = arith.addf %mul3A_2656, %add3A_2660 : vector<8x2048xf32>
    %swap3A_2662 = arith.constant 0 : index
    %swap3A_2663 = arith.constant 224 : index
    %swap3A_2664 = arith.constant 0 : index
    %swap3A_2665 = vector.load %arg12[%swap3A_2662, %swap3A_2663, %swap3A_2664] : memref<1x512x2048xf32, #tpu.memory_space<vmem>>, vector<1x8x2048xf32>
    %swap3A_2666 = vector.shape_cast %swap3A_2665 : vector<1x8x2048xf32> to vector<8x2048xf32>
    %swap3A_2667 = vector.shape_cast %add3A_2661 : vector<8x2048xf32> to vector<1x8x2048xf32>
    tpu.vector_store %arg12[%swap3A_2662, %swap3A_2663, %swap3A_2664], %swap3A_2667 {strides = array<i32>} : memref<1x512x2048xf32, #tpu.memory_space<vmem>>, vector<1x8x2048xf32>,
    %get3A_2668 = arith.constant 0 : index
    %get3A_2669 = arith.constant 232 : index
    %get3A_2670 = arith.constant 0 : index
    %get3A_2671 = vector.load %arg2[%get3A_2668, %get3A_2669, %get3A_2670] : memref<1x512x2048xf32, #tpu.memory_space<vmem>>, vector<1x8x2048xf32>
    %get3A_2672 = vector.shape_cast %get3A_2671 : vector<1x8x2048xf32> to vector<8x2048xf32>
    %get3A_2673 = arith.constant 232 : index
    %get3A_2674 = arith.constant 0 : index
    %get3A_2675 = vector.load %arg13[%get3A_2673, %get3A_2674] : memref<512x2048xf32, #tpu.memory_space<vmem>>, vector<8x2048xf32>
    %add3A_2676 = arith.addf %get3A_2672, %get3A_2675 : vector<8x2048xf32>
    %add3A_2677 = vector.broadcast %add3A_38 : vector<1x2048xf32> to vector<8x2048xf32>
    %add3A_2678 = arith.addf %add3A_2676, %add3A_2677 : vector<8x2048xf32>
    %get3A_2679 = arith.constant 232 : index
    %get3A_2680 = arith.constant 0 : index
    %get3A_2681 = vector.load %arg14[%get3A_2679, %get3A_2680] : memref<512x1xf32, #tpu.memory_space<vmem>>, vector<8x1xf32>
    %get3A_2682 = arith.constant 232 : index
    %get3A_2683 = arith.constant 0 : index
    %get3A_2684 = vector.load %arg15[%get3A_2682, %get3A_2683] : memref<512x1xf32, #tpu.memory_space<vmem>>, vector<8x1xf32>
    %sub3A_2685 = vector.broadcast %get3A_2684 : vector<8x1xf32> to vector<8x2048xf32>
    %sub3A_2686 = arith.subf %add3A_2678, %sub3A_2685 : vector<8x2048xf32>
    %mul3A_2687 = vector.broadcast %get3A_2681 : vector<8x1xf32> to vector<8x2048xf32>
    %mul3A_2688 = arith.mulf %sub3A_2686, %mul3A_2687 : vector<8x2048xf32>
    %get3A_2689 = arith.constant 0 : index
    %get3A_2690 = arith.constant 0 : index
    %get3A_2691 = vector.load %arg8[%get3A_2689, %get3A_2690] : memref<1x2048xf32, #tpu.memory_space<vmem>>, vector<1x2048xf32>
    %mul3A_2692 = vector.broadcast %get3A_2691 : vector<1x2048xf32> to vector<8x2048xf32>
    %mul3A_2693 = arith.mulf %mul3A_2688, %mul3A_2692 : vector<8x2048xf32>
    %get3A_2694 = arith.constant 0 : index
    %get3A_2695 = arith.constant 0 : index
    %get3A_2696 = vector.load %arg9[%get3A_2694, %get3A_2695] : memref<1x2048xf32, #tpu.memory_space<vmem>>, vector<1x2048xf32>
    %add3A_2697 = vector.broadcast %get3A_2696 : vector<1x2048xf32> to vector<8x2048xf32>
    %add3A_2698 = arith.addf %mul3A_2693, %add3A_2697 : vector<8x2048xf32>
    %swap3A_2699 = arith.constant 0 : index
    %swap3A_2700 = arith.constant 232 : index
    %swap3A_2701 = arith.constant 0 : index
    %swap3A_2702 = vector.load %arg12[%swap3A_2699, %swap3A_2700, %swap3A_2701] : memref<1x512x2048xf32, #tpu.memory_space<vmem>>, vector<1x8x2048xf32>
    %swap3A_2703 = vector.shape_cast %swap3A_2702 : vector<1x8x2048xf32> to vector<8x2048xf32>
    %swap3A_2704 = vector.shape_cast %add3A_2698 : vector<8x2048xf32> to vector<1x8x2048xf32>
    tpu.vector_store %arg12[%swap3A_2699, %swap3A_2700, %swap3A_2701], %swap3A_2704 {strides = array<i32>} : memref<1x512x2048xf32, #tpu.memory_space<vmem>>, vector<1x8x2048xf32>,
    %get3A_2705 = arith.constant 0 : index
    %get3A_2706 = arith.constant 240 : index
    %get3A_2707 = arith.constant 0 : index
    %get3A_2708 = vector.load %arg2[%get3A_2705, %get3A_2706, %get3A_2707] : memref<1x512x2048xf32, #tpu.memory_space<vmem>>, vector<1x8x2048xf32>
    %get3A_2709 = vector.shape_cast %get3A_2708 : vector<1x8x2048xf32> to vector<8x2048xf32>
    %get3A_2710 = arith.constant 240 : index
    %get3A_2711 = arith.constant 0 : index
    %get3A_2712 = vector.load %arg13[%get3A_2710, %get3A_2711] : memref<512x2048xf32, #tpu.memory_space<vmem>>, vector<8x2048xf32>
    %add3A_2713 = arith.addf %get3A_2709, %get3A_2712 : vector<8x2048xf32>
    %add3A_2714 = vector.broadcast %add3A_38 : vector<1x2048xf32> to vector<8x2048xf32>
    %add3A_2715 = arith.addf %add3A_2713, %add3A_2714 : vector<8x2048xf32>
    %get3A_2716 = arith.constant 240 : index
    %get3A_2717 = arith.constant 0 : index
    %get3A_2718 = vector.load %arg14[%get3A_2716, %get3A_2717] : memref<512x1xf32, #tpu.memory_space<vmem>>, vector<8x1xf32>
    %get3A_2719 = arith.constant 240 : index
    %get3A_2720 = arith.constant 0 : index
    %get3A_2721 = vector.load %arg15[%get3A_2719, %get3A_2720] : memref<512x1xf32, #tpu.memory_space<vmem>>, vector<8x1xf32>
    %sub3A_2722 = vector.broadcast %get3A_2721 : vector<8x1xf32> to vector<8x2048xf32>
    %sub3A_2723 = arith.subf %add3A_2715, %sub3A_2722 : vector<8x2048xf32>
    %mul3A_2724 = vector.broadcast %get3A_2718 : vector<8x1xf32> to vector<8x2048xf32>
    %mul3A_2725 = arith.mulf %sub3A_2723, %mul3A_2724 : vector<8x2048xf32>
    %get3A_2726 = arith.constant 0 : index
    %get3A_2727 = arith.constant 0 : index
    %get3A_2728 = vector.load %arg8[%get3A_2726, %get3A_2727] : memref<1x2048xf32, #tpu.memory_space<vmem>>, vector<1x2048xf32>
    %mul3A_2729 = vector.broadcast %get3A_2728 : vector<1x2048xf32> to vector<8x2048xf32>
    %mul3A_2730 = arith.mulf %mul3A_2725, %mul3A_2729 : vector<8x2048xf32>
    %get3A_2731 = arith.constant 0 : index
    %get3A_2732 = arith.constant 0 : index
    %get3A_2733 = vector.load %arg9[%get3A_2731, %get3A_2732] : memref<1x2048xf32, #tpu.memory_space<vmem>>, vector<1x2048xf32>
    %add3A_2734 = vector.broadcast %get3A_2733 : vector<1x2048xf32> to vector<8x2048xf32>
    %add3A_2735 = arith.addf %mul3A_2730, %add3A_2734 : vector<8x2048xf32>
    %swap3A_2736 = arith.constant 0 : index
    %swap3A_2737 = arith.constant 240 : index
    %swap3A_2738 = arith.constant 0 : index
    %swap3A_2739 = vector.load %arg12[%swap3A_2736, %swap3A_2737, %swap3A_2738] : memref<1x512x2048xf32, #tpu.memory_space<vmem>>, vector<1x8x2048xf32>
    %swap3A_2740 = vector.shape_cast %swap3A_2739 : vector<1x8x2048xf32> to vector<8x2048xf32>
    %swap3A_2741 = vector.shape_cast %add3A_2735 : vector<8x2048xf32> to vector<1x8x2048xf32>
    tpu.vector_store %arg12[%swap3A_2736, %swap3A_2737, %swap3A_2738], %swap3A_2741 {strides = array<i32>} : memref<1x512x2048xf32, #tpu.memory_space<vmem>>, vector<1x8x2048xf32>,
    %get3A_2742 = arith.constant 0 : index
    %get3A_2743 = arith.constant 248 : index
    %get3A_2744 = arith.constant 0 : index
    %get3A_2745 = vector.load %arg2[%get3A_2742, %get3A_2743, %get3A_2744] : memref<1x512x2048xf32, #tpu.memory_space<vmem>>, vector<1x8x2048xf32>
    %get3A_2746 = vector.shape_cast %get3A_2745 : vector<1x8x2048xf32> to vector<8x2048xf32>
    %get3A_2747 = arith.constant 248 : index
    %get3A_2748 = arith.constant 0 : index
    %get3A_2749 = vector.load %arg13[%get3A_2747, %get3A_2748] : memref<512x2048xf32, #tpu.memory_space<vmem>>, vector<8x2048xf32>
    %add3A_2750 = arith.addf %get3A_2746, %get3A_2749 : vector<8x2048xf32>
    %add3A_2751 = vector.broadcast %add3A_38 : vector<1x2048xf32> to vector<8x2048xf32>
    %add3A_2752 = arith.addf %add3A_2750, %add3A_2751 : vector<8x2048xf32>
    %get3A_2753 = arith.constant 248 : index
    %get3A_2754 = arith.constant 0 : index
    %get3A_2755 = vector.load %arg14[%get3A_2753, %get3A_2754] : memref<512x1xf32, #tpu.memory_space<vmem>>, vector<8x1xf32>
    %get3A_2756 = arith.constant 248 : index
    %get3A_2757 = arith.constant 0 : index
    %get3A_2758 = vector.load %arg15[%get3A_2756, %get3A_2757] : memref<512x1xf32, #tpu.memory_space<vmem>>, vector<8x1xf32>
    %sub3A_2759 = vector.broadcast %get3A_2758 : vector<8x1xf32> to vector<8x2048xf32>
    %sub3A_2760 = arith.subf %add3A_2752, %sub3A_2759 : vector<8x2048xf32>
    %mul3A_2761 = vector.broadcast %get3A_2755 : vector<8x1xf32> to vector<8x2048xf32>
    %mul3A_2762 = arith.mulf %sub3A_2760, %mul3A_2761 : vector<8x2048xf32>
    %get3A_2763 = arith.constant 0 : index
    %get3A_2764 = arith.constant 0 : index
    %get3A_2765 = vector.load %arg8[%get3A_2763, %get3A_2764] : memref<1x2048xf32, #tpu.memory_space<vmem>>, vector<1x2048xf32>
    %mul3A_2766 = vector.broadcast %get3A_2765 : vector<1x2048xf32> to vector<8x2048xf32>
    %mul3A_2767 = arith.mulf %mul3A_2762, %mul3A_2766 : vector<8x2048xf32>
    %get3A_2768 = arith.constant 0 : index
    %get3A_2769 = arith.constant 0 : index
    %get3A_2770 = vector.load %arg9[%get3A_2768, %get3A_2769] : memref<1x2048xf32, #tpu.memory_space<vmem>>, vector<1x2048xf32>
    %add3A_2771 = vector.broadcast %get3A_2770 : vector<1x2048xf32> to vector<8x2048xf32>
    %add3A_2772 = arith.addf %mul3A_2767, %add3A_2771 : vector<8x2048xf32>
    %swap3A_2773 = arith.constant 0 : index
    %swap3A_2774 = arith.constant 248 : index
    %swap3A_2775 = arith.constant 0 : index
    %swap3A_2776 = vector.load %arg12[%swap3A_2773, %swap3A_2774, %swap3A_2775] : memref<1x512x2048xf32, #tpu.memory_space<vmem>>, vector<1x8x2048xf32>
    %swap3A_2777 = vector.shape_cast %swap3A_2776 : vector<1x8x2048xf32> to vector<8x2048xf32>
    %swap3A_2778 = vector.shape_cast %add3A_2772 : vector<8x2048xf32> to vector<1x8x2048xf32>
    tpu.vector_store %arg12[%swap3A_2773, %swap3A_2774, %swap3A_2775], %swap3A_2778 {strides = array<i32>} : memref<1x512x2048xf32, #tpu.memory_space<vmem>>, vector<1x8x2048xf32>,
    %get3A_2779 = arith.constant 0 : index
    %get3A_2780 = arith.constant 256 : index
    %get3A_2781 = arith.constant 0 : index
    %get3A_2782 = vector.load %arg2[%get3A_2779, %get3A_2780, %get3A_2781] : memref<1x512x2048xf32, #tpu.memory_space<vmem>>, vector<1x8x2048xf32>
    %get3A_2783 = vector.shape_cast %get3A_2782 : vector<1x8x2048xf32> to vector<8x2048xf32>
    %get3A_2784 = arith.constant 256 : index
    %get3A_2785 = arith.constant 0 : index
    %get3A_2786 = vector.load %arg13[%get3A_2784, %get3A_2785] : memref<512x2048xf32, #tpu.memory_space<vmem>>, vector<8x2048xf32>
    %add3A_2787 = arith.addf %get3A_2783, %get3A_2786 : vector<8x2048xf32>
    %add3A_2788 = vector.broadcast %add3A_38 : vector<1x2048xf32> to vector<8x2048xf32>
    %add3A_2789 = arith.addf %add3A_2787, %add3A_2788 : vector<8x2048xf32>
    %get3A_2790 = arith.constant 256 : index
    %get3A_2791 = arith.constant 0 : index
    %get3A_2792 = vector.load %arg14[%get3A_2790, %get3A_2791] : memref<512x1xf32, #tpu.memory_space<vmem>>, vector<8x1xf32>
    %get3A_2793 = arith.constant 256 : index
    %get3A_2794 = arith.constant 0 : index
    %get3A_2795 = vector.load %arg15[%get3A_2793, %get3A_2794] : memref<512x1xf32, #tpu.memory_space<vmem>>, vector<8x1xf32>
    %sub3A_2796 = vector.broadcast %get3A_2795 : vector<8x1xf32> to vector<8x2048xf32>
    %sub3A_2797 = arith.subf %add3A_2789, %sub3A_2796 : vector<8x2048xf32>
    %mul3A_2798 = vector.broadcast %get3A_2792 : vector<8x1xf32> to vector<8x2048xf32>
    %mul3A_2799 = arith.mulf %sub3A_2797, %mul3A_2798 : vector<8x2048xf32>
    %get3A_2800 = arith.constant 0 : index
    %get3A_2801 = arith.constant 0 : index
    %get3A_2802 = vector.load %arg8[%get3A_2800, %get3A_2801] : memref<1x2048xf32, #tpu.memory_space<vmem>>, vector<1x2048xf32>
    %mul3A_2803 = vector.broadcast %get3A_2802 : vector<1x2048xf32> to vector<8x2048xf32>
    %mul3A_2804 = arith.mulf %mul3A_2799, %mul3A_2803 : vector<8x2048xf32>
    %get3A_2805 = arith.constant 0 : index
    %get3A_2806 = arith.constant 0 : index
    %get3A_2807 = vector.load %arg9[%get3A_2805, %get3A_2806] : memref<1x2048xf32, #tpu.memory_space<vmem>>, vector<1x2048xf32>
    %add3A_2808 = vector.broadcast %get3A_2807 : vector<1x2048xf32> to vector<8x2048xf32>
    %add3A_2809 = arith.addf %mul3A_2804, %add3A_2808 : vector<8x2048xf32>
    %swap3A_2810 = arith.constant 0 : index
    %swap3A_2811 = arith.constant 256 : index
    %swap3A_2812 = arith.constant 0 : index
    %swap3A_2813 = vector.load %arg12[%swap3A_2810, %swap3A_2811, %swap3A_2812] : memref<1x512x2048xf32, #tpu.memory_space<vmem>>, vector<1x8x2048xf32>
    %swap3A_2814 = vector.shape_cast %swap3A_2813 : vector<1x8x2048xf32> to vector<8x2048xf32>
    %swap3A_2815 = vector.shape_cast %add3A_2809 : vector<8x2048xf32> to vector<1x8x2048xf32>
    tpu.vector_store %arg12[%swap3A_2810, %swap3A_2811, %swap3A_2812], %swap3A_2815 {strides = array<i32>} : memref<1x512x2048xf32, #tpu.memory_space<vmem>>, vector<1x8x2048xf32>,
    %get3A_2816 = arith.constant 0 : index
    %get3A_2817 = arith.constant 264 : index
    %get3A_2818 = arith.constant 0 : index
    %get3A_2819 = vector.load %arg2[%get3A_2816, %get3A_2817, %get3A_2818] : memref<1x512x2048xf32, #tpu.memory_space<vmem>>, vector<1x8x2048xf32>
    %get3A_2820 = vector.shape_cast %get3A_2819 : vector<1x8x2048xf32> to vector<8x2048xf32>
    %get3A_2821 = arith.constant 264 : index
    %get3A_2822 = arith.constant 0 : index
    %get3A_2823 = vector.load %arg13[%get3A_2821, %get3A_2822] : memref<512x2048xf32, #tpu.memory_space<vmem>>, vector<8x2048xf32>
    %add3A_2824 = arith.addf %get3A_2820, %get3A_2823 : vector<8x2048xf32>
    %add3A_2825 = vector.broadcast %add3A_38 : vector<1x2048xf32> to vector<8x2048xf32>
    %add3A_2826 = arith.addf %add3A_2824, %add3A_2825 : vector<8x2048xf32>
    %get3A_2827 = arith.constant 264 : index
    %get3A_2828 = arith.constant 0 : index
    %get3A_2829 = vector.load %arg14[%get3A_2827, %get3A_2828] : memref<512x1xf32, #tpu.memory_space<vmem>>, vector<8x1xf32>
    %get3A_2830 = arith.constant 264 : index
    %get3A_2831 = arith.constant 0 : index
    %get3A_2832 = vector.load %arg15[%get3A_2830, %get3A_2831] : memref<512x1xf32, #tpu.memory_space<vmem>>, vector<8x1xf32>
    %sub3A_2833 = vector.broadcast %get3A_2832 : vector<8x1xf32> to vector<8x2048xf32>
    %sub3A_2834 = arith.subf %add3A_2826, %sub3A_2833 : vector<8x2048xf32>
    %mul3A_2835 = vector.broadcast %get3A_2829 : vector<8x1xf32> to vector<8x2048xf32>
    %mul3A_2836 = arith.mulf %sub3A_2834, %mul3A_2835 : vector<8x2048xf32>
    %get3A_2837 = arith.constant 0 : index
    %get3A_2838 = arith.constant 0 : index
    %get3A_2839 = vector.load %arg8[%get3A_2837, %get3A_2838] : memref<1x2048xf32, #tpu.memory_space<vmem>>, vector<1x2048xf32>
    %mul3A_2840 = vector.broadcast %get3A_2839 : vector<1x2048xf32> to vector<8x2048xf32>
    %mul3A_2841 = arith.mulf %mul3A_2836, %mul3A_2840 : vector<8x2048xf32>
    %get3A_2842 = arith.constant 0 : index
    %get3A_2843 = arith.constant 0 : index
    %get3A_2844 = vector.load %arg9[%get3A_2842, %get3A_2843] : memref<1x2048xf32, #tpu.memory_space<vmem>>, vector<1x2048xf32>
    %add3A_2845 = vector.broadcast %get3A_2844 : vector<1x2048xf32> to vector<8x2048xf32>
    %add3A_2846 = arith.addf %mul3A_2841, %add3A_2845 : vector<8x2048xf32>
    %swap3A_2847 = arith.constant 0 : index
    %swap3A_2848 = arith.constant 264 : index
    %swap3A_2849 = arith.constant 0 : index
    %swap3A_2850 = vector.load %arg12[%swap3A_2847, %swap3A_2848, %swap3A_2849] : memref<1x512x2048xf32, #tpu.memory_space<vmem>>, vector<1x8x2048xf32>
    %swap3A_2851 = vector.shape_cast %swap3A_2850 : vector<1x8x2048xf32> to vector<8x2048xf32>
    %swap3A_2852 = vector.shape_cast %add3A_2846 : vector<8x2048xf32> to vector<1x8x2048xf32>
    tpu.vector_store %arg12[%swap3A_2847, %swap3A_2848, %swap3A_2849], %swap3A_2852 {strides = array<i32>} : memref<1x512x2048xf32, #tpu.memory_space<vmem>>, vector<1x8x2048xf32>,
    %get3A_2853 = arith.constant 0 : index
    %get3A_2854 = arith.constant 272 : index
    %get3A_2855 = arith.constant 0 : index
    %get3A_2856 = vector.load %arg2[%get3A_2853, %get3A_2854, %get3A_2855] : memref<1x512x2048xf32, #tpu.memory_space<vmem>>, vector<1x8x2048xf32>
    %get3A_2857 = vector.shape_cast %get3A_2856 : vector<1x8x2048xf32> to vector<8x2048xf32>
    %get3A_2858 = arith.constant 272 : index
    %get3A_2859 = arith.constant 0 : index
    %get3A_2860 = vector.load %arg13[%get3A_2858, %get3A_2859] : memref<512x2048xf32, #tpu.memory_space<vmem>>, vector<8x2048xf32>
    %add3A_2861 = arith.addf %get3A_2857, %get3A_2860 : vector<8x2048xf32>
    %add3A_2862 = vector.broadcast %add3A_38 : vector<1x2048xf32> to vector<8x2048xf32>
    %add3A_2863 = arith.addf %add3A_2861, %add3A_2862 : vector<8x2048xf32>
    %get3A_2864 = arith.constant 272 : index
    %get3A_2865 = arith.constant 0 : index
    %get3A_2866 = vector.load %arg14[%get3A_2864, %get3A_2865] : memref<512x1xf32, #tpu.memory_space<vmem>>, vector<8x1xf32>
    %get3A_2867 = arith.constant 272 : index
    %get3A_2868 = arith.constant 0 : index
    %get3A_2869 = vector.load %arg15[%get3A_2867, %get3A_2868] : memref<512x1xf32, #tpu.memory_space<vmem>>, vector<8x1xf32>
    %sub3A_2870 = vector.broadcast %get3A_2869 : vector<8x1xf32> to vector<8x2048xf32>
    %sub3A_2871 = arith.subf %add3A_2863, %sub3A_2870 : vector<8x2048xf32>
    %mul3A_2872 = vector.broadcast %get3A_2866 : vector<8x1xf32> to vector<8x2048xf32>
    %mul3A_2873 = arith.mulf %sub3A_2871, %mul3A_2872 : vector<8x2048xf32>
    %get3A_2874 = arith.constant 0 : index
    %get3A_2875 = arith.constant 0 : index
    %get3A_2876 = vector.load %arg8[%get3A_2874, %get3A_2875] : memref<1x2048xf32, #tpu.memory_space<vmem>>, vector<1x2048xf32>
    %mul3A_2877 = vector.broadcast %get3A_2876 : vector<1x2048xf32> to vector<8x2048xf32>
    %mul3A_2878 = arith.mulf %mul3A_2873, %mul3A_2877 : vector<8x2048xf32>
    %get3A_2879 = arith.constant 0 : index
    %get3A_2880 = arith.constant 0 : index
    %get3A_2881 = vector.load %arg9[%get3A_2879, %get3A_2880] : memref<1x2048xf32, #tpu.memory_space<vmem>>, vector<1x2048xf32>
    %add3A_2882 = vector.broadcast %get3A_2881 : vector<1x2048xf32> to vector<8x2048xf32>
    %add3A_2883 = arith.addf %mul3A_2878, %add3A_2882 : vector<8x2048xf32>
    %swap3A_2884 = arith.constant 0 : index
    %swap3A_2885 = arith.constant 272 : index
    %swap3A_2886 = arith.constant 0 : index
    %swap3A_2887 = vector.load %arg12[%swap3A_2884, %swap3A_2885, %swap3A_2886] : memref<1x512x2048xf32, #tpu.memory_space<vmem>>, vector<1x8x2048xf32>
    %swap3A_2888 = vector.shape_cast %swap3A_2887 : vector<1x8x2048xf32> to vector<8x2048xf32>
    %swap3A_2889 = vector.shape_cast %add3A_2883 : vector<8x2048xf32> to vector<1x8x2048xf32>
    tpu.vector_store %arg12[%swap3A_2884, %swap3A_2885, %swap3A_2886], %swap3A_2889 {strides = array<i32>} : memref<1x512x2048xf32, #tpu.memory_space<vmem>>, vector<1x8x2048xf32>,
    %get3A_2890 = arith.constant 0 : index
    %get3A_2891 = arith.constant 280 : index
    %get3A_2892 = arith.constant 0 : index
    %get3A_2893 = vector.load %arg2[%get3A_2890, %get3A_2891, %get3A_2892] : memref<1x512x2048xf32, #tpu.memory_space<vmem>>, vector<1x8x2048xf32>
    %get3A_2894 = vector.shape_cast %get3A_2893 : vector<1x8x2048xf32> to vector<8x2048xf32>
    %get3A_2895 = arith.constant 280 : index
    %get3A_2896 = arith.constant 0 : index
    %get3A_2897 = vector.load %arg13[%get3A_2895, %get3A_2896] : memref<512x2048xf32, #tpu.memory_space<vmem>>, vector<8x2048xf32>
    %add3A_2898 = arith.addf %get3A_2894, %get3A_2897 : vector<8x2048xf32>
    %add3A_2899 = vector.broadcast %add3A_38 : vector<1x2048xf32> to vector<8x2048xf32>
    %add3A_2900 = arith.addf %add3A_2898, %add3A_2899 : vector<8x2048xf32>
    %get3A_2901 = arith.constant 280 : index
    %get3A_2902 = arith.constant 0 : index
    %get3A_2903 = vector.load %arg14[%get3A_2901, %get3A_2902] : memref<512x1xf32, #tpu.memory_space<vmem>>, vector<8x1xf32>
    %get3A_2904 = arith.constant 280 : index
    %get3A_2905 = arith.constant 0 : index
    %get3A_2906 = vector.load %arg15[%get3A_2904, %get3A_2905] : memref<512x1xf32, #tpu.memory_space<vmem>>, vector<8x1xf32>
    %sub3A_2907 = vector.broadcast %get3A_2906 : vector<8x1xf32> to vector<8x2048xf32>
    %sub3A_2908 = arith.subf %add3A_2900, %sub3A_2907 : vector<8x2048xf32>
    %mul3A_2909 = vector.broadcast %get3A_2903 : vector<8x1xf32> to vector<8x2048xf32>
    %mul3A_2910 = arith.mulf %sub3A_2908, %mul3A_2909 : vector<8x2048xf32>
    %get3A_2911 = arith.constant 0 : index
    %get3A_2912 = arith.constant 0 : index
    %get3A_2913 = vector.load %arg8[%get3A_2911, %get3A_2912] : memref<1x2048xf32, #tpu.memory_space<vmem>>, vector<1x2048xf32>
    %mul3A_2914 = vector.broadcast %get3A_2913 : vector<1x2048xf32> to vector<8x2048xf32>
    %mul3A_2915 = arith.mulf %mul3A_2910, %mul3A_2914 : vector<8x2048xf32>
    %get3A_2916 = arith.constant 0 : index
    %get3A_2917 = arith.constant 0 : index
    %get3A_2918 = vector.load %arg9[%get3A_2916, %get3A_2917] : memref<1x2048xf32, #tpu.memory_space<vmem>>, vector<1x2048xf32>
    %add3A_2919 = vector.broadcast %get3A_2918 : vector<1x2048xf32> to vector<8x2048xf32>
    %add3A_2920 = arith.addf %mul3A_2915, %add3A_2919 : vector<8x2048xf32>
    %swap3A_2921 = arith.constant 0 : index
    %swap3A_2922 = arith.constant 280 : index
    %swap3A_2923 = arith.constant 0 : index
    %swap3A_2924 = vector.load %arg12[%swap3A_2921, %swap3A_2922, %swap3A_2923] : memref<1x512x2048xf32, #tpu.memory_space<vmem>>, vector<1x8x2048xf32>
    %swap3A_2925 = vector.shape_cast %swap3A_2924 : vector<1x8x2048xf32> to vector<8x2048xf32>
    %swap3A_2926 = vector.shape_cast %add3A_2920 : vector<8x2048xf32> to vector<1x8x2048xf32>
    tpu.vector_store %arg12[%swap3A_2921, %swap3A_2922, %swap3A_2923], %swap3A_2926 {strides = array<i32>} : memref<1x512x2048xf32, #tpu.memory_space<vmem>>, vector<1x8x2048xf32>,
    %get3A_2927 = arith.constant 0 : index
    %get3A_2928 = arith.constant 288 : index
    %get3A_2929 = arith.constant 0 : index
    %get3A_2930 = vector.load %arg2[%get3A_2927, %get3A_2928, %get3A_2929] : memref<1x512x2048xf32, #tpu.memory_space<vmem>>, vector<1x8x2048xf32>
    %get3A_2931 = vector.shape_cast %get3A_2930 : vector<1x8x2048xf32> to vector<8x2048xf32>
    %get3A_2932 = arith.constant 288 : index
    %get3A_2933 = arith.constant 0 : index
    %get3A_2934 = vector.load %arg13[%get3A_2932, %get3A_2933] : memref<512x2048xf32, #tpu.memory_space<vmem>>, vector<8x2048xf32>
    %add3A_2935 = arith.addf %get3A_2931, %get3A_2934 : vector<8x2048xf32>
    %add3A_2936 = vector.broadcast %add3A_38 : vector<1x2048xf32> to vector<8x2048xf32>
    %add3A_2937 = arith.addf %add3A_2935, %add3A_2936 : vector<8x2048xf32>
    %get3A_2938 = arith.constant 288 : index
    %get3A_2939 = arith.constant 0 : index
    %get3A_2940 = vector.load %arg14[%get3A_2938, %get3A_2939] : memref<512x1xf32, #tpu.memory_space<vmem>>, vector<8x1xf32>
    %get3A_2941 = arith.constant 288 : index
    %get3A_2942 = arith.constant 0 : index
    %get3A_2943 = vector.load %arg15[%get3A_2941, %get3A_2942] : memref<512x1xf32, #tpu.memory_space<vmem>>, vector<8x1xf32>
    %sub3A_2944 = vector.broadcast %get3A_2943 : vector<8x1xf32> to vector<8x2048xf32>
    %sub3A_2945 = arith.subf %add3A_2937, %sub3A_2944 : vector<8x2048xf32>
    %mul3A_2946 = vector.broadcast %get3A_2940 : vector<8x1xf32> to vector<8x2048xf32>
    %mul3A_2947 = arith.mulf %sub3A_2945, %mul3A_2946 : vector<8x2048xf32>
    %get3A_2948 = arith.constant 0 : index
    %get3A_2949 = arith.constant 0 : index
    %get3A_2950 = vector.load %arg8[%get3A_2948, %get3A_2949] : memref<1x2048xf32, #tpu.memory_space<vmem>>, vector<1x2048xf32>
    %mul3A_2951 = vector.broadcast %get3A_2950 : vector<1x2048xf32> to vector<8x2048xf32>
    %mul3A_2952 = arith.mulf %mul3A_2947, %mul3A_2951 : vector<8x2048xf32>
    %get3A_2953 = arith.constant 0 : index
    %get3A_2954 = arith.constant 0 : index
    %get3A_2955 = vector.load %arg9[%get3A_2953, %get3A_2954] : memref<1x2048xf32, #tpu.memory_space<vmem>>, vector<1x2048xf32>
    %add3A_2956 = vector.broadcast %get3A_2955 : vector<1x2048xf32> to vector<8x2048xf32>
    %add3A_2957 = arith.addf %mul3A_2952, %add3A_2956 : vector<8x2048xf32>
    %swap3A_2958 = arith.constant 0 : index
    %swap3A_2959 = arith.constant 288 : index
    %swap3A_2960 = arith.constant 0 : index
    %swap3A_2961 = vector.load %arg12[%swap3A_2958, %swap3A_2959, %swap3A_2960] : memref<1x512x2048xf32, #tpu.memory_space<vmem>>, vector<1x8x2048xf32>
    %swap3A_2962 = vector.shape_cast %swap3A_2961 : vector<1x8x2048xf32> to vector<8x2048xf32>
    %swap3A_2963 = vector.shape_cast %add3A_2957 : vector<8x2048xf32> to vector<1x8x2048xf32>
    tpu.vector_store %arg12[%swap3A_2958, %swap3A_2959, %swap3A_2960], %swap3A_2963 {strides = array<i32>} : memref<1x512x2048xf32, #tpu.memory_space<vmem>>, vector<1x8x2048xf32>,
    %get3A_2964 = arith.constant 0 : index
    %get3A_2965 = arith.constant 296 : index
    %get3A_2966 = arith.constant 0 : index
    %get3A_2967 = vector.load %arg2[%get3A_2964, %get3A_2965, %get3A_2966] : memref<1x512x2048xf32, #tpu.memory_space<vmem>>, vector<1x8x2048xf32>
    %get3A_2968 = vector.shape_cast %get3A_2967 : vector<1x8x2048xf32> to vector<8x2048xf32>
    %get3A_2969 = arith.constant 296 : index
    %get3A_2970 = arith.constant 0 : index
    %get3A_2971 = vector.load %arg13[%get3A_2969, %get3A_2970] : memref<512x2048xf32, #tpu.memory_space<vmem>>, vector<8x2048xf32>
    %add3A_2972 = arith.addf %get3A_2968, %get3A_2971 : vector<8x2048xf32>
    %add3A_2973 = vector.broadcast %add3A_38 : vector<1x2048xf32> to vector<8x2048xf32>
    %add3A_2974 = arith.addf %add3A_2972, %add3A_2973 : vector<8x2048xf32>
    %get3A_2975 = arith.constant 296 : index
    %get3A_2976 = arith.constant 0 : index
    %get3A_2977 = vector.load %arg14[%get3A_2975, %get3A_2976] : memref<512x1xf32, #tpu.memory_space<vmem>>, vector<8x1xf32>
    %get3A_2978 = arith.constant 296 : index
    %get3A_2979 = arith.constant 0 : index
    %get3A_2980 = vector.load %arg15[%get3A_2978, %get3A_2979] : memref<512x1xf32, #tpu.memory_space<vmem>>, vector<8x1xf32>
    %sub3A_2981 = vector.broadcast %get3A_2980 : vector<8x1xf32> to vector<8x2048xf32>
    %sub3A_2982 = arith.subf %add3A_2974, %sub3A_2981 : vector<8x2048xf32>
    %mul3A_2983 = vector.broadcast %get3A_2977 : vector<8x1xf32> to vector<8x2048xf32>
    %mul3A_2984 = arith.mulf %sub3A_2982, %mul3A_2983 : vector<8x2048xf32>
    %get3A_2985 = arith.constant 0 : index
    %get3A_2986 = arith.constant 0 : index
    %get3A_2987 = vector.load %arg8[%get3A_2985, %get3A_2986] : memref<1x2048xf32, #tpu.memory_space<vmem>>, vector<1x2048xf32>
    %mul3A_2988 = vector.broadcast %get3A_2987 : vector<1x2048xf32> to vector<8x2048xf32>
    %mul3A_2989 = arith.mulf %mul3A_2984, %mul3A_2988 : vector<8x2048xf32>
    %get3A_2990 = arith.constant 0 : index
    %get3A_2991 = arith.constant 0 : index
    %get3A_2992 = vector.load %arg9[%get3A_2990, %get3A_2991] : memref<1x2048xf32, #tpu.memory_space<vmem>>, vector<1x2048xf32>
    %add3A_2993 = vector.broadcast %get3A_2992 : vector<1x2048xf32> to vector<8x2048xf32>
    %add3A_2994 = arith.addf %mul3A_2989, %add3A_2993 : vector<8x2048xf32>
    %swap3A_2995 = arith.constant 0 : index
    %swap3A_2996 = arith.constant 296 : index
    %swap3A_2997 = arith.constant 0 : index
    %swap3A_2998 = vector.load %arg12[%swap3A_2995, %swap3A_2996, %swap3A_2997] : memref<1x512x2048xf32, #tpu.memory_space<vmem>>, vector<1x8x2048xf32>
    %swap3A_2999 = vector.shape_cast %swap3A_2998 : vector<1x8x2048xf32> to vector<8x2048xf32>
    %swap3A_3000 = vector.shape_cast %add3A_2994 : vector<8x2048xf32> to vector<1x8x2048xf32>
    tpu.vector_store %arg12[%swap3A_2995, %swap3A_2996, %swap3A_2997], %swap3A_3000 {strides = array<i32>} : memref<1x512x2048xf32, #tpu.memory_space<vmem>>, vector<1x8x2048xf32>,
    %get3A_3001 = arith.constant 0 : index
    %get3A_3002 = arith.constant 304 : index
    %get3A_3003 = arith.constant 0 : index
    %get3A_3004 = vector.load %arg2[%get3A_3001, %get3A_3002, %get3A_3003] : memref<1x512x2048xf32, #tpu.memory_space<vmem>>, vector<1x8x2048xf32>
    %get3A_3005 = vector.shape_cast %get3A_3004 : vector<1x8x2048xf32> to vector<8x2048xf32>
    %get3A_3006 = arith.constant 304 : index
    %get3A_3007 = arith.constant 0 : index
    %get3A_3008 = vector.load %arg13[%get3A_3006, %get3A_3007] : memref<512x2048xf32, #tpu.memory_space<vmem>>, vector<8x2048xf32>
    %add3A_3009 = arith.addf %get3A_3005, %get3A_3008 : vector<8x2048xf32>
    %add3A_3010 = vector.broadcast %add3A_38 : vector<1x2048xf32> to vector<8x2048xf32>
    %add3A_3011 = arith.addf %add3A_3009, %add3A_3010 : vector<8x2048xf32>
    %get3A_3012 = arith.constant 304 : index
    %get3A_3013 = arith.constant 0 : index
    %get3A_3014 = vector.load %arg14[%get3A_3012, %get3A_3013] : memref<512x1xf32, #tpu.memory_space<vmem>>, vector<8x1xf32>
    %get3A_3015 = arith.constant 304 : index
    %get3A_3016 = arith.constant 0 : index
    %get3A_3017 = vector.load %arg15[%get3A_3015, %get3A_3016] : memref<512x1xf32, #tpu.memory_space<vmem>>, vector<8x1xf32>
    %sub3A_3018 = vector.broadcast %get3A_3017 : vector<8x1xf32> to vector<8x2048xf32>
    %sub3A_3019 = arith.subf %add3A_3011, %sub3A_3018 : vector<8x2048xf32>
    %mul3A_3020 = vector.broadcast %get3A_3014 : vector<8x1xf32> to vector<8x2048xf32>
    %mul3A_3021 = arith.mulf %sub3A_3019, %mul3A_3020 : vector<8x2048xf32>
    %get3A_3022 = arith.constant 0 : index
    %get3A_3023 = arith.constant 0 : index
    %get3A_3024 = vector.load %arg8[%get3A_3022, %get3A_3023] : memref<1x2048xf32, #tpu.memory_space<vmem>>, vector<1x2048xf32>
    %mul3A_3025 = vector.broadcast %get3A_3024 : vector<1x2048xf32> to vector<8x2048xf32>
    %mul3A_3026 = arith.mulf %mul3A_3021, %mul3A_3025 : vector<8x2048xf32>
    %get3A_3027 = arith.constant 0 : index
    %get3A_3028 = arith.constant 0 : index
    %get3A_3029 = vector.load %arg9[%get3A_3027, %get3A_3028] : memref<1x2048xf32, #tpu.memory_space<vmem>>, vector<1x2048xf32>
    %add3A_3030 = vector.broadcast %get3A_3029 : vector<1x2048xf32> to vector<8x2048xf32>
    %add3A_3031 = arith.addf %mul3A_3026, %add3A_3030 : vector<8x2048xf32>
    %swap3A_3032 = arith.constant 0 : index
    %swap3A_3033 = arith.constant 304 : index
    %swap3A_3034 = arith.constant 0 : index
    %swap3A_3035 = vector.load %arg12[%swap3A_3032, %swap3A_3033, %swap3A_3034] : memref<1x512x2048xf32, #tpu.memory_space<vmem>>, vector<1x8x2048xf32>
    %swap3A_3036 = vector.shape_cast %swap3A_3035 : vector<1x8x2048xf32> to vector<8x2048xf32>
    %swap3A_3037 = vector.shape_cast %add3A_3031 : vector<8x2048xf32> to vector<1x8x2048xf32>
    tpu.vector_store %arg12[%swap3A_3032, %swap3A_3033, %swap3A_3034], %swap3A_3037 {strides = array<i32>} : memref<1x512x2048xf32, #tpu.memory_space<vmem>>, vector<1x8x2048xf32>,
    %get3A_3038 = arith.constant 0 : index
    %get3A_3039 = arith.constant 312 : index
    %get3A_3040 = arith.constant 0 : index
    %get3A_3041 = vector.load %arg2[%get3A_3038, %get3A_3039, %get3A_3040] : memref<1x512x2048xf32, #tpu.memory_space<vmem>>, vector<1x8x2048xf32>
    %get3A_3042 = vector.shape_cast %get3A_3041 : vector<1x8x2048xf32> to vector<8x2048xf32>
    %get3A_3043 = arith.constant 312 : index
    %get3A_3044 = arith.constant 0 : index
    %get3A_3045 = vector.load %arg13[%get3A_3043, %get3A_3044] : memref<512x2048xf32, #tpu.memory_space<vmem>>, vector<8x2048xf32>
    %add3A_3046 = arith.addf %get3A_3042, %get3A_3045 : vector<8x2048xf32>
    %add3A_3047 = vector.broadcast %add3A_38 : vector<1x2048xf32> to vector<8x2048xf32>
    %add3A_3048 = arith.addf %add3A_3046, %add3A_3047 : vector<8x2048xf32>
    %get3A_3049 = arith.constant 312 : index
    %get3A_3050 = arith.constant 0 : index
    %get3A_3051 = vector.load %arg14[%get3A_3049, %get3A_3050] : memref<512x1xf32, #tpu.memory_space<vmem>>, vector<8x1xf32>
    %get3A_3052 = arith.constant 312 : index
    %get3A_3053 = arith.constant 0 : index
    %get3A_3054 = vector.load %arg15[%get3A_3052, %get3A_3053] : memref<512x1xf32, #tpu.memory_space<vmem>>, vector<8x1xf32>
    %sub3A_3055 = vector.broadcast %get3A_3054 : vector<8x1xf32> to vector<8x2048xf32>
    %sub3A_3056 = arith.subf %add3A_3048, %sub3A_3055 : vector<8x2048xf32>
    %mul3A_3057 = vector.broadcast %get3A_3051 : vector<8x1xf32> to vector<8x2048xf32>
    %mul3A_3058 = arith.mulf %sub3A_3056, %mul3A_3057 : vector<8x2048xf32>
    %get3A_3059 = arith.constant 0 : index
    %get3A_3060 = arith.constant 0 : index
    %get3A_3061 = vector.load %arg8[%get3A_3059, %get3A_3060] : memref<1x2048xf32, #tpu.memory_space<vmem>>, vector<1x2048xf32>
    %mul3A_3062 = vector.broadcast %get3A_3061 : vector<1x2048xf32> to vector<8x2048xf32>
    %mul3A_3063 = arith.mulf %mul3A_3058, %mul3A_3062 : vector<8x2048xf32>
    %get3A_3064 = arith.constant 0 : index
    %get3A_3065 = arith.constant 0 : index
    %get3A_3066 = vector.load %arg9[%get3A_3064, %get3A_3065] : memref<1x2048xf32, #tpu.memory_space<vmem>>, vector<1x2048xf32>
    %add3A_3067 = vector.broadcast %get3A_3066 : vector<1x2048xf32> to vector<8x2048xf32>
    %add3A_3068 = arith.addf %mul3A_3063, %add3A_3067 : vector<8x2048xf32>
    %swap3A_3069 = arith.constant 0 : index
    %swap3A_3070 = arith.constant 312 : index
    %swap3A_3071 = arith.constant 0 : index
    %swap3A_3072 = vector.load %arg12[%swap3A_3069, %swap3A_3070, %swap3A_3071] : memref<1x512x2048xf32, #tpu.memory_space<vmem>>, vector<1x8x2048xf32>
    %swap3A_3073 = vector.shape_cast %swap3A_3072 : vector<1x8x2048xf32> to vector<8x2048xf32>
    %swap3A_3074 = vector.shape_cast %add3A_3068 : vector<8x2048xf32> to vector<1x8x2048xf32>
    tpu.vector_store %arg12[%swap3A_3069, %swap3A_3070, %swap3A_3071], %swap3A_3074 {strides = array<i32>} : memref<1x512x2048xf32, #tpu.memory_space<vmem>>, vector<1x8x2048xf32>,
    %get3A_3075 = arith.constant 0 : index
    %get3A_3076 = arith.constant 320 : index
    %get3A_3077 = arith.constant 0 : index
    %get3A_3078 = vector.load %arg2[%get3A_3075, %get3A_3076, %get3A_3077] : memref<1x512x2048xf32, #tpu.memory_space<vmem>>, vector<1x8x2048xf32>
    %get3A_3079 = vector.shape_cast %get3A_3078 : vector<1x8x2048xf32> to vector<8x2048xf32>
    %get3A_3080 = arith.constant 320 : index
    %get3A_3081 = arith.constant 0 : index
    %get3A_3082 = vector.load %arg13[%get3A_3080, %get3A_3081] : memref<512x2048xf32, #tpu.memory_space<vmem>>, vector<8x2048xf32>
    %add3A_3083 = arith.addf %get3A_3079, %get3A_3082 : vector<8x2048xf32>
    %add3A_3084 = vector.broadcast %add3A_38 : vector<1x2048xf32> to vector<8x2048xf32>
    %add3A_3085 = arith.addf %add3A_3083, %add3A_3084 : vector<8x2048xf32>
    %get3A_3086 = arith.constant 320 : index
    %get3A_3087 = arith.constant 0 : index
    %get3A_3088 = vector.load %arg14[%get3A_3086, %get3A_3087] : memref<512x1xf32, #tpu.memory_space<vmem>>, vector<8x1xf32>
    %get3A_3089 = arith.constant 320 : index
    %get3A_3090 = arith.constant 0 : index
    %get3A_3091 = vector.load %arg15[%get3A_3089, %get3A_3090] : memref<512x1xf32, #tpu.memory_space<vmem>>, vector<8x1xf32>
    %sub3A_3092 = vector.broadcast %get3A_3091 : vector<8x1xf32> to vector<8x2048xf32>
    %sub3A_3093 = arith.subf %add3A_3085, %sub3A_3092 : vector<8x2048xf32>
    %mul3A_3094 = vector.broadcast %get3A_3088 : vector<8x1xf32> to vector<8x2048xf32>
    %mul3A_3095 = arith.mulf %sub3A_3093, %mul3A_3094 : vector<8x2048xf32>
    %get3A_3096 = arith.constant 0 : index
    %get3A_3097 = arith.constant 0 : index
    %get3A_3098 = vector.load %arg8[%get3A_3096, %get3A_3097] : memref<1x2048xf32, #tpu.memory_space<vmem>>, vector<1x2048xf32>
    %mul3A_3099 = vector.broadcast %get3A_3098 : vector<1x2048xf32> to vector<8x2048xf32>
    %mul3A_3100 = arith.mulf %mul3A_3095, %mul3A_3099 : vector<8x2048xf32>
    %get3A_3101 = arith.constant 0 : index
    %get3A_3102 = arith.constant 0 : index
    %get3A_3103 = vector.load %arg9[%get3A_3101, %get3A_3102] : memref<1x2048xf32, #tpu.memory_space<vmem>>, vector<1x2048xf32>
    %add3A_3104 = vector.broadcast %get3A_3103 : vector<1x2048xf32> to vector<8x2048xf32>
    %add3A_3105 = arith.addf %mul3A_3100, %add3A_3104 : vector<8x2048xf32>
    %swap3A_3106 = arith.constant 0 : index
    %swap3A_3107 = arith.constant 320 : index
    %swap3A_3108 = arith.constant 0 : index
    %swap3A_3109 = vector.load %arg12[%swap3A_3106, %swap3A_3107, %swap3A_3108] : memref<1x512x2048xf32, #tpu.memory_space<vmem>>, vector<1x8x2048xf32>
    %swap3A_3110 = vector.shape_cast %swap3A_3109 : vector<1x8x2048xf32> to vector<8x2048xf32>
    %swap3A_3111 = vector.shape_cast %add3A_3105 : vector<8x2048xf32> to vector<1x8x2048xf32>
    tpu.vector_store %arg12[%swap3A_3106, %swap3A_3107, %swap3A_3108], %swap3A_3111 {strides = array<i32>} : memref<1x512x2048xf32, #tpu.memory_space<vmem>>, vector<1x8x2048xf32>,
    %get3A_3112 = arith.constant 0 : index
    %get3A_3113 = arith.constant 328 : index
    %get3A_3114 = arith.constant 0 : index
    %get3A_3115 = vector.load %arg2[%get3A_3112, %get3A_3113, %get3A_3114] : memref<1x512x2048xf32, #tpu.memory_space<vmem>>, vector<1x8x2048xf32>
    %get3A_3116 = vector.shape_cast %get3A_3115 : vector<1x8x2048xf32> to vector<8x2048xf32>
    %get3A_3117 = arith.constant 328 : index
    %get3A_3118 = arith.constant 0 : index
    %get3A_3119 = vector.load %arg13[%get3A_3117, %get3A_3118] : memref<512x2048xf32, #tpu.memory_space<vmem>>, vector<8x2048xf32>
    %add3A_3120 = arith.addf %get3A_3116, %get3A_3119 : vector<8x2048xf32>
    %add3A_3121 = vector.broadcast %add3A_38 : vector<1x2048xf32> to vector<8x2048xf32>
    %add3A_3122 = arith.addf %add3A_3120, %add3A_3121 : vector<8x2048xf32>
    %get3A_3123 = arith.constant 328 : index
    %get3A_3124 = arith.constant 0 : index
    %get3A_3125 = vector.load %arg14[%get3A_3123, %get3A_3124] : memref<512x1xf32, #tpu.memory_space<vmem>>, vector<8x1xf32>
    %get3A_3126 = arith.constant 328 : index
    %get3A_3127 = arith.constant 0 : index
    %get3A_3128 = vector.load %arg15[%get3A_3126, %get3A_3127] : memref<512x1xf32, #tpu.memory_space<vmem>>, vector<8x1xf32>
    %sub3A_3129 = vector.broadcast %get3A_3128 : vector<8x1xf32> to vector<8x2048xf32>
    %sub3A_3130 = arith.subf %add3A_3122, %sub3A_3129 : vector<8x2048xf32>
    %mul3A_3131 = vector.broadcast %get3A_3125 : vector<8x1xf32> to vector<8x2048xf32>
    %mul3A_3132 = arith.mulf %sub3A_3130, %mul3A_3131 : vector<8x2048xf32>
    %get3A_3133 = arith.constant 0 : index
    %get3A_3134 = arith.constant 0 : index
    %get3A_3135 = vector.load %arg8[%get3A_3133, %get3A_3134] : memref<1x2048xf32, #tpu.memory_space<vmem>>, vector<1x2048xf32>
    %mul3A_3136 = vector.broadcast %get3A_3135 : vector<1x2048xf32> to vector<8x2048xf32>
    %mul3A_3137 = arith.mulf %mul3A_3132, %mul3A_3136 : vector<8x2048xf32>
    %get3A_3138 = arith.constant 0 : index
    %get3A_3139 = arith.constant 0 : index
    %get3A_3140 = vector.load %arg9[%get3A_3138, %get3A_3139] : memref<1x2048xf32, #tpu.memory_space<vmem>>, vector<1x2048xf32>
    %add3A_3141 = vector.broadcast %get3A_3140 : vector<1x2048xf32> to vector<8x2048xf32>
    %add3A_3142 = arith.addf %mul3A_3137, %add3A_3141 : vector<8x2048xf32>
    %swap3A_3143 = arith.constant 0 : index
    %swap3A_3144 = arith.constant 328 : index
    %swap3A_3145 = arith.constant 0 : index
    %swap3A_3146 = vector.load %arg12[%swap3A_3143, %swap3A_3144, %swap3A_3145] : memref<1x512x2048xf32, #tpu.memory_space<vmem>>, vector<1x8x2048xf32>
    %swap3A_3147 = vector.shape_cast %swap3A_3146 : vector<1x8x2048xf32> to vector<8x2048xf32>
    %swap3A_3148 = vector.shape_cast %add3A_3142 : vector<8x2048xf32> to vector<1x8x2048xf32>
    tpu.vector_store %arg12[%swap3A_3143, %swap3A_3144, %swap3A_3145], %swap3A_3148 {strides = array<i32>} : memref<1x512x2048xf32, #tpu.memory_space<vmem>>, vector<1x8x2048xf32>,
    %get3A_3149 = arith.constant 0 : index
    %get3A_3150 = arith.constant 336 : index
    %get3A_3151 = arith.constant 0 : index
    %get3A_3152 = vector.load %arg2[%get3A_3149, %get3A_3150, %get3A_3151] : memref<1x512x2048xf32, #tpu.memory_space<vmem>>, vector<1x8x2048xf32>
    %get3A_3153 = vector.shape_cast %get3A_3152 : vector<1x8x2048xf32> to vector<8x2048xf32>
    %get3A_3154 = arith.constant 336 : index
    %get3A_3155 = arith.constant 0 : index
    %get3A_3156 = vector.load %arg13[%get3A_3154, %get3A_3155] : memref<512x2048xf32, #tpu.memory_space<vmem>>, vector<8x2048xf32>
    %add3A_3157 = arith.addf %get3A_3153, %get3A_3156 : vector<8x2048xf32>
    %add3A_3158 = vector.broadcast %add3A_38 : vector<1x2048xf32> to vector<8x2048xf32>
    %add3A_3159 = arith.addf %add3A_3157, %add3A_3158 : vector<8x2048xf32>
    %get3A_3160 = arith.constant 336 : index
    %get3A_3161 = arith.constant 0 : index
    %get3A_3162 = vector.load %arg14[%get3A_3160, %get3A_3161] : memref<512x1xf32, #tpu.memory_space<vmem>>, vector<8x1xf32>
    %get3A_3163 = arith.constant 336 : index
    %get3A_3164 = arith.constant 0 : index
    %get3A_3165 = vector.load %arg15[%get3A_3163, %get3A_3164] : memref<512x1xf32, #tpu.memory_space<vmem>>, vector<8x1xf32>
    %sub3A_3166 = vector.broadcast %get3A_3165 : vector<8x1xf32> to vector<8x2048xf32>
    %sub3A_3167 = arith.subf %add3A_3159, %sub3A_3166 : vector<8x2048xf32>
    %mul3A_3168 = vector.broadcast %get3A_3162 : vector<8x1xf32> to vector<8x2048xf32>
    %mul3A_3169 = arith.mulf %sub3A_3167, %mul3A_3168 : vector<8x2048xf32>
    %get3A_3170 = arith.constant 0 : index
    %get3A_3171 = arith.constant 0 : index
    %get3A_3172 = vector.load %arg8[%get3A_3170, %get3A_3171] : memref<1x2048xf32, #tpu.memory_space<vmem>>, vector<1x2048xf32>
    %mul3A_3173 = vector.broadcast %get3A_3172 : vector<1x2048xf32> to vector<8x2048xf32>
    %mul3A_3174 = arith.mulf %mul3A_3169, %mul3A_3173 : vector<8x2048xf32>
    %get3A_3175 = arith.constant 0 : index
    %get3A_3176 = arith.constant 0 : index
    %get3A_3177 = vector.load %arg9[%get3A_3175, %get3A_3176] : memref<1x2048xf32, #tpu.memory_space<vmem>>, vector<1x2048xf32>
    %add3A_3178 = vector.broadcast %get3A_3177 : vector<1x2048xf32> to vector<8x2048xf32>
    %add3A_3179 = arith.addf %mul3A_3174, %add3A_3178 : vector<8x2048xf32>
    %swap3A_3180 = arith.constant 0 : index
    %swap3A_3181 = arith.constant 336 : index
    %swap3A_3182 = arith.constant 0 : index
    %swap3A_3183 = vector.load %arg12[%swap3A_3180, %swap3A_3181, %swap3A_3182] : memref<1x512x2048xf32, #tpu.memory_space<vmem>>, vector<1x8x2048xf32>
    %swap3A_3184 = vector.shape_cast %swap3A_3183 : vector<1x8x2048xf32> to vector<8x2048xf32>
    %swap3A_3185 = vector.shape_cast %add3A_3179 : vector<8x2048xf32> to vector<1x8x2048xf32>
    tpu.vector_store %arg12[%swap3A_3180, %swap3A_3181, %swap3A_3182], %swap3A_3185 {strides = array<i32>} : memref<1x512x2048xf32, #tpu.memory_space<vmem>>, vector<1x8x2048xf32>,
    %get3A_3186 = arith.constant 0 : index
    %get3A_3187 = arith.constant 344 : index
    %get3A_3188 = arith.constant 0 : index
    %get3A_3189 = vector.load %arg2[%get3A_3186, %get3A_3187, %get3A_3188] : memref<1x512x2048xf32, #tpu.memory_space<vmem>>, vector<1x8x2048xf32>
    %get3A_3190 = vector.shape_cast %get3A_3189 : vector<1x8x2048xf32> to vector<8x2048xf32>
    %get3A_3191 = arith.constant 344 : index
    %get3A_3192 = arith.constant 0 : index
    %get3A_3193 = vector.load %arg13[%get3A_3191, %get3A_3192] : memref<512x2048xf32, #tpu.memory_space<vmem>>, vector<8x2048xf32>
    %add3A_3194 = arith.addf %get3A_3190, %get3A_3193 : vector<8x2048xf32>
    %add3A_3195 = vector.broadcast %add3A_38 : vector<1x2048xf32> to vector<8x2048xf32>
    %add3A_3196 = arith.addf %add3A_3194, %add3A_3195 : vector<8x2048xf32>
    %get3A_3197 = arith.constant 344 : index
    %get3A_3198 = arith.constant 0 : index
    %get3A_3199 = vector.load %arg14[%get3A_3197, %get3A_3198] : memref<512x1xf32, #tpu.memory_space<vmem>>, vector<8x1xf32>
    %get3A_3200 = arith.constant 344 : index
    %get3A_3201 = arith.constant 0 : index
    %get3A_3202 = vector.load %arg15[%get3A_3200, %get3A_3201] : memref<512x1xf32, #tpu.memory_space<vmem>>, vector<8x1xf32>
    %sub3A_3203 = vector.broadcast %get3A_3202 : vector<8x1xf32> to vector<8x2048xf32>
    %sub3A_3204 = arith.subf %add3A_3196, %sub3A_3203 : vector<8x2048xf32>
    %mul3A_3205 = vector.broadcast %get3A_3199 : vector<8x1xf32> to vector<8x2048xf32>
    %mul3A_3206 = arith.mulf %sub3A_3204, %mul3A_3205 : vector<8x2048xf32>
    %get3A_3207 = arith.constant 0 : index
    %get3A_3208 = arith.constant 0 : index
    %get3A_3209 = vector.load %arg8[%get3A_3207, %get3A_3208] : memref<1x2048xf32, #tpu.memory_space<vmem>>, vector<1x2048xf32>
    %mul3A_3210 = vector.broadcast %get3A_3209 : vector<1x2048xf32> to vector<8x2048xf32>
    %mul3A_3211 = arith.mulf %mul3A_3206, %mul3A_3210 : vector<8x2048xf32>
    %get3A_3212 = arith.constant 0 : index
    %get3A_3213 = arith.constant 0 : index
    %get3A_3214 = vector.load %arg9[%get3A_3212, %get3A_3213] : memref<1x2048xf32, #tpu.memory_space<vmem>>, vector<1x2048xf32>
    %add3A_3215 = vector.broadcast %get3A_3214 : vector<1x2048xf32> to vector<8x2048xf32>
    %add3A_3216 = arith.addf %mul3A_3211, %add3A_3215 : vector<8x2048xf32>
    %swap3A_3217 = arith.constant 0 : index
    %swap3A_3218 = arith.constant 344 : index
    %swap3A_3219 = arith.constant 0 : index
    %swap3A_3220 = vector.load %arg12[%swap3A_3217, %swap3A_3218, %swap3A_3219] : memref<1x512x2048xf32, #tpu.memory_space<vmem>>, vector<1x8x2048xf32>
    %swap3A_3221 = vector.shape_cast %swap3A_3220 : vector<1x8x2048xf32> to vector<8x2048xf32>
    %swap3A_3222 = vector.shape_cast %add3A_3216 : vector<8x2048xf32> to vector<1x8x2048xf32>
    tpu.vector_store %arg12[%swap3A_3217, %swap3A_3218, %swap3A_3219], %swap3A_3222 {strides = array<i32>} : memref<1x512x2048xf32, #tpu.memory_space<vmem>>, vector<1x8x2048xf32>,
    %get3A_3223 = arith.constant 0 : index
    %get3A_3224 = arith.constant 352 : index
    %get3A_3225 = arith.constant 0 : index
    %get3A_3226 = vector.load %arg2[%get3A_3223, %get3A_3224, %get3A_3225] : memref<1x512x2048xf32, #tpu.memory_space<vmem>>, vector<1x8x2048xf32>
    %get3A_3227 = vector.shape_cast %get3A_3226 : vector<1x8x2048xf32> to vector<8x2048xf32>
    %get3A_3228 = arith.constant 352 : index
    %get3A_3229 = arith.constant 0 : index
    %get3A_3230 = vector.load %arg13[%get3A_3228, %get3A_3229] : memref<512x2048xf32, #tpu.memory_space<vmem>>, vector<8x2048xf32>
    %add3A_3231 = arith.addf %get3A_3227, %get3A_3230 : vector<8x2048xf32>
    %add3A_3232 = vector.broadcast %add3A_38 : vector<1x2048xf32> to vector<8x2048xf32>
    %add3A_3233 = arith.addf %add3A_3231, %add3A_3232 : vector<8x2048xf32>
    %get3A_3234 = arith.constant 352 : index
    %get3A_3235 = arith.constant 0 : index
    %get3A_3236 = vector.load %arg14[%get3A_3234, %get3A_3235] : memref<512x1xf32, #tpu.memory_space<vmem>>, vector<8x1xf32>
    %get3A_3237 = arith.constant 352 : index
    %get3A_3238 = arith.constant 0 : index
    %get3A_3239 = vector.load %arg15[%get3A_3237, %get3A_3238] : memref<512x1xf32, #tpu.memory_space<vmem>>, vector<8x1xf32>
    %sub3A_3240 = vector.broadcast %get3A_3239 : vector<8x1xf32> to vector<8x2048xf32>
    %sub3A_3241 = arith.subf %add3A_3233, %sub3A_3240 : vector<8x2048xf32>
    %mul3A_3242 = vector.broadcast %get3A_3236 : vector<8x1xf32> to vector<8x2048xf32>
    %mul3A_3243 = arith.mulf %sub3A_3241, %mul3A_3242 : vector<8x2048xf32>
    %get3A_3244 = arith.constant 0 : index
    %get3A_3245 = arith.constant 0 : index
    %get3A_3246 = vector.load %arg8[%get3A_3244, %get3A_3245] : memref<1x2048xf32, #tpu.memory_space<vmem>>, vector<1x2048xf32>
    %mul3A_3247 = vector.broadcast %get3A_3246 : vector<1x2048xf32> to vector<8x2048xf32>
    %mul3A_3248 = arith.mulf %mul3A_3243, %mul3A_3247 : vector<8x2048xf32>
    %get3A_3249 = arith.constant 0 : index
    %get3A_3250 = arith.constant 0 : index
    %get3A_3251 = vector.load %arg9[%get3A_3249, %get3A_3250] : memref<1x2048xf32, #tpu.memory_space<vmem>>, vector<1x2048xf32>
    %add3A_3252 = vector.broadcast %get3A_3251 : vector<1x2048xf32> to vector<8x2048xf32>
    %add3A_3253 = arith.addf %mul3A_3248, %add3A_3252 : vector<8x2048xf32>
    %swap3A_3254 = arith.constant 0 : index
    %swap3A_3255 = arith.constant 352 : index
    %swap3A_3256 = arith.constant 0 : index
    %swap3A_3257 = vector.load %arg12[%swap3A_3254, %swap3A_3255, %swap3A_3256] : memref<1x512x2048xf32, #tpu.memory_space<vmem>>, vector<1x8x2048xf32>
    %swap3A_3258 = vector.shape_cast %swap3A_3257 : vector<1x8x2048xf32> to vector<8x2048xf32>
    %swap3A_3259 = vector.shape_cast %add3A_3253 : vector<8x2048xf32> to vector<1x8x2048xf32>
    tpu.vector_store %arg12[%swap3A_3254, %swap3A_3255, %swap3A_3256], %swap3A_3259 {strides = array<i32>} : memref<1x512x2048xf32, #tpu.memory_space<vmem>>, vector<1x8x2048xf32>,
    %get3A_3260 = arith.constant 0 : index
    %get3A_3261 = arith.constant 360 : index
    %get3A_3262 = arith.constant 0 : index
    %get3A_3263 = vector.load %arg2[%get3A_3260, %get3A_3261, %get3A_3262] : memref<1x512x2048xf32, #tpu.memory_space<vmem>>, vector<1x8x2048xf32>
    %get3A_3264 = vector.shape_cast %get3A_3263 : vector<1x8x2048xf32> to vector<8x2048xf32>
    %get3A_3265 = arith.constant 360 : index
    %get3A_3266 = arith.constant 0 : index
    %get3A_3267 = vector.load %arg13[%get3A_3265, %get3A_3266] : memref<512x2048xf32, #tpu.memory_space<vmem>>, vector<8x2048xf32>
    %add3A_3268 = arith.addf %get3A_3264, %get3A_3267 : vector<8x2048xf32>
    %add3A_3269 = vector.broadcast %add3A_38 : vector<1x2048xf32> to vector<8x2048xf32>
    %add3A_3270 = arith.addf %add3A_3268, %add3A_3269 : vector<8x2048xf32>
    %get3A_3271 = arith.constant 360 : index
    %get3A_3272 = arith.constant 0 : index
    %get3A_3273 = vector.load %arg14[%get3A_3271, %get3A_3272] : memref<512x1xf32, #tpu.memory_space<vmem>>, vector<8x1xf32>
    %get3A_3274 = arith.constant 360 : index
    %get3A_3275 = arith.constant 0 : index
    %get3A_3276 = vector.load %arg15[%get3A_3274, %get3A_3275] : memref<512x1xf32, #tpu.memory_space<vmem>>, vector<8x1xf32>
    %sub3A_3277 = vector.broadcast %get3A_3276 : vector<8x1xf32> to vector<8x2048xf32>
    %sub3A_3278 = arith.subf %add3A_3270, %sub3A_3277 : vector<8x2048xf32>
    %mul3A_3279 = vector.broadcast %get3A_3273 : vector<8x1xf32> to vector<8x2048xf32>
    %mul3A_3280 = arith.mulf %sub3A_3278, %mul3A_3279 : vector<8x2048xf32>
    %get3A_3281 = arith.constant 0 : index
    %get3A_3282 = arith.constant 0 : index
    %get3A_3283 = vector.load %arg8[%get3A_3281, %get3A_3282] : memref<1x2048xf32, #tpu.memory_space<vmem>>, vector<1x2048xf32>
    %mul3A_3284 = vector.broadcast %get3A_3283 : vector<1x2048xf32> to vector<8x2048xf32>
    %mul3A_3285 = arith.mulf %mul3A_3280, %mul3A_3284 : vector<8x2048xf32>
    %get3A_3286 = arith.constant 0 : index
    %get3A_3287 = arith.constant 0 : index
    %get3A_3288 = vector.load %arg9[%get3A_3286, %get3A_3287] : memref<1x2048xf32, #tpu.memory_space<vmem>>, vector<1x2048xf32>
    %add3A_3289 = vector.broadcast %get3A_3288 : vector<1x2048xf32> to vector<8x2048xf32>
    %add3A_3290 = arith.addf %mul3A_3285, %add3A_3289 : vector<8x2048xf32>
    %swap3A_3291 = arith.constant 0 : index
    %swap3A_3292 = arith.constant 360 : index
    %swap3A_3293 = arith.constant 0 : index
    %swap3A_3294 = vector.load %arg12[%swap3A_3291, %swap3A_3292, %swap3A_3293] : memref<1x512x2048xf32, #tpu.memory_space<vmem>>, vector<1x8x2048xf32>
    %swap3A_3295 = vector.shape_cast %swap3A_3294 : vector<1x8x2048xf32> to vector<8x2048xf32>
    %swap3A_3296 = vector.shape_cast %add3A_3290 : vector<8x2048xf32> to vector<1x8x2048xf32>
    tpu.vector_store %arg12[%swap3A_3291, %swap3A_3292, %swap3A_3293], %swap3A_3296 {strides = array<i32>} : memref<1x512x2048xf32, #tpu.memory_space<vmem>>, vector<1x8x2048xf32>,
    %get3A_3297 = arith.constant 0 : index
    %get3A_3298 = arith.constant 368 : index
    %get3A_3299 = arith.constant 0 : index
    %get3A_3300 = vector.load %arg2[%get3A_3297, %get3A_3298, %get3A_3299] : memref<1x512x2048xf32, #tpu.memory_space<vmem>>, vector<1x8x2048xf32>
    %get3A_3301 = vector.shape_cast %get3A_3300 : vector<1x8x2048xf32> to vector<8x2048xf32>
    %get3A_3302 = arith.constant 368 : index
    %get3A_3303 = arith.constant 0 : index
    %get3A_3304 = vector.load %arg13[%get3A_3302, %get3A_3303] : memref<512x2048xf32, #tpu.memory_space<vmem>>, vector<8x2048xf32>
    %add3A_3305 = arith.addf %get3A_3301, %get3A_3304 : vector<8x2048xf32>
    %add3A_3306 = vector.broadcast %add3A_38 : vector<1x2048xf32> to vector<8x2048xf32>
    %add3A_3307 = arith.addf %add3A_3305, %add3A_3306 : vector<8x2048xf32>
    %get3A_3308 = arith.constant 368 : index
    %get3A_3309 = arith.constant 0 : index
    %get3A_3310 = vector.load %arg14[%get3A_3308, %get3A_3309] : memref<512x1xf32, #tpu.memory_space<vmem>>, vector<8x1xf32>
    %get3A_3311 = arith.constant 368 : index
    %get3A_3312 = arith.constant 0 : index
    %get3A_3313 = vector.load %arg15[%get3A_3311, %get3A_3312] : memref<512x1xf32, #tpu.memory_space<vmem>>, vector<8x1xf32>
    %sub3A_3314 = vector.broadcast %get3A_3313 : vector<8x1xf32> to vector<8x2048xf32>
    %sub3A_3315 = arith.subf %add3A_3307, %sub3A_3314 : vector<8x2048xf32>
    %mul3A_3316 = vector.broadcast %get3A_3310 : vector<8x1xf32> to vector<8x2048xf32>
    %mul3A_3317 = arith.mulf %sub3A_3315, %mul3A_3316 : vector<8x2048xf32>
    %get3A_3318 = arith.constant 0 : index
    %get3A_3319 = arith.constant 0 : index
    %get3A_3320 = vector.load %arg8[%get3A_3318, %get3A_3319] : memref<1x2048xf32, #tpu.memory_space<vmem>>, vector<1x2048xf32>
    %mul3A_3321 = vector.broadcast %get3A_3320 : vector<1x2048xf32> to vector<8x2048xf32>
    %mul3A_3322 = arith.mulf %mul3A_3317, %mul3A_3321 : vector<8x2048xf32>
    %get3A_3323 = arith.constant 0 : index
    %get3A_3324 = arith.constant 0 : index
    %get3A_3325 = vector.load %arg9[%get3A_3323, %get3A_3324] : memref<1x2048xf32, #tpu.memory_space<vmem>>, vector<1x2048xf32>
    %add3A_3326 = vector.broadcast %get3A_3325 : vector<1x2048xf32> to vector<8x2048xf32>
    %add3A_3327 = arith.addf %mul3A_3322, %add3A_3326 : vector<8x2048xf32>
    %swap3A_3328 = arith.constant 0 : index
    %swap3A_3329 = arith.constant 368 : index
    %swap3A_3330 = arith.constant 0 : index
    %swap3A_3331 = vector.load %arg12[%swap3A_3328, %swap3A_3329, %swap3A_3330] : memref<1x512x2048xf32, #tpu.memory_space<vmem>>, vector<1x8x2048xf32>
    %swap3A_3332 = vector.shape_cast %swap3A_3331 : vector<1x8x2048xf32> to vector<8x2048xf32>
    %swap3A_3333 = vector.shape_cast %add3A_3327 : vector<8x2048xf32> to vector<1x8x2048xf32>
    tpu.vector_store %arg12[%swap3A_3328, %swap3A_3329, %swap3A_3330], %swap3A_3333 {strides = array<i32>} : memref<1x512x2048xf32, #tpu.memory_space<vmem>>, vector<1x8x2048xf32>,
    %get3A_3334 = arith.constant 0 : index
    %get3A_3335 = arith.constant 376 : index
    %get3A_3336 = arith.constant 0 : index
    %get3A_3337 = vector.load %arg2[%get3A_3334, %get3A_3335, %get3A_3336] : memref<1x512x2048xf32, #tpu.memory_space<vmem>>, vector<1x8x2048xf32>
    %get3A_3338 = vector.shape_cast %get3A_3337 : vector<1x8x2048xf32> to vector<8x2048xf32>
    %get3A_3339 = arith.constant 376 : index
    %get3A_3340 = arith.constant 0 : index
    %get3A_3341 = vector.load %arg13[%get3A_3339, %get3A_3340] : memref<512x2048xf32, #tpu.memory_space<vmem>>, vector<8x2048xf32>
    %add3A_3342 = arith.addf %get3A_3338, %get3A_3341 : vector<8x2048xf32>
    %add3A_3343 = vector.broadcast %add3A_38 : vector<1x2048xf32> to vector<8x2048xf32>
    %add3A_3344 = arith.addf %add3A_3342, %add3A_3343 : vector<8x2048xf32>
    %get3A_3345 = arith.constant 376 : index
    %get3A_3346 = arith.constant 0 : index
    %get3A_3347 = vector.load %arg14[%get3A_3345, %get3A_3346] : memref<512x1xf32, #tpu.memory_space<vmem>>, vector<8x1xf32>
    %get3A_3348 = arith.constant 376 : index
    %get3A_3349 = arith.constant 0 : index
    %get3A_3350 = vector.load %arg15[%get3A_3348, %get3A_3349] : memref<512x1xf32, #tpu.memory_space<vmem>>, vector<8x1xf32>
    %sub3A_3351 = vector.broadcast %get3A_3350 : vector<8x1xf32> to vector<8x2048xf32>
    %sub3A_3352 = arith.subf %add3A_3344, %sub3A_3351 : vector<8x2048xf32>
    %mul3A_3353 = vector.broadcast %get3A_3347 : vector<8x1xf32> to vector<8x2048xf32>
    %mul3A_3354 = arith.mulf %sub3A_3352, %mul3A_3353 : vector<8x2048xf32>
    %get3A_3355 = arith.constant 0 : index
    %get3A_3356 = arith.constant 0 : index
    %get3A_3357 = vector.load %arg8[%get3A_3355, %get3A_3356] : memref<1x2048xf32, #tpu.memory_space<vmem>>, vector<1x2048xf32>
    %mul3A_3358 = vector.broadcast %get3A_3357 : vector<1x2048xf32> to vector<8x2048xf32>
    %mul3A_3359 = arith.mulf %mul3A_3354, %mul3A_3358 : vector<8x2048xf32>
    %get3A_3360 = arith.constant 0 : index
    %get3A_3361 = arith.constant 0 : index
    %get3A_3362 = vector.load %arg9[%get3A_3360, %get3A_3361] : memref<1x2048xf32, #tpu.memory_space<vmem>>, vector<1x2048xf32>
    %add3A_3363 = vector.broadcast %get3A_3362 : vector<1x2048xf32> to vector<8x2048xf32>
    %add3A_3364 = arith.addf %mul3A_3359, %add3A_3363 : vector<8x2048xf32>
    %swap3A_3365 = arith.constant 0 : index
    %swap3A_3366 = arith.constant 376 : index
    %swap3A_3367 = arith.constant 0 : index
    %swap3A_3368 = vector.load %arg12[%swap3A_3365, %swap3A_3366, %swap3A_3367] : memref<1x512x2048xf32, #tpu.memory_space<vmem>>, vector<1x8x2048xf32>
    %swap3A_3369 = vector.shape_cast %swap3A_3368 : vector<1x8x2048xf32> to vector<8x2048xf32>
    %swap3A_3370 = vector.shape_cast %add3A_3364 : vector<8x2048xf32> to vector<1x8x2048xf32>
    tpu.vector_store %arg12[%swap3A_3365, %swap3A_3366, %swap3A_3367], %swap3A_3370 {strides = array<i32>} : memref<1x512x2048xf32, #tpu.memory_space<vmem>>, vector<1x8x2048xf32>,
    %get3A_3371 = arith.constant 0 : index
    %get3A_3372 = arith.constant 384 : index
    %get3A_3373 = arith.constant 0 : index
    %get3A_3374 = vector.load %arg2[%get3A_3371, %get3A_3372, %get3A_3373] : memref<1x512x2048xf32, #tpu.memory_space<vmem>>, vector<1x8x2048xf32>
    %get3A_3375 = vector.shape_cast %get3A_3374 : vector<1x8x2048xf32> to vector<8x2048xf32>
    %get3A_3376 = arith.constant 384 : index
    %get3A_3377 = arith.constant 0 : index
    %get3A_3378 = vector.load %arg13[%get3A_3376, %get3A_3377] : memref<512x2048xf32, #tpu.memory_space<vmem>>, vector<8x2048xf32>
    %add3A_3379 = arith.addf %get3A_3375, %get3A_3378 : vector<8x2048xf32>
    %add3A_3380 = vector.broadcast %add3A_38 : vector<1x2048xf32> to vector<8x2048xf32>
    %add3A_3381 = arith.addf %add3A_3379, %add3A_3380 : vector<8x2048xf32>
    %get3A_3382 = arith.constant 384 : index
    %get3A_3383 = arith.constant 0 : index
    %get3A_3384 = vector.load %arg14[%get3A_3382, %get3A_3383] : memref<512x1xf32, #tpu.memory_space<vmem>>, vector<8x1xf32>
    %get3A_3385 = arith.constant 384 : index
    %get3A_3386 = arith.constant 0 : index
    %get3A_3387 = vector.load %arg15[%get3A_3385, %get3A_3386] : memref<512x1xf32, #tpu.memory_space<vmem>>, vector<8x1xf32>
    %sub3A_3388 = vector.broadcast %get3A_3387 : vector<8x1xf32> to vector<8x2048xf32>
    %sub3A_3389 = arith.subf %add3A_3381, %sub3A_3388 : vector<8x2048xf32>
    %mul3A_3390 = vector.broadcast %get3A_3384 : vector<8x1xf32> to vector<8x2048xf32>
    %mul3A_3391 = arith.mulf %sub3A_3389, %mul3A_3390 : vector<8x2048xf32>
    %get3A_3392 = arith.constant 0 : index
    %get3A_3393 = arith.constant 0 : index
    %get3A_3394 = vector.load %arg8[%get3A_3392, %get3A_3393] : memref<1x2048xf32, #tpu.memory_space<vmem>>, vector<1x2048xf32>
    %mul3A_3395 = vector.broadcast %get3A_3394 : vector<1x2048xf32> to vector<8x2048xf32>
    %mul3A_3396 = arith.mulf %mul3A_3391, %mul3A_3395 : vector<8x2048xf32>
    %get3A_3397 = arith.constant 0 : index
    %get3A_3398 = arith.constant 0 : index
    %get3A_3399 = vector.load %arg9[%get3A_3397, %get3A_3398] : memref<1x2048xf32, #tpu.memory_space<vmem>>, vector<1x2048xf32>
    %add3A_3400 = vector.broadcast %get3A_3399 : vector<1x2048xf32> to vector<8x2048xf32>
    %add3A_3401 = arith.addf %mul3A_3396, %add3A_3400 : vector<8x2048xf32>
    %swap3A_3402 = arith.constant 0 : index
    %swap3A_3403 = arith.constant 384 : index
    %swap3A_3404 = arith.constant 0 : index
    %swap3A_3405 = vector.load %arg12[%swap3A_3402, %swap3A_3403, %swap3A_3404] : memref<1x512x2048xf32, #tpu.memory_space<vmem>>, vector<1x8x2048xf32>
    %swap3A_3406 = vector.shape_cast %swap3A_3405 : vector<1x8x2048xf32> to vector<8x2048xf32>
    %swap3A_3407 = vector.shape_cast %add3A_3401 : vector<8x2048xf32> to vector<1x8x2048xf32>
    tpu.vector_store %arg12[%swap3A_3402, %swap3A_3403, %swap3A_3404], %swap3A_3407 {strides = array<i32>} : memref<1x512x2048xf32, #tpu.memory_space<vmem>>, vector<1x8x2048xf32>,
    %get3A_3408 = arith.constant 0 : index
    %get3A_3409 = arith.constant 392 : index
    %get3A_3410 = arith.constant 0 : index
    %get3A_3411 = vector.load %arg2[%get3A_3408, %get3A_3409, %get3A_3410] : memref<1x512x2048xf32, #tpu.memory_space<vmem>>, vector<1x8x2048xf32>
    %get3A_3412 = vector.shape_cast %get3A_3411 : vector<1x8x2048xf32> to vector<8x2048xf32>
    %get3A_3413 = arith.constant 392 : index
    %get3A_3414 = arith.constant 0 : index
    %get3A_3415 = vector.load %arg13[%get3A_3413, %get3A_3414] : memref<512x2048xf32, #tpu.memory_space<vmem>>, vector<8x2048xf32>
    %add3A_3416 = arith.addf %get3A_3412, %get3A_3415 : vector<8x2048xf32>
    %add3A_3417 = vector.broadcast %add3A_38 : vector<1x2048xf32> to vector<8x2048xf32>
    %add3A_3418 = arith.addf %add3A_3416, %add3A_3417 : vector<8x2048xf32>
    %get3A_3419 = arith.constant 392 : index
    %get3A_3420 = arith.constant 0 : index
    %get3A_3421 = vector.load %arg14[%get3A_3419, %get3A_3420] : memref<512x1xf32, #tpu.memory_space<vmem>>, vector<8x1xf32>
    %get3A_3422 = arith.constant 392 : index
    %get3A_3423 = arith.constant 0 : index
    %get3A_3424 = vector.load %arg15[%get3A_3422, %get3A_3423] : memref<512x1xf32, #tpu.memory_space<vmem>>, vector<8x1xf32>
    %sub3A_3425 = vector.broadcast %get3A_3424 : vector<8x1xf32> to vector<8x2048xf32>
    %sub3A_3426 = arith.subf %add3A_3418, %sub3A_3425 : vector<8x2048xf32>
    %mul3A_3427 = vector.broadcast %get3A_3421 : vector<8x1xf32> to vector<8x2048xf32>
    %mul3A_3428 = arith.mulf %sub3A_3426, %mul3A_3427 : vector<8x2048xf32>
    %get3A_3429 = arith.constant 0 : index
    %get3A_3430 = arith.constant 0 : index
    %get3A_3431 = vector.load %arg8[%get3A_3429, %get3A_3430] : memref<1x2048xf32, #tpu.memory_space<vmem>>, vector<1x2048xf32>
    %mul3A_3432 = vector.broadcast %get3A_3431 : vector<1x2048xf32> to vector<8x2048xf32>
    %mul3A_3433 = arith.mulf %mul3A_3428, %mul3A_3432 : vector<8x2048xf32>
    %get3A_3434 = arith.constant 0 : index
    %get3A_3435 = arith.constant 0 : index
    %get3A_3436 = vector.load %arg9[%get3A_3434, %get3A_3435] : memref<1x2048xf32, #tpu.memory_space<vmem>>, vector<1x2048xf32>
    %add3A_3437 = vector.broadcast %get3A_3436 : vector<1x2048xf32> to vector<8x2048xf32>
    %add3A_3438 = arith.addf %mul3A_3433, %add3A_3437 : vector<8x2048xf32>
    %swap3A_3439 = arith.constant 0 : index
    %swap3A_3440 = arith.constant 392 : index
    %swap3A_3441 = arith.constant 0 : index
    %swap3A_3442 = vector.load %arg12[%swap3A_3439, %swap3A_3440, %swap3A_3441] : memref<1x512x2048xf32, #tpu.memory_space<vmem>>, vector<1x8x2048xf32>
    %swap3A_3443 = vector.shape_cast %swap3A_3442 : vector<1x8x2048xf32> to vector<8x2048xf32>
    %swap3A_3444 = vector.shape_cast %add3A_3438 : vector<8x2048xf32> to vector<1x8x2048xf32>
    tpu.vector_store %arg12[%swap3A_3439, %swap3A_3440, %swap3A_3441], %swap3A_3444 {strides = array<i32>} : memref<1x512x2048xf32, #tpu.memory_space<vmem>>, vector<1x8x2048xf32>,
    %get3A_3445 = arith.constant 0 : index
    %get3A_3446 = arith.constant 400 : index
    %get3A_3447 = arith.constant 0 : index
    %get3A_3448 = vector.load %arg2[%get3A_3445, %get3A_3446, %get3A_3447] : memref<1x512x2048xf32, #tpu.memory_space<vmem>>, vector<1x8x2048xf32>
    %get3A_3449 = vector.shape_cast %get3A_3448 : vector<1x8x2048xf32> to vector<8x2048xf32>
    %get3A_3450 = arith.constant 400 : index
    %get3A_3451 = arith.constant 0 : index
    %get3A_3452 = vector.load %arg13[%get3A_3450, %get3A_3451] : memref<512x2048xf32, #tpu.memory_space<vmem>>, vector<8x2048xf32>
    %add3A_3453 = arith.addf %get3A_3449, %get3A_3452 : vector<8x2048xf32>
    %add3A_3454 = vector.broadcast %add3A_38 : vector<1x2048xf32> to vector<8x2048xf32>
    %add3A_3455 = arith.addf %add3A_3453, %add3A_3454 : vector<8x2048xf32>
    %get3A_3456 = arith.constant 400 : index
    %get3A_3457 = arith.constant 0 : index
    %get3A_3458 = vector.load %arg14[%get3A_3456, %get3A_3457] : memref<512x1xf32, #tpu.memory_space<vmem>>, vector<8x1xf32>
    %get3A_3459 = arith.constant 400 : index
    %get3A_3460 = arith.constant 0 : index
    %get3A_3461 = vector.load %arg15[%get3A_3459, %get3A_3460] : memref<512x1xf32, #tpu.memory_space<vmem>>, vector<8x1xf32>
    %sub3A_3462 = vector.broadcast %get3A_3461 : vector<8x1xf32> to vector<8x2048xf32>
    %sub3A_3463 = arith.subf %add3A_3455, %sub3A_3462 : vector<8x2048xf32>
    %mul3A_3464 = vector.broadcast %get3A_3458 : vector<8x1xf32> to vector<8x2048xf32>
    %mul3A_3465 = arith.mulf %sub3A_3463, %mul3A_3464 : vector<8x2048xf32>
    %get3A_3466 = arith.constant 0 : index
    %get3A_3467 = arith.constant 0 : index
    %get3A_3468 = vector.load %arg8[%get3A_3466, %get3A_3467] : memref<1x2048xf32, #tpu.memory_space<vmem>>, vector<1x2048xf32>
    %mul3A_3469 = vector.broadcast %get3A_3468 : vector<1x2048xf32> to vector<8x2048xf32>
    %mul3A_3470 = arith.mulf %mul3A_3465, %mul3A_3469 : vector<8x2048xf32>
    %get3A_3471 = arith.constant 0 : index
    %get3A_3472 = arith.constant 0 : index
    %get3A_3473 = vector.load %arg9[%get3A_3471, %get3A_3472] : memref<1x2048xf32, #tpu.memory_space<vmem>>, vector<1x2048xf32>
    %add3A_3474 = vector.broadcast %get3A_3473 : vector<1x2048xf32> to vector<8x2048xf32>
    %add3A_3475 = arith.addf %mul3A_3470, %add3A_3474 : vector<8x2048xf32>
    %swap3A_3476 = arith.constant 0 : index
    %swap3A_3477 = arith.constant 400 : index
    %swap3A_3478 = arith.constant 0 : index
    %swap3A_3479 = vector.load %arg12[%swap3A_3476, %swap3A_3477, %swap3A_3478] : memref<1x512x2048xf32, #tpu.memory_space<vmem>>, vector<1x8x2048xf32>
    %swap3A_3480 = vector.shape_cast %swap3A_3479 : vector<1x8x2048xf32> to vector<8x2048xf32>
    %swap3A_3481 = vector.shape_cast %add3A_3475 : vector<8x2048xf32> to vector<1x8x2048xf32>
    tpu.vector_store %arg12[%swap3A_3476, %swap3A_3477, %swap3A_3478], %swap3A_3481 {strides = array<i32>} : memref<1x512x2048xf32, #tpu.memory_space<vmem>>, vector<1x8x2048xf32>,
    %get3A_3482 = arith.constant 0 : index
    %get3A_3483 = arith.constant 408 : index
    %get3A_3484 = arith.constant 0 : index
    %get3A_3485 = vector.load %arg2[%get3A_3482, %get3A_3483, %get3A_3484] : memref<1x512x2048xf32, #tpu.memory_space<vmem>>, vector<1x8x2048xf32>
    %get3A_3486 = vector.shape_cast %get3A_3485 : vector<1x8x2048xf32> to vector<8x2048xf32>
    %get3A_3487 = arith.constant 408 : index
    %get3A_3488 = arith.constant 0 : index
    %get3A_3489 = vector.load %arg13[%get3A_3487, %get3A_3488] : memref<512x2048xf32, #tpu.memory_space<vmem>>, vector<8x2048xf32>
    %add3A_3490 = arith.addf %get3A_3486, %get3A_3489 : vector<8x2048xf32>
    %add3A_3491 = vector.broadcast %add3A_38 : vector<1x2048xf32> to vector<8x2048xf32>
    %add3A_3492 = arith.addf %add3A_3490, %add3A_3491 : vector<8x2048xf32>
    %get3A_3493 = arith.constant 408 : index
    %get3A_3494 = arith.constant 0 : index
    %get3A_3495 = vector.load %arg14[%get3A_3493, %get3A_3494] : memref<512x1xf32, #tpu.memory_space<vmem>>, vector<8x1xf32>
    %get3A_3496 = arith.constant 408 : index
    %get3A_3497 = arith.constant 0 : index
    %get3A_3498 = vector.load %arg15[%get3A_3496, %get3A_3497] : memref<512x1xf32, #tpu.memory_space<vmem>>, vector<8x1xf32>
    %sub3A_3499 = vector.broadcast %get3A_3498 : vector<8x1xf32> to vector<8x2048xf32>
    %sub3A_3500 = arith.subf %add3A_3492, %sub3A_3499 : vector<8x2048xf32>
    %mul3A_3501 = vector.broadcast %get3A_3495 : vector<8x1xf32> to vector<8x2048xf32>
    %mul3A_3502 = arith.mulf %sub3A_3500, %mul3A_3501 : vector<8x2048xf32>
    %get3A_3503 = arith.constant 0 : index
    %get3A_3504 = arith.constant 0 : index
    %get3A_3505 = vector.load %arg8[%get3A_3503, %get3A_3504] : memref<1x2048xf32, #tpu.memory_space<vmem>>, vector<1x2048xf32>
    %mul3A_3506 = vector.broadcast %get3A_3505 : vector<1x2048xf32> to vector<8x2048xf32>
    %mul3A_3507 = arith.mulf %mul3A_3502, %mul3A_3506 : vector<8x2048xf32>
    %get3A_3508 = arith.constant 0 : index
    %get3A_3509 = arith.constant 0 : index
    %get3A_3510 = vector.load %arg9[%get3A_3508, %get3A_3509] : memref<1x2048xf32, #tpu.memory_space<vmem>>, vector<1x2048xf32>
    %add3A_3511 = vector.broadcast %get3A_3510 : vector<1x2048xf32> to vector<8x2048xf32>
    %add3A_3512 = arith.addf %mul3A_3507, %add3A_3511 : vector<8x2048xf32>
    %swap3A_3513 = arith.constant 0 : index
    %swap3A_3514 = arith.constant 408 : index
    %swap3A_3515 = arith.constant 0 : index
    %swap3A_3516 = vector.load %arg12[%swap3A_3513, %swap3A_3514, %swap3A_3515] : memref<1x512x2048xf32, #tpu.memory_space<vmem>>, vector<1x8x2048xf32>
    %swap3A_3517 = vector.shape_cast %swap3A_3516 : vector<1x8x2048xf32> to vector<8x2048xf32>
    %swap3A_3518 = vector.shape_cast %add3A_3512 : vector<8x2048xf32> to vector<1x8x2048xf32>
    tpu.vector_store %arg12[%swap3A_3513, %swap3A_3514, %swap3A_3515], %swap3A_3518 {strides = array<i32>} : memref<1x512x2048xf32, #tpu.memory_space<vmem>>, vector<1x8x2048xf32>,
    %get3A_3519 = arith.constant 0 : index
    %get3A_3520 = arith.constant 416 : index
    %get3A_3521 = arith.constant 0 : index
    %get3A_3522 = vector.load %arg2[%get3A_3519, %get3A_3520, %get3A_3521] : memref<1x512x2048xf32, #tpu.memory_space<vmem>>, vector<1x8x2048xf32>
    %get3A_3523 = vector.shape_cast %get3A_3522 : vector<1x8x2048xf32> to vector<8x2048xf32>
    %get3A_3524 = arith.constant 416 : index
    %get3A_3525 = arith.constant 0 : index
    %get3A_3526 = vector.load %arg13[%get3A_3524, %get3A_3525] : memref<512x2048xf32, #tpu.memory_space<vmem>>, vector<8x2048xf32>
    %add3A_3527 = arith.addf %get3A_3523, %get3A_3526 : vector<8x2048xf32>
    %add3A_3528 = vector.broadcast %add3A_38 : vector<1x2048xf32> to vector<8x2048xf32>
    %add3A_3529 = arith.addf %add3A_3527, %add3A_3528 : vector<8x2048xf32>
    %get3A_3530 = arith.constant 416 : index
    %get3A_3531 = arith.constant 0 : index
    %get3A_3532 = vector.load %arg14[%get3A_3530, %get3A_3531] : memref<512x1xf32, #tpu.memory_space<vmem>>, vector<8x1xf32>
    %get3A_3533 = arith.constant 416 : index
    %get3A_3534 = arith.constant 0 : index
    %get3A_3535 = vector.load %arg15[%get3A_3533, %get3A_3534] : memref<512x1xf32, #tpu.memory_space<vmem>>, vector<8x1xf32>
    %sub3A_3536 = vector.broadcast %get3A_3535 : vector<8x1xf32> to vector<8x2048xf32>
    %sub3A_3537 = arith.subf %add3A_3529, %sub3A_3536 : vector<8x2048xf32>
    %mul3A_3538 = vector.broadcast %get3A_3532 : vector<8x1xf32> to vector<8x2048xf32>
    %mul3A_3539 = arith.mulf %sub3A_3537, %mul3A_3538 : vector<8x2048xf32>
    %get3A_3540 = arith.constant 0 : index
    %get3A_3541 = arith.constant 0 : index
    %get3A_3542 = vector.load %arg8[%get3A_3540, %get3A_3541] : memref<1x2048xf32, #tpu.memory_space<vmem>>, vector<1x2048xf32>
    %mul3A_3543 = vector.broadcast %get3A_3542 : vector<1x2048xf32> to vector<8x2048xf32>
    %mul3A_3544 = arith.mulf %mul3A_3539, %mul3A_3543 : vector<8x2048xf32>
    %get3A_3545 = arith.constant 0 : index
    %get3A_3546 = arith.constant 0 : index
    %get3A_3547 = vector.load %arg9[%get3A_3545, %get3A_3546] : memref<1x2048xf32, #tpu.memory_space<vmem>>, vector<1x2048xf32>
    %add3A_3548 = vector.broadcast %get3A_3547 : vector<1x2048xf32> to vector<8x2048xf32>
    %add3A_3549 = arith.addf %mul3A_3544, %add3A_3548 : vector<8x2048xf32>
    %swap3A_3550 = arith.constant 0 : index
    %swap3A_3551 = arith.constant 416 : index
    %swap3A_3552 = arith.constant 0 : index
    %swap3A_3553 = vector.load %arg12[%swap3A_3550, %swap3A_3551, %swap3A_3552] : memref<1x512x2048xf32, #tpu.memory_space<vmem>>, vector<1x8x2048xf32>
    %swap3A_3554 = vector.shape_cast %swap3A_3553 : vector<1x8x2048xf32> to vector<8x2048xf32>
    %swap3A_3555 = vector.shape_cast %add3A_3549 : vector<8x2048xf32> to vector<1x8x2048xf32>
    tpu.vector_store %arg12[%swap3A_3550, %swap3A_3551, %swap3A_3552], %swap3A_3555 {strides = array<i32>} : memref<1x512x2048xf32, #tpu.memory_space<vmem>>, vector<1x8x2048xf32>,
    %get3A_3556 = arith.constant 0 : index
    %get3A_3557 = arith.constant 424 : index
    %get3A_3558 = arith.constant 0 : index
    %get3A_3559 = vector.load %arg2[%get3A_3556, %get3A_3557, %get3A_3558] : memref<1x512x2048xf32, #tpu.memory_space<vmem>>, vector<1x8x2048xf32>
    %get3A_3560 = vector.shape_cast %get3A_3559 : vector<1x8x2048xf32> to vector<8x2048xf32>
    %get3A_3561 = arith.constant 424 : index
    %get3A_3562 = arith.constant 0 : index
    %get3A_3563 = vector.load %arg13[%get3A_3561, %get3A_3562] : memref<512x2048xf32, #tpu.memory_space<vmem>>, vector<8x2048xf32>
    %add3A_3564 = arith.addf %get3A_3560, %get3A_3563 : vector<8x2048xf32>
    %add3A_3565 = vector.broadcast %add3A_38 : vector<1x2048xf32> to vector<8x2048xf32>
    %add3A_3566 = arith.addf %add3A_3564, %add3A_3565 : vector<8x2048xf32>
    %get3A_3567 = arith.constant 424 : index
    %get3A_3568 = arith.constant 0 : index
    %get3A_3569 = vector.load %arg14[%get3A_3567, %get3A_3568] : memref<512x1xf32, #tpu.memory_space<vmem>>, vector<8x1xf32>
    %get3A_3570 = arith.constant 424 : index
    %get3A_3571 = arith.constant 0 : index
    %get3A_3572 = vector.load %arg15[%get3A_3570, %get3A_3571] : memref<512x1xf32, #tpu.memory_space<vmem>>, vector<8x1xf32>
    %sub3A_3573 = vector.broadcast %get3A_3572 : vector<8x1xf32> to vector<8x2048xf32>
    %sub3A_3574 = arith.subf %add3A_3566, %sub3A_3573 : vector<8x2048xf32>
    %mul3A_3575 = vector.broadcast %get3A_3569 : vector<8x1xf32> to vector<8x2048xf32>
    %mul3A_3576 = arith.mulf %sub3A_3574, %mul3A_3575 : vector<8x2048xf32>
    %get3A_3577 = arith.constant 0 : index
    %get3A_3578 = arith.constant 0 : index
    %get3A_3579 = vector.load %arg8[%get3A_3577, %get3A_3578] : memref<1x2048xf32, #tpu.memory_space<vmem>>, vector<1x2048xf32>
    %mul3A_3580 = vector.broadcast %get3A_3579 : vector<1x2048xf32> to vector<8x2048xf32>
    %mul3A_3581 = arith.mulf %mul3A_3576, %mul3A_3580 : vector<8x2048xf32>
    %get3A_3582 = arith.constant 0 : index
    %get3A_3583 = arith.constant 0 : index
    %get3A_3584 = vector.load %arg9[%get3A_3582, %get3A_3583] : memref<1x2048xf32, #tpu.memory_space<vmem>>, vector<1x2048xf32>
    %add3A_3585 = vector.broadcast %get3A_3584 : vector<1x2048xf32> to vector<8x2048xf32>
    %add3A_3586 = arith.addf %mul3A_3581, %add3A_3585 : vector<8x2048xf32>
    %swap3A_3587 = arith.constant 0 : index
    %swap3A_3588 = arith.constant 424 : index
    %swap3A_3589 = arith.constant 0 : index
    %swap3A_3590 = vector.load %arg12[%swap3A_3587, %swap3A_3588, %swap3A_3589] : memref<1x512x2048xf32, #tpu.memory_space<vmem>>, vector<1x8x2048xf32>
    %swap3A_3591 = vector.shape_cast %swap3A_3590 : vector<1x8x2048xf32> to vector<8x2048xf32>
    %swap3A_3592 = vector.shape_cast %add3A_3586 : vector<8x2048xf32> to vector<1x8x2048xf32>
    tpu.vector_store %arg12[%swap3A_3587, %swap3A_3588, %swap3A_3589], %swap3A_3592 {strides = array<i32>} : memref<1x512x2048xf32, #tpu.memory_space<vmem>>, vector<1x8x2048xf32>,
    %get3A_3593 = arith.constant 0 : index
    %get3A_3594 = arith.constant 432 : index
    %get3A_3595 = arith.constant 0 : index
    %get3A_3596 = vector.load %arg2[%get3A_3593, %get3A_3594, %get3A_3595] : memref<1x512x2048xf32, #tpu.memory_space<vmem>>, vector<1x8x2048xf32>
    %get3A_3597 = vector.shape_cast %get3A_3596 : vector<1x8x2048xf32> to vector<8x2048xf32>
    %get3A_3598 = arith.constant 432 : index
    %get3A_3599 = arith.constant 0 : index
    %get3A_3600 = vector.load %arg13[%get3A_3598, %get3A_3599] : memref<512x2048xf32, #tpu.memory_space<vmem>>, vector<8x2048xf32>
    %add3A_3601 = arith.addf %get3A_3597, %get3A_3600 : vector<8x2048xf32>
    %add3A_3602 = vector.broadcast %add3A_38 : vector<1x2048xf32> to vector<8x2048xf32>
    %add3A_3603 = arith.addf %add3A_3601, %add3A_3602 : vector<8x2048xf32>
    %get3A_3604 = arith.constant 432 : index
    %get3A_3605 = arith.constant 0 : index
    %get3A_3606 = vector.load %arg14[%get3A_3604, %get3A_3605] : memref<512x1xf32, #tpu.memory_space<vmem>>, vector<8x1xf32>
    %get3A_3607 = arith.constant 432 : index
    %get3A_3608 = arith.constant 0 : index
    %get3A_3609 = vector.load %arg15[%get3A_3607, %get3A_3608] : memref<512x1xf32, #tpu.memory_space<vmem>>, vector<8x1xf32>
    %sub3A_3610 = vector.broadcast %get3A_3609 : vector<8x1xf32> to vector<8x2048xf32>
    %sub3A_3611 = arith.subf %add3A_3603, %sub3A_3610 : vector<8x2048xf32>
    %mul3A_3612 = vector.broadcast %get3A_3606 : vector<8x1xf32> to vector<8x2048xf32>
    %mul3A_3613 = arith.mulf %sub3A_3611, %mul3A_3612 : vector<8x2048xf32>
    %get3A_3614 = arith.constant 0 : index
    %get3A_3615 = arith.constant 0 : index
    %get3A_3616 = vector.load %arg8[%get3A_3614, %get3A_3615] : memref<1x2048xf32, #tpu.memory_space<vmem>>, vector<1x2048xf32>
    %mul3A_3617 = vector.broadcast %get3A_3616 : vector<1x2048xf32> to vector<8x2048xf32>
    %mul3A_3618 = arith.mulf %mul3A_3613, %mul3A_3617 : vector<8x2048xf32>
    %get3A_3619 = arith.constant 0 : index
    %get3A_3620 = arith.constant 0 : index
    %get3A_3621 = vector.load %arg9[%get3A_3619, %get3A_3620] : memref<1x2048xf32, #tpu.memory_space<vmem>>, vector<1x2048xf32>
    %add3A_3622 = vector.broadcast %get3A_3621 : vector<1x2048xf32> to vector<8x2048xf32>
    %add3A_3623 = arith.addf %mul3A_3618, %add3A_3622 : vector<8x2048xf32>
    %swap3A_3624 = arith.constant 0 : index
    %swap3A_3625 = arith.constant 432 : index
    %swap3A_3626 = arith.constant 0 : index
    %swap3A_3627 = vector.load %arg12[%swap3A_3624, %swap3A_3625, %swap3A_3626] : memref<1x512x2048xf32, #tpu.memory_space<vmem>>, vector<1x8x2048xf32>
    %swap3A_3628 = vector.shape_cast %swap3A_3627 : vector<1x8x2048xf32> to vector<8x2048xf32>
    %swap3A_3629 = vector.shape_cast %add3A_3623 : vector<8x2048xf32> to vector<1x8x2048xf32>
    tpu.vector_store %arg12[%swap3A_3624, %swap3A_3625, %swap3A_3626], %swap3A_3629 {strides = array<i32>} : memref<1x512x2048xf32, #tpu.memory_space<vmem>>, vector<1x8x2048xf32>,
    %get3A_3630 = arith.constant 0 : index
    %get3A_3631 = arith.constant 440 : index
    %get3A_3632 = arith.constant 0 : index
    %get3A_3633 = vector.load %arg2[%get3A_3630, %get3A_3631, %get3A_3632] : memref<1x512x2048xf32, #tpu.memory_space<vmem>>, vector<1x8x2048xf32>
    %get3A_3634 = vector.shape_cast %get3A_3633 : vector<1x8x2048xf32> to vector<8x2048xf32>
    %get3A_3635 = arith.constant 440 : index
    %get3A_3636 = arith.constant 0 : index
    %get3A_3637 = vector.load %arg13[%get3A_3635, %get3A_3636] : memref<512x2048xf32, #tpu.memory_space<vmem>>, vector<8x2048xf32>
    %add3A_3638 = arith.addf %get3A_3634, %get3A_3637 : vector<8x2048xf32>
    %add3A_3639 = vector.broadcast %add3A_38 : vector<1x2048xf32> to vector<8x2048xf32>
    %add3A_3640 = arith.addf %add3A_3638, %add3A_3639 : vector<8x2048xf32>
    %get3A_3641 = arith.constant 440 : index
    %get3A_3642 = arith.constant 0 : index
    %get3A_3643 = vector.load %arg14[%get3A_3641, %get3A_3642] : memref<512x1xf32, #tpu.memory_space<vmem>>, vector<8x1xf32>
    %get3A_3644 = arith.constant 440 : index
    %get3A_3645 = arith.constant 0 : index
    %get3A_3646 = vector.load %arg15[%get3A_3644, %get3A_3645] : memref<512x1xf32, #tpu.memory_space<vmem>>, vector<8x1xf32>
    %sub3A_3647 = vector.broadcast %get3A_3646 : vector<8x1xf32> to vector<8x2048xf32>
    %sub3A_3648 = arith.subf %add3A_3640, %sub3A_3647 : vector<8x2048xf32>
    %mul3A_3649 = vector.broadcast %get3A_3643 : vector<8x1xf32> to vector<8x2048xf32>
    %mul3A_3650 = arith.mulf %sub3A_3648, %mul3A_3649 : vector<8x2048xf32>
    %get3A_3651 = arith.constant 0 : index
    %get3A_3652 = arith.constant 0 : index
    %get3A_3653 = vector.load %arg8[%get3A_3651, %get3A_3652] : memref<1x2048xf32, #tpu.memory_space<vmem>>, vector<1x2048xf32>
    %mul3A_3654 = vector.broadcast %get3A_3653 : vector<1x2048xf32> to vector<8x2048xf32>
    %mul3A_3655 = arith.mulf %mul3A_3650, %mul3A_3654 : vector<8x2048xf32>
    %get3A_3656 = arith.constant 0 : index
    %get3A_3657 = arith.constant 0 : index
    %get3A_3658 = vector.load %arg9[%get3A_3656, %get3A_3657] : memref<1x2048xf32, #tpu.memory_space<vmem>>, vector<1x2048xf32>
    %add3A_3659 = vector.broadcast %get3A_3658 : vector<1x2048xf32> to vector<8x2048xf32>
    %add3A_3660 = arith.addf %mul3A_3655, %add3A_3659 : vector<8x2048xf32>
    %swap3A_3661 = arith.constant 0 : index
    %swap3A_3662 = arith.constant 440 : index
    %swap3A_3663 = arith.constant 0 : index
    %swap3A_3664 = vector.load %arg12[%swap3A_3661, %swap3A_3662, %swap3A_3663] : memref<1x512x2048xf32, #tpu.memory_space<vmem>>, vector<1x8x2048xf32>
    %swap3A_3665 = vector.shape_cast %swap3A_3664 : vector<1x8x2048xf32> to vector<8x2048xf32>
    %swap3A_3666 = vector.shape_cast %add3A_3660 : vector<8x2048xf32> to vector<1x8x2048xf32>
    tpu.vector_store %arg12[%swap3A_3661, %swap3A_3662, %swap3A_3663], %swap3A_3666 {strides = array<i32>} : memref<1x512x2048xf32, #tpu.memory_space<vmem>>, vector<1x8x2048xf32>,
    %get3A_3667 = arith.constant 0 : index
    %get3A_3668 = arith.constant 448 : index
    %get3A_3669 = arith.constant 0 : index
    %get3A_3670 = vector.load %arg2[%get3A_3667, %get3A_3668, %get3A_3669] : memref<1x512x2048xf32, #tpu.memory_space<vmem>>, vector<1x8x2048xf32>
    %get3A_3671 = vector.shape_cast %get3A_3670 : vector<1x8x2048xf32> to vector<8x2048xf32>
    %get3A_3672 = arith.constant 448 : index
    %get3A_3673 = arith.constant 0 : index
    %get3A_3674 = vector.load %arg13[%get3A_3672, %get3A_3673] : memref<512x2048xf32, #tpu.memory_space<vmem>>, vector<8x2048xf32>
    %add3A_3675 = arith.addf %get3A_3671, %get3A_3674 : vector<8x2048xf32>
    %add3A_3676 = vector.broadcast %add3A_38 : vector<1x2048xf32> to vector<8x2048xf32>
    %add3A_3677 = arith.addf %add3A_3675, %add3A_3676 : vector<8x2048xf32>
    %get3A_3678 = arith.constant 448 : index
    %get3A_3679 = arith.constant 0 : index
    %get3A_3680 = vector.load %arg14[%get3A_3678, %get3A_3679] : memref<512x1xf32, #tpu.memory_space<vmem>>, vector<8x1xf32>
    %get3A_3681 = arith.constant 448 : index
    %get3A_3682 = arith.constant 0 : index
    %get3A_3683 = vector.load %arg15[%get3A_3681, %get3A_3682] : memref<512x1xf32, #tpu.memory_space<vmem>>, vector<8x1xf32>
    %sub3A_3684 = vector.broadcast %get3A_3683 : vector<8x1xf32> to vector<8x2048xf32>
    %sub3A_3685 = arith.subf %add3A_3677, %sub3A_3684 : vector<8x2048xf32>
    %mul3A_3686 = vector.broadcast %get3A_3680 : vector<8x1xf32> to vector<8x2048xf32>
    %mul3A_3687 = arith.mulf %sub3A_3685, %mul3A_3686 : vector<8x2048xf32>
    %get3A_3688 = arith.constant 0 : index
    %get3A_3689 = arith.constant 0 : index
    %get3A_3690 = vector.load %arg8[%get3A_3688, %get3A_3689] : memref<1x2048xf32, #tpu.memory_space<vmem>>, vector<1x2048xf32>
    %mul3A_3691 = vector.broadcast %get3A_3690 : vector<1x2048xf32> to vector<8x2048xf32>
    %mul3A_3692 = arith.mulf %mul3A_3687, %mul3A_3691 : vector<8x2048xf32>
    %get3A_3693 = arith.constant 0 : index
    %get3A_3694 = arith.constant 0 : index
    %get3A_3695 = vector.load %arg9[%get3A_3693, %get3A_3694] : memref<1x2048xf32, #tpu.memory_space<vmem>>, vector<1x2048xf32>
    %add3A_3696 = vector.broadcast %get3A_3695 : vector<1x2048xf32> to vector<8x2048xf32>
    %add3A_3697 = arith.addf %mul3A_3692, %add3A_3696 : vector<8x2048xf32>
    %swap3A_3698 = arith.constant 0 : index
    %swap3A_3699 = arith.constant 448 : index
    %swap3A_3700 = arith.constant 0 : index
    %swap3A_3701 = vector.load %arg12[%swap3A_3698, %swap3A_3699, %swap3A_3700] : memref<1x512x2048xf32, #tpu.memory_space<vmem>>, vector<1x8x2048xf32>
    %swap3A_3702 = vector.shape_cast %swap3A_3701 : vector<1x8x2048xf32> to vector<8x2048xf32>
    %swap3A_3703 = vector.shape_cast %add3A_3697 : vector<8x2048xf32> to vector<1x8x2048xf32>
    tpu.vector_store %arg12[%swap3A_3698, %swap3A_3699, %swap3A_3700], %swap3A_3703 {strides = array<i32>} : memref<1x512x2048xf32, #tpu.memory_space<vmem>>, vector<1x8x2048xf32>,
    %get3A_3704 = arith.constant 0 : index
    %get3A_3705 = arith.constant 456 : index
    %get3A_3706 = arith.constant 0 : index
    %get3A_3707 = vector.load %arg2[%get3A_3704, %get3A_3705, %get3A_3706] : memref<1x512x2048xf32, #tpu.memory_space<vmem>>, vector<1x8x2048xf32>
    %get3A_3708 = vector.shape_cast %get3A_3707 : vector<1x8x2048xf32> to vector<8x2048xf32>
    %get3A_3709 = arith.constant 456 : index
    %get3A_3710 = arith.constant 0 : index
    %get3A_3711 = vector.load %arg13[%get3A_3709, %get3A_3710] : memref<512x2048xf32, #tpu.memory_space<vmem>>, vector<8x2048xf32>
    %add3A_3712 = arith.addf %get3A_3708, %get3A_3711 : vector<8x2048xf32>
    %add3A_3713 = vector.broadcast %add3A_38 : vector<1x2048xf32> to vector<8x2048xf32>
    %add3A_3714 = arith.addf %add3A_3712, %add3A_3713 : vector<8x2048xf32>
    %get3A_3715 = arith.constant 456 : index
    %get3A_3716 = arith.constant 0 : index
    %get3A_3717 = vector.load %arg14[%get3A_3715, %get3A_3716] : memref<512x1xf32, #tpu.memory_space<vmem>>, vector<8x1xf32>
    %get3A_3718 = arith.constant 456 : index
    %get3A_3719 = arith.constant 0 : index
    %get3A_3720 = vector.load %arg15[%get3A_3718, %get3A_3719] : memref<512x1xf32, #tpu.memory_space<vmem>>, vector<8x1xf32>
    %sub3A_3721 = vector.broadcast %get3A_3720 : vector<8x1xf32> to vector<8x2048xf32>
    %sub3A_3722 = arith.subf %add3A_3714, %sub3A_3721 : vector<8x2048xf32>
    %mul3A_3723 = vector.broadcast %get3A_3717 : vector<8x1xf32> to vector<8x2048xf32>
    %mul3A_3724 = arith.mulf %sub3A_3722, %mul3A_3723 : vector<8x2048xf32>
    %get3A_3725 = arith.constant 0 : index
    %get3A_3726 = arith.constant 0 : index
    %get3A_3727 = vector.load %arg8[%get3A_3725, %get3A_3726] : memref<1x2048xf32, #tpu.memory_space<vmem>>, vector<1x2048xf32>
    %mul3A_3728 = vector.broadcast %get3A_3727 : vector<1x2048xf32> to vector<8x2048xf32>
    %mul3A_3729 = arith.mulf %mul3A_3724, %mul3A_3728 : vector<8x2048xf32>
    %get3A_3730 = arith.constant 0 : index
    %get3A_3731 = arith.constant 0 : index
    %get3A_3732 = vector.load %arg9[%get3A_3730, %get3A_3731] : memref<1x2048xf32, #tpu.memory_space<vmem>>, vector<1x2048xf32>
    %add3A_3733 = vector.broadcast %get3A_3732 : vector<1x2048xf32> to vector<8x2048xf32>
    %add3A_3734 = arith.addf %mul3A_3729, %add3A_3733 : vector<8x2048xf32>
    %swap3A_3735 = arith.constant 0 : index
    %swap3A_3736 = arith.constant 456 : index
    %swap3A_3737 = arith.constant 0 : index
    %swap3A_3738 = vector.load %arg12[%swap3A_3735, %swap3A_3736, %swap3A_3737] : memref<1x512x2048xf32, #tpu.memory_space<vmem>>, vector<1x8x2048xf32>
    %swap3A_3739 = vector.shape_cast %swap3A_3738 : vector<1x8x2048xf32> to vector<8x2048xf32>
    %swap3A_3740 = vector.shape_cast %add3A_3734 : vector<8x2048xf32> to vector<1x8x2048xf32>
    tpu.vector_store %arg12[%swap3A_3735, %swap3A_3736, %swap3A_3737], %swap3A_3740 {strides = array<i32>} : memref<1x512x2048xf32, #tpu.memory_space<vmem>>, vector<1x8x2048xf32>,
    %get3A_3741 = arith.constant 0 : index
    %get3A_3742 = arith.constant 464 : index
    %get3A_3743 = arith.constant 0 : index
    %get3A_3744 = vector.load %arg2[%get3A_3741, %get3A_3742, %get3A_3743] : memref<1x512x2048xf32, #tpu.memory_space<vmem>>, vector<1x8x2048xf32>
    %get3A_3745 = vector.shape_cast %get3A_3744 : vector<1x8x2048xf32> to vector<8x2048xf32>
    %get3A_3746 = arith.constant 464 : index
    %get3A_3747 = arith.constant 0 : index
    %get3A_3748 = vector.load %arg13[%get3A_3746, %get3A_3747] : memref<512x2048xf32, #tpu.memory_space<vmem>>, vector<8x2048xf32>
    %add3A_3749 = arith.addf %get3A_3745, %get3A_3748 : vector<8x2048xf32>
    %add3A_3750 = vector.broadcast %add3A_38 : vector<1x2048xf32> to vector<8x2048xf32>
    %add3A_3751 = arith.addf %add3A_3749, %add3A_3750 : vector<8x2048xf32>
    %get3A_3752 = arith.constant 464 : index
    %get3A_3753 = arith.constant 0 : index
    %get3A_3754 = vector.load %arg14[%get3A_3752, %get3A_3753] : memref<512x1xf32, #tpu.memory_space<vmem>>, vector<8x1xf32>
    %get3A_3755 = arith.constant 464 : index
    %get3A_3756 = arith.constant 0 : index
    %get3A_3757 = vector.load %arg15[%get3A_3755, %get3A_3756] : memref<512x1xf32, #tpu.memory_space<vmem>>, vector<8x1xf32>
    %sub3A_3758 = vector.broadcast %get3A_3757 : vector<8x1xf32> to vector<8x2048xf32>
    %sub3A_3759 = arith.subf %add3A_3751, %sub3A_3758 : vector<8x2048xf32>
    %mul3A_3760 = vector.broadcast %get3A_3754 : vector<8x1xf32> to vector<8x2048xf32>
    %mul3A_3761 = arith.mulf %sub3A_3759, %mul3A_3760 : vector<8x2048xf32>
    %get3A_3762 = arith.constant 0 : index
    %get3A_3763 = arith.constant 0 : index
    %get3A_3764 = vector.load %arg8[%get3A_3762, %get3A_3763] : memref<1x2048xf32, #tpu.memory_space<vmem>>, vector<1x2048xf32>
    %mul3A_3765 = vector.broadcast %get3A_3764 : vector<1x2048xf32> to vector<8x2048xf32>
    %mul3A_3766 = arith.mulf %mul3A_3761, %mul3A_3765 : vector<8x2048xf32>
    %get3A_3767 = arith.constant 0 : index
    %get3A_3768 = arith.constant 0 : index
    %get3A_3769 = vector.load %arg9[%get3A_3767, %get3A_3768] : memref<1x2048xf32, #tpu.memory_space<vmem>>, vector<1x2048xf32>
    %add3A_3770 = vector.broadcast %get3A_3769 : vector<1x2048xf32> to vector<8x2048xf32>
    %add3A_3771 = arith.addf %mul3A_3766, %add3A_3770 : vector<8x2048xf32>
    %swap3A_3772 = arith.constant 0 : index
    %swap3A_3773 = arith.constant 464 : index
    %swap3A_3774 = arith.constant 0 : index
    %swap3A_3775 = vector.load %arg12[%swap3A_3772, %swap3A_3773, %swap3A_3774] : memref<1x512x2048xf32, #tpu.memory_space<vmem>>, vector<1x8x2048xf32>
    %swap3A_3776 = vector.shape_cast %swap3A_3775 : vector<1x8x2048xf32> to vector<8x2048xf32>
    %swap3A_3777 = vector.shape_cast %add3A_3771 : vector<8x2048xf32> to vector<1x8x2048xf32>
    tpu.vector_store %arg12[%swap3A_3772, %swap3A_3773, %swap3A_3774], %swap3A_3777 {strides = array<i32>} : memref<1x512x2048xf32, #tpu.memory_space<vmem>>, vector<1x8x2048xf32>,
    %get3A_3778 = arith.constant 0 : index
    %get3A_3779 = arith.constant 472 : index
    %get3A_3780 = arith.constant 0 : index
    %get3A_3781 = vector.load %arg2[%get3A_3778, %get3A_3779, %get3A_3780] : memref<1x512x2048xf32, #tpu.memory_space<vmem>>, vector<1x8x2048xf32>
    %get3A_3782 = vector.shape_cast %get3A_3781 : vector<1x8x2048xf32> to vector<8x2048xf32>
    %get3A_3783 = arith.constant 472 : index
    %get3A_3784 = arith.constant 0 : index
    %get3A_3785 = vector.load %arg13[%get3A_3783, %get3A_3784] : memref<512x2048xf32, #tpu.memory_space<vmem>>, vector<8x2048xf32>
    %add3A_3786 = arith.addf %get3A_3782, %get3A_3785 : vector<8x2048xf32>
    %add3A_3787 = vector.broadcast %add3A_38 : vector<1x2048xf32> to vector<8x2048xf32>
    %add3A_3788 = arith.addf %add3A_3786, %add3A_3787 : vector<8x2048xf32>
    %get3A_3789 = arith.constant 472 : index
    %get3A_3790 = arith.constant 0 : index
    %get3A_3791 = vector.load %arg14[%get3A_3789, %get3A_3790] : memref<512x1xf32, #tpu.memory_space<vmem>>, vector<8x1xf32>
    %get3A_3792 = arith.constant 472 : index
    %get3A_3793 = arith.constant 0 : index
    %get3A_3794 = vector.load %arg15[%get3A_3792, %get3A_3793] : memref<512x1xf32, #tpu.memory_space<vmem>>, vector<8x1xf32>
    %sub3A_3795 = vector.broadcast %get3A_3794 : vector<8x1xf32> to vector<8x2048xf32>
    %sub3A_3796 = arith.subf %add3A_3788, %sub3A_3795 : vector<8x2048xf32>
    %mul3A_3797 = vector.broadcast %get3A_3791 : vector<8x1xf32> to vector<8x2048xf32>
    %mul3A_3798 = arith.mulf %sub3A_3796, %mul3A_3797 : vector<8x2048xf32>
    %get3A_3799 = arith.constant 0 : index
    %get3A_3800 = arith.constant 0 : index
    %get3A_3801 = vector.load %arg8[%get3A_3799, %get3A_3800] : memref<1x2048xf32, #tpu.memory_space<vmem>>, vector<1x2048xf32>
    %mul3A_3802 = vector.broadcast %get3A_3801 : vector<1x2048xf32> to vector<8x2048xf32>
    %mul3A_3803 = arith.mulf %mul3A_3798, %mul3A_3802 : vector<8x2048xf32>
    %get3A_3804 = arith.constant 0 : index
    %get3A_3805 = arith.constant 0 : index
    %get3A_3806 = vector.load %arg9[%get3A_3804, %get3A_3805] : memref<1x2048xf32, #tpu.memory_space<vmem>>, vector<1x2048xf32>
    %add3A_3807 = vector.broadcast %get3A_3806 : vector<1x2048xf32> to vector<8x2048xf32>
    %add3A_3808 = arith.addf %mul3A_3803, %add3A_3807 : vector<8x2048xf32>
    %swap3A_3809 = arith.constant 0 : index
    %swap3A_3810 = arith.constant 472 : index
    %swap3A_3811 = arith.constant 0 : index
    %swap3A_3812 = vector.load %arg12[%swap3A_3809, %swap3A_3810, %swap3A_3811] : memref<1x512x2048xf32, #tpu.memory_space<vmem>>, vector<1x8x2048xf32>
    %swap3A_3813 = vector.shape_cast %swap3A_3812 : vector<1x8x2048xf32> to vector<8x2048xf32>
    %swap3A_3814 = vector.shape_cast %add3A_3808 : vector<8x2048xf32> to vector<1x8x2048xf32>
    tpu.vector_store %arg12[%swap3A_3809, %swap3A_3810, %swap3A_3811], %swap3A_3814 {strides = array<i32>} : memref<1x512x2048xf32, #tpu.memory_space<vmem>>, vector<1x8x2048xf32>,
    %get3A_3815 = arith.constant 0 : index
    %get3A_3816 = arith.constant 480 : index
    %get3A_3817 = arith.constant 0 : index
    %get3A_3818 = vector.load %arg2[%get3A_3815, %get3A_3816, %get3A_3817] : memref<1x512x2048xf32, #tpu.memory_space<vmem>>, vector<1x8x2048xf32>
    %get3A_3819 = vector.shape_cast %get3A_3818 : vector<1x8x2048xf32> to vector<8x2048xf32>
    %get3A_3820 = arith.constant 480 : index
    %get3A_3821 = arith.constant 0 : index
    %get3A_3822 = vector.load %arg13[%get3A_3820, %get3A_3821] : memref<512x2048xf32, #tpu.memory_space<vmem>>, vector<8x2048xf32>
    %add3A_3823 = arith.addf %get3A_3819, %get3A_3822 : vector<8x2048xf32>
    %add3A_3824 = vector.broadcast %add3A_38 : vector<1x2048xf32> to vector<8x2048xf32>
    %add3A_3825 = arith.addf %add3A_3823, %add3A_3824 : vector<8x2048xf32>
    %get3A_3826 = arith.constant 480 : index
    %get3A_3827 = arith.constant 0 : index
    %get3A_3828 = vector.load %arg14[%get3A_3826, %get3A_3827] : memref<512x1xf32, #tpu.memory_space<vmem>>, vector<8x1xf32>
    %get3A_3829 = arith.constant 480 : index
    %get3A_3830 = arith.constant 0 : index
    %get3A_3831 = vector.load %arg15[%get3A_3829, %get3A_3830] : memref<512x1xf32, #tpu.memory_space<vmem>>, vector<8x1xf32>
    %sub3A_3832 = vector.broadcast %get3A_3831 : vector<8x1xf32> to vector<8x2048xf32>
    %sub3A_3833 = arith.subf %add3A_3825, %sub3A_3832 : vector<8x2048xf32>
    %mul3A_3834 = vector.broadcast %get3A_3828 : vector<8x1xf32> to vector<8x2048xf32>
    %mul3A_3835 = arith.mulf %sub3A_3833, %mul3A_3834 : vector<8x2048xf32>
    %get3A_3836 = arith.constant 0 : index
    %get3A_3837 = arith.constant 0 : index
    %get3A_3838 = vector.load %arg8[%get3A_3836, %get3A_3837] : memref<1x2048xf32, #tpu.memory_space<vmem>>, vector<1x2048xf32>
    %mul3A_3839 = vector.broadcast %get3A_3838 : vector<1x2048xf32> to vector<8x2048xf32>
    %mul3A_3840 = arith.mulf %mul3A_3835, %mul3A_3839 : vector<8x2048xf32>
    %get3A_3841 = arith.constant 0 : index
    %get3A_3842 = arith.constant 0 : index
    %get3A_3843 = vector.load %arg9[%get3A_3841, %get3A_3842] : memref<1x2048xf32, #tpu.memory_space<vmem>>, vector<1x2048xf32>
    %add3A_3844 = vector.broadcast %get3A_3843 : vector<1x2048xf32> to vector<8x2048xf32>
    %add3A_3845 = arith.addf %mul3A_3840, %add3A_3844 : vector<8x2048xf32>
    %swap3A_3846 = arith.constant 0 : index
    %swap3A_3847 = arith.constant 480 : index
    %swap3A_3848 = arith.constant 0 : index
    %swap3A_3849 = vector.load %arg12[%swap3A_3846, %swap3A_3847, %swap3A_3848] : memref<1x512x2048xf32, #tpu.memory_space<vmem>>, vector<1x8x2048xf32>
    %swap3A_3850 = vector.shape_cast %swap3A_3849 : vector<1x8x2048xf32> to vector<8x2048xf32>
    %swap3A_3851 = vector.shape_cast %add3A_3845 : vector<8x2048xf32> to vector<1x8x2048xf32>
    tpu.vector_store %arg12[%swap3A_3846, %swap3A_3847, %swap3A_3848], %swap3A_3851 {strides = array<i32>} : memref<1x512x2048xf32, #tpu.memory_space<vmem>>, vector<1x8x2048xf32>,
    %get3A_3852 = arith.constant 0 : index
    %get3A_3853 = arith.constant 488 : index
    %get3A_3854 = arith.constant 0 : index
    %get3A_3855 = vector.load %arg2[%get3A_3852, %get3A_3853, %get3A_3854] : memref<1x512x2048xf32, #tpu.memory_space<vmem>>, vector<1x8x2048xf32>
    %get3A_3856 = vector.shape_cast %get3A_3855 : vector<1x8x2048xf32> to vector<8x2048xf32>
    %get3A_3857 = arith.constant 488 : index
    %get3A_3858 = arith.constant 0 : index
    %get3A_3859 = vector.load %arg13[%get3A_3857, %get3A_3858] : memref<512x2048xf32, #tpu.memory_space<vmem>>, vector<8x2048xf32>
    %add3A_3860 = arith.addf %get3A_3856, %get3A_3859 : vector<8x2048xf32>
    %add3A_3861 = vector.broadcast %add3A_38 : vector<1x2048xf32> to vector<8x2048xf32>
    %add3A_3862 = arith.addf %add3A_3860, %add3A_3861 : vector<8x2048xf32>
    %get3A_3863 = arith.constant 488 : index
    %get3A_3864 = arith.constant 0 : index
    %get3A_3865 = vector.load %arg14[%get3A_3863, %get3A_3864] : memref<512x1xf32, #tpu.memory_space<vmem>>, vector<8x1xf32>
    %get3A_3866 = arith.constant 488 : index
    %get3A_3867 = arith.constant 0 : index
    %get3A_3868 = vector.load %arg15[%get3A_3866, %get3A_3867] : memref<512x1xf32, #tpu.memory_space<vmem>>, vector<8x1xf32>
    %sub3A_3869 = vector.broadcast %get3A_3868 : vector<8x1xf32> to vector<8x2048xf32>
    %sub3A_3870 = arith.subf %add3A_3862, %sub3A_3869 : vector<8x2048xf32>
    %mul3A_3871 = vector.broadcast %get3A_3865 : vector<8x1xf32> to vector<8x2048xf32>
    %mul3A_3872 = arith.mulf %sub3A_3870, %mul3A_3871 : vector<8x2048xf32>
    %get3A_3873 = arith.constant 0 : index
    %get3A_3874 = arith.constant 0 : index
    %get3A_3875 = vector.load %arg8[%get3A_3873, %get3A_3874] : memref<1x2048xf32, #tpu.memory_space<vmem>>, vector<1x2048xf32>
    %mul3A_3876 = vector.broadcast %get3A_3875 : vector<1x2048xf32> to vector<8x2048xf32>
    %mul3A_3877 = arith.mulf %mul3A_3872, %mul3A_3876 : vector<8x2048xf32>
    %get3A_3878 = arith.constant 0 : index
    %get3A_3879 = arith.constant 0 : index
    %get3A_3880 = vector.load %arg9[%get3A_3878, %get3A_3879] : memref<1x2048xf32, #tpu.memory_space<vmem>>, vector<1x2048xf32>
    %add3A_3881 = vector.broadcast %get3A_3880 : vector<1x2048xf32> to vector<8x2048xf32>
    %add3A_3882 = arith.addf %mul3A_3877, %add3A_3881 : vector<8x2048xf32>
    %swap3A_3883 = arith.constant 0 : index
    %swap3A_3884 = arith.constant 488 : index
    %swap3A_3885 = arith.constant 0 : index
    %swap3A_3886 = vector.load %arg12[%swap3A_3883, %swap3A_3884, %swap3A_3885] : memref<1x512x2048xf32, #tpu.memory_space<vmem>>, vector<1x8x2048xf32>
    %swap3A_3887 = vector.shape_cast %swap3A_3886 : vector<1x8x2048xf32> to vector<8x2048xf32>
    %swap3A_3888 = vector.shape_cast %add3A_3882 : vector<8x2048xf32> to vector<1x8x2048xf32>
    tpu.vector_store %arg12[%swap3A_3883, %swap3A_3884, %swap3A_3885], %swap3A_3888 {strides = array<i32>} : memref<1x512x2048xf32, #tpu.memory_space<vmem>>, vector<1x8x2048xf32>,
    %get3A_3889 = arith.constant 0 : index
    %get3A_3890 = arith.constant 496 : index
    %get3A_3891 = arith.constant 0 : index
    %get3A_3892 = vector.load %arg2[%get3A_3889, %get3A_3890, %get3A_3891] : memref<1x512x2048xf32, #tpu.memory_space<vmem>>, vector<1x8x2048xf32>
    %get3A_3893 = vector.shape_cast %get3A_3892 : vector<1x8x2048xf32> to vector<8x2048xf32>
    %get3A_3894 = arith.constant 496 : index
    %get3A_3895 = arith.constant 0 : index
    %get3A_3896 = vector.load %arg13[%get3A_3894, %get3A_3895] : memref<512x2048xf32, #tpu.memory_space<vmem>>, vector<8x2048xf32>
    %add3A_3897 = arith.addf %get3A_3893, %get3A_3896 : vector<8x2048xf32>
    %add3A_3898 = vector.broadcast %add3A_38 : vector<1x2048xf32> to vector<8x2048xf32>
    %add3A_3899 = arith.addf %add3A_3897, %add3A_3898 : vector<8x2048xf32>
    %get3A_3900 = arith.constant 496 : index
    %get3A_3901 = arith.constant 0 : index
    %get3A_3902 = vector.load %arg14[%get3A_3900, %get3A_3901] : memref<512x1xf32, #tpu.memory_space<vmem>>, vector<8x1xf32>
    %get3A_3903 = arith.constant 496 : index
    %get3A_3904 = arith.constant 0 : index
    %get3A_3905 = vector.load %arg15[%get3A_3903, %get3A_3904] : memref<512x1xf32, #tpu.memory_space<vmem>>, vector<8x1xf32>
    %sub3A_3906 = vector.broadcast %get3A_3905 : vector<8x1xf32> to vector<8x2048xf32>
    %sub3A_3907 = arith.subf %add3A_3899, %sub3A_3906 : vector<8x2048xf32>
    %mul3A_3908 = vector.broadcast %get3A_3902 : vector<8x1xf32> to vector<8x2048xf32>
    %mul3A_3909 = arith.mulf %sub3A_3907, %mul3A_3908 : vector<8x2048xf32>
    %get3A_3910 = arith.constant 0 : index
    %get3A_3911 = arith.constant 0 : index
    %get3A_3912 = vector.load %arg8[%get3A_3910, %get3A_3911] : memref<1x2048xf32, #tpu.memory_space<vmem>>, vector<1x2048xf32>
    %mul3A_3913 = vector.broadcast %get3A_3912 : vector<1x2048xf32> to vector<8x2048xf32>
    %mul3A_3914 = arith.mulf %mul3A_3909, %mul3A_3913 : vector<8x2048xf32>
    %get3A_3915 = arith.constant 0 : index
    %get3A_3916 = arith.constant 0 : index
    %get3A_3917 = vector.load %arg9[%get3A_3915, %get3A_3916] : memref<1x2048xf32, #tpu.memory_space<vmem>>, vector<1x2048xf32>
    %add3A_3918 = vector.broadcast %get3A_3917 : vector<1x2048xf32> to vector<8x2048xf32>
    %add3A_3919 = arith.addf %mul3A_3914, %add3A_3918 : vector<8x2048xf32>
    %swap3A_3920 = arith.constant 0 : index
    %swap3A_3921 = arith.constant 496 : index
    %swap3A_3922 = arith.constant 0 : index
    %swap3A_3923 = vector.load %arg12[%swap3A_3920, %swap3A_3921, %swap3A_3922] : memref<1x512x2048xf32, #tpu.memory_space<vmem>>, vector<1x8x2048xf32>
    %swap3A_3924 = vector.shape_cast %swap3A_3923 : vector<1x8x2048xf32> to vector<8x2048xf32>
    %swap3A_3925 = vector.shape_cast %add3A_3919 : vector<8x2048xf32> to vector<1x8x2048xf32>
    tpu.vector_store %arg12[%swap3A_3920, %swap3A_3921, %swap3A_3922], %swap3A_3925 {strides = array<i32>} : memref<1x512x2048xf32, #tpu.memory_space<vmem>>, vector<1x8x2048xf32>,
    %get3A_3926 = arith.constant 0 : index
    %get3A_3927 = arith.constant 504 : index
    %get3A_3928 = arith.constant 0 : index
    %get3A_3929 = vector.load %arg2[%get3A_3926, %get3A_3927, %get3A_3928] : memref<1x512x2048xf32, #tpu.memory_space<vmem>>, vector<1x8x2048xf32>
    %get3A_3930 = vector.shape_cast %get3A_3929 : vector<1x8x2048xf32> to vector<8x2048xf32>
    %get3A_3931 = arith.constant 504 : index
    %get3A_3932 = arith.constant 0 : index
    %get3A_3933 = vector.load %arg13[%get3A_3931, %get3A_3932] : memref<512x2048xf32, #tpu.memory_space<vmem>>, vector<8x2048xf32>
    %add3A_3934 = arith.addf %get3A_3930, %get3A_3933 : vector<8x2048xf32>
    %add3A_3935 = vector.broadcast %add3A_38 : vector<1x2048xf32> to vector<8x2048xf32>
    %add3A_3936 = arith.addf %add3A_3934, %add3A_3935 : vector<8x2048xf32>
    %get3A_3937 = arith.constant 504 : index
    %get3A_3938 = arith.constant 0 : index
    %get3A_3939 = vector.load %arg14[%get3A_3937, %get3A_3938] : memref<512x1xf32, #tpu.memory_space<vmem>>, vector<8x1xf32>
    %get3A_3940 = arith.constant 504 : index
    %get3A_3941 = arith.constant 0 : index
    %get3A_3942 = vector.load %arg15[%get3A_3940, %get3A_3941] : memref<512x1xf32, #tpu.memory_space<vmem>>, vector<8x1xf32>
    %sub3A_3943 = vector.broadcast %get3A_3942 : vector<8x1xf32> to vector<8x2048xf32>
    %sub3A_3944 = arith.subf %add3A_3936, %sub3A_3943 : vector<8x2048xf32>
    %mul3A_3945 = vector.broadcast %get3A_3939 : vector<8x1xf32> to vector<8x2048xf32>
    %mul3A_3946 = arith.mulf %sub3A_3944, %mul3A_3945 : vector<8x2048xf32>
    %get3A_3947 = arith.constant 0 : index
    %get3A_3948 = arith.constant 0 : index
    %get3A_3949 = vector.load %arg8[%get3A_3947, %get3A_3948] : memref<1x2048xf32, #tpu.memory_space<vmem>>, vector<1x2048xf32>
    %mul3A_3950 = vector.broadcast %get3A_3949 : vector<1x2048xf32> to vector<8x2048xf32>
    %mul3A_3951 = arith.mulf %mul3A_3946, %mul3A_3950 : vector<8x2048xf32>
    %get3A_3952 = arith.constant 0 : index
    %get3A_3953 = arith.constant 0 : index
    %get3A_3954 = vector.load %arg9[%get3A_3952, %get3A_3953] : memref<1x2048xf32, #tpu.memory_space<vmem>>, vector<1x2048xf32>
    %add3A_3955 = vector.broadcast %get3A_3954 : vector<1x2048xf32> to vector<8x2048xf32>
    %add3A_3956 = arith.addf %mul3A_3951, %add3A_3955 : vector<8x2048xf32>
    %swap3A_3957 = arith.constant 0 : index
    %swap3A_3958 = arith.constant 504 : index
    %swap3A_3959 = arith.constant 0 : index
    %swap3A_3960 = vector.load %arg12[%swap3A_3957, %swap3A_3958, %swap3A_3959] : memref<1x512x2048xf32, #tpu.memory_space<vmem>>, vector<1x8x2048xf32>
    %swap3A_3961 = vector.shape_cast %swap3A_3960 : vector<1x8x2048xf32> to vector<8x2048xf32>
    %swap3A_3962 = vector.shape_cast %add3A_3956 : vector<8x2048xf32> to vector<1x8x2048xf32>
    tpu.vector_store %arg12[%swap3A_3957, %swap3A_3958, %swap3A_3959], %swap3A_3962 {strides = array<i32>} : memref<1x512x2048xf32, #tpu.memory_space<vmem>>, vector<1x8x2048xf32>,
    return
  }
  func.func @transform_0(%arg0: i32, %arg1: i32) -> (i32, i32, i32) {
    %c0_i32 = arith.constant 0 : i32
    %c0_i32_0 = arith.constant 0 : i32
    return %arg0, %arg1, %c0_i32 : i32, i32, i32
  }
  func.func @transform_1(%arg0: i32, %arg1: i32) -> (i32, i32, i32) {
    %c0_i32 = arith.constant 0 : i32
    %c0_i32_0 = arith.constant 0 : i32
    %c0_i32_1 = arith.constant 0 : i32
    return %arg0, %c0_i32, %c0_i32_0 : i32, i32, i32
  }
  func.func @transform_2(%arg0: i32, %arg1: i32) -> (i32, i32, i32) {
    %c0_i32 = arith.constant 0 : i32
    %c0_i32_0 = arith.constant 0 : i32
    %c0_i32_1 = arith.constant 0 : i32
    return %arg0, %c0_i32, %c0_i32_0 : i32, i32, i32
  }
  func.func @transform_3(%arg0: i32, %arg1: i32) -> (i32, i32) {
    %c0_i32 = arith.constant 0 : i32
    %c0_i32_0 = arith.constant 0 : i32
    %c0_i32_1 = arith.constant 0 : i32
    return %c0_i32, %c0_i32_0 : i32, i32
  }
  func.func @transform_4(%arg0: i32, %arg1: i32) -> (i32, i32) {
    %c0_i32 = arith.constant 0 : i32
    %c0_i32_0 = arith.constant 0 : i32
    %c0_i32_1 = arith.constant 0 : i32
    return %c0_i32, %c0_i32_0 : i32, i32
  }
  func.func @transform_5(%arg0: i32, %arg1: i32) -> (i32, i32) {
    %c0_i32 = arith.constant 0 : i32
    %c0_i32_0 = arith.constant 0 : i32
    %c0_i32_1 = arith.constant 0 : i32
    return %c0_i32, %c0_i32_0 : i32, i32
  }
  func.func @transform_6(%arg0: i32, %arg1: i32) -> (i32, i32) {
    %c0_i32 = arith.constant 0 : i32
    %c0_i32_0 = arith.constant 0 : i32
    %c0_i32_1 = arith.constant 0 : i32
    return %c0_i32, %c0_i32_0 : i32, i32
  }
  func.func @transform_7(%arg0: i32, %arg1: i32) -> (i32, i32) {
    %c0_i32 = arith.constant 0 : i32
    %c0_i32_0 = arith.constant 0 : i32
    %c0_i32_1 = arith.constant 0 : i32
    return %c0_i32, %c0_i32_0 : i32, i32
  }
  func.func @transform_8(%arg0: i32, %arg1: i32) -> (i32, i32) {
    %c0_i32 = arith.constant 0 : i32
    %c0_i32_0 = arith.constant 0 : i32
    %c0_i32_1 = arith.constant 0 : i32
    return %c0_i32, %c0_i32_0 : i32, i32
  }
  func.func @transform_9(%arg0: i32, %arg1: i32) -> (i32, i32) {
    %c0_i32 = arith.constant 0 : i32
    %c0_i32_0 = arith.constant 0 : i32
    %c0_i32_1 = arith.constant 0 : i32
    return %c0_i32, %c0_i32_0 : i32, i32
  }
  func.func @transform_10(%arg0: i32, %arg1: i32) -> (i32, i32, i32) {
    %c0_i32 = arith.constant 0 : i32
    %c0_i32_0 = arith.constant 0 : i32
    return %arg0, %arg1, %c0_i32 : i32, i32, i32
  }
}

</mosaic_0001>

<sc_bundles>
// kernel: kernel.5.cloned.1.call-start
scs
__scs_entry_jumppad:
0x0: {  	(pc) =	sbr.rel $0x88, $3  }
0x1: {  	(tag) =	ssettag $0x0;
	lr =	simm.s32 $0x1  }
0x2: {  	[smem:$0x3F93] =	sst lr;
	_ =	strace $0xD0000000  }
0x3: {  	_ = 	snop  }
0x4: {  	_ = 	snop  }
0x5: {  	_ = 	snop  }
0x6: {  	_ = 	snop  }
0x7: {  	_ = 	snop  }
__scs_overlays_trampoline_lowered:
0x8: {  	[smem:$0x3FA2] =	sst s0  }
0x9: {  	[smem:$0x3FA3] =	sst s1  }
0xa: {  	[smem:$0x3FA4] =	sst s2  }
0xb: {  	[smem:$0x3FA5] =	sst s3  }
0xc: {  	[smem:$0x3FA6] =	sst s4  }
0xd: {  	[smem:$0x3FA7] =	sst s5  }
0xe: {  	[smem:$0x3FA8] =	sst s6  }
0xf: {  	[smem:$0x3FA9] =	sst s7  }
0x10: {  	[smem:$0x3FAA] =	sst s8  }
0x11: {  	[smem:$0x3FAB] =	sst s9;
	s0 =	simm.s32 @!p0 $0x0  }
0x12: {  	s1 =	sld [smem:$0x3F91];
	s0 =	simm.s32 @p0 $0x1  }
0x13: {  	[smem:$0x3FAC] =	sst s0;
	s0 =	simm.s32 @!p1 $0x0  }
0x14: {  	s2 =	sld [smem:$0x3F90];
	s0 =	simm.s32 @p1 $0x1  }
0x15: {  	[smem:$0x3FAD] =	sst s0;
	s0 =	simm.s32 @!p2 $0x0  }
0x16: {  	s3 =	sld [smem:$0x3FDB];
	s0 =	simm.s32 @p2 $0x1  }
0x17: {  	s4 =	simm.s32 $0x1BF5;
	[smem:$0x3FAF] =	sst s0  }
0x18: {  	s0 =	sld [smem:$0x3F92];
	_ =	swait.ge [sflag:s4], $0x0  }
0x19: {  	s7 =	sld [smem:$0x3F93]  }
0x1a: {  	s8 =	sadd.s32 $0xFFFFE003, lr  }
0x1b: {  	s9 =	sadd.s32 $0xFFFFFEF7, lr;
	s5 =	simm.s32 $0xFFFFFFFF;
	p2 =	slt.u32 s8, $0xFFFFF086  }
0x1c: {  	p1 =	slt.u32 s9, $0xF7A;
	s5 =	simm.s32 @!p2 $0x0  }
0x1d: {  	s5 =	simm.s32 @p1 $0x1;
	p0 =	seq.s32 s7, s2  }
0x1e: {  	s7 =	smul.u32 @!p0 $0xF7A, s2;
	p2 =	seq.s32 @!p0 s5, $0x0  }
0x1f: {  	s9 =	smul.u32 $0xF7A, s1;
	s8 =	simm.s32 @!p0 $0x1BF5;
	p2 =	por !p2, p0  }
0x20: {  	[sflag:s8] =	ssyncset.s32 @!p0 $0xFFFFF086;
	s6 =	sadd.s32 @!p0 s3, s7;
	s7 =	simm.s32 @!p0 $0x108  }
0x21: {  	s3 =	sadd.s32 s3, s9;
	s6 =	sadd.s32 @!p0 $0x88, s6;
	s7 =	simm.s32 @p2 $0x1082  }
0x22: {  	[simem:s7], [sflag:s8] =	dma.local @!p0 [hbm:s6], $0xF7A  }
0x23: {  	s9 =	sor.u32 $0xD0000000, s2;
	s6 =	simm.s32 $0x108;
	_ =	swait.ge @!p0 [sflag:s8], $0x0  }
0x24: {  	s3 =	sadd.s32 $0x88, s3;
	s6 =	simm.s32 @!p1 $0x1082;
	[sflag:s4] =	ssyncset.s32 $0xFFFFF086  }
0x25: {  	[simem:s6], [sflag:s4] =	dma.local [hbm:s3], $0xF7A  }
0x26: {  	[smem:$0x3F93] =	sst s1;
	(tag) =	ssettag s2;
	_ =	strace s9  }
0x27: {  	s1 =	sld [smem:$0x3FA3]  }
0x28: {  	s2 =	sld [smem:$0x3FA4]  }
0x29: {  	s4 =	sld [smem:$0x3FA6]  }
0x2a: {  	p0 =	seq.s32 s5, $0x0;
	s5 =	sld [smem:$0x3FA7]  }
0x2b: {  	s6 =	sld [smem:$0x3FA8]  }
0x2c: {  	s7 =	sld [smem:$0x3FA9]  }
0x2d: {  	s3 =	simm.s32 $0x108;
	s8 =	sld [smem:$0x3FAA]  }
0x2e: {  	s3 =	simm.s32 @!p0 $0x1082;
	s9 =	sld [smem:$0x3FAB]  }
0x2f: {  	lr =	sadd.s32 s0, s3;
	s0 =	sld [smem:$0x3FA2]  }
0x30: {  	s3 =	sld [smem:$0x3FA5]  }
0x31: {  	[smem:$0x3FAE] =	sst s10  }
0x32: {  	s10 =	sld [smem:$0x3FAC];
	_ =	sdelay $0x3  }
0x33: {  	p0 =	seq.s32 s10, $0x1;
	s10 =	sld [smem:$0x3FAE];
	_ =	sdelay $0x3  }
0x34: {  	[smem:$0x3FAE] =	sst s10  }
0x35: {  	s10 =	sld [smem:$0x3FAD];
	_ =	sdelay $0x3  }
0x36: {  	p1 =	seq.s32 s10, $0x1;
	s10 =	sld [smem:$0x3FAE];
	_ =	sdelay $0x3  }
0x37: {  	[smem:$0x3FAE] =	sst s10  }
0x38: {  	s10 =	sld [smem:$0x3FAF]  }
0x39: {  	_ = 	snop;
	(pc) =	sbr.ind lr, $3  }
0x3a: {  	_ = 	snop  }
0x3b: {  	_ = 	snop  }
0x3c: {  	p2 =	seq.s32 s10, $0x1;
	s10 =	sld [smem:$0x3FAE]  }
0x3d: {  	_ =	shalt  }
0x3e: {  	_ =	shalt  }
0x3f: {  	_ =	shalt  }
0x40: {  	_ =	shalt  }
0x41: {  	_ =	shalt  }
0x42: {  	_ =	shalt  }
0x43: {  	_ =	shalt  }
0x44: {  	_ =	shalt  }
0x45: {  	_ =	shalt  }
0x46: {  	_ =	shalt  }
0x47: {  	_ =	shalt  }
0x48: {  	_ =	shalt  }
0x49: {  	_ =	shalt  }
0x4a: {  	_ =	shalt  }
0x4b: {  	_ =	shalt  }
0x4c: {  	_ =	shalt  }
0x4d: {  	_ =	shalt  }
0x4e: {  	_ =	shalt  }
0x4f: {  	_ =	shalt  }
0x50: {  	_ =	shalt  }
0x51: {  	_ =	shalt  }
0x52: {  	_ =	shalt  }
0x53: {  	_ =	shalt  }
0x54: {  	_ =	shalt  }
0x55: {  	_ =	shalt  }
0x56: {  	_ =	shalt  }
0x57: {  	_ =	shalt  }
0x58: {  	_ =	shalt  }
0x59: {  	_ =	shalt  }
0x5a: {  	_ =	shalt  }
0x5b: {  	_ =	shalt  }
0x5c: {  	_ =	shalt  }
0x5d: {  	_ =	shalt  }
0x5e: {  	_ =	shalt  }
0x5f: {  	_ =	shalt  }
0x60: {  	_ =	shalt  }
0x61: {  	_ =	shalt  }
0x62: {  	_ =	shalt  }
0x63: {  	_ =	shalt  }
0x64: {  	_ =	shalt  }
0x65: {  	_ =	shalt  }
0x66: {  	_ =	shalt  }
0x67: {  	_ =	shalt  }
0x68: {  	_ =	shalt  }
0x69: {  	_ =	shalt  }
0x6a: {  	_ =	shalt  }
0x6b: {  	_ =	shalt  }
0x6c: {  	_ =	shalt  }
0x6d: {  	_ =	shalt  }
0x6e: {  	_ =	shalt  }
0x6f: {  	_ =	shalt  }
0x70: {  	_ =	shalt  }
0x71: {  	_ =	shalt  }
0x72: {  	_ =	shalt  }
0x73: {  	_ =	shalt  }
0x74: {  	_ =	shalt  }
0x75: {  	_ =	shalt  }
0x76: {  	_ =	shalt  }
0x77: {  	_ =	shalt  }
0x78: {  	_ =	shalt  }
0x79: {  	_ =	shalt  }
0x7a: {  	_ =	shalt  }
0x7b: {  	_ =	shalt  }
0x7c: {  	_ =	shalt  }
0x7d: {  	_ =	shalt  }
0x7e: {  	_ =	shalt  }
0x7f: {  	_ =	shalt  }
0x80: {  	_ =	shalt  }
0x81: {  	_ =	shalt  }
0x82: {  	_ =	shalt  }
0x83: {  	_ =	shalt  }
0x84: {  	_ =	shalt  }
0x85: {  	_ =	shalt  }
0x86: {  	_ =	shalt  }
0x87: {  	_ =	shalt  }
.Lfunc_end0:
.L_simem_size_0:
called_computation_lowered:
.L_overlay_start_0:
0x88: {  	s2 =	sld [smem:$0x3FD9]  }
0x89: {  	s3 =	sld [smem:$0x3FFE];
	_ =	sdelay $0x1  }
0x8a: {  	s1 =	srdreg.scid  }
0x8b: {  	s0 =	sand.u32 $0x1, s1  }
0x8c: {  	s17 =	sshll.u32 s0, $0xA;
	s2 =	sadd.s32 s3, s2  }
0x8d: {  	s2 =	sadd.s32 s2, s17  }
0x8e: {  	[smem:$0x3FBA] =	sst s2  }
0x8f: {  	_ = 	snop  }
0x90: {  	s2 =	sld [smem:$0x3FD0];
	(tm) =	ssettm $0x1  }
0x91: {  	s18 =	sld [smem:$0x3FFB];
	_ =	sdelay $0x3  }
0x92: {  	_ =	strace s18  }
0x93: {  	s3 =	sld [smem:$0x3FFC];
	_ =	sdelay $0x3  }
0x94: {  	_ =	strace s3  }
0x95: {  	s3 =	sld [smem:$0x3FFD];
	_ =	sdelay $0x3  }
0x96: {  	_ =	strace s3  }
0x97: {  	_ =	strace $0x8FFFFFFF  }
0x98: {  	s19 =	sld [smem:$0x3FDB];
	_ =	sdelay $0x1  }
0x99: {  	s4 =	simm.s32 $_scs_section_size  }
0x9a: {  	s5 =	simm.s32 $_size__tile_overlayer_lowered;
	s6 =	simm.s32 $_tile_overlayer_lowered  }
0x9b: {  	s22 =	simm.s32 $0x1BFF;
	s21 =	sshll.u32 s6, $0x1;
	s3 =	sadd.s32 s4, s19  }
0x9c: {  	s7 =	simm.s32 $0x0;
	s20 =	sshll.u32 s5, $0x1;
	s5 =	sadd.s32 s21, s3  }
0x9d: {  	[timem:s7], [sflag:s22] =	dma.local [hbm:s5], s20  }
0x9e: {  	_ =	swait.ge [sflag:s22], s20  }
0x9f: {  	s4 =	ssub.s32 $0x0, s20;
	[sflag:s22] =	ssyncset.done $0x0  }
0xa0: {  	[sflag:s22] =	ssyncadd.s32 s4;
	_ =	sdelay $0x1  }
0xa1: {  	s23 =	simm.s32 $0x1B8B  }
0xa2: {  	_ =	swait.ge [sflag:s23], $0x1  }
0xa3: {  	[sflag:s23] =	ssyncset.done $0x0  }
0xa4: {  	s25 =	simm.s32 $0x1B8E;
	s24 =	sld [smem:$0x3FFE];
	[sflag:s23] =	ssyncadd.s32 $0xFFFFFFFF  }
0xa5: {  	s26 =	simm.s32 $execute0_lowered;
	[smem:$0x3FD2] =	sst s25  }
0xa6: {  	s5 =	sshll.u32 s26, $0x1;
	_ =	strace $0x80000046;
	[dreg:$0x1] =	wrdreg $0xFFFFFFFF  }
0xa7: {  	s28 =	simm.s32 $_size_execute0_lowered;
	s3 =	sadd.s32 s3, s5;
	[dreg:$0x0] =	wrdreg $0x0  }
0xa8: {  	s5 =	sshll.u32 s28, $0x1;
	[dreg:$0x2] =	wrdreg s3  }
0xa9: {  	[dreg:$0x3] =	wrdreg s5  }
0xaa: {  	[dreg:$0x4] =	wrdreg $0xC0  }
0xab: {  	_ =	task [dreg:s7], $0x5FFFF  }
0xac: {  	[dreg:$0x1] =	wrdreg $0xFFFFFFFF  }
0xad: {  	[dreg:$0x0] =	wrdreg $0x60  }
0xae: {  	[dreg:$0x2] =	wrdreg s24  }
0xaf: {  	[dreg:$0x3] =	wrdreg s2  }
0xb0: {  	[dreg:$0x4] =	wrdreg $0x9  }
0xb1: {  	_ =	task.clear_ibuf [dreg:s7], $0x5FFFF;
	_ =	strace $0x90000046  }
0xb2: {  	s29 =	simm.s32 $0x9;
	_ =	strace $0x80000048  }
0xb3: {  	_ =	swait.ge [sflag:s29], $0x1  }
0xb4: {  	[sflag:s29] =	ssyncadd.s32 $0xFFFFFFFF  }
0xb5: {  	_ =	strace $0x90000048  }
0xb6: {  	_ =	sfence  }
0xb7: {  	s30 =	sld [smem:$0x0];
	_ =	sdelay $0x2  }
0xb8: {  	s31 =	sshll.u32 s1, $0xD;
	s1 =	sshrl.u32 s1, $0x2  }
0xb9: {  	s3 =	sand.u32 $0x4000, s31;
	s1 =	sadd.s32 s1, s30  }
0xba: {  	s0 =	sor.u32 s3, s0;
	s1 =	sshll.u32 s1, $0x11  }
0xbb: {  	s0 =	sor.u32 s1, s0  }
0xbc: {  	s0 =	sadd.s32 $0x8F2B, s0  }
0xbd: {  	[sflag:s0] =	ssyncadd.remote.s32 $0x1  }
0xbe: {  	_ =	sfence.sel $0xFFFF  }
0xbf: {  	[dreg:$0x0] =	wrdreg $0xFFFFFFFF;
	(pc) =	sbr.abs _section_cstart, $3  }
0xc0: {  	[dreg:$0x1] =	wrdreg $0xFFFFFFFF  }
0xc1: {  	_ =	task.clear_ibuf [dreg:s7], $0x2FFFF;
	_ =	strace $0x9FFFFFFF  }
0xc2: {  	(tm) =	ssettm $0x7FFFFFFF  }
0xc3: {  	_ =	shalt  }
tec
execute0_lowered:
.L_overlay_start_1:
0x0: {  	(tag) =	ssettag $0x1  }
0x1: {  	s1 =	stileid.u32  }
0x2: {  	p0 =	sgt.u32 s1, $0x1  }
.Ltmp0:
0x3: {  	_ = 	snop;
	(pc) =	sbr.rel @p0 .LBB2_5-.Ltmp0, $4  }
0x4: {  	s4 =	rddreg [dreg:$0x0]  }
0x5: {  	s2 =	rddreg [dreg:$0x1];
	s3 =	simm.s32 $0x0  }
0x6: {  	[smem:$0x7FF] =	sst s3  }
0x7: {  	s0 =	rddreg [dreg:$0x2];
	_ =	strace $0x80000047  }
0x8: {  	s5 =	srdreg.scid;
	s6 =	sshll.u32 s1, $0x5;
	s30 =	sadd.s32 $0x2000, s4  }
0x9: {  	s9 =	simm.s32 $0x1;
	s10 =	simm.s32 $0x400;
	s5 =	sand.u32 $0x1, s5  }
0xa: {  	s11 =	simm.s32 $0x0;
	s7 =	sshll.u32 s5, $0x4;
	s5 =	ssub.s32 $0x2, s5  }
0xb: {  	s6 =	sor.u32 s7, s6;
	s8 =	sshrl.u32 s5, $0x1;
	s7 =	simm.s32 $0x80  }
0xc: {  	s31 =	sadd.s32 s6, s4;
	s8 =	ssub.s32 s5, s8;
	s5 =	sadd.s32 s30, s6  }
0xd: {  	v0 =	vlaneseq.u32;
	s4 =	sadd.s32 $0x2200, s31;
	s6 =	smax.u32 s8, $0x1;
	s8 =	simm.s32 $0x200  }
.LBB2_2:
0xe: {  	s13 =	simm.s32 $0x0  }
0xf: {  	[tilespmem:s13], [sflag:$0x1] =	stream.strided.gather [hbm4b:s5+s7], $0x400, s8, s7, $0x38;
	[tilespmem:$0x480] =	vst v63  }
0x10: {  	_ =	swait.ge [sflag:s9], $0x400  }
0x11: {  	[sflag:s9] =	ssyncset.done $0x0  }
0x12: {  	[sflag:s9] =	ssyncadd.s32 $0xFFFFFC00  }
0x13: {  	v2 =	vld [tilespmem:s13+$0x0];
	_ =	sdelay $0x3  }
0x14: {  	v3 =	vimm.f32 $3.000000010e+38  }
0x15: {  	v1 =	vimm.s32 $0x0;
	s12 =	simm.s32 $0x10;
	v4 =	vor.u32 s13, v0;
	s13 =	simm.s32 $0x10;
	vm0 =	vlt.f32 v2, v3  }
.LBB2_3:
0x16: {  	p0 =	sne.s32 s12, $0x3F0;
	v3 =	vsel vm0, v2, v3;
	v2 =	vld [tilespmem:s13+$0x0];
	v1 =	vsel vm0, v4, v1;
	s14 =	smov.u32 s12;
	s12 =	sadd.s32 $0x10, s12  }
.Ltmp1:
0x17: {  	(pc) =	sbr.rel @p0 .LBB2_3-.Ltmp1, $2  }
0x18: {  	_ =	sdelay $0x2  }
0x19: {  	s13 =	sadd.s32 $0x10, s13;
	v4 =	vor.u32 s14, v0;
	vm0 =	vlt.f32 v2, v3  }
0x1a: {  	v2 =	vsel vm0, v2, v3  }
0x1b: {  	(xrf0) =	vmin.scan.msk.f32 $0xffff, v2;
	_ =	sdelay $0x5  }
0x1c: {  	v3, _, _ =	vpop (xrf0)  }
0x1d: {  	v3 =	vbroadcast v3, $0xF  }
0x1e: {  	v1 =	vsel vm0, v4, v1  }
0x1f: {  	v1 =	vxor.u32 $0x80000000, v1;
	vm15 =	veq.f32 v2, v3  }
0x20: {  	v1 =	vnsel vm15, $0xC0000000, v1  }
0x21: {  	(xrf0) =	vmin.scan.msk.u32 $0xffff, v1;
	_ =	sdelay $0x5  }
0x22: {  	v1, _, _ =	vpop (xrf0)  }
0x23: {  	(v2sf) =	vpush v1, $0xF;
	_ =	sdelay $0xe  }
0x24: {  	s12 =	spop (v2sf)  }
0x25: {  	s12 =	sshll.u32 s12, $0x4  }
0x26: {  	s12 =	sand.u32 $0x1FFFFFF0, s12  }
0x27: {  	s12 =	sadd.s32 s2, s12  }
0x28: {  	[tilespmem:s10], [sflag:$0x1] =	stream.linear.gather [hbm4b:s12+s3], $0x80, $0x38;
	[tilespmem:$0x480] =	vst v63  }
0x29: {  	s11 =	sadd.s32 $0x1, s11;
	_ =	swait.ge [sflag:s9], $0x80  }
0x2a: {  	p0 =	sne.s32 s11, s6;
	[sflag:s9] =	ssyncset.done $0x0  }
.Ltmp2:
0x2b: {  	[sflag:s9] =	ssyncadd.s32 $0xFFFFFF80;
	(pc) =	sbr.rel @p0 .LBB2_2-.Ltmp2, $4  }
0x2c: {  	[hbm4b:s4+s3] =	stream.linear.scatter [tilespmem:s10], [sflag:$0x1], $0x80, $0x38;
	[tilespmem:$0x480] =	vst v63  }
0x2d: {  	_ =	swait.ge [sflag:s9], $0x80  }
0x2e: {  	[sflag:s9] =	ssyncset.done $0x0  }
0x2f: {  	[sflag:s9] =	ssyncadd.s32 $0xFFFFFF80  }
.LBB2_5:
0x30: {  	_ =	sfence.sel $0x180000  }
0x31: {  	[bflag:$0x0] =	sbarrier.arrive $0xFFFF  }
0x32: {  	p0 =	sne.s32 s1, $0x0;
	_ =	strace $0x90000047  }
0x33: {  	s0 =	sadd.s32 @!p0 $0x100000, s0;
	[bflag:$0x2] =	sbarrier.arrive $0xFFFF  }
0x34: {  	[sflag:s0] =	ssyncadd.tile.s32 @!p0 $0x1;
	_ =	shalt  }
.Lfunc_end2:
_tile_overlayer_lowered:
.L_overlay_start_2:
0x35: {  	(tag) =	ssettag $0x2  }
0x36: {  	s0 =	rddreg [dreg:$0x0];
	s2 =	stileid.u32  }
0x37: {  	s1 =	rddreg [dreg:$0x1];
	p0 =	sne.s32 s2, $0x0  }
0x38: {  	s3 =	rddreg [dreg:$0x2];
	[bflag:$0x3] =	sbarrier.arrive $0xFFFF;
	s2 =	simm.s32 @!p0 $0x1C01  }
0x39: {  	[timem:s3], [sflag:s2] =	dma.local @!p0 [hbm:s0], s1  }
0x3a: {  	s0 =	simm.s32 @!p0 $0x1  }
0x3b: {  	_ =	swait.ge @!p0 [sflag:s0], s1  }
0x3c: {  	s1 =	ssub.s32 @!p0 $0x0, s1;
	[sflag:s0] =	ssyncset.done @!p0 $0x0  }
0x3d: {  	[sflag:s0] =	ssyncadd.s32 @!p0 s1  }
0x3e: {  	[bflag:$0x3] =	sbarrier.arrive $0xFFFF  }
0x3f: {  	_ =	shalt  }

</sc_bundles>
